<compile_context>
chip_gen: v7x
topology: tpu7x:2x2x1
jax: 0.10.2.dev20260603
libtpu: 0.0.44.dev20260713+nightly
codegen_flags: <defaults>
</compile_context>

<pallas_src>
import functools

import jax
import jax.numpy as jnp
from jax import lax
from jax.experimental import pallas as pl
from jax.experimental.pallas import tpu as pltpu
from jax.experimental.pallas import tpu_sc as plsc

N = 10000
E = 320000
DF = 128
DE = 16
H = 16



def _mm_body(x_ref, w_ref, o_ref):
    o_ref[...] = jnp.dot(x_ref[...], w_ref[...], precision=lax.Precision.HIGHEST,
                         preferred_element_type=jnp.float32)


def _node_matmul(x, w, block_n):
    n, k = x.shape
    m = w.shape[1]
    return pl.pallas_call(
        _mm_body,
        grid=(n // block_n,),
        in_specs=[pl.BlockSpec((block_n, k), lambda i: (i, 0)),
                  pl.BlockSpec((k, m), lambda i: (0, 0))],
        out_specs=pl.BlockSpec((block_n, m), lambda i: (i, 0)),
        out_shape=jax.ShapeDtypeStruct((n, m), jnp.float32),
    )(x, w)


def _edge_feat_body(ea_ref, w_ref, b_ref, a1_ref, a2_ref, q_ref):
    y = jnp.dot(ea_ref[...], w_ref[...], precision=lax.Precision.HIGHEST,
                preferred_element_type=jnp.float32) + b_ref[...]
    a1_ref[...] = jnp.maximum(y[:, 0:16], 0.0)
    a2_ref[...] = jnp.maximum(y[:, 16:32], 0.0)
    q_ref[...] = y[:, 32:64]


def _edge_feats(ea, w, b, block_e):
    m = w.shape[1]
    return pl.pallas_call(
        _edge_feat_body,
        grid=(E // block_e,),
        in_specs=[pl.BlockSpec((block_e, DE), lambda i: (i, 0)),
                  pl.BlockSpec((DE, m), lambda i: (0, 0)),
                  pl.BlockSpec((1, m), lambda i: (0, 0))],
        out_specs=[pl.BlockSpec((block_e, H), lambda i: (i, 0)),
                   pl.BlockSpec((block_e, H), lambda i: (i, 0)),
                   pl.BlockSpec((block_e, 2 * H), lambda i: (i, 0))],
        out_shape=[jax.ShapeDtypeStruct((E, H), jnp.float32),
                   jax.ShapeDtypeStruct((E, H), jnp.float32),
                   jax.ShapeDtypeStruct((E, 2 * H), jnp.float32)],
    )(ea, w, b)


def _node_update_body(a0_ref, a1_ref, r_ref, b_ref, w_ref, o_ref):
    h = jnp.maximum(a0_ref[...] + a1_ref[...] + r_ref[...] + b_ref[...], 0.0)
    o_ref[...] = jnp.dot(h, w_ref[...], precision=lax.Precision.HIGHEST,
                         preferred_element_type=jnp.float32)


def _node_update(a0, a1, r, b, w, block_n):
    m = w.shape[1]
    return pl.pallas_call(
        _node_update_body,
        grid=(N // block_n,),
        in_specs=[pl.BlockSpec((block_n, H), lambda i: (i, 0)),
                  pl.BlockSpec((block_n, H), lambda i: (i, 0)),
                  pl.BlockSpec((block_n, H), lambda i: (i, 0)),
                  pl.BlockSpec((1, H), lambda i: (0, 0)),
                  pl.BlockSpec((H, m), lambda i: (0, 0))],
        out_specs=pl.BlockSpec((block_n, m), lambda i: (i, 0)),
        out_shape=jax.ShapeDtypeStruct((N, m), jnp.float32),
    )(a0, a1, r, b, w)


_PK = 8
_EP = E // _PK


def _pred_body(q_ref, g_ref, w2_ref, b2_ref, w3_ref, b3_ref, w4_ref, b4_ref,
               o_ref):
    z = jnp.maximum(q_ref[...] + g_ref[...], 0.0)
    z = jnp.maximum(jnp.dot(z, w2_ref[...], precision=lax.Precision.HIGHEST,
                            preferred_element_type=jnp.float32) + b2_ref[...],
                    0.0)
    z = jnp.maximum(jnp.dot(z, w3_ref[...], precision=lax.Precision.HIGHEST,
                            preferred_element_type=jnp.float32) + b3_ref[...],
                    0.0)
    o_ref[...] = jnp.dot(z, w4_ref[...], precision=lax.Precision.HIGHEST,
                         preferred_element_type=jnp.float32) + b4_ref[0, 0]


def _predictor(q, g, w2, b2, w3, b3, w4, b4, block_r):
    return pl.pallas_call(
        _pred_body,
        grid=(_EP // block_r,),
        in_specs=[pl.BlockSpec((block_r, _PK * 2 * H), lambda i: (i, 0)),
                  pl.BlockSpec((block_r, _PK * 2 * H), lambda i: (i, 0)),
                  pl.BlockSpec((_PK * 2 * H, _PK * H), lambda i: (0, 0)),
                  pl.BlockSpec((1, _PK * H), lambda i: (0, 0)),
                  pl.BlockSpec((_PK * H, _PK * H), lambda i: (0, 0)),
                  pl.BlockSpec((1, _PK * H), lambda i: (0, 0)),
                  pl.BlockSpec((_PK * H, _PK), lambda i: (0, 0)),
                  pl.BlockSpec((1, 1), lambda i: (0, 0))],
        out_specs=pl.BlockSpec((block_r, _PK), lambda i: (i, 0)),
        out_shape=jax.ShapeDtypeStruct((_EP, _PK), jnp.float32),
    )(q, g, w2, b2, w3, b3, w4, b4)



_NC = 2
_NS = 16
_NW = _NC * _NS
_EW = E // _NW
_CH = 80
_NCHUNK = _EW // _CH
_NPAIR = _NCHUNK // 2
_RP = 3
_ZR = N // _NS


def _splat(vec, lane):
    idx = jnp.full((16, 1), lane, dtype=jnp.int32)
    return lax.gather(
        vec, idx,
        lax.GatherDimensionNumbers(offset_dims=(), collapsed_slice_dims=(0,),
                                   start_index_map=(0,)),
        slice_sizes=(1,),
        mode=lax.GatherScatterMode.PROMISE_IN_BOUNDS)


def _conv_sc_body(tab_hbm, a_hbm, src_hbm, dst_hbm, ord_hbm, out_hbm,
                  src_v, dst_v, ord_v, rows0, rows1, a0, a1, msg_v, z_v,
                  racc, acc_sh, sem0, sem1):
    cid = lax.axis_index("c")
    sid = lax.axis_index("s")
    wid = cid * _NS + sid

    def zfill(i, carry):
        z_v[i, :] = jnp.zeros((H,), jnp.float32)
        return carry
    lax.fori_loop(0, _ZR, zfill, 0)

    def zcopy(k, carry):
        pltpu.sync_copy(z_v, acc_sh.at[pl.ds((sid * _RP + k) * _ZR, _ZR), :])
        return carry
    lax.fori_loop(0, _RP, zcopy, 0)
    pltpu.sync_copy(src_hbm.at[pl.ds(wid * _NCHUNK, _NCHUNK), :], src_v)
    pltpu.sync_copy(dst_hbm.at[pl.ds(wid * _NCHUNK, _NCHUNK), :], dst_v)
    pltpu.sync_copy(ord_hbm.at[pl.ds(wid * _NCHUNK, _NCHUNK), :], ord_v)
    plsc.subcore_barrier()

    def fire(c, rows, a, sem):
        pltpu.async_copy(tab_hbm.at[src_v.at[c]], rows, sem)
        pltpu.async_copy(a_hbm.at[ord_v.at[c]], a, sem)

    def drain(c, rows, a, sem):
        pltpu.make_async_copy(tab_hbm.at[src_v.at[c]], rows, sem).wait()
        pltpu.make_async_copy(a_hbm.at[ord_v.at[c]], a, sem).wait()

    def compute(c, rows, a):
        def edge(e, c2):
            avec = a[e, :]
            m0 = rows[e, pl.ds(16 * H, H)]
            m1 = _splat(avec, 1) * rows[e, pl.ds(16, H)]
            m2 = _splat(avec, 2) * rows[e, pl.ds(32, H)]
            m3 = _splat(avec, 3) * rows[e, pl.ds(48, H)]
            for h in range(0, H, 4):
                m0 = m0 + _splat(avec, h) * rows[e, pl.ds(16 * h, H)]
                if h:
                    m1 = m1 + _splat(avec, h + 1) * rows[e, pl.ds(16 * (h + 1), H)]
                    m2 = m2 + _splat(avec, h + 2) * rows[e, pl.ds(16 * (h + 2), H)]
                    m3 = m3 + _splat(avec, h + 3) * rows[e, pl.ds(16 * (h + 3), H)]
            msg_v[e, :] = (m0 + m1) + (m2 + m3)
            return c2
        lax.fori_loop(0, _CH, edge, 0)
        pltpu.sync_copy(msg_v, acc_sh.at[dst_v.at[c]], add=True)

    fire(0, rows0, a0, sem0)
    fire(1, rows1, a1, sem1)

    def pair(i, carry):
        c0 = 2 * i
        drain(c0, rows0, a0, sem0)
        compute(c0, rows0, a0)
        fire(c0 + 2, rows0, a0, sem0)
        c1 = c0 + 1
        drain(c1, rows1, a1, sem1)
        compute(c1, rows1, a1)

        @pl.when(i < _NPAIR - 1)
        def _():
            fire(c1 + 2, rows1, a1, sem1)
        return carry
    lax.fori_loop(0, _NPAIR, pair, 0)

    clast = _NCHUNK - 1
    drain(clast, rows0, a0, sem0)
    compute(clast, rows0, a0)
    plsc.subcore_barrier()

    base = sid * _ZR
    pltpu.sync_copy(acc_sh.at[pl.ds(base, _ZR), :], racc)

    def radd(r, carry):
        pltpu.sync_copy(acc_sh.at[pl.ds(r * N + base, _ZR), :], z_v)

        def row(i, c2):
            racc[i, :] = racc[i, :] + z_v[i, :]
            return c2
        lax.fori_loop(0, _ZR, row, 0)
        return carry
    lax.fori_loop(1, _RP, radd, 0)
    pltpu.sync_copy(racc, out_hbm.at[cid].at[pl.ds(base, _ZR), :])


def _conv_sc(tab, a, src2d, dst2d, ord2d):
    mesh = plsc.VectorSubcoreMesh(core_axis_name="c", subcore_axis_name="s")
    f = functools.partial(
        pl.kernel,
        out_type=jax.ShapeDtypeStruct((_NC, N, H), jnp.float32),
        mesh=mesh,
        compiler_params=pltpu.CompilerParams(use_tc_tiling_on_sc=False),
        scratch_types=[
            pltpu.VMEM((_NCHUNK, _CH), jnp.int32),
            pltpu.VMEM((_NCHUNK, _CH), jnp.int32),
            pltpu.VMEM((_NCHUNK, _CH), jnp.int32),
            pltpu.VMEM((_CH, 17 * H), jnp.float32),
            pltpu.VMEM((_CH, 17 * H), jnp.float32),
            pltpu.VMEM((_CH, H), jnp.float32),
            pltpu.VMEM((_CH, H), jnp.float32),
            pltpu.VMEM((_CH, H), jnp.float32),
            pltpu.VMEM((_ZR, H), jnp.float32),
            pltpu.VMEM((_ZR, H), jnp.float32),
            pltpu.VMEM_SHARED((_RP * N, H), jnp.float32),
            pltpu.SemaphoreType.DMA,
            pltpu.SemaphoreType.DMA,
        ],
    )(_conv_sc_body)
    return f(tab, a, src2d, dst2d, ord2d)


def _gather_sc_body(tab_hbm, src_hbm, out_hbm, src_v, rows0, rows1,
                    sem0, sem1):
    cid = lax.axis_index("c")
    sid = lax.axis_index("s")
    wid = cid * _NS + sid
    ebase = wid * _EW

    pltpu.sync_copy(src_hbm.at[pl.ds(wid * _NCHUNK, _NCHUNK), :], src_v)

    def fire(c, rows, sem):
        pltpu.async_copy(tab_hbm.at[src_v.at[c]], rows, sem)

    def drain(c, rows, sem):
        pltpu.make_async_copy(tab_hbm.at[src_v.at[c]], rows, sem).wait()

    def store(c, rows):
        pltpu.sync_copy(rows, out_hbm.at[pl.ds(ebase + c * _CH, _CH), :])

    fire(0, rows0, sem0)
    fire(1, rows1, sem1)

    def pair(i, carry):
        c0 = 2 * i
        drain(c0, rows0, sem0)
        store(c0, rows0)
        fire(c0 + 2, rows0, sem0)
        c1 = c0 + 1
        drain(c1, rows1, sem1)
        store(c1, rows1)

        @pl.when(i < _NPAIR - 1)
        def _():
            fire(c1 + 2, rows1, sem1)
        return carry
    lax.fori_loop(0, _NPAIR, pair, 0)

    clast = _NCHUNK - 1
    drain(clast, rows0, sem0)
    store(clast, rows0)


def _gather_sc(tab, src2d):
    mesh = plsc.VectorSubcoreMesh(core_axis_name="c", subcore_axis_name="s")
    f = functools.partial(
        pl.kernel,
        out_type=jax.ShapeDtypeStruct((E, 2 * H), jnp.float32),
        mesh=mesh,
        compiler_params=pltpu.CompilerParams(use_tc_tiling_on_sc=False),
        scratch_types=[
            pltpu.VMEM((_NCHUNK, _CH), jnp.int32),
            pltpu.VMEM((_CH, 2 * H), jnp.float32),
            pltpu.VMEM((_CH, 2 * H), jnp.float32),
            pltpu.SemaphoreType.DMA,
            pltpu.SemaphoreType.DMA,
        ],
    )(_gather_sc_body)
    return f(tab, src2d)




def kernel(x, edge_index, edge_attr, c1_W1, c1_b1, c1_W2, c1_b2, c1_root,
           c1_bias, c2_W1, c2_b1, c2_W2, c2_b2, c2_root, c2_bias, p_W1, p_b1,
           p_W2, p_b2, p_W3, p_b3, p_W4, p_b4):
    src = edge_index[0]
    dst = edge_index[1]
    src2d = src.reshape(E // _CH, _CH)
    nchunks = E // _CH
    d2 = dst.reshape(nchunks, _CH)
    eq = d2[:, :, None] == d2[:, None, :]
    lower = jnp.tril(jnp.ones((_CH, _CH), jnp.bool_), -1)
    occ = jnp.sum(eq & lower[None], axis=-1).astype(jnp.int32)
    dst2d = d2 + (occ % _RP) * N
    ord2d = jnp.arange(E, dtype=jnp.int32).reshape(nchunks, _CH)
    srcp2d = src2d

    We = jnp.concatenate([c1_W1, c2_W1, p_W1[:DE]], axis=1)
    be = jnp.concatenate([c1_b1, c2_b1, p_b1]).reshape(1, 64)
    a1, a2, q = _edge_feats(edge_attr, We, be, 4000)

    M1 = c1_W2.reshape(H, DF, H).transpose(1, 0, 2).reshape(DF, H * H)
    Wn1 = jnp.concatenate([M1, c1_b2.reshape(DF, H), c1_root], axis=1)
    tab1 = _node_matmul(x, Wn1, 2000)
    T1 = tab1[:, :272]
    R1 = tab1[:, 272:288]

    agg1 = _conv_sc(T1, a1, srcp2d, dst2d, ord2d)

    M2 = c2_W2.reshape(H, H, H).transpose(1, 0, 2).reshape(H, H * H)
    Wn2 = jnp.concatenate([M2, c2_b2.reshape(H, H), c2_root], axis=1)
    tab2 = _node_update(agg1[0], agg1[1], R1, c1_bias.reshape(1, H), Wn2,
                        2000)
    T2 = tab2[:, :272]
    R2 = tab2[:, 272:288]

    agg2 = _conv_sc(T2, a2, srcp2d, dst2d, ord2d)

    G = _node_update(agg2[0], agg2[1], R2, c2_bias.reshape(1, H), p_W1[DE:],
                     2000)
    Gs = _gather_sc(G, src2d)

    eye8 = jnp.eye(_PK, dtype=jnp.float32)
    z = _predictor(q.reshape(_EP, _PK * 2 * H), Gs.reshape(_EP, _PK * 2 * H),
                   jnp.kron(eye8, p_W2), jnp.tile(p_b2, _PK).reshape(1, -1),
                   jnp.kron(eye8, p_W3), jnp.tile(p_b3, _PK).reshape(1, -1),
                   jnp.kron(eye8, p_W4), p_b4.reshape(1, 1), 4000)
    return z.reshape(E)

# --- scband reference (transcript-rebuilt; emitter-appended) ---
"""Pipeline reference for scband-edge-model-25666724561156 (READ-ONLY COPY).

The authoritative reference and input builder live on the scoring server;
editing this copy changes nothing except your own understanding.
"""

import jax, jax.numpy as jnp
import numpy as np

N = 10000
E = 320000
D_FEAT = 128
D_EDGE = 16
H = 16

def _init(key, shape, fan_in):
    return jax.random.normal(key, shape, dtype=jnp.float32) / np.sqrt(fan_in)

def setup_inputs(seed: int = 0):
    key = jax.random.key(seed)
    ks = jax.random.split(key, 16)
    inp = {}
    inp["x"] = jax.random.normal(ks[0], (N, D_FEAT), dtype=jnp.float32)
    inp["edge_index"] = jax.random.randint(ks[1], (2, E), 0, N, dtype=jnp.int32)
    inp["edge_attr"] = jax.random.normal(ks[2], (E, D_EDGE), dtype=jnp.float32)
    # conv1: NNConv(128 -> 16); edge nn: Linear(16,16)-ReLU-Linear(16, 128*16)
    inp["c1_W1"] = _init(ks[3], (D_EDGE, H), D_EDGE)
    inp["c1_b1"] = jnp.zeros((H,), jnp.float32)
    inp["c1_W2"] = _init(ks[4], (H, D_FEAT * H), H)
    inp["c1_b2"] = jnp.zeros((D_FEAT * H,), jnp.float32)
    inp["c1_root"] = _init(ks[5], (D_FEAT, H), D_FEAT)
    inp["c1_bias"] = jnp.zeros((H,), jnp.float32)
    # conv2: NNConv(16 -> 16); edge nn: Linear(16,16)-ReLU-Linear(16, 16*16)
    inp["c2_W1"] = _init(ks[6], (D_EDGE, H), D_EDGE)
    inp["c2_b1"] = jnp.zeros((H,), jnp.float32)
    inp["c2_W2"] = _init(ks[7], (H, H * H), H)
    inp["c2_b2"] = jnp.zeros((H * H,), jnp.float32)
    inp["c2_root"] = _init(ks[8], (H, H), H)
    inp["c2_bias"] = jnp.zeros((H,), jnp.float32)
    # edge predictor: (d_edge+H) -> (d_edge+H) -> H -> H -> 1
    P = D_EDGE + H
    inp["p_W1"] = _init(ks[9], (P, P), P)
    inp["p_b1"] = jnp.zeros((P,), jnp.float32)
    inp["p_W2"] = _init(ks[10], (P, H), P)
    inp["p_b2"] = jnp.zeros((H,), jnp.float32)
    inp["p_W3"] = _init(ks[11], (H, H), H)
    inp["p_b3"] = jnp.zeros((H,), jnp.float32)
    inp["p_W4"] = _init(ks[12], (H, 1), H)
    inp["p_b4"] = jnp.zeros((1,), jnp.float32)
    return inp

def _edge_nn(e, W1, b1, W2, b2):
    return jnp.maximum(e @ W1 + b1, 0.0) @ W2 + b2

def _nnconv(x, src, dst, edge_attr, W1, b1, W2, b2, rootW, bias, in_ch, out_ch):
    # per-edge dynamically generated weight matrix [E, in_ch, out_ch]
    w = _edge_nn(edge_attr, W1, b1, W2, b2).reshape(-1, in_ch, out_ch)
    msg = jnp.einsum('ei,eio->eo', x[src], w)
    agg = jax.ops.segment_sum(msg, dst, num_segments=x.shape[0])
    return agg + x @ rootW + bias

def reference(x, edge_index, edge_attr, c1_W1, c1_b1, c1_W2, c1_b2, c1_root, c1_bias, c2_W1, c2_b1, c2_W2, c2_b2, c2_root, c2_bias, p_W1, p_b1, p_W2, p_b2, p_W3, p_b3, p_W4, p_b4):
    src, dst = edge_index[0], edge_index[1]
    h = jnp.maximum(_nnconv(x, src, dst, edge_attr, c1_W1, c1_b1, c1_W2, c1_b2, c1_root, c1_bias, D_FEAT, H), 0.0)
    h = jnp.maximum(_nnconv(h, src, dst, edge_attr, c2_W1, c2_b1, c2_W2, c2_b2, c2_root, c2_bias, H, H), 0.0)
    src_node_attrs = h[src]
    feat = jnp.concatenate([edge_attr, src_node_attrs], axis=1)
    z = jnp.maximum(feat @ p_W1 + p_b1, 0.0)
    z = jnp.maximum(z @ p_W2 + p_b2, 0.0)
    z = jnp.maximum(z @ p_W3 + p_b3, 0.0)
    z = z @ p_W4 + p_b4
    return z.squeeze(-1)

if __name__ == "__main__":
    import jax
    _d = setup_inputs()
    print(jax.jit(kernel)(*tuple(_d.values())))

</pallas_src>

<mosaic_0001>
#map = affine_map<(d0, d1) -> (0, 0)>
module attributes {stable_mosaic.version = 14 : i64} {
  func.func @_gather_sc_body(%arg0: i32, %arg1: i32, %arg2: memref<10000x32xf32, #tpu.memory_space<hbm>>, %arg3: memref<4000x80xi32, #tpu.memory_space<hbm>>, %arg4: memref<320000x32xf32, #tpu.memory_space<hbm>>, %arg5: memref<125x80xi32, #tpu.memory_space<vmem>>, %arg6: memref<80x32xf32, #tpu.memory_space<vmem>>, %arg7: memref<80x32xf32, #tpu.memory_space<vmem>>, %arg8: memref<!tpu.dma_semaphore, #tpu.memory_space<semaphore_mem>>, %arg9: memref<!tpu.dma_semaphore, #tpu.memory_space<semaphore_mem>>) attributes {dimension_semantics = [#tpu.dimension_semantics<core_parallel>, #tpu.dimension_semantics<subcore_parallel>], iteration_bounds = array<i64: 2, 16>, scalar_prefetch = 0 : i64, scratch_operands = 5 : i64, tpu.core_type = #tpu.core_type<sc_vector_subcore>, window_params = [{transform_indices = #map}, {transform_indices = #map}, {transform_indices = #map}]} {
    %mul3A = arith.constant 16 : i32
    %mul3A_0 = arith.muli %arg0, %mul3A : i32
    %add3A = arith.addi %mul3A_0, %arg1 : i32
    %mul3A_1 = arith.constant 10000 : i32
    %mul3A_2 = arith.muli %add3A, %mul3A_1 : i32
    %mul3A_3 = arith.constant 125 : i32
    %mul3A_4 = arith.muli %add3A, %mul3A_3 : i32
    "tpu.region"() ({
      %run_scoped3A = tpu.sem_alloc : memref<!tpu.dma_semaphore, #tpu.memory_space<semaphore_mem>>
      %dma_start3A_31 = arith.constant 0 : i32
      %dma_start3A_32 = tpu.memref_slice %arg3[%mul3A_4, %dma_start3A_31] : memref<4000x80xi32, #tpu.memory_space<hbm>> -> memref<125x80xi32, #tpu.memory_space<hbm>>
      %dma_start3A_33 = arith.constant 0 : i32
      %dma_start3A_34 = tpu.memref_slice %arg3[%mul3A_4, %dma_start3A_33] : memref<4000x80xi32, #tpu.memory_space<hbm>> -> memref<125x80xi32, #tpu.memory_space<hbm>>
      tpu.enqueue_dma source(%dma_start3A_34 : memref<125x80xi32, #tpu.memory_space<hbm>>) target(%arg5 : memref<125x80xi32, #tpu.memory_space<vmem>>) target_semaphore(%run_scoped3A : memref<!tpu.dma_semaphore, #tpu.memory_space<semaphore_mem>>)
      %dma_wait3A_35 = arith.constant 0 : i32
      %dma_wait3A_36 = tpu.memref_slice %arg3[%mul3A_4, %dma_wait3A_35] : memref<4000x80xi32, #tpu.memory_space<hbm>> -> memref<125x80xi32, #tpu.memory_space<hbm>>
      %dma_wait3A_37 = arith.constant 0 : i32
      %dma_wait3A_38 = tpu.memref_slice %arg3[%mul3A_4, %dma_wait3A_37] : memref<4000x80xi32, #tpu.memory_space<hbm>> -> memref<125x80xi32, #tpu.memory_space<hbm>>
      tpu.wait_dma2 semaphore(%run_scoped3A : memref<!tpu.dma_semaphore, #tpu.memory_space<semaphore_mem>>) src(%dma_wait3A_38 : memref<125x80xi32, #tpu.memory_space<hbm>>) dst(%arg5 : memref<125x80xi32, #tpu.memory_space<vmem>>)
      tpu.yield
    }) : () -> ()
    %dma_start3A = arith.constant 0 : i32
    %dma_start3A_5 = arith.constant 0 : i32
    %dma_start3A_6 = tpu.memref_slice %arg5[%dma_start3A, %dma_start3A_5] : memref<125x80xi32, #tpu.memory_space<vmem>> -> memref<1x80xi32, #tpu.memory_space<vmem>>
    %dma_start3A_7 = tpu.memref_squeeze %dma_start3A_6 : memref<1x80xi32, #tpu.memory_space<vmem>> -> memref<80xi32, #tpu.memory_space<vmem>>
    %dma_start3A_8 = arith.constant 0 : i32
    %dma_start3A_9 = arith.constant 0 : i32
    %dma_start3A_10 = tpu.memref_slice %arg2[%dma_start3A_8, %dma_start3A_9] : memref<10000x32xf32, #tpu.memory_space<hbm>> -> memref<10000x32xf32, #tpu.memory_space<hbm>>
    tpu.enqueue_indirect_dma source(%dma_start3A_10 : memref<10000x32xf32, #tpu.memory_space<hbm>>) target(%arg6 : memref<80x32xf32, #tpu.memory_space<vmem>>) offsets(%dma_start3A_7 : memref<80xi32, #tpu.memory_space<vmem>>) semaphore(%arg8 : memref<!tpu.dma_semaphore, #tpu.memory_space<semaphore_mem>>)
    %dma_start3A_11 = arith.constant 1 : i32
    %dma_start3A_12 = arith.constant 0 : i32
    %dma_start3A_13 = tpu.memref_slice %arg5[%dma_start3A_11, %dma_start3A_12] : memref<125x80xi32, #tpu.memory_space<vmem>> -> memref<1x80xi32, #tpu.memory_space<vmem>>
    %dma_start3A_14 = tpu.memref_squeeze %dma_start3A_13 : memref<1x80xi32, #tpu.memory_space<vmem>> -> memref<80xi32, #tpu.memory_space<vmem>>
    %dma_start3A_15 = arith.constant 0 : i32
    %dma_start3A_16 = arith.constant 0 : i32
    %dma_start3A_17 = tpu.memref_slice %arg2[%dma_start3A_15, %dma_start3A_16] : memref<10000x32xf32, #tpu.memory_space<hbm>> -> memref<10000x32xf32, #tpu.memory_space<hbm>>
    tpu.enqueue_indirect_dma source(%dma_start3A_17 : memref<10000x32xf32, #tpu.memory_space<hbm>>) target(%arg7 : memref<80x32xf32, #tpu.memory_space<vmem>>) offsets(%dma_start3A_14 : memref<80xi32, #tpu.memory_space<vmem>>) semaphore(%arg9 : memref<!tpu.dma_semaphore, #tpu.memory_space<semaphore_mem>>)
    %scan3A = arith.constant 0 : i32
    %scan3A_18 = arith.constant 0 : i32
    %scan3A_19 = arith.constant 62 : i32
    %scan3A_20 = arith.addi %scan3A_18, %scan3A_19 : i32
    %scan3A_21 = arith.constant 1 : i32
    scf.for %scan3A_31 = %scan3A_18 to %scan3A_20 step %scan3A_21  : i32 {
      %mul3A_32 = arith.constant 2 : i32
      %mul3A_33 = arith.muli %mul3A_32, %scan3A_31 : i32
      %dma_wait3A_34 = arith.constant 0 : i32
      %dma_wait3A_35 = tpu.memref_slice %arg5[%mul3A_33, %dma_wait3A_34] : memref<125x80xi32, #tpu.memory_space<vmem>> -> memref<1x80xi32, #tpu.memory_space<vmem>>
      %dma_wait3A_36 = tpu.memref_squeeze %dma_wait3A_35 : memref<1x80xi32, #tpu.memory_space<vmem>> -> memref<80xi32, #tpu.memory_space<vmem>>
      %dma_wait3A_37 = arith.constant 0 : i32
      %dma_wait3A_38 = arith.constant 0 : i32
      %dma_wait3A_39 = tpu.memref_slice %arg2[%dma_wait3A_37, %dma_wait3A_38] : memref<10000x32xf32, #tpu.memory_space<hbm>> -> memref<10000x32xf32, #tpu.memory_space<hbm>>
      tpu.wait_indirect_dma semaphore(%arg8 : memref<!tpu.dma_semaphore, #tpu.memory_space<semaphore_mem>>) src(%dma_wait3A_39 : memref<10000x32xf32, #tpu.memory_space<hbm>>) dst(%arg6 : memref<80x32xf32, #tpu.memory_space<vmem>>)
      %mul3A_40 = arith.constant 80 : i32
      %mul3A_41 = arith.muli %mul3A_33, %mul3A_40 : i32
      %add3A_42 = arith.addi %mul3A_2, %mul3A_41 : i32
      "tpu.region"() ({
        %run_scoped3A = tpu.sem_alloc : memref<!tpu.dma_semaphore, #tpu.memory_space<semaphore_mem>>
        %dma_start3A_64 = arith.constant 0 : i32
        %dma_start3A_65 = tpu.memref_slice %arg4[%add3A_42, %dma_start3A_64] : memref<320000x32xf32, #tpu.memory_space<hbm>> -> memref<80x32xf32, #tpu.memory_space<hbm>>
        %dma_start3A_66 = arith.constant 0 : i32
        %dma_start3A_67 = tpu.memref_slice %arg4[%add3A_42, %dma_start3A_66] : memref<320000x32xf32, #tpu.memory_space<hbm>> -> memref<80x32xf32, #tpu.memory_space<hbm>>
        tpu.enqueue_dma source(%arg6 : memref<80x32xf32, #tpu.memory_space<vmem>>) target(%dma_start3A_67 : memref<80x32xf32, #tpu.memory_space<hbm>>) target_semaphore(%run_scoped3A : memref<!tpu.dma_semaphore, #tpu.memory_space<semaphore_mem>>)
        %dma_wait3A_68 = arith.constant 0 : i32
        %dma_wait3A_69 = tpu.memref_slice %arg4[%add3A_42, %dma_wait3A_68] : memref<320000x32xf32, #tpu.memory_space<hbm>> -> memref<80x32xf32, #tpu.memory_space<hbm>>
        %dma_wait3A_70 = arith.constant 0 : i32
        %dma_wait3A_71 = tpu.memref_slice %arg4[%add3A_42, %dma_wait3A_70] : memref<320000x32xf32, #tpu.memory_space<hbm>> -> memref<80x32xf32, #tpu.memory_space<hbm>>
        tpu.wait_dma2 semaphore(%run_scoped3A : memref<!tpu.dma_semaphore, #tpu.memory_space<semaphore_mem>>) src(%arg6 : memref<80x32xf32, #tpu.memory_space<vmem>>) dst(%dma_wait3A_71 : memref<80x32xf32, #tpu.memory_space<hbm>>)
        tpu.yield
      }) : () -> ()
      %add3A_43 = arith.constant 2 : i32
      %add3A_44 = arith.addi %mul3A_33, %add3A_43 : i32
      %dma_start3A_45 = arith.constant 0 : i32
      %dma_start3A_46 = tpu.memref_slice %arg5[%add3A_44, %dma_start3A_45] : memref<125x80xi32, #tpu.memory_space<vmem>> -> memref<1x80xi32, #tpu.memory_space<vmem>>
      %dma_start3A_47 = tpu.memref_squeeze %dma_start3A_46 : memref<1x80xi32, #tpu.memory_space<vmem>> -> memref<80xi32, #tpu.memory_space<vmem>>
      %dma_start3A_48 = arith.constant 0 : i32
      %dma_start3A_49 = arith.constant 0 : i32
      %dma_start3A_50 = tpu.memref_slice %arg2[%dma_start3A_48, %dma_start3A_49] : memref<10000x32xf32, #tpu.memory_space<hbm>> -> memref<10000x32xf32, #tpu.memory_space<hbm>>
      tpu.enqueue_indirect_dma source(%dma_start3A_50 : memref<10000x32xf32, #tpu.memory_space<hbm>>) target(%arg6 : memref<80x32xf32, #tpu.memory_space<vmem>>) offsets(%dma_start3A_47 : memref<80xi32, #tpu.memory_space<vmem>>) semaphore(%arg8 : memref<!tpu.dma_semaphore, #tpu.memory_space<semaphore_mem>>)
      %add3A_51 = arith.constant 1 : i32
      %add3A_52 = arith.addi %mul3A_33, %add3A_51 : i32
      %dma_wait3A_53 = arith.constant 0 : i32
      %dma_wait3A_54 = tpu.memref_slice %arg5[%add3A_52, %dma_wait3A_53] : memref<125x80xi32, #tpu.memory_space<vmem>> -> memref<1x80xi32, #tpu.memory_space<vmem>>
      %dma_wait3A_55 = tpu.memref_squeeze %dma_wait3A_54 : memref<1x80xi32, #tpu.memory_space<vmem>> -> memref<80xi32, #tpu.memory_space<vmem>>
      %dma_wait3A_56 = arith.constant 0 : i32
      %dma_wait3A_57 = arith.constant 0 : i32
      %dma_wait3A_58 = tpu.memref_slice %arg2[%dma_wait3A_56, %dma_wait3A_57] : memref<10000x32xf32, #tpu.memory_space<hbm>> -> memref<10000x32xf32, #tpu.memory_space<hbm>>
      tpu.wait_indirect_dma semaphore(%arg9 : memref<!tpu.dma_semaphore, #tpu.memory_space<semaphore_mem>>) src(%dma_wait3A_58 : memref<10000x32xf32, #tpu.memory_space<hbm>>) dst(%arg7 : memref<80x32xf32, #tpu.memory_space<vmem>>)
      %mul3A_59 = arith.constant 80 : i32
      %mul3A_60 = arith.muli %add3A_52, %mul3A_59 : i32
      %add3A_61 = arith.addi %mul3A_2, %mul3A_60 : i32
      "tpu.region"() ({
        %run_scoped3A = tpu.sem_alloc : memref<!tpu.dma_semaphore, #tpu.memory_space<semaphore_mem>>
        %dma_start3A_64 = arith.constant 0 : i32
        %dma_start3A_65 = tpu.memref_slice %arg4[%add3A_61, %dma_start3A_64] : memref<320000x32xf32, #tpu.memory_space<hbm>> -> memref<80x32xf32, #tpu.memory_space<hbm>>
        %dma_start3A_66 = arith.constant 0 : i32
        %dma_start3A_67 = tpu.memref_slice %arg4[%add3A_61, %dma_start3A_66] : memref<320000x32xf32, #tpu.memory_space<hbm>> -> memref<80x32xf32, #tpu.memory_space<hbm>>
        tpu.enqueue_dma source(%arg7 : memref<80x32xf32, #tpu.memory_space<vmem>>) target(%dma_start3A_67 : memref<80x32xf32, #tpu.memory_space<hbm>>) target_semaphore(%run_scoped3A : memref<!tpu.dma_semaphore, #tpu.memory_space<semaphore_mem>>)
        %dma_wait3A_68 = arith.constant 0 : i32
        %dma_wait3A_69 = tpu.memref_slice %arg4[%add3A_61, %dma_wait3A_68] : memref<320000x32xf32, #tpu.memory_space<hbm>> -> memref<80x32xf32, #tpu.memory_space<hbm>>
        %dma_wait3A_70 = arith.constant 0 : i32
        %dma_wait3A_71 = tpu.memref_slice %arg4[%add3A_61, %dma_wait3A_70] : memref<320000x32xf32, #tpu.memory_space<hbm>> -> memref<80x32xf32, #tpu.memory_space<hbm>>
        tpu.wait_dma2 semaphore(%run_scoped3A : memref<!tpu.dma_semaphore, #tpu.memory_space<semaphore_mem>>) src(%arg7 : memref<80x32xf32, #tpu.memory_space<vmem>>) dst(%dma_wait3A_71 : memref<80x32xf32, #tpu.memory_space<hbm>>)
        tpu.yield
      }) : () -> ()
      %lt3A = arith.constant 61 : i32
      %lt3A_62 = arith.cmpi slt, %scan3A_31, %lt3A : i32
      %convert_element_type3A = arith.extui %lt3A_62 : i1 to i32
      %cond3A = arith.constant 0 : i32
      %cond3A_63 = arith.cmpi ne, %convert_element_type3A, %cond3A : i32
      scf.if %cond3A_63 {
        %add3A_64 = arith.constant 2 : i32
        %add3A_65 = arith.addi %add3A_52, %add3A_64 : i32
        %dma_start3A_66 = arith.constant 0 : i32
        %dma_start3A_67 = tpu.memref_slice %arg5[%add3A_65, %dma_start3A_66] : memref<125x80xi32, #tpu.memory_space<vmem>> -> memref<1x80xi32, #tpu.memory_space<vmem>>
        %dma_start3A_68 = tpu.memref_squeeze %dma_start3A_67 : memref<1x80xi32, #tpu.memory_space<vmem>> -> memref<80xi32, #tpu.memory_space<vmem>>
        %dma_start3A_69 = arith.constant 0 : i32
        %dma_start3A_70 = arith.constant 0 : i32
        %dma_start3A_71 = tpu.memref_slice %arg2[%dma_start3A_69, %dma_start3A_70] : memref<10000x32xf32, #tpu.memory_space<hbm>> -> memref<10000x32xf32, #tpu.memory_space<hbm>>
        tpu.enqueue_indirect_dma source(%dma_start3A_71 : memref<10000x32xf32, #tpu.memory_space<hbm>>) target(%arg7 : memref<80x32xf32, #tpu.memory_space<vmem>>) offsets(%dma_start3A_68 : memref<80xi32, #tpu.memory_space<vmem>>) semaphore(%arg9 : memref<!tpu.dma_semaphore, #tpu.memory_space<semaphore_mem>>)
      } else {
      }
    }
    %scan3A_22 = arith.constant 62 : i32
    %dma_wait3A = arith.constant 124 : i32
    %dma_wait3A_23 = arith.constant 0 : i32
    %dma_wait3A_24 = tpu.memref_slice %arg5[%dma_wait3A, %dma_wait3A_23] : memref<125x80xi32, #tpu.memory_space<vmem>> -> memref<1x80xi32, #tpu.memory_space<vmem>>
    %dma_wait3A_25 = tpu.memref_squeeze %dma_wait3A_24 : memref<1x80xi32, #tpu.memory_space<vmem>> -> memref<80xi32, #tpu.memory_space<vmem>>
    %dma_wait3A_26 = arith.constant 0 : i32
    %dma_wait3A_27 = arith.constant 0 : i32
    %dma_wait3A_28 = tpu.memref_slice %arg2[%dma_wait3A_26, %dma_wait3A_27] : memref<10000x32xf32, #tpu.memory_space<hbm>> -> memref<10000x32xf32, #tpu.memory_space<hbm>>
    tpu.wait_indirect_dma semaphore(%arg8 : memref<!tpu.dma_semaphore, #tpu.memory_space<semaphore_mem>>) src(%dma_wait3A_28 : memref<10000x32xf32, #tpu.memory_space<hbm>>) dst(%arg6 : memref<80x32xf32, #tpu.memory_space<vmem>>)
    %add3A_29 = arith.constant 9920 : i32
    %add3A_30 = arith.addi %mul3A_2, %add3A_29 : i32
    "tpu.region"() ({
      %run_scoped3A = tpu.sem_alloc : memref<!tpu.dma_semaphore, #tpu.memory_space<semaphore_mem>>
      %dma_start3A_31 = arith.constant 0 : i32
      %dma_start3A_32 = tpu.memref_slice %arg4[%add3A_30, %dma_start3A_31] : memref<320000x32xf32, #tpu.memory_space<hbm>> -> memref<80x32xf32, #tpu.memory_space<hbm>>
      %dma_start3A_33 = arith.constant 0 : i32
      %dma_start3A_34 = tpu.memref_slice %arg4[%add3A_30, %dma_start3A_33] : memref<320000x32xf32, #tpu.memory_space<hbm>> -> memref<80x32xf32, #tpu.memory_space<hbm>>
      tpu.enqueue_dma source(%arg6 : memref<80x32xf32, #tpu.memory_space<vmem>>) target(%dma_start3A_34 : memref<80x32xf32, #tpu.memory_space<hbm>>) target_semaphore(%run_scoped3A : memref<!tpu.dma_semaphore, #tpu.memory_space<semaphore_mem>>)
      %dma_wait3A_35 = arith.constant 0 : i32
      %dma_wait3A_36 = tpu.memref_slice %arg4[%add3A_30, %dma_wait3A_35] : memref<320000x32xf32, #tpu.memory_space<hbm>> -> memref<80x32xf32, #tpu.memory_space<hbm>>
      %dma_wait3A_37 = arith.constant 0 : i32
      %dma_wait3A_38 = tpu.memref_slice %arg4[%add3A_30, %dma_wait3A_37] : memref<320000x32xf32, #tpu.memory_space<hbm>> -> memref<80x32xf32, #tpu.memory_space<hbm>>
      tpu.wait_dma2 semaphore(%run_scoped3A : memref<!tpu.dma_semaphore, #tpu.memory_space<semaphore_mem>>) src(%arg6 : memref<80x32xf32, #tpu.memory_space<vmem>>) dst(%dma_wait3A_38 : memref<80x32xf32, #tpu.memory_space<hbm>>)
      tpu.yield
    }) : () -> ()
    return
  }
}

#map = affine_map<(d0, d1) -> (0, 0)>
#map1 = affine_map<(d0, d1) -> (0, 0, 0)>
module attributes {stable_mosaic.version = 14 : i64} {
  func.func @_conv_sc_body(%arg0: i32, %arg1: i32, %arg2: memref<10000x272xf32, #tpu.memory_space<hbm>>, %arg3: memref<320000x16xf32, #tpu.memory_space<hbm>>, %arg4: memref<4000x80xi32, #tpu.memory_space<hbm>>, %arg5: memref<4000x80xi32, #tpu.memory_space<hbm>>, %arg6: memref<4000x80xi32, #tpu.memory_space<hbm>>, %arg7: memref<2x10000x16xf32, #tpu.memory_space<hbm>>, %arg8: memref<125x80xi32, #tpu.memory_space<vmem>>, %arg9: memref<125x80xi32, #tpu.memory_space<vmem>>, %arg10: memref<125x80xi32, #tpu.memory_space<vmem>>, %arg11: memref<80x272xf32, #tpu.memory_space<vmem>>, %arg12: memref<80x272xf32, #tpu.memory_space<vmem>>, %arg13: memref<80x16xf32, #tpu.memory_space<vmem>>, %arg14: memref<80x16xf32, #tpu.memory_space<vmem>>, %arg15: memref<80x16xf32, #tpu.memory_space<vmem>>, %arg16: memref<625x16xf32, #tpu.memory_space<vmem>>, %arg17: memref<625x16xf32, #tpu.memory_space<vmem>>, %arg18: memref<30000x16xf32, #tpu.memory_space<vmem_shared>>, %arg19: memref<!tpu.dma_semaphore, #tpu.memory_space<semaphore_mem>>, %arg20: memref<!tpu.dma_semaphore, #tpu.memory_space<semaphore_mem>>) attributes {dimension_semantics = [#tpu.dimension_semantics<core_parallel>, #tpu.dimension_semantics<subcore_parallel>], iteration_bounds = array<i64: 2, 16>, scalar_prefetch = 0 : i64, scratch_operands = 13 : i64, tpu.core_type = #tpu.core_type<sc_vector_subcore>, window_params = [{transform_indices = #map}, {transform_indices = #map}, {transform_indices = #map}, {transform_indices = #map}, {transform_indices = #map}, {transform_indices = #map1}]} {
    %mul3A = arith.constant 16 : i32
    %mul3A_0 = arith.muli %arg0, %mul3A : i32
    %add3A = arith.addi %mul3A_0, %arg1 : i32
    %scan3A = arith.constant 0 : i32
    %scan3A_1 = arith.constant 0 : i32
    %scan3A_2 = arith.constant 625 : i32
    %scan3A_3 = arith.addi %scan3A_1, %scan3A_2 : i32
    %scan3A_4 = arith.constant 1 : i32
    scf.for %scan3A_79 = %scan3A_1 to %scan3A_3 step %scan3A_4  : i32 {
      %broadcast_in_dim3A = arith.constant 0.000000e+00 : f32
      %broadcast_in_dim3A_80 = vector.broadcast %broadcast_in_dim3A : f32 to vector<16xf32>
      %swap3A = arith.index_cast %scan3A_79 : i32 to index
      %swap3A_81 = arith.constant 0 : index
      %swap3A_82 = tpu.vector_load %arg16[%swap3A, %swap3A_81] {strides = array<i32>} : memref<625x16xf32, #tpu.memory_space<vmem>>, vector<1x16xf32>,
      %swap3A_83 = vector.shape_cast %swap3A_82 : vector<1x16xf32> to vector<16xf32>
      %swap3A_84 = vector.shape_cast %broadcast_in_dim3A_80 : vector<16xf32> to vector<1x16xf32>
      tpu.vector_store %arg16[%swap3A, %swap3A_81], %swap3A_84 {strides = array<i32>} : memref<625x16xf32, #tpu.memory_space<vmem>>, vector<1x16xf32>,
    }
    %scan3A_5 = arith.constant 625 : i32
    %scan3A_6 = arith.constant 0 : i32
    %scan3A_7 = arith.constant 0 : i32
    %scan3A_8 = arith.constant 3 : i32
    %scan3A_9 = arith.addi %scan3A_7, %scan3A_8 : i32
    %scan3A_10 = arith.constant 1 : i32
    scf.for %scan3A_79 = %scan3A_7 to %scan3A_9 step %scan3A_10  : i32 {
      %mul3A_80 = arith.constant 3 : i32
      %mul3A_81 = arith.muli %arg1, %mul3A_80 : i32
      %add3A_82 = arith.addi %mul3A_81, %scan3A_79 : i32
      %mul3A_83 = arith.constant 625 : i32
      %mul3A_84 = arith.muli %add3A_82, %mul3A_83 : i32
      "tpu.region"() ({
        %run_scoped3A_85 = tpu.sem_alloc : memref<!tpu.dma_semaphore, #tpu.memory_space<semaphore_mem>>
        %dma_start3A_86 = arith.constant 0 : i32
        %dma_start3A_87 = tpu.memref_slice %arg18[%mul3A_84, %dma_start3A_86] : memref<30000x16xf32, #tpu.memory_space<vmem_shared>> -> memref<625x16xf32, #tpu.memory_space<vmem_shared>>
        %dma_start3A_88 = arith.constant 0 : i32
        %dma_start3A_89 = tpu.memref_slice %arg18[%mul3A_84, %dma_start3A_88] : memref<30000x16xf32, #tpu.memory_space<vmem_shared>> -> memref<625x16xf32, #tpu.memory_space<vmem_shared>>
        tpu.enqueue_dma source(%arg16 : memref<625x16xf32, #tpu.memory_space<vmem>>) target(%dma_start3A_89 : memref<625x16xf32, #tpu.memory_space<vmem_shared>>) target_semaphore(%run_scoped3A_85 : memref<!tpu.dma_semaphore, #tpu.memory_space<semaphore_mem>>)
        %dma_wait3A_90 = arith.constant 0 : i32
        %dma_wait3A_91 = tpu.memref_slice %arg18[%mul3A_84, %dma_wait3A_90] : memref<30000x16xf32, #tpu.memory_space<vmem_shared>> -> memref<625x16xf32, #tpu.memory_space<vmem_shared>>
        %dma_wait3A_92 = arith.constant 0 : i32
        %dma_wait3A_93 = tpu.memref_slice %arg18[%mul3A_84, %dma_wait3A_92] : memref<30000x16xf32, #tpu.memory_space<vmem_shared>> -> memref<625x16xf32, #tpu.memory_space<vmem_shared>>
        tpu.wait_dma2 semaphore(%run_scoped3A_85 : memref<!tpu.dma_semaphore, #tpu.memory_space<semaphore_mem>>) src(%arg16 : memref<625x16xf32, #tpu.memory_space<vmem>>) dst(%dma_wait3A_93 : memref<625x16xf32, #tpu.memory_space<vmem_shared>>)
        tpu.yield
      }) : () -> ()
    }
    %scan3A_11 = arith.constant 3 : i32
    %mul3A_12 = arith.constant 125 : i32
    %mul3A_13 = arith.muli %add3A, %mul3A_12 : i32
    "tpu.region"() ({
      %run_scoped3A_79 = tpu.sem_alloc : memref<!tpu.dma_semaphore, #tpu.memory_space<semaphore_mem>>
      %dma_start3A_80 = arith.constant 0 : i32
      %dma_start3A_81 = tpu.memref_slice %arg4[%mul3A_13, %dma_start3A_80] : memref<4000x80xi32, #tpu.memory_space<hbm>> -> memref<125x80xi32, #tpu.memory_space<hbm>>
      %dma_start3A_82 = arith.constant 0 : i32
      %dma_start3A_83 = tpu.memref_slice %arg4[%mul3A_13, %dma_start3A_82] : memref<4000x80xi32, #tpu.memory_space<hbm>> -> memref<125x80xi32, #tpu.memory_space<hbm>>
      tpu.enqueue_dma source(%dma_start3A_83 : memref<125x80xi32, #tpu.memory_space<hbm>>) target(%arg8 : memref<125x80xi32, #tpu.memory_space<vmem>>) target_semaphore(%run_scoped3A_79 : memref<!tpu.dma_semaphore, #tpu.memory_space<semaphore_mem>>)
      %dma_wait3A_84 = arith.constant 0 : i32
      %dma_wait3A_85 = tpu.memref_slice %arg4[%mul3A_13, %dma_wait3A_84] : memref<4000x80xi32, #tpu.memory_space<hbm>> -> memref<125x80xi32, #tpu.memory_space<hbm>>
      %dma_wait3A_86 = arith.constant 0 : i32
      %dma_wait3A_87 = tpu.memref_slice %arg4[%mul3A_13, %dma_wait3A_86] : memref<4000x80xi32, #tpu.memory_space<hbm>> -> memref<125x80xi32, #tpu.memory_space<hbm>>
      tpu.wait_dma2 semaphore(%run_scoped3A_79 : memref<!tpu.dma_semaphore, #tpu.memory_space<semaphore_mem>>) src(%dma_wait3A_87 : memref<125x80xi32, #tpu.memory_space<hbm>>) dst(%arg8 : memref<125x80xi32, #tpu.memory_space<vmem>>)
      tpu.yield
    }) : () -> ()
    %mul3A_14 = arith.constant 125 : i32
    %mul3A_15 = arith.muli %add3A, %mul3A_14 : i32
    "tpu.region"() ({
      %run_scoped3A_79 = tpu.sem_alloc : memref<!tpu.dma_semaphore, #tpu.memory_space<semaphore_mem>>
      %dma_start3A_80 = arith.constant 0 : i32
      %dma_start3A_81 = tpu.memref_slice %arg5[%mul3A_15, %dma_start3A_80] : memref<4000x80xi32, #tpu.memory_space<hbm>> -> memref<125x80xi32, #tpu.memory_space<hbm>>
      %dma_start3A_82 = arith.constant 0 : i32
      %dma_start3A_83 = tpu.memref_slice %arg5[%mul3A_15, %dma_start3A_82] : memref<4000x80xi32, #tpu.memory_space<hbm>> -> memref<125x80xi32, #tpu.memory_space<hbm>>
      tpu.enqueue_dma source(%dma_start3A_83 : memref<125x80xi32, #tpu.memory_space<hbm>>) target(%arg9 : memref<125x80xi32, #tpu.memory_space<vmem>>) target_semaphore(%run_scoped3A_79 : memref<!tpu.dma_semaphore, #tpu.memory_space<semaphore_mem>>)
      %dma_wait3A_84 = arith.constant 0 : i32
      %dma_wait3A_85 = tpu.memref_slice %arg5[%mul3A_15, %dma_wait3A_84] : memref<4000x80xi32, #tpu.memory_space<hbm>> -> memref<125x80xi32, #tpu.memory_space<hbm>>
      %dma_wait3A_86 = arith.constant 0 : i32
      %dma_wait3A_87 = tpu.memref_slice %arg5[%mul3A_15, %dma_wait3A_86] : memref<4000x80xi32, #tpu.memory_space<hbm>> -> memref<125x80xi32, #tpu.memory_space<hbm>>
      tpu.wait_dma2 semaphore(%run_scoped3A_79 : memref<!tpu.dma_semaphore, #tpu.memory_space<semaphore_mem>>) src(%dma_wait3A_87 : memref<125x80xi32, #tpu.memory_space<hbm>>) dst(%arg9 : memref<125x80xi32, #tpu.memory_space<vmem>>)
      tpu.yield
    }) : () -> ()
    %mul3A_16 = arith.constant 125 : i32
    %mul3A_17 = arith.muli %add3A, %mul3A_16 : i32
    "tpu.region"() ({
      %run_scoped3A_79 = tpu.sem_alloc : memref<!tpu.dma_semaphore, #tpu.memory_space<semaphore_mem>>
      %dma_start3A_80 = arith.constant 0 : i32
      %dma_start3A_81 = tpu.memref_slice %arg6[%mul3A_17, %dma_start3A_80] : memref<4000x80xi32, #tpu.memory_space<hbm>> -> memref<125x80xi32, #tpu.memory_space<hbm>>
      %dma_start3A_82 = arith.constant 0 : i32
      %dma_start3A_83 = tpu.memref_slice %arg6[%mul3A_17, %dma_start3A_82] : memref<4000x80xi32, #tpu.memory_space<hbm>> -> memref<125x80xi32, #tpu.memory_space<hbm>>
      tpu.enqueue_dma source(%dma_start3A_83 : memref<125x80xi32, #tpu.memory_space<hbm>>) target(%arg10 : memref<125x80xi32, #tpu.memory_space<vmem>>) target_semaphore(%run_scoped3A_79 : memref<!tpu.dma_semaphore, #tpu.memory_space<semaphore_mem>>)
      %dma_wait3A_84 = arith.constant 0 : i32
      %dma_wait3A_85 = tpu.memref_slice %arg6[%mul3A_17, %dma_wait3A_84] : memref<4000x80xi32, #tpu.memory_space<hbm>> -> memref<125x80xi32, #tpu.memory_space<hbm>>
      %dma_wait3A_86 = arith.constant 0 : i32
      %dma_wait3A_87 = tpu.memref_slice %arg6[%mul3A_17, %dma_wait3A_86] : memref<4000x80xi32, #tpu.memory_space<hbm>> -> memref<125x80xi32, #tpu.memory_space<hbm>>
      tpu.wait_dma2 semaphore(%run_scoped3A_79 : memref<!tpu.dma_semaphore, #tpu.memory_space<semaphore_mem>>) src(%dma_wait3A_87 : memref<125x80xi32, #tpu.memory_space<hbm>>) dst(%arg10 : memref<125x80xi32, #tpu.memory_space<vmem>>)
      tpu.yield
    }) : () -> ()
    %barrier3A = arith.constant 0 : index
    tpu.barrier barrier_id(%barrier3A)
    %dma_start3A = arith.constant 0 : i32
    %dma_start3A_18 = arith.constant 0 : i32
    %dma_start3A_19 = tpu.memref_slice %arg8[%dma_start3A, %dma_start3A_18] : memref<125x80xi32, #tpu.memory_space<vmem>> -> memref<1x80xi32, #tpu.memory_space<vmem>>
    %dma_start3A_20 = tpu.memref_squeeze %dma_start3A_19 : memref<1x80xi32, #tpu.memory_space<vmem>> -> memref<80xi32, #tpu.memory_space<vmem>>
    %dma_start3A_21 = arith.constant 0 : i32
    %dma_start3A_22 = arith.constant 0 : i32
    %dma_start3A_23 = tpu.memref_slice %arg2[%dma_start3A_21, %dma_start3A_22] : memref<10000x272xf32, #tpu.memory_space<hbm>> -> memref<10000x272xf32, #tpu.memory_space<hbm>>
    tpu.enqueue_indirect_dma source(%dma_start3A_23 : memref<10000x272xf32, #tpu.memory_space<hbm>>) target(%arg11 : memref<80x272xf32, #tpu.memory_space<vmem>>) offsets(%dma_start3A_20 : memref<80xi32, #tpu.memory_space<vmem>>) semaphore(%arg19 : memref<!tpu.dma_semaphore, #tpu.memory_space<semaphore_mem>>)
    %dma_start3A_24 = arith.constant 0 : i32
    %dma_start3A_25 = arith.constant 0 : i32
    %dma_start3A_26 = tpu.memref_slice %arg10[%dma_start3A_24, %dma_start3A_25] : memref<125x80xi32, #tpu.memory_space<vmem>> -> memref<1x80xi32, #tpu.memory_space<vmem>>
    %dma_start3A_27 = tpu.memref_squeeze %dma_start3A_26 : memref<1x80xi32, #tpu.memory_space<vmem>> -> memref<80xi32, #tpu.memory_space<vmem>>
    %dma_start3A_28 = arith.constant 0 : i32
    %dma_start3A_29 = arith.constant 0 : i32
    %dma_start3A_30 = tpu.memref_slice %arg3[%dma_start3A_28, %dma_start3A_29] : memref<320000x16xf32, #tpu.memory_space<hbm>> -> memref<320000x16xf32, #tpu.memory_space<hbm>>
    tpu.enqueue_indirect_dma source(%dma_start3A_30 : memref<320000x16xf32, #tpu.memory_space<hbm>>) target(%arg13 : memref<80x16xf32, #tpu.memory_space<vmem>>) offsets(%dma_start3A_27 : memref<80xi32, #tpu.memory_space<vmem>>) semaphore(%arg19 : memref<!tpu.dma_semaphore, #tpu.memory_space<semaphore_mem>>)
    %dma_start3A_31 = arith.constant 1 : i32
    %dma_start3A_32 = arith.constant 0 : i32
    %dma_start3A_33 = tpu.memref_slice %arg8[%dma_start3A_31, %dma_start3A_32] : memref<125x80xi32, #tpu.memory_space<vmem>> -> memref<1x80xi32, #tpu.memory_space<vmem>>
    %dma_start3A_34 = tpu.memref_squeeze %dma_start3A_33 : memref<1x80xi32, #tpu.memory_space<vmem>> -> memref<80xi32, #tpu.memory_space<vmem>>
    %dma_start3A_35 = arith.constant 0 : i32
    %dma_start3A_36 = arith.constant 0 : i32
    %dma_start3A_37 = tpu.memref_slice %arg2[%dma_start3A_35, %dma_start3A_36] : memref<10000x272xf32, #tpu.memory_space<hbm>> -> memref<10000x272xf32, #tpu.memory_space<hbm>>
    tpu.enqueue_indirect_dma source(%dma_start3A_37 : memref<10000x272xf32, #tpu.memory_space<hbm>>) target(%arg12 : memref<80x272xf32, #tpu.memory_space<vmem>>) offsets(%dma_start3A_34 : memref<80xi32, #tpu.memory_space<vmem>>) semaphore(%arg20 : memref<!tpu.dma_semaphore, #tpu.memory_space<semaphore_mem>>)
    %dma_start3A_38 = arith.constant 1 : i32
    %dma_start3A_39 = arith.constant 0 : i32
    %dma_start3A_40 = tpu.memref_slice %arg10[%dma_start3A_38, %dma_start3A_39] : memref<125x80xi32, #tpu.memory_space<vmem>> -> memref<1x80xi32, #tpu.memory_space<vmem>>
    %dma_start3A_41 = tpu.memref_squeeze %dma_start3A_40 : memref<1x80xi32, #tpu.memory_space<vmem>> -> memref<80xi32, #tpu.memory_space<vmem>>
    %dma_start3A_42 = arith.constant 0 : i32
    %dma_start3A_43 = arith.constant 0 : i32
    %dma_start3A_44 = tpu.memref_slice %arg3[%dma_start3A_42, %dma_start3A_43] : memref<320000x16xf32, #tpu.memory_space<hbm>> -> memref<320000x16xf32, #tpu.memory_space<hbm>>
    tpu.enqueue_indirect_dma source(%dma_start3A_44 : memref<320000x16xf32, #tpu.memory_space<hbm>>) target(%arg14 : memref<80x16xf32, #tpu.memory_space<vmem>>) offsets(%dma_start3A_41 : memref<80xi32, #tpu.memory_space<vmem>>) semaphore(%arg20 : memref<!tpu.dma_semaphore, #tpu.memory_space<semaphore_mem>>)
    %scan3A_45 = arith.constant 0 : i32
    %scan3A_46 = arith.constant 0 : i32
    %scan3A_47 = arith.constant 62 : i32
    %scan3A_48 = arith.addi %scan3A_46, %scan3A_47 : i32
    %scan3A_49 = arith.constant 1 : i32
    scf.for %scan3A_79 = %scan3A_46 to %scan3A_48 step %scan3A_49  : i32 {
      %mul3A_80 = arith.constant 2 : i32
      %mul3A_81 = arith.muli %mul3A_80, %scan3A_79 : i32
      %dma_wait3A_82 = arith.constant 0 : i32
      %dma_wait3A_83 = tpu.memref_slice %arg8[%mul3A_81, %dma_wait3A_82] : memref<125x80xi32, #tpu.memory_space<vmem>> -> memref<1x80xi32, #tpu.memory_space<vmem>>
      %dma_wait3A_84 = tpu.memref_squeeze %dma_wait3A_83 : memref<1x80xi32, #tpu.memory_space<vmem>> -> memref<80xi32, #tpu.memory_space<vmem>>
      %dma_wait3A_85 = arith.constant 0 : i32
      %dma_wait3A_86 = arith.constant 0 : i32
      %dma_wait3A_87 = tpu.memref_slice %arg2[%dma_wait3A_85, %dma_wait3A_86] : memref<10000x272xf32, #tpu.memory_space<hbm>> -> memref<10000x272xf32, #tpu.memory_space<hbm>>
      tpu.wait_indirect_dma semaphore(%arg19 : memref<!tpu.dma_semaphore, #tpu.memory_space<semaphore_mem>>) src(%dma_wait3A_87 : memref<10000x272xf32, #tpu.memory_space<hbm>>) dst(%arg11 : memref<80x272xf32, #tpu.memory_space<vmem>>)
      %dma_wait3A_88 = arith.constant 0 : i32
      %dma_wait3A_89 = tpu.memref_slice %arg10[%mul3A_81, %dma_wait3A_88] : memref<125x80xi32, #tpu.memory_space<vmem>> -> memref<1x80xi32, #tpu.memory_space<vmem>>
      %dma_wait3A_90 = tpu.memref_squeeze %dma_wait3A_89 : memref<1x80xi32, #tpu.memory_space<vmem>> -> memref<80xi32, #tpu.memory_space<vmem>>
      %dma_wait3A_91 = arith.constant 0 : i32
      %dma_wait3A_92 = arith.constant 0 : i32
      %dma_wait3A_93 = tpu.memref_slice %arg3[%dma_wait3A_91, %dma_wait3A_92] : memref<320000x16xf32, #tpu.memory_space<hbm>> -> memref<320000x16xf32, #tpu.memory_space<hbm>>
      tpu.wait_indirect_dma semaphore(%arg19 : memref<!tpu.dma_semaphore, #tpu.memory_space<semaphore_mem>>) src(%dma_wait3A_93 : memref<320000x16xf32, #tpu.memory_space<hbm>>) dst(%arg13 : memref<80x16xf32, #tpu.memory_space<vmem>>)
      %scan3A_94 = arith.constant 0 : i32
      %scan3A_95 = arith.constant 0 : i32
      %scan3A_96 = arith.constant 80 : i32
      %scan3A_97 = arith.addi %scan3A_95, %scan3A_96 : i32
      %scan3A_98 = arith.constant 1 : i32
      scf.for %scan3A_136 = %scan3A_95 to %scan3A_97 step %scan3A_98  : i32 {
        %get3A = arith.index_cast %scan3A_136 : i32 to index
        %get3A_137 = arith.constant 0 : index
        %get3A_138 = tpu.vector_load %arg13[%get3A, %get3A_137] {strides = array<i32>} : memref<80x16xf32, #tpu.memory_space<vmem>>, vector<1x16xf32>,
        %get3A_139 = vector.shape_cast %get3A_138 : vector<1x16xf32> to vector<16xf32>
        %get3A_140 = arith.index_cast %scan3A_136 : i32 to index
        %get3A_141 = arith.constant 256 : index
        %get3A_142 = tpu.vector_load %arg11[%get3A_140, %get3A_141] {strides = array<i32>} : memref<80x272xf32, #tpu.memory_space<vmem>>, vector<1x16xf32>,
        %get3A_143 = vector.shape_cast %get3A_142 : vector<1x16xf32> to vector<16xf32>
        %broadcast_in_dim3A = arith.constant 1 : i32
        %broadcast_in_dim3A_144 = vector.broadcast %broadcast_in_dim3A : i32 to vector<16x1xi32>
        %gather3A = vector.shape_cast %broadcast_in_dim3A_144 : vector<16x1xi32> to vector<16xi32>
        %gather3A_145 = tpu.dynamic_gather %get3A_139[%gather3A] in [0] : vector<16xf32>, vector<16xi32> -> vector<16xf32>
        %get3A_146 = arith.index_cast %scan3A_136 : i32 to index
        %get3A_147 = arith.constant 16 : index
        %get3A_148 = tpu.vector_load %arg11[%get3A_146, %get3A_147] {strides = array<i32>} : memref<80x272xf32, #tpu.memory_space<vmem>>, vector<1x16xf32>,
        %get3A_149 = vector.shape_cast %get3A_148 : vector<1x16xf32> to vector<16xf32>
        %mul3A_150 = arith.mulf %gather3A_145, %get3A_149 : vector<16xf32>
        %broadcast_in_dim3A_151 = arith.constant 2 : i32
        %broadcast_in_dim3A_152 = vector.broadcast %broadcast_in_dim3A_151 : i32 to vector<16x1xi32>
        %gather3A_153 = vector.shape_cast %broadcast_in_dim3A_152 : vector<16x1xi32> to vector<16xi32>
        %gather3A_154 = tpu.dynamic_gather %get3A_139[%gather3A_153] in [0] : vector<16xf32>, vector<16xi32> -> vector<16xf32>
        %get3A_155 = arith.index_cast %scan3A_136 : i32 to index
        %get3A_156 = arith.constant 32 : index
        %get3A_157 = tpu.vector_load %arg11[%get3A_155, %get3A_156] {strides = array<i32>} : memref<80x272xf32, #tpu.memory_space<vmem>>, vector<1x16xf32>,
        %get3A_158 = vector.shape_cast %get3A_157 : vector<1x16xf32> to vector<16xf32>
        %mul3A_159 = arith.mulf %gather3A_154, %get3A_158 : vector<16xf32>
        %broadcast_in_dim3A_160 = arith.constant 3 : i32
        %broadcast_in_dim3A_161 = vector.broadcast %broadcast_in_dim3A_160 : i32 to vector<16x1xi32>
        %gather3A_162 = vector.shape_cast %broadcast_in_dim3A_161 : vector<16x1xi32> to vector<16xi32>
        %gather3A_163 = tpu.dynamic_gather %get3A_139[%gather3A_162] in [0] : vector<16xf32>, vector<16xi32> -> vector<16xf32>
        %get3A_164 = arith.index_cast %scan3A_136 : i32 to index
        %get3A_165 = arith.constant 48 : index
        %get3A_166 = tpu.vector_load %arg11[%get3A_164, %get3A_165] {strides = array<i32>} : memref<80x272xf32, #tpu.memory_space<vmem>>, vector<1x16xf32>,
        %get3A_167 = vector.shape_cast %get3A_166 : vector<1x16xf32> to vector<16xf32>
        %mul3A_168 = arith.mulf %gather3A_163, %get3A_167 : vector<16xf32>
        %broadcast_in_dim3A_169 = arith.constant 0 : i32
        %broadcast_in_dim3A_170 = vector.broadcast %broadcast_in_dim3A_169 : i32 to vector<16x1xi32>
        %gather3A_171 = vector.shape_cast %broadcast_in_dim3A_170 : vector<16x1xi32> to vector<16xi32>
        %gather3A_172 = tpu.dynamic_gather %get3A_139[%gather3A_171] in [0] : vector<16xf32>, vector<16xi32> -> vector<16xf32>
        %get3A_173 = arith.index_cast %scan3A_136 : i32 to index
        %get3A_174 = arith.constant 0 : index
        %get3A_175 = tpu.vector_load %arg11[%get3A_173, %get3A_174] {strides = array<i32>} : memref<80x272xf32, #tpu.memory_space<vmem>>, vector<1x16xf32>,
        %get3A_176 = vector.shape_cast %get3A_175 : vector<1x16xf32> to vector<16xf32>
        %mul3A_177 = arith.mulf %gather3A_172, %get3A_176 : vector<16xf32>
        %add3A_178 = arith.addf %get3A_143, %mul3A_177 : vector<16xf32>
        %broadcast_in_dim3A_179 = arith.constant 4 : i32
        %broadcast_in_dim3A_180 = vector.broadcast %broadcast_in_dim3A_179 : i32 to vector<16x1xi32>
        %gather3A_181 = vector.shape_cast %broadcast_in_dim3A_180 : vector<16x1xi32> to vector<16xi32>
        %gather3A_182 = tpu.dynamic_gather %get3A_139[%gather3A_181] in [0] : vector<16xf32>, vector<16xi32> -> vector<16xf32>
        %get3A_183 = arith.index_cast %scan3A_136 : i32 to index
        %get3A_184 = arith.constant 64 : index
        %get3A_185 = tpu.vector_load %arg11[%get3A_183, %get3A_184] {strides = array<i32>} : memref<80x272xf32, #tpu.memory_space<vmem>>, vector<1x16xf32>,
        %get3A_186 = vector.shape_cast %get3A_185 : vector<1x16xf32> to vector<16xf32>
        %mul3A_187 = arith.mulf %gather3A_182, %get3A_186 : vector<16xf32>
        %add3A_188 = arith.addf %add3A_178, %mul3A_187 : vector<16xf32>
        %broadcast_in_dim3A_189 = arith.constant 5 : i32
        %broadcast_in_dim3A_190 = vector.broadcast %broadcast_in_dim3A_189 : i32 to vector<16x1xi32>
        %gather3A_191 = vector.shape_cast %broadcast_in_dim3A_190 : vector<16x1xi32> to vector<16xi32>
        %gather3A_192 = tpu.dynamic_gather %get3A_139[%gather3A_191] in [0] : vector<16xf32>, vector<16xi32> -> vector<16xf32>
        %get3A_193 = arith.index_cast %scan3A_136 : i32 to index
        %get3A_194 = arith.constant 80 : index
        %get3A_195 = tpu.vector_load %arg11[%get3A_193, %get3A_194] {strides = array<i32>} : memref<80x272xf32, #tpu.memory_space<vmem>>, vector<1x16xf32>,
        %get3A_196 = vector.shape_cast %get3A_195 : vector<1x16xf32> to vector<16xf32>
        %mul3A_197 = arith.mulf %gather3A_192, %get3A_196 : vector<16xf32>
        %add3A_198 = arith.addf %mul3A_150, %mul3A_197 : vector<16xf32>
        %broadcast_in_dim3A_199 = arith.constant 6 : i32
        %broadcast_in_dim3A_200 = vector.broadcast %broadcast_in_dim3A_199 : i32 to vector<16x1xi32>
        %gather3A_201 = vector.shape_cast %broadcast_in_dim3A_200 : vector<16x1xi32> to vector<16xi32>
        %gather3A_202 = tpu.dynamic_gather %get3A_139[%gather3A_201] in [0] : vector<16xf32>, vector<16xi32> -> vector<16xf32>
        %get3A_203 = arith.index_cast %scan3A_136 : i32 to index
        %get3A_204 = arith.constant 96 : index
        %get3A_205 = tpu.vector_load %arg11[%get3A_203, %get3A_204] {strides = array<i32>} : memref<80x272xf32, #tpu.memory_space<vmem>>, vector<1x16xf32>,
        %get3A_206 = vector.shape_cast %get3A_205 : vector<1x16xf32> to vector<16xf32>
        %mul3A_207 = arith.mulf %gather3A_202, %get3A_206 : vector<16xf32>
        %add3A_208 = arith.addf %mul3A_159, %mul3A_207 : vector<16xf32>
        %broadcast_in_dim3A_209 = arith.constant 7 : i32
        %broadcast_in_dim3A_210 = vector.broadcast %broadcast_in_dim3A_209 : i32 to vector<16x1xi32>
        %gather3A_211 = vector.shape_cast %broadcast_in_dim3A_210 : vector<16x1xi32> to vector<16xi32>
        %gather3A_212 = tpu.dynamic_gather %get3A_139[%gather3A_211] in [0] : vector<16xf32>, vector<16xi32> -> vector<16xf32>
        %get3A_213 = arith.index_cast %scan3A_136 : i32 to index
        %get3A_214 = arith.constant 112 : index
        %get3A_215 = tpu.vector_load %arg11[%get3A_213, %get3A_214] {strides = array<i32>} : memref<80x272xf32, #tpu.memory_space<vmem>>, vector<1x16xf32>,
        %get3A_216 = vector.shape_cast %get3A_215 : vector<1x16xf32> to vector<16xf32>
        %mul3A_217 = arith.mulf %gather3A_212, %get3A_216 : vector<16xf32>
        %add3A_218 = arith.addf %mul3A_168, %mul3A_217 : vector<16xf32>
        %broadcast_in_dim3A_219 = arith.constant 8 : i32
        %broadcast_in_dim3A_220 = vector.broadcast %broadcast_in_dim3A_219 : i32 to vector<16x1xi32>
        %gather3A_221 = vector.shape_cast %broadcast_in_dim3A_220 : vector<16x1xi32> to vector<16xi32>
        %gather3A_222 = tpu.dynamic_gather %get3A_139[%gather3A_221] in [0] : vector<16xf32>, vector<16xi32> -> vector<16xf32>
        %get3A_223 = arith.index_cast %scan3A_136 : i32 to index
        %get3A_224 = arith.constant 128 : index
        %get3A_225 = tpu.vector_load %arg11[%get3A_223, %get3A_224] {strides = array<i32>} : memref<80x272xf32, #tpu.memory_space<vmem>>, vector<1x16xf32>,
        %get3A_226 = vector.shape_cast %get3A_225 : vector<1x16xf32> to vector<16xf32>
        %mul3A_227 = arith.mulf %gather3A_222, %get3A_226 : vector<16xf32>
        %add3A_228 = arith.addf %add3A_188, %mul3A_227 : vector<16xf32>
        %broadcast_in_dim3A_229 = arith.constant 9 : i32
        %broadcast_in_dim3A_230 = vector.broadcast %broadcast_in_dim3A_229 : i32 to vector<16x1xi32>
        %gather3A_231 = vector.shape_cast %broadcast_in_dim3A_230 : vector<16x1xi32> to vector<16xi32>
        %gather3A_232 = tpu.dynamic_gather %get3A_139[%gather3A_231] in [0] : vector<16xf32>, vector<16xi32> -> vector<16xf32>
        %get3A_233 = arith.index_cast %scan3A_136 : i32 to index
        %get3A_234 = arith.constant 144 : index
        %get3A_235 = tpu.vector_load %arg11[%get3A_233, %get3A_234] {strides = array<i32>} : memref<80x272xf32, #tpu.memory_space<vmem>>, vector<1x16xf32>,
        %get3A_236 = vector.shape_cast %get3A_235 : vector<1x16xf32> to vector<16xf32>
        %mul3A_237 = arith.mulf %gather3A_232, %get3A_236 : vector<16xf32>
        %add3A_238 = arith.addf %add3A_198, %mul3A_237 : vector<16xf32>
        %broadcast_in_dim3A_239 = arith.constant 10 : i32
        %broadcast_in_dim3A_240 = vector.broadcast %broadcast_in_dim3A_239 : i32 to vector<16x1xi32>
        %gather3A_241 = vector.shape_cast %broadcast_in_dim3A_240 : vector<16x1xi32> to vector<16xi32>
        %gather3A_242 = tpu.dynamic_gather %get3A_139[%gather3A_241] in [0] : vector<16xf32>, vector<16xi32> -> vector<16xf32>
        %get3A_243 = arith.index_cast %scan3A_136 : i32 to index
        %get3A_244 = arith.constant 160 : index
        %get3A_245 = tpu.vector_load %arg11[%get3A_243, %get3A_244] {strides = array<i32>} : memref<80x272xf32, #tpu.memory_space<vmem>>, vector<1x16xf32>,
        %get3A_246 = vector.shape_cast %get3A_245 : vector<1x16xf32> to vector<16xf32>
        %mul3A_247 = arith.mulf %gather3A_242, %get3A_246 : vector<16xf32>
        %add3A_248 = arith.addf %add3A_208, %mul3A_247 : vector<16xf32>
        %broadcast_in_dim3A_249 = arith.constant 11 : i32
        %broadcast_in_dim3A_250 = vector.broadcast %broadcast_in_dim3A_249 : i32 to vector<16x1xi32>
        %gather3A_251 = vector.shape_cast %broadcast_in_dim3A_250 : vector<16x1xi32> to vector<16xi32>
        %gather3A_252 = tpu.dynamic_gather %get3A_139[%gather3A_251] in [0] : vector<16xf32>, vector<16xi32> -> vector<16xf32>
        %get3A_253 = arith.index_cast %scan3A_136 : i32 to index
        %get3A_254 = arith.constant 176 : index
        %get3A_255 = tpu.vector_load %arg11[%get3A_253, %get3A_254] {strides = array<i32>} : memref<80x272xf32, #tpu.memory_space<vmem>>, vector<1x16xf32>,
        %get3A_256 = vector.shape_cast %get3A_255 : vector<1x16xf32> to vector<16xf32>
        %mul3A_257 = arith.mulf %gather3A_252, %get3A_256 : vector<16xf32>
        %add3A_258 = arith.addf %add3A_218, %mul3A_257 : vector<16xf32>
        %broadcast_in_dim3A_259 = arith.constant 12 : i32
        %broadcast_in_dim3A_260 = vector.broadcast %broadcast_in_dim3A_259 : i32 to vector<16x1xi32>
        %gather3A_261 = vector.shape_cast %broadcast_in_dim3A_260 : vector<16x1xi32> to vector<16xi32>
        %gather3A_262 = tpu.dynamic_gather %get3A_139[%gather3A_261] in [0] : vector<16xf32>, vector<16xi32> -> vector<16xf32>
        %get3A_263 = arith.index_cast %scan3A_136 : i32 to index
        %get3A_264 = arith.constant 192 : index
        %get3A_265 = tpu.vector_load %arg11[%get3A_263, %get3A_264] {strides = array<i32>} : memref<80x272xf32, #tpu.memory_space<vmem>>, vector<1x16xf32>,
        %get3A_266 = vector.shape_cast %get3A_265 : vector<1x16xf32> to vector<16xf32>
        %mul3A_267 = arith.mulf %gather3A_262, %get3A_266 : vector<16xf32>
        %add3A_268 = arith.addf %add3A_228, %mul3A_267 : vector<16xf32>
        %broadcast_in_dim3A_269 = arith.constant 13 : i32
        %broadcast_in_dim3A_270 = vector.broadcast %broadcast_in_dim3A_269 : i32 to vector<16x1xi32>
        %gather3A_271 = vector.shape_cast %broadcast_in_dim3A_270 : vector<16x1xi32> to vector<16xi32>
        %gather3A_272 = tpu.dynamic_gather %get3A_139[%gather3A_271] in [0] : vector<16xf32>, vector<16xi32> -> vector<16xf32>
        %get3A_273 = arith.index_cast %scan3A_136 : i32 to index
        %get3A_274 = arith.constant 208 : index
        %get3A_275 = tpu.vector_load %arg11[%get3A_273, %get3A_274] {strides = array<i32>} : memref<80x272xf32, #tpu.memory_space<vmem>>, vector<1x16xf32>,
        %get3A_276 = vector.shape_cast %get3A_275 : vector<1x16xf32> to vector<16xf32>
        %mul3A_277 = arith.mulf %gather3A_272, %get3A_276 : vector<16xf32>
        %add3A_278 = arith.addf %add3A_238, %mul3A_277 : vector<16xf32>
        %broadcast_in_dim3A_279 = arith.constant 14 : i32
        %broadcast_in_dim3A_280 = vector.broadcast %broadcast_in_dim3A_279 : i32 to vector<16x1xi32>
        %gather3A_281 = vector.shape_cast %broadcast_in_dim3A_280 : vector<16x1xi32> to vector<16xi32>
        %gather3A_282 = tpu.dynamic_gather %get3A_139[%gather3A_281] in [0] : vector<16xf32>, vector<16xi32> -> vector<16xf32>
        %get3A_283 = arith.index_cast %scan3A_136 : i32 to index
        %get3A_284 = arith.constant 224 : index
        %get3A_285 = tpu.vector_load %arg11[%get3A_283, %get3A_284] {strides = array<i32>} : memref<80x272xf32, #tpu.memory_space<vmem>>, vector<1x16xf32>,
        %get3A_286 = vector.shape_cast %get3A_285 : vector<1x16xf32> to vector<16xf32>
        %mul3A_287 = arith.mulf %gather3A_282, %get3A_286 : vector<16xf32>
        %add3A_288 = arith.addf %add3A_248, %mul3A_287 : vector<16xf32>
        %broadcast_in_dim3A_289 = arith.constant 15 : i32
        %broadcast_in_dim3A_290 = vector.broadcast %broadcast_in_dim3A_289 : i32 to vector<16x1xi32>
        %gather3A_291 = vector.shape_cast %broadcast_in_dim3A_290 : vector<16x1xi32> to vector<16xi32>
        %gather3A_292 = tpu.dynamic_gather %get3A_139[%gather3A_291] in [0] : vector<16xf32>, vector<16xi32> -> vector<16xf32>
        %get3A_293 = arith.index_cast %scan3A_136 : i32 to index
        %get3A_294 = arith.constant 240 : index
        %get3A_295 = tpu.vector_load %arg11[%get3A_293, %get3A_294] {strides = array<i32>} : memref<80x272xf32, #tpu.memory_space<vmem>>, vector<1x16xf32>,
        %get3A_296 = vector.shape_cast %get3A_295 : vector<1x16xf32> to vector<16xf32>
        %mul3A_297 = arith.mulf %gather3A_292, %get3A_296 : vector<16xf32>
        %add3A_298 = arith.addf %add3A_258, %mul3A_297 : vector<16xf32>
        %add3A_299 = arith.addf %add3A_268, %add3A_278 : vector<16xf32>
        %add3A_300 = arith.addf %add3A_288, %add3A_298 : vector<16xf32>
        %add3A_301 = arith.addf %add3A_299, %add3A_300 : vector<16xf32>
        %swap3A = arith.index_cast %scan3A_136 : i32 to index
        %swap3A_302 = arith.constant 0 : index
        %swap3A_303 = tpu.vector_load %arg15[%swap3A, %swap3A_302] {strides = array<i32>} : memref<80x16xf32, #tpu.memory_space<vmem>>, vector<1x16xf32>,
        %swap3A_304 = vector.shape_cast %swap3A_303 : vector<1x16xf32> to vector<16xf32>
        %swap3A_305 = vector.shape_cast %add3A_301 : vector<16xf32> to vector<1x16xf32>
        tpu.vector_store %arg15[%swap3A, %swap3A_302], %swap3A_305 {strides = array<i32>} : memref<80x16xf32, #tpu.memory_space<vmem>>, vector<1x16xf32>,
      }
      %scan3A_99 = arith.constant 80 : i32
      "tpu.region"() ({
        %run_scoped3A_136 = tpu.sem_alloc : memref<!tpu.dma_semaphore, #tpu.memory_space<semaphore_mem>>
        %dma_start3A_137 = arith.constant 0 : i32
        %dma_start3A_138 = tpu.memref_slice %arg9[%mul3A_81, %dma_start3A_137] : memref<125x80xi32, #tpu.memory_space<vmem>> -> memref<1x80xi32, #tpu.memory_space<vmem>>
        %dma_start3A_139 = tpu.memref_squeeze %dma_start3A_138 : memref<1x80xi32, #tpu.memory_space<vmem>> -> memref<80xi32, #tpu.memory_space<vmem>>
        %dma_start3A_140 = arith.constant 0 : i32
        %dma_start3A_141 = arith.constant 0 : i32
        %dma_start3A_142 = tpu.memref_slice %arg18[%dma_start3A_140, %dma_start3A_141] : memref<30000x16xf32, #tpu.memory_space<vmem_shared>> -> memref<30000x16xf32, #tpu.memory_space<vmem_shared>>
        tpu.enqueue_indirect_dma source(%arg15 : memref<80x16xf32, #tpu.memory_space<vmem>>) target(%dma_start3A_142 : memref<30000x16xf32, #tpu.memory_space<vmem_shared>>) offsets(%dma_start3A_139 : memref<80xi32, #tpu.memory_space<vmem>>) semaphore(%run_scoped3A_136 : memref<!tpu.dma_semaphore, #tpu.memory_space<semaphore_mem>>) {add = true}
        %dma_wait3A_143 = arith.constant 0 : i32
        %dma_wait3A_144 = tpu.memref_slice %arg9[%mul3A_81, %dma_wait3A_143] : memref<125x80xi32, #tpu.memory_space<vmem>> -> memref<1x80xi32, #tpu.memory_space<vmem>>
        %dma_wait3A_145 = tpu.memref_squeeze %dma_wait3A_144 : memref<1x80xi32, #tpu.memory_space<vmem>> -> memref<80xi32, #tpu.memory_space<vmem>>
        %dma_wait3A_146 = arith.constant 0 : i32
        %dma_wait3A_147 = arith.constant 0 : i32
        %dma_wait3A_148 = tpu.memref_slice %arg18[%dma_wait3A_146, %dma_wait3A_147] : memref<30000x16xf32, #tpu.memory_space<vmem_shared>> -> memref<30000x16xf32, #tpu.memory_space<vmem_shared>>
        tpu.wait_indirect_dma semaphore(%run_scoped3A_136 : memref<!tpu.dma_semaphore, #tpu.memory_space<semaphore_mem>>) src(%arg15 : memref<80x16xf32, #tpu.memory_space<vmem>>) dst(%dma_wait3A_148 : memref<30000x16xf32, #tpu.memory_space<vmem_shared>>)
        tpu.yield
      }) : () -> ()
      %add3A_100 = arith.constant 2 : i32
      %add3A_101 = arith.addi %mul3A_81, %add3A_100 : i32
      %dma_start3A_102 = arith.constant 0 : i32
      %dma_start3A_103 = tpu.memref_slice %arg8[%add3A_101, %dma_start3A_102] : memref<125x80xi32, #tpu.memory_space<vmem>> -> memref<1x80xi32, #tpu.memory_space<vmem>>
      %dma_start3A_104 = tpu.memref_squeeze %dma_start3A_103 : memref<1x80xi32, #tpu.memory_space<vmem>> -> memref<80xi32, #tpu.memory_space<vmem>>
      %dma_start3A_105 = arith.constant 0 : i32
      %dma_start3A_106 = arith.constant 0 : i32
      %dma_start3A_107 = tpu.memref_slice %arg2[%dma_start3A_105, %dma_start3A_106] : memref<10000x272xf32, #tpu.memory_space<hbm>> -> memref<10000x272xf32, #tpu.memory_space<hbm>>
      tpu.enqueue_indirect_dma source(%dma_start3A_107 : memref<10000x272xf32, #tpu.memory_space<hbm>>) target(%arg11 : memref<80x272xf32, #tpu.memory_space<vmem>>) offsets(%dma_start3A_104 : memref<80xi32, #tpu.memory_space<vmem>>) semaphore(%arg19 : memref<!tpu.dma_semaphore, #tpu.memory_space<semaphore_mem>>)
      %dma_start3A_108 = arith.constant 0 : i32
      %dma_start3A_109 = tpu.memref_slice %arg10[%add3A_101, %dma_start3A_108] : memref<125x80xi32, #tpu.memory_space<vmem>> -> memref<1x80xi32, #tpu.memory_space<vmem>>
      %dma_start3A_110 = tpu.memref_squeeze %dma_start3A_109 : memref<1x80xi32, #tpu.memory_space<vmem>> -> memref<80xi32, #tpu.memory_space<vmem>>
      %dma_start3A_111 = arith.constant 0 : i32
      %dma_start3A_112 = arith.constant 0 : i32
      %dma_start3A_113 = tpu.memref_slice %arg3[%dma_start3A_111, %dma_start3A_112] : memref<320000x16xf32, #tpu.memory_space<hbm>> -> memref<320000x16xf32, #tpu.memory_space<hbm>>
      tpu.enqueue_indirect_dma source(%dma_start3A_113 : memref<320000x16xf32, #tpu.memory_space<hbm>>) target(%arg13 : memref<80x16xf32, #tpu.memory_space<vmem>>) offsets(%dma_start3A_110 : memref<80xi32, #tpu.memory_space<vmem>>) semaphore(%arg19 : memref<!tpu.dma_semaphore, #tpu.memory_space<semaphore_mem>>)
      %add3A_114 = arith.constant 1 : i32
      %add3A_115 = arith.addi %mul3A_81, %add3A_114 : i32
      %dma_wait3A_116 = arith.constant 0 : i32
      %dma_wait3A_117 = tpu.memref_slice %arg8[%add3A_115, %dma_wait3A_116] : memref<125x80xi32, #tpu.memory_space<vmem>> -> memref<1x80xi32, #tpu.memory_space<vmem>>
      %dma_wait3A_118 = tpu.memref_squeeze %dma_wait3A_117 : memref<1x80xi32, #tpu.memory_space<vmem>> -> memref<80xi32, #tpu.memory_space<vmem>>
      %dma_wait3A_119 = arith.constant 0 : i32
      %dma_wait3A_120 = arith.constant 0 : i32
      %dma_wait3A_121 = tpu.memref_slice %arg2[%dma_wait3A_119, %dma_wait3A_120] : memref<10000x272xf32, #tpu.memory_space<hbm>> -> memref<10000x272xf32, #tpu.memory_space<hbm>>
      tpu.wait_indirect_dma semaphore(%arg20 : memref<!tpu.dma_semaphore, #tpu.memory_space<semaphore_mem>>) src(%dma_wait3A_121 : memref<10000x272xf32, #tpu.memory_space<hbm>>) dst(%arg12 : memref<80x272xf32, #tpu.memory_space<vmem>>)
      %dma_wait3A_122 = arith.constant 0 : i32
      %dma_wait3A_123 = tpu.memref_slice %arg10[%add3A_115, %dma_wait3A_122] : memref<125x80xi32, #tpu.memory_space<vmem>> -> memref<1x80xi32, #tpu.memory_space<vmem>>
      %dma_wait3A_124 = tpu.memref_squeeze %dma_wait3A_123 : memref<1x80xi32, #tpu.memory_space<vmem>> -> memref<80xi32, #tpu.memory_space<vmem>>
      %dma_wait3A_125 = arith.constant 0 : i32
      %dma_wait3A_126 = arith.constant 0 : i32
      %dma_wait3A_127 = tpu.memref_slice %arg3[%dma_wait3A_125, %dma_wait3A_126] : memref<320000x16xf32, #tpu.memory_space<hbm>> -> memref<320000x16xf32, #tpu.memory_space<hbm>>
      tpu.wait_indirect_dma semaphore(%arg20 : memref<!tpu.dma_semaphore, #tpu.memory_space<semaphore_mem>>) src(%dma_wait3A_127 : memref<320000x16xf32, #tpu.memory_space<hbm>>) dst(%arg14 : memref<80x16xf32, #tpu.memory_space<vmem>>)
      %scan3A_128 = arith.constant 0 : i32
      %scan3A_129 = arith.constant 0 : i32
      %scan3A_130 = arith.constant 80 : i32
      %scan3A_131 = arith.addi %scan3A_129, %scan3A_130 : i32
      %scan3A_132 = arith.constant 1 : i32
      scf.for %scan3A_136 = %scan3A_129 to %scan3A_131 step %scan3A_132  : i32 {
        %get3A = arith.index_cast %scan3A_136 : i32 to index
        %get3A_137 = arith.constant 0 : index
        %get3A_138 = tpu.vector_load %arg14[%get3A, %get3A_137] {strides = array<i32>} : memref<80x16xf32, #tpu.memory_space<vmem>>, vector<1x16xf32>,
        %get3A_139 = vector.shape_cast %get3A_138 : vector<1x16xf32> to vector<16xf32>
        %get3A_140 = arith.index_cast %scan3A_136 : i32 to index
        %get3A_141 = arith.constant 256 : index
        %get3A_142 = tpu.vector_load %arg12[%get3A_140, %get3A_141] {strides = array<i32>} : memref<80x272xf32, #tpu.memory_space<vmem>>, vector<1x16xf32>,
        %get3A_143 = vector.shape_cast %get3A_142 : vector<1x16xf32> to vector<16xf32>
        %broadcast_in_dim3A = arith.constant 1 : i32
        %broadcast_in_dim3A_144 = vector.broadcast %broadcast_in_dim3A : i32 to vector<16x1xi32>
        %gather3A = vector.shape_cast %broadcast_in_dim3A_144 : vector<16x1xi32> to vector<16xi32>
        %gather3A_145 = tpu.dynamic_gather %get3A_139[%gather3A] in [0] : vector<16xf32>, vector<16xi32> -> vector<16xf32>
        %get3A_146 = arith.index_cast %scan3A_136 : i32 to index
        %get3A_147 = arith.constant 16 : index
        %get3A_148 = tpu.vector_load %arg12[%get3A_146, %get3A_147] {strides = array<i32>} : memref<80x272xf32, #tpu.memory_space<vmem>>, vector<1x16xf32>,
        %get3A_149 = vector.shape_cast %get3A_148 : vector<1x16xf32> to vector<16xf32>
        %mul3A_150 = arith.mulf %gather3A_145, %get3A_149 : vector<16xf32>
        %broadcast_in_dim3A_151 = arith.constant 2 : i32
        %broadcast_in_dim3A_152 = vector.broadcast %broadcast_in_dim3A_151 : i32 to vector<16x1xi32>
        %gather3A_153 = vector.shape_cast %broadcast_in_dim3A_152 : vector<16x1xi32> to vector<16xi32>
        %gather3A_154 = tpu.dynamic_gather %get3A_139[%gather3A_153] in [0] : vector<16xf32>, vector<16xi32> -> vector<16xf32>
        %get3A_155 = arith.index_cast %scan3A_136 : i32 to index
        %get3A_156 = arith.constant 32 : index
        %get3A_157 = tpu.vector_load %arg12[%get3A_155, %get3A_156] {strides = array<i32>} : memref<80x272xf32, #tpu.memory_space<vmem>>, vector<1x16xf32>,
        %get3A_158 = vector.shape_cast %get3A_157 : vector<1x16xf32> to vector<16xf32>
        %mul3A_159 = arith.mulf %gather3A_154, %get3A_158 : vector<16xf32>
        %broadcast_in_dim3A_160 = arith.constant 3 : i32
        %broadcast_in_dim3A_161 = vector.broadcast %broadcast_in_dim3A_160 : i32 to vector<16x1xi32>
        %gather3A_162 = vector.shape_cast %broadcast_in_dim3A_161 : vector<16x1xi32> to vector<16xi32>
        %gather3A_163 = tpu.dynamic_gather %get3A_139[%gather3A_162] in [0] : vector<16xf32>, vector<16xi32> -> vector<16xf32>
        %get3A_164 = arith.index_cast %scan3A_136 : i32 to index
        %get3A_165 = arith.constant 48 : index
        %get3A_166 = tpu.vector_load %arg12[%get3A_164, %get3A_165] {strides = array<i32>} : memref<80x272xf32, #tpu.memory_space<vmem>>, vector<1x16xf32>,
        %get3A_167 = vector.shape_cast %get3A_166 : vector<1x16xf32> to vector<16xf32>
        %mul3A_168 = arith.mulf %gather3A_163, %get3A_167 : vector<16xf32>
        %broadcast_in_dim3A_169 = arith.constant 0 : i32
        %broadcast_in_dim3A_170 = vector.broadcast %broadcast_in_dim3A_169 : i32 to vector<16x1xi32>
        %gather3A_171 = vector.shape_cast %broadcast_in_dim3A_170 : vector<16x1xi32> to vector<16xi32>
        %gather3A_172 = tpu.dynamic_gather %get3A_139[%gather3A_171] in [0] : vector<16xf32>, vector<16xi32> -> vector<16xf32>
        %get3A_173 = arith.index_cast %scan3A_136 : i32 to index
        %get3A_174 = arith.constant 0 : index
        %get3A_175 = tpu.vector_load %arg12[%get3A_173, %get3A_174] {strides = array<i32>} : memref<80x272xf32, #tpu.memory_space<vmem>>, vector<1x16xf32>,
        %get3A_176 = vector.shape_cast %get3A_175 : vector<1x16xf32> to vector<16xf32>
        %mul3A_177 = arith.mulf %gather3A_172, %get3A_176 : vector<16xf32>
        %add3A_178 = arith.addf %get3A_143, %mul3A_177 : vector<16xf32>
        %broadcast_in_dim3A_179 = arith.constant 4 : i32
        %broadcast_in_dim3A_180 = vector.broadcast %broadcast_in_dim3A_179 : i32 to vector<16x1xi32>
        %gather3A_181 = vector.shape_cast %broadcast_in_dim3A_180 : vector<16x1xi32> to vector<16xi32>
        %gather3A_182 = tpu.dynamic_gather %get3A_139[%gather3A_181] in [0] : vector<16xf32>, vector<16xi32> -> vector<16xf32>
        %get3A_183 = arith.index_cast %scan3A_136 : i32 to index
        %get3A_184 = arith.constant 64 : index
        %get3A_185 = tpu.vector_load %arg12[%get3A_183, %get3A_184] {strides = array<i32>} : memref<80x272xf32, #tpu.memory_space<vmem>>, vector<1x16xf32>,
        %get3A_186 = vector.shape_cast %get3A_185 : vector<1x16xf32> to vector<16xf32>
        %mul3A_187 = arith.mulf %gather3A_182, %get3A_186 : vector<16xf32>
        %add3A_188 = arith.addf %add3A_178, %mul3A_187 : vector<16xf32>
        %broadcast_in_dim3A_189 = arith.constant 5 : i32
        %broadcast_in_dim3A_190 = vector.broadcast %broadcast_in_dim3A_189 : i32 to vector<16x1xi32>
        %gather3A_191 = vector.shape_cast %broadcast_in_dim3A_190 : vector<16x1xi32> to vector<16xi32>
        %gather3A_192 = tpu.dynamic_gather %get3A_139[%gather3A_191] in [0] : vector<16xf32>, vector<16xi32> -> vector<16xf32>
        %get3A_193 = arith.index_cast %scan3A_136 : i32 to index
        %get3A_194 = arith.constant 80 : index
        %get3A_195 = tpu.vector_load %arg12[%get3A_193, %get3A_194] {strides = array<i32>} : memref<80x272xf32, #tpu.memory_space<vmem>>, vector<1x16xf32>,
        %get3A_196 = vector.shape_cast %get3A_195 : vector<1x16xf32> to vector<16xf32>
        %mul3A_197 = arith.mulf %gather3A_192, %get3A_196 : vector<16xf32>
        %add3A_198 = arith.addf %mul3A_150, %mul3A_197 : vector<16xf32>
        %broadcast_in_dim3A_199 = arith.constant 6 : i32
        %broadcast_in_dim3A_200 = vector.broadcast %broadcast_in_dim3A_199 : i32 to vector<16x1xi32>
        %gather3A_201 = vector.shape_cast %broadcast_in_dim3A_200 : vector<16x1xi32> to vector<16xi32>
        %gather3A_202 = tpu.dynamic_gather %get3A_139[%gather3A_201] in [0] : vector<16xf32>, vector<16xi32> -> vector<16xf32>
        %get3A_203 = arith.index_cast %scan3A_136 : i32 to index
        %get3A_204 = arith.constant 96 : index
        %get3A_205 = tpu.vector_load %arg12[%get3A_203, %get3A_204] {strides = array<i32>} : memref<80x272xf32, #tpu.memory_space<vmem>>, vector<1x16xf32>,
        %get3A_206 = vector.shape_cast %get3A_205 : vector<1x16xf32> to vector<16xf32>
        %mul3A_207 = arith.mulf %gather3A_202, %get3A_206 : vector<16xf32>
        %add3A_208 = arith.addf %mul3A_159, %mul3A_207 : vector<16xf32>
        %broadcast_in_dim3A_209 = arith.constant 7 : i32
        %broadcast_in_dim3A_210 = vector.broadcast %broadcast_in_dim3A_209 : i32 to vector<16x1xi32>
        %gather3A_211 = vector.shape_cast %broadcast_in_dim3A_210 : vector<16x1xi32> to vector<16xi32>
        %gather3A_212 = tpu.dynamic_gather %get3A_139[%gather3A_211] in [0] : vector<16xf32>, vector<16xi32> -> vector<16xf32>
        %get3A_213 = arith.index_cast %scan3A_136 : i32 to index
        %get3A_214 = arith.constant 112 : index
        %get3A_215 = tpu.vector_load %arg12[%get3A_213, %get3A_214] {strides = array<i32>} : memref<80x272xf32, #tpu.memory_space<vmem>>, vector<1x16xf32>,
        %get3A_216 = vector.shape_cast %get3A_215 : vector<1x16xf32> to vector<16xf32>
        %mul3A_217 = arith.mulf %gather3A_212, %get3A_216 : vector<16xf32>
        %add3A_218 = arith.addf %mul3A_168, %mul3A_217 : vector<16xf32>
        %broadcast_in_dim3A_219 = arith.constant 8 : i32
        %broadcast_in_dim3A_220 = vector.broadcast %broadcast_in_dim3A_219 : i32 to vector<16x1xi32>
        %gather3A_221 = vector.shape_cast %broadcast_in_dim3A_220 : vector<16x1xi32> to vector<16xi32>
        %gather3A_222 = tpu.dynamic_gather %get3A_139[%gather3A_221] in [0] : vector<16xf32>, vector<16xi32> -> vector<16xf32>
        %get3A_223 = arith.index_cast %scan3A_136 : i32 to index
        %get3A_224 = arith.constant 128 : index
        %get3A_225 = tpu.vector_load %arg12[%get3A_223, %get3A_224] {strides = array<i32>} : memref<80x272xf32, #tpu.memory_space<vmem>>, vector<1x16xf32>,
        %get3A_226 = vector.shape_cast %get3A_225 : vector<1x16xf32> to vector<16xf32>
        %mul3A_227 = arith.mulf %gather3A_222, %get3A_226 : vector<16xf32>
        %add3A_228 = arith.addf %add3A_188, %mul3A_227 : vector<16xf32>
        %broadcast_in_dim3A_229 = arith.constant 9 : i32
        %broadcast_in_dim3A_230 = vector.broadcast %broadcast_in_dim3A_229 : i32 to vector<16x1xi32>
        %gather3A_231 = vector.shape_cast %broadcast_in_dim3A_230 : vector<16x1xi32> to vector<16xi32>
        %gather3A_232 = tpu.dynamic_gather %get3A_139[%gather3A_231] in [0] : vector<16xf32>, vector<16xi32> -> vector<16xf32>
        %get3A_233 = arith.index_cast %scan3A_136 : i32 to index
        %get3A_234 = arith.constant 144 : index
        %get3A_235 = tpu.vector_load %arg12[%get3A_233, %get3A_234] {strides = array<i32>} : memref<80x272xf32, #tpu.memory_space<vmem>>, vector<1x16xf32>,
        %get3A_236 = vector.shape_cast %get3A_235 : vector<1x16xf32> to vector<16xf32>
        %mul3A_237 = arith.mulf %gather3A_232, %get3A_236 : vector<16xf32>
        %add3A_238 = arith.addf %add3A_198, %mul3A_237 : vector<16xf32>
        %broadcast_in_dim3A_239 = arith.constant 10 : i32
        %broadcast_in_dim3A_240 = vector.broadcast %broadcast_in_dim3A_239 : i32 to vector<16x1xi32>
        %gather3A_241 = vector.shape_cast %broadcast_in_dim3A_240 : vector<16x1xi32> to vector<16xi32>
        %gather3A_242 = tpu.dynamic_gather %get3A_139[%gather3A_241] in [0] : vector<16xf32>, vector<16xi32> -> vector<16xf32>
        %get3A_243 = arith.index_cast %scan3A_136 : i32 to index
        %get3A_244 = arith.constant 160 : index
        %get3A_245 = tpu.vector_load %arg12[%get3A_243, %get3A_244] {strides = array<i32>} : memref<80x272xf32, #tpu.memory_space<vmem>>, vector<1x16xf32>,
        %get3A_246 = vector.shape_cast %get3A_245 : vector<1x16xf32> to vector<16xf32>
        %mul3A_247 = arith.mulf %gather3A_242, %get3A_246 : vector<16xf32>
        %add3A_248 = arith.addf %add3A_208, %mul3A_247 : vector<16xf32>
        %broadcast_in_dim3A_249 = arith.constant 11 : i32
        %broadcast_in_dim3A_250 = vector.broadcast %broadcast_in_dim3A_249 : i32 to vector<16x1xi32>
        %gather3A_251 = vector.shape_cast %broadcast_in_dim3A_250 : vector<16x1xi32> to vector<16xi32>
        %gather3A_252 = tpu.dynamic_gather %get3A_139[%gather3A_251] in [0] : vector<16xf32>, vector<16xi32> -> vector<16xf32>
        %get3A_253 = arith.index_cast %scan3A_136 : i32 to index
        %get3A_254 = arith.constant 176 : index
        %get3A_255 = tpu.vector_load %arg12[%get3A_253, %get3A_254] {strides = array<i32>} : memref<80x272xf32, #tpu.memory_space<vmem>>, vector<1x16xf32>,
        %get3A_256 = vector.shape_cast %get3A_255 : vector<1x16xf32> to vector<16xf32>
        %mul3A_257 = arith.mulf %gather3A_252, %get3A_256 : vector<16xf32>
        %add3A_258 = arith.addf %add3A_218, %mul3A_257 : vector<16xf32>
        %broadcast_in_dim3A_259 = arith.constant 12 : i32
        %broadcast_in_dim3A_260 = vector.broadcast %broadcast_in_dim3A_259 : i32 to vector<16x1xi32>
        %gather3A_261 = vector.shape_cast %broadcast_in_dim3A_260 : vector<16x1xi32> to vector<16xi32>
        %gather3A_262 = tpu.dynamic_gather %get3A_139[%gather3A_261] in [0] : vector<16xf32>, vector<16xi32> -> vector<16xf32>
        %get3A_263 = arith.index_cast %scan3A_136 : i32 to index
        %get3A_264 = arith.constant 192 : index
        %get3A_265 = tpu.vector_load %arg12[%get3A_263, %get3A_264] {strides = array<i32>} : memref<80x272xf32, #tpu.memory_space<vmem>>, vector<1x16xf32>,
        %get3A_266 = vector.shape_cast %get3A_265 : vector<1x16xf32> to vector<16xf32>
        %mul3A_267 = arith.mulf %gather3A_262, %get3A_266 : vector<16xf32>
        %add3A_268 = arith.addf %add3A_228, %mul3A_267 : vector<16xf32>
        %broadcast_in_dim3A_269 = arith.constant 13 : i32
        %broadcast_in_dim3A_270 = vector.broadcast %broadcast_in_dim3A_269 : i32 to vector<16x1xi32>
        %gather3A_271 = vector.shape_cast %broadcast_in_dim3A_270 : vector<16x1xi32> to vector<16xi32>
        %gather3A_272 = tpu.dynamic_gather %get3A_139[%gather3A_271] in [0] : vector<16xf32>, vector<16xi32> -> vector<16xf32>
        %get3A_273 = arith.index_cast %scan3A_136 : i32 to index
        %get3A_274 = arith.constant 208 : index
        %get3A_275 = tpu.vector_load %arg12[%get3A_273, %get3A_274] {strides = array<i32>} : memref<80x272xf32, #tpu.memory_space<vmem>>, vector<1x16xf32>,
        %get3A_276 = vector.shape_cast %get3A_275 : vector<1x16xf32> to vector<16xf32>
        %mul3A_277 = arith.mulf %gather3A_272, %get3A_276 : vector<16xf32>
        %add3A_278 = arith.addf %add3A_238, %mul3A_277 : vector<16xf32>
        %broadcast_in_dim3A_279 = arith.constant 14 : i32
        %broadcast_in_dim3A_280 = vector.broadcast %broadcast_in_dim3A_279 : i32 to vector<16x1xi32>
        %gather3A_281 = vector.shape_cast %broadcast_in_dim3A_280 : vector<16x1xi32> to vector<16xi32>
        %gather3A_282 = tpu.dynamic_gather %get3A_139[%gather3A_281] in [0] : vector<16xf32>, vector<16xi32> -> vector<16xf32>
        %get3A_283 = arith.index_cast %scan3A_136 : i32 to index
        %get3A_284 = arith.constant 224 : index
        %get3A_285 = tpu.vector_load %arg12[%get3A_283, %get3A_284] {strides = array<i32>} : memref<80x272xf32, #tpu.memory_space<vmem>>, vector<1x16xf32>,
        %get3A_286 = vector.shape_cast %get3A_285 : vector<1x16xf32> to vector<16xf32>
        %mul3A_287 = arith.mulf %gather3A_282, %get3A_286 : vector<16xf32>
        %add3A_288 = arith.addf %add3A_248, %mul3A_287 : vector<16xf32>
        %broadcast_in_dim3A_289 = arith.constant 15 : i32
        %broadcast_in_dim3A_290 = vector.broadcast %broadcast_in_dim3A_289 : i32 to vector<16x1xi32>
        %gather3A_291 = vector.shape_cast %broadcast_in_dim3A_290 : vector<16x1xi32> to vector<16xi32>
        %gather3A_292 = tpu.dynamic_gather %get3A_139[%gather3A_291] in [0] : vector<16xf32>, vector<16xi32> -> vector<16xf32>
        %get3A_293 = arith.index_cast %scan3A_136 : i32 to index
        %get3A_294 = arith.constant 240 : index
        %get3A_295 = tpu.vector_load %arg12[%get3A_293, %get3A_294] {strides = array<i32>} : memref<80x272xf32, #tpu.memory_space<vmem>>, vector<1x16xf32>,
        %get3A_296 = vector.shape_cast %get3A_295 : vector<1x16xf32> to vector<16xf32>
        %mul3A_297 = arith.mulf %gather3A_292, %get3A_296 : vector<16xf32>
        %add3A_298 = arith.addf %add3A_258, %mul3A_297 : vector<16xf32>
        %add3A_299 = arith.addf %add3A_268, %add3A_278 : vector<16xf32>
        %add3A_300 = arith.addf %add3A_288, %add3A_298 : vector<16xf32>
        %add3A_301 = arith.addf %add3A_299, %add3A_300 : vector<16xf32>
        %swap3A = arith.index_cast %scan3A_136 : i32 to index
        %swap3A_302 = arith.constant 0 : index
        %swap3A_303 = tpu.vector_load %arg15[%swap3A, %swap3A_302] {strides = array<i32>} : memref<80x16xf32, #tpu.memory_space<vmem>>, vector<1x16xf32>,
        %swap3A_304 = vector.shape_cast %swap3A_303 : vector<1x16xf32> to vector<16xf32>
        %swap3A_305 = vector.shape_cast %add3A_301 : vector<16xf32> to vector<1x16xf32>
        tpu.vector_store %arg15[%swap3A, %swap3A_302], %swap3A_305 {strides = array<i32>} : memref<80x16xf32, #tpu.memory_space<vmem>>, vector<1x16xf32>,
      }
      %scan3A_133 = arith.constant 80 : i32
      "tpu.region"() ({
        %run_scoped3A_136 = tpu.sem_alloc : memref<!tpu.dma_semaphore, #tpu.memory_space<semaphore_mem>>
        %dma_start3A_137 = arith.constant 0 : i32
        %dma_start3A_138 = tpu.memref_slice %arg9[%add3A_115, %dma_start3A_137] : memref<125x80xi32, #tpu.memory_space<vmem>> -> memref<1x80xi32, #tpu.memory_space<vmem>>
        %dma_start3A_139 = tpu.memref_squeeze %dma_start3A_138 : memref<1x80xi32, #tpu.memory_space<vmem>> -> memref<80xi32, #tpu.memory_space<vmem>>
        %dma_start3A_140 = arith.constant 0 : i32
        %dma_start3A_141 = arith.constant 0 : i32
        %dma_start3A_142 = tpu.memref_slice %arg18[%dma_start3A_140, %dma_start3A_141] : memref<30000x16xf32, #tpu.memory_space<vmem_shared>> -> memref<30000x16xf32, #tpu.memory_space<vmem_shared>>
        tpu.enqueue_indirect_dma source(%arg15 : memref<80x16xf32, #tpu.memory_space<vmem>>) target(%dma_start3A_142 : memref<30000x16xf32, #tpu.memory_space<vmem_shared>>) offsets(%dma_start3A_139 : memref<80xi32, #tpu.memory_space<vmem>>) semaphore(%run_scoped3A_136 : memref<!tpu.dma_semaphore, #tpu.memory_space<semaphore_mem>>) {add = true}
        %dma_wait3A_143 = arith.constant 0 : i32
        %dma_wait3A_144 = tpu.memref_slice %arg9[%add3A_115, %dma_wait3A_143] : memref<125x80xi32, #tpu.memory_space<vmem>> -> memref<1x80xi32, #tpu.memory_space<vmem>>
        %dma_wait3A_145 = tpu.memref_squeeze %dma_wait3A_144 : memref<1x80xi32, #tpu.memory_space<vmem>> -> memref<80xi32, #tpu.memory_space<vmem>>
        %dma_wait3A_146 = arith.constant 0 : i32
        %dma_wait3A_147 = arith.constant 0 : i32
        %dma_wait3A_148 = tpu.memref_slice %arg18[%dma_wait3A_146, %dma_wait3A_147] : memref<30000x16xf32, #tpu.memory_space<vmem_shared>> -> memref<30000x16xf32, #tpu.memory_space<vmem_shared>>
        tpu.wait_indirect_dma semaphore(%run_scoped3A_136 : memref<!tpu.dma_semaphore, #tpu.memory_space<semaphore_mem>>) src(%arg15 : memref<80x16xf32, #tpu.memory_space<vmem>>) dst(%dma_wait3A_148 : memref<30000x16xf32, #tpu.memory_space<vmem_shared>>)
        tpu.yield
      }) : () -> ()
      %lt3A = arith.constant 61 : i32
      %lt3A_134 = arith.cmpi slt, %scan3A_79, %lt3A : i32
      %convert_element_type3A = arith.extui %lt3A_134 : i1 to i32
      %cond3A = arith.constant 0 : i32
      %cond3A_135 = arith.cmpi ne, %convert_element_type3A, %cond3A : i32
      scf.if %cond3A_135 {
        %add3A_136 = arith.constant 2 : i32
        %add3A_137 = arith.addi %add3A_115, %add3A_136 : i32
        %dma_start3A_138 = arith.constant 0 : i32
        %dma_start3A_139 = tpu.memref_slice %arg8[%add3A_137, %dma_start3A_138] : memref<125x80xi32, #tpu.memory_space<vmem>> -> memref<1x80xi32, #tpu.memory_space<vmem>>
        %dma_start3A_140 = tpu.memref_squeeze %dma_start3A_139 : memref<1x80xi32, #tpu.memory_space<vmem>> -> memref<80xi32, #tpu.memory_space<vmem>>
        %dma_start3A_141 = arith.constant 0 : i32
        %dma_start3A_142 = arith.constant 0 : i32
        %dma_start3A_143 = tpu.memref_slice %arg2[%dma_start3A_141, %dma_start3A_142] : memref<10000x272xf32, #tpu.memory_space<hbm>> -> memref<10000x272xf32, #tpu.memory_space<hbm>>
        tpu.enqueue_indirect_dma source(%dma_start3A_143 : memref<10000x272xf32, #tpu.memory_space<hbm>>) target(%arg12 : memref<80x272xf32, #tpu.memory_space<vmem>>) offsets(%dma_start3A_140 : memref<80xi32, #tpu.memory_space<vmem>>) semaphore(%arg20 : memref<!tpu.dma_semaphore, #tpu.memory_space<semaphore_mem>>)
        %dma_start3A_144 = arith.constant 0 : i32
        %dma_start3A_145 = tpu.memref_slice %arg10[%add3A_137, %dma_start3A_144] : memref<125x80xi32, #tpu.memory_space<vmem>> -> memref<1x80xi32, #tpu.memory_space<vmem>>
        %dma_start3A_146 = tpu.memref_squeeze %dma_start3A_145 : memref<1x80xi32, #tpu.memory_space<vmem>> -> memref<80xi32, #tpu.memory_space<vmem>>
        %dma_start3A_147 = arith.constant 0 : i32
        %dma_start3A_148 = arith.constant 0 : i32
        %dma_start3A_149 = tpu.memref_slice %arg3[%dma_start3A_147, %dma_start3A_148] : memref<320000x16xf32, #tpu.memory_space<hbm>> -> memref<320000x16xf32, #tpu.memory_space<hbm>>
        tpu.enqueue_indirect_dma source(%dma_start3A_149 : memref<320000x16xf32, #tpu.memory_space<hbm>>) target(%arg14 : memref<80x16xf32, #tpu.memory_space<vmem>>) offsets(%dma_start3A_146 : memref<80xi32, #tpu.memory_space<vmem>>) semaphore(%arg20 : memref<!tpu.dma_semaphore, #tpu.memory_space<semaphore_mem>>)
      } else {
      }
    }
    %scan3A_50 = arith.constant 62 : i32
    %dma_wait3A = arith.constant 124 : i32
    %dma_wait3A_51 = arith.constant 0 : i32
    %dma_wait3A_52 = tpu.memref_slice %arg8[%dma_wait3A, %dma_wait3A_51] : memref<125x80xi32, #tpu.memory_space<vmem>> -> memref<1x80xi32, #tpu.memory_space<vmem>>
    %dma_wait3A_53 = tpu.memref_squeeze %dma_wait3A_52 : memref<1x80xi32, #tpu.memory_space<vmem>> -> memref<80xi32, #tpu.memory_space<vmem>>
    %dma_wait3A_54 = arith.constant 0 : i32
    %dma_wait3A_55 = arith.constant 0 : i32
    %dma_wait3A_56 = tpu.memref_slice %arg2[%dma_wait3A_54, %dma_wait3A_55] : memref<10000x272xf32, #tpu.memory_space<hbm>> -> memref<10000x272xf32, #tpu.memory_space<hbm>>
    tpu.wait_indirect_dma semaphore(%arg19 : memref<!tpu.dma_semaphore, #tpu.memory_space<semaphore_mem>>) src(%dma_wait3A_56 : memref<10000x272xf32, #tpu.memory_space<hbm>>) dst(%arg11 : memref<80x272xf32, #tpu.memory_space<vmem>>)
    %dma_wait3A_57 = arith.constant 124 : i32
    %dma_wait3A_58 = arith.constant 0 : i32
    %dma_wait3A_59 = tpu.memref_slice %arg10[%dma_wait3A_57, %dma_wait3A_58] : memref<125x80xi32, #tpu.memory_space<vmem>> -> memref<1x80xi32, #tpu.memory_space<vmem>>
    %dma_wait3A_60 = tpu.memref_squeeze %dma_wait3A_59 : memref<1x80xi32, #tpu.memory_space<vmem>> -> memref<80xi32, #tpu.memory_space<vmem>>
    %dma_wait3A_61 = arith.constant 0 : i32
    %dma_wait3A_62 = arith.constant 0 : i32
    %dma_wait3A_63 = tpu.memref_slice %arg3[%dma_wait3A_61, %dma_wait3A_62] : memref<320000x16xf32, #tpu.memory_space<hbm>> -> memref<320000x16xf32, #tpu.memory_space<hbm>>
    tpu.wait_indirect_dma semaphore(%arg19 : memref<!tpu.dma_semaphore, #tpu.memory_space<semaphore_mem>>) src(%dma_wait3A_63 : memref<320000x16xf32, #tpu.memory_space<hbm>>) dst(%arg13 : memref<80x16xf32, #tpu.memory_space<vmem>>)
    %scan3A_64 = arith.constant 0 : i32
    %scan3A_65 = arith.constant 0 : i32
    %scan3A_66 = arith.constant 80 : i32
    %scan3A_67 = arith.addi %scan3A_65, %scan3A_66 : i32
    %scan3A_68 = arith.constant 1 : i32
    scf.for %scan3A_79 = %scan3A_65 to %scan3A_67 step %scan3A_68  : i32 {
      %get3A = arith.index_cast %scan3A_79 : i32 to index
      %get3A_80 = arith.constant 0 : index
      %get3A_81 = tpu.vector_load %arg13[%get3A, %get3A_80] {strides = array<i32>} : memref<80x16xf32, #tpu.memory_space<vmem>>, vector<1x16xf32>,
      %get3A_82 = vector.shape_cast %get3A_81 : vector<1x16xf32> to vector<16xf32>
      %get3A_83 = arith.index_cast %scan3A_79 : i32 to index
      %get3A_84 = arith.constant 256 : index
      %get3A_85 = tpu.vector_load %arg11[%get3A_83, %get3A_84] {strides = array<i32>} : memref<80x272xf32, #tpu.memory_space<vmem>>, vector<1x16xf32>,
      %get3A_86 = vector.shape_cast %get3A_85 : vector<1x16xf32> to vector<16xf32>
      %broadcast_in_dim3A = arith.constant 1 : i32
      %broadcast_in_dim3A_87 = vector.broadcast %broadcast_in_dim3A : i32 to vector<16x1xi32>
      %gather3A = vector.shape_cast %broadcast_in_dim3A_87 : vector<16x1xi32> to vector<16xi32>
      %gather3A_88 = tpu.dynamic_gather %get3A_82[%gather3A] in [0] : vector<16xf32>, vector<16xi32> -> vector<16xf32>
      %get3A_89 = arith.index_cast %scan3A_79 : i32 to index
      %get3A_90 = arith.constant 16 : index
      %get3A_91 = tpu.vector_load %arg11[%get3A_89, %get3A_90] {strides = array<i32>} : memref<80x272xf32, #tpu.memory_space<vmem>>, vector<1x16xf32>,
      %get3A_92 = vector.shape_cast %get3A_91 : vector<1x16xf32> to vector<16xf32>
      %mul3A_93 = arith.mulf %gather3A_88, %get3A_92 : vector<16xf32>
      %broadcast_in_dim3A_94 = arith.constant 2 : i32
      %broadcast_in_dim3A_95 = vector.broadcast %broadcast_in_dim3A_94 : i32 to vector<16x1xi32>
      %gather3A_96 = vector.shape_cast %broadcast_in_dim3A_95 : vector<16x1xi32> to vector<16xi32>
      %gather3A_97 = tpu.dynamic_gather %get3A_82[%gather3A_96] in [0] : vector<16xf32>, vector<16xi32> -> vector<16xf32>
      %get3A_98 = arith.index_cast %scan3A_79 : i32 to index
      %get3A_99 = arith.constant 32 : index
      %get3A_100 = tpu.vector_load %arg11[%get3A_98, %get3A_99] {strides = array<i32>} : memref<80x272xf32, #tpu.memory_space<vmem>>, vector<1x16xf32>,
      %get3A_101 = vector.shape_cast %get3A_100 : vector<1x16xf32> to vector<16xf32>
      %mul3A_102 = arith.mulf %gather3A_97, %get3A_101 : vector<16xf32>
      %broadcast_in_dim3A_103 = arith.constant 3 : i32
      %broadcast_in_dim3A_104 = vector.broadcast %broadcast_in_dim3A_103 : i32 to vector<16x1xi32>
      %gather3A_105 = vector.shape_cast %broadcast_in_dim3A_104 : vector<16x1xi32> to vector<16xi32>
      %gather3A_106 = tpu.dynamic_gather %get3A_82[%gather3A_105] in [0] : vector<16xf32>, vector<16xi32> -> vector<16xf32>
      %get3A_107 = arith.index_cast %scan3A_79 : i32 to index
      %get3A_108 = arith.constant 48 : index
      %get3A_109 = tpu.vector_load %arg11[%get3A_107, %get3A_108] {strides = array<i32>} : memref<80x272xf32, #tpu.memory_space<vmem>>, vector<1x16xf32>,
      %get3A_110 = vector.shape_cast %get3A_109 : vector<1x16xf32> to vector<16xf32>
      %mul3A_111 = arith.mulf %gather3A_106, %get3A_110 : vector<16xf32>
      %broadcast_in_dim3A_112 = arith.constant 0 : i32
      %broadcast_in_dim3A_113 = vector.broadcast %broadcast_in_dim3A_112 : i32 to vector<16x1xi32>
      %gather3A_114 = vector.shape_cast %broadcast_in_dim3A_113 : vector<16x1xi32> to vector<16xi32>
      %gather3A_115 = tpu.dynamic_gather %get3A_82[%gather3A_114] in [0] : vector<16xf32>, vector<16xi32> -> vector<16xf32>
      %get3A_116 = arith.index_cast %scan3A_79 : i32 to index
      %get3A_117 = arith.constant 0 : index
      %get3A_118 = tpu.vector_load %arg11[%get3A_116, %get3A_117] {strides = array<i32>} : memref<80x272xf32, #tpu.memory_space<vmem>>, vector<1x16xf32>,
      %get3A_119 = vector.shape_cast %get3A_118 : vector<1x16xf32> to vector<16xf32>
      %mul3A_120 = arith.mulf %gather3A_115, %get3A_119 : vector<16xf32>
      %add3A_121 = arith.addf %get3A_86, %mul3A_120 : vector<16xf32>
      %broadcast_in_dim3A_122 = arith.constant 4 : i32
      %broadcast_in_dim3A_123 = vector.broadcast %broadcast_in_dim3A_122 : i32 to vector<16x1xi32>
      %gather3A_124 = vector.shape_cast %broadcast_in_dim3A_123 : vector<16x1xi32> to vector<16xi32>
      %gather3A_125 = tpu.dynamic_gather %get3A_82[%gather3A_124] in [0] : vector<16xf32>, vector<16xi32> -> vector<16xf32>
      %get3A_126 = arith.index_cast %scan3A_79 : i32 to index
      %get3A_127 = arith.constant 64 : index
      %get3A_128 = tpu.vector_load %arg11[%get3A_126, %get3A_127] {strides = array<i32>} : memref<80x272xf32, #tpu.memory_space<vmem>>, vector<1x16xf32>,
      %get3A_129 = vector.shape_cast %get3A_128 : vector<1x16xf32> to vector<16xf32>
      %mul3A_130 = arith.mulf %gather3A_125, %get3A_129 : vector<16xf32>
      %add3A_131 = arith.addf %add3A_121, %mul3A_130 : vector<16xf32>
      %broadcast_in_dim3A_132 = arith.constant 5 : i32
      %broadcast_in_dim3A_133 = vector.broadcast %broadcast_in_dim3A_132 : i32 to vector<16x1xi32>
      %gather3A_134 = vector.shape_cast %broadcast_in_dim3A_133 : vector<16x1xi32> to vector<16xi32>
      %gather3A_135 = tpu.dynamic_gather %get3A_82[%gather3A_134] in [0] : vector<16xf32>, vector<16xi32> -> vector<16xf32>
      %get3A_136 = arith.index_cast %scan3A_79 : i32 to index
      %get3A_137 = arith.constant 80 : index
      %get3A_138 = tpu.vector_load %arg11[%get3A_136, %get3A_137] {strides = array<i32>} : memref<80x272xf32, #tpu.memory_space<vmem>>, vector<1x16xf32>,
      %get3A_139 = vector.shape_cast %get3A_138 : vector<1x16xf32> to vector<16xf32>
      %mul3A_140 = arith.mulf %gather3A_135, %get3A_139 : vector<16xf32>
      %add3A_141 = arith.addf %mul3A_93, %mul3A_140 : vector<16xf32>
      %broadcast_in_dim3A_142 = arith.constant 6 : i32
      %broadcast_in_dim3A_143 = vector.broadcast %broadcast_in_dim3A_142 : i32 to vector<16x1xi32>
      %gather3A_144 = vector.shape_cast %broadcast_in_dim3A_143 : vector<16x1xi32> to vector<16xi32>
      %gather3A_145 = tpu.dynamic_gather %get3A_82[%gather3A_144] in [0] : vector<16xf32>, vector<16xi32> -> vector<16xf32>
      %get3A_146 = arith.index_cast %scan3A_79 : i32 to index
      %get3A_147 = arith.constant 96 : index
      %get3A_148 = tpu.vector_load %arg11[%get3A_146, %get3A_147] {strides = array<i32>} : memref<80x272xf32, #tpu.memory_space<vmem>>, vector<1x16xf32>,
      %get3A_149 = vector.shape_cast %get3A_148 : vector<1x16xf32> to vector<16xf32>
      %mul3A_150 = arith.mulf %gather3A_145, %get3A_149 : vector<16xf32>
      %add3A_151 = arith.addf %mul3A_102, %mul3A_150 : vector<16xf32>
      %broadcast_in_dim3A_152 = arith.constant 7 : i32
      %broadcast_in_dim3A_153 = vector.broadcast %broadcast_in_dim3A_152 : i32 to vector<16x1xi32>
      %gather3A_154 = vector.shape_cast %broadcast_in_dim3A_153 : vector<16x1xi32> to vector<16xi32>
      %gather3A_155 = tpu.dynamic_gather %get3A_82[%gather3A_154] in [0] : vector<16xf32>, vector<16xi32> -> vector<16xf32>
      %get3A_156 = arith.index_cast %scan3A_79 : i32 to index
      %get3A_157 = arith.constant 112 : index
      %get3A_158 = tpu.vector_load %arg11[%get3A_156, %get3A_157] {strides = array<i32>} : memref<80x272xf32, #tpu.memory_space<vmem>>, vector<1x16xf32>,
      %get3A_159 = vector.shape_cast %get3A_158 : vector<1x16xf32> to vector<16xf32>
      %mul3A_160 = arith.mulf %gather3A_155, %get3A_159 : vector<16xf32>
      %add3A_161 = arith.addf %mul3A_111, %mul3A_160 : vector<16xf32>
      %broadcast_in_dim3A_162 = arith.constant 8 : i32
      %broadcast_in_dim3A_163 = vector.broadcast %broadcast_in_dim3A_162 : i32 to vector<16x1xi32>
      %gather3A_164 = vector.shape_cast %broadcast_in_dim3A_163 : vector<16x1xi32> to vector<16xi32>
      %gather3A_165 = tpu.dynamic_gather %get3A_82[%gather3A_164] in [0] : vector<16xf32>, vector<16xi32> -> vector<16xf32>
      %get3A_166 = arith.index_cast %scan3A_79 : i32 to index
      %get3A_167 = arith.constant 128 : index
      %get3A_168 = tpu.vector_load %arg11[%get3A_166, %get3A_167] {strides = array<i32>} : memref<80x272xf32, #tpu.memory_space<vmem>>, vector<1x16xf32>,
      %get3A_169 = vector.shape_cast %get3A_168 : vector<1x16xf32> to vector<16xf32>
      %mul3A_170 = arith.mulf %gather3A_165, %get3A_169 : vector<16xf32>
      %add3A_171 = arith.addf %add3A_131, %mul3A_170 : vector<16xf32>
      %broadcast_in_dim3A_172 = arith.constant 9 : i32
      %broadcast_in_dim3A_173 = vector.broadcast %broadcast_in_dim3A_172 : i32 to vector<16x1xi32>
      %gather3A_174 = vector.shape_cast %broadcast_in_dim3A_173 : vector<16x1xi32> to vector<16xi32>
      %gather3A_175 = tpu.dynamic_gather %get3A_82[%gather3A_174] in [0] : vector<16xf32>, vector<16xi32> -> vector<16xf32>
      %get3A_176 = arith.index_cast %scan3A_79 : i32 to index
      %get3A_177 = arith.constant 144 : index
      %get3A_178 = tpu.vector_load %arg11[%get3A_176, %get3A_177] {strides = array<i32>} : memref<80x272xf32, #tpu.memory_space<vmem>>, vector<1x16xf32>,
      %get3A_179 = vector.shape_cast %get3A_178 : vector<1x16xf32> to vector<16xf32>
      %mul3A_180 = arith.mulf %gather3A_175, %get3A_179 : vector<16xf32>
      %add3A_181 = arith.addf %add3A_141, %mul3A_180 : vector<16xf32>
      %broadcast_in_dim3A_182 = arith.constant 10 : i32
      %broadcast_in_dim3A_183 = vector.broadcast %broadcast_in_dim3A_182 : i32 to vector<16x1xi32>
      %gather3A_184 = vector.shape_cast %broadcast_in_dim3A_183 : vector<16x1xi32> to vector<16xi32>
      %gather3A_185 = tpu.dynamic_gather %get3A_82[%gather3A_184] in [0] : vector<16xf32>, vector<16xi32> -> vector<16xf32>
      %get3A_186 = arith.index_cast %scan3A_79 : i32 to index
      %get3A_187 = arith.constant 160 : index
      %get3A_188 = tpu.vector_load %arg11[%get3A_186, %get3A_187] {strides = array<i32>} : memref<80x272xf32, #tpu.memory_space<vmem>>, vector<1x16xf32>,
      %get3A_189 = vector.shape_cast %get3A_188 : vector<1x16xf32> to vector<16xf32>
      %mul3A_190 = arith.mulf %gather3A_185, %get3A_189 : vector<16xf32>
      %add3A_191 = arith.addf %add3A_151, %mul3A_190 : vector<16xf32>
      %broadcast_in_dim3A_192 = arith.constant 11 : i32
      %broadcast_in_dim3A_193 = vector.broadcast %broadcast_in_dim3A_192 : i32 to vector<16x1xi32>
      %gather3A_194 = vector.shape_cast %broadcast_in_dim3A_193 : vector<16x1xi32> to vector<16xi32>
      %gather3A_195 = tpu.dynamic_gather %get3A_82[%gather3A_194] in [0] : vector<16xf32>, vector<16xi32> -> vector<16xf32>
      %get3A_196 = arith.index_cast %scan3A_79 : i32 to index
      %get3A_197 = arith.constant 176 : index
      %get3A_198 = tpu.vector_load %arg11[%get3A_196, %get3A_197] {strides = array<i32>} : memref<80x272xf32, #tpu.memory_space<vmem>>, vector<1x16xf32>,
      %get3A_199 = vector.shape_cast %get3A_198 : vector<1x16xf32> to vector<16xf32>
      %mul3A_200 = arith.mulf %gather3A_195, %get3A_199 : vector<16xf32>
      %add3A_201 = arith.addf %add3A_161, %mul3A_200 : vector<16xf32>
      %broadcast_in_dim3A_202 = arith.constant 12 : i32
      %broadcast_in_dim3A_203 = vector.broadcast %broadcast_in_dim3A_202 : i32 to vector<16x1xi32>
      %gather3A_204 = vector.shape_cast %broadcast_in_dim3A_203 : vector<16x1xi32> to vector<16xi32>
      %gather3A_205 = tpu.dynamic_gather %get3A_82[%gather3A_204] in [0] : vector<16xf32>, vector<16xi32> -> vector<16xf32>
      %get3A_206 = arith.index_cast %scan3A_79 : i32 to index
      %get3A_207 = arith.constant 192 : index
      %get3A_208 = tpu.vector_load %arg11[%get3A_206, %get3A_207] {strides = array<i32>} : memref<80x272xf32, #tpu.memory_space<vmem>>, vector<1x16xf32>,
      %get3A_209 = vector.shape_cast %get3A_208 : vector<1x16xf32> to vector<16xf32>
      %mul3A_210 = arith.mulf %gather3A_205, %get3A_209 : vector<16xf32>
      %add3A_211 = arith.addf %add3A_171, %mul3A_210 : vector<16xf32>
      %broadcast_in_dim3A_212 = arith.constant 13 : i32
      %broadcast_in_dim3A_213 = vector.broadcast %broadcast_in_dim3A_212 : i32 to vector<16x1xi32>
      %gather3A_214 = vector.shape_cast %broadcast_in_dim3A_213 : vector<16x1xi32> to vector<16xi32>
      %gather3A_215 = tpu.dynamic_gather %get3A_82[%gather3A_214] in [0] : vector<16xf32>, vector<16xi32> -> vector<16xf32>
      %get3A_216 = arith.index_cast %scan3A_79 : i32 to index
      %get3A_217 = arith.constant 208 : index
      %get3A_218 = tpu.vector_load %arg11[%get3A_216, %get3A_217] {strides = array<i32>} : memref<80x272xf32, #tpu.memory_space<vmem>>, vector<1x16xf32>,
      %get3A_219 = vector.shape_cast %get3A_218 : vector<1x16xf32> to vector<16xf32>
      %mul3A_220 = arith.mulf %gather3A_215, %get3A_219 : vector<16xf32>
      %add3A_221 = arith.addf %add3A_181, %mul3A_220 : vector<16xf32>
      %broadcast_in_dim3A_222 = arith.constant 14 : i32
      %broadcast_in_dim3A_223 = vector.broadcast %broadcast_in_dim3A_222 : i32 to vector<16x1xi32>
      %gather3A_224 = vector.shape_cast %broadcast_in_dim3A_223 : vector<16x1xi32> to vector<16xi32>
      %gather3A_225 = tpu.dynamic_gather %get3A_82[%gather3A_224] in [0] : vector<16xf32>, vector<16xi32> -> vector<16xf32>
      %get3A_226 = arith.index_cast %scan3A_79 : i32 to index
      %get3A_227 = arith.constant 224 : index
      %get3A_228 = tpu.vector_load %arg11[%get3A_226, %get3A_227] {strides = array<i32>} : memref<80x272xf32, #tpu.memory_space<vmem>>, vector<1x16xf32>,
      %get3A_229 = vector.shape_cast %get3A_228 : vector<1x16xf32> to vector<16xf32>
      %mul3A_230 = arith.mulf %gather3A_225, %get3A_229 : vector<16xf32>
      %add3A_231 = arith.addf %add3A_191, %mul3A_230 : vector<16xf32>
      %broadcast_in_dim3A_232 = arith.constant 15 : i32
      %broadcast_in_dim3A_233 = vector.broadcast %broadcast_in_dim3A_232 : i32 to vector<16x1xi32>
      %gather3A_234 = vector.shape_cast %broadcast_in_dim3A_233 : vector<16x1xi32> to vector<16xi32>
      %gather3A_235 = tpu.dynamic_gather %get3A_82[%gather3A_234] in [0] : vector<16xf32>, vector<16xi32> -> vector<16xf32>
      %get3A_236 = arith.index_cast %scan3A_79 : i32 to index
      %get3A_237 = arith.constant 240 : index
      %get3A_238 = tpu.vector_load %arg11[%get3A_236, %get3A_237] {strides = array<i32>} : memref<80x272xf32, #tpu.memory_space<vmem>>, vector<1x16xf32>,
      %get3A_239 = vector.shape_cast %get3A_238 : vector<1x16xf32> to vector<16xf32>
      %mul3A_240 = arith.mulf %gather3A_235, %get3A_239 : vector<16xf32>
      %add3A_241 = arith.addf %add3A_201, %mul3A_240 : vector<16xf32>
      %add3A_242 = arith.addf %add3A_211, %add3A_221 : vector<16xf32>
      %add3A_243 = arith.addf %add3A_231, %add3A_241 : vector<16xf32>
      %add3A_244 = arith.addf %add3A_242, %add3A_243 : vector<16xf32>
      %swap3A = arith.index_cast %scan3A_79 : i32 to index
      %swap3A_245 = arith.constant 0 : index
      %swap3A_246 = tpu.vector_load %arg15[%swap3A, %swap3A_245] {strides = array<i32>} : memref<80x16xf32, #tpu.memory_space<vmem>>, vector<1x16xf32>,
      %swap3A_247 = vector.shape_cast %swap3A_246 : vector<1x16xf32> to vector<16xf32>
      %swap3A_248 = vector.shape_cast %add3A_244 : vector<16xf32> to vector<1x16xf32>
      tpu.vector_store %arg15[%swap3A, %swap3A_245], %swap3A_248 {strides = array<i32>} : memref<80x16xf32, #tpu.memory_space<vmem>>, vector<1x16xf32>,
    }
    %scan3A_69 = arith.constant 80 : i32
    %run_scoped3A = arith.constant 124 : i32
    "tpu.region"() ({
      %run_scoped3A_79 = tpu.sem_alloc : memref<!tpu.dma_semaphore, #tpu.memory_space<semaphore_mem>>
      %dma_start3A_80 = arith.constant 0 : i32
      %dma_start3A_81 = tpu.memref_slice %arg9[%run_scoped3A, %dma_start3A_80] : memref<125x80xi32, #tpu.memory_space<vmem>> -> memref<1x80xi32, #tpu.memory_space<vmem>>
      %dma_start3A_82 = tpu.memref_squeeze %dma_start3A_81 : memref<1x80xi32, #tpu.memory_space<vmem>> -> memref<80xi32, #tpu.memory_space<vmem>>
      %dma_start3A_83 = arith.constant 0 : i32
      %dma_start3A_84 = arith.constant 0 : i32
      %dma_start3A_85 = tpu.memref_slice %arg18[%dma_start3A_83, %dma_start3A_84] : memref<30000x16xf32, #tpu.memory_space<vmem_shared>> -> memref<30000x16xf32, #tpu.memory_space<vmem_shared>>
      tpu.enqueue_indirect_dma source(%arg15 : memref<80x16xf32, #tpu.memory_space<vmem>>) target(%dma_start3A_85 : memref<30000x16xf32, #tpu.memory_space<vmem_shared>>) offsets(%dma_start3A_82 : memref<80xi32, #tpu.memory_space<vmem>>) semaphore(%run_scoped3A_79 : memref<!tpu.dma_semaphore, #tpu.memory_space<semaphore_mem>>) {add = true}
      %dma_wait3A_86 = arith.constant 0 : i32
      %dma_wait3A_87 = tpu.memref_slice %arg9[%run_scoped3A, %dma_wait3A_86] : memref<125x80xi32, #tpu.memory_space<vmem>> -> memref<1x80xi32, #tpu.memory_space<vmem>>
      %dma_wait3A_88 = tpu.memref_squeeze %dma_wait3A_87 : memref<1x80xi32, #tpu.memory_space<vmem>> -> memref<80xi32, #tpu.memory_space<vmem>>
      %dma_wait3A_89 = arith.constant 0 : i32
      %dma_wait3A_90 = arith.constant 0 : i32
      %dma_wait3A_91 = tpu.memref_slice %arg18[%dma_wait3A_89, %dma_wait3A_90] : memref<30000x16xf32, #tpu.memory_space<vmem_shared>> -> memref<30000x16xf32, #tpu.memory_space<vmem_shared>>
      tpu.wait_indirect_dma semaphore(%run_scoped3A_79 : memref<!tpu.dma_semaphore, #tpu.memory_space<semaphore_mem>>) src(%arg15 : memref<80x16xf32, #tpu.memory_space<vmem>>) dst(%dma_wait3A_91 : memref<30000x16xf32, #tpu.memory_space<vmem_shared>>)
      tpu.yield
    }) : () -> ()
    %barrier3A_70 = arith.constant 0 : index
    tpu.barrier barrier_id(%barrier3A_70)
    %mul3A_71 = arith.constant 625 : i32
    %mul3A_72 = arith.muli %arg1, %mul3A_71 : i32
    "tpu.region"() ({
      %run_scoped3A_79 = tpu.sem_alloc : memref<!tpu.dma_semaphore, #tpu.memory_space<semaphore_mem>>
      %dma_start3A_80 = arith.constant 0 : i32
      %dma_start3A_81 = tpu.memref_slice %arg18[%mul3A_72, %dma_start3A_80] : memref<30000x16xf32, #tpu.memory_space<vmem_shared>> -> memref<625x16xf32, #tpu.memory_space<vmem_shared>>
      %dma_start3A_82 = arith.constant 0 : i32
      %dma_start3A_83 = tpu.memref_slice %arg18[%mul3A_72, %dma_start3A_82] : memref<30000x16xf32, #tpu.memory_space<vmem_shared>> -> memref<625x16xf32, #tpu.memory_space<vmem_shared>>
      tpu.enqueue_dma source(%dma_start3A_83 : memref<625x16xf32, #tpu.memory_space<vmem_shared>>) target(%arg17 : memref<625x16xf32, #tpu.memory_space<vmem>>) target_semaphore(%run_scoped3A_79 : memref<!tpu.dma_semaphore, #tpu.memory_space<semaphore_mem>>)
      %dma_wait3A_84 = arith.constant 0 : i32
      %dma_wait3A_85 = tpu.memref_slice %arg18[%mul3A_72, %dma_wait3A_84] : memref<30000x16xf32, #tpu.memory_space<vmem_shared>> -> memref<625x16xf32, #tpu.memory_space<vmem_shared>>
      %dma_wait3A_86 = arith.constant 0 : i32
      %dma_wait3A_87 = tpu.memref_slice %arg18[%mul3A_72, %dma_wait3A_86] : memref<30000x16xf32, #tpu.memory_space<vmem_shared>> -> memref<625x16xf32, #tpu.memory_space<vmem_shared>>
      tpu.wait_dma2 semaphore(%run_scoped3A_79 : memref<!tpu.dma_semaphore, #tpu.memory_space<semaphore_mem>>) src(%dma_wait3A_87 : memref<625x16xf32, #tpu.memory_space<vmem_shared>>) dst(%arg17 : memref<625x16xf32, #tpu.memory_space<vmem>>)
      tpu.yield
    }) : () -> ()
    %scan3A_73 = arith.constant 0 : i32
    %scan3A_74 = arith.constant 1 : i32
    %scan3A_75 = arith.constant 2 : i32
    %scan3A_76 = arith.addi %scan3A_74, %scan3A_75 : i32
    %scan3A_77 = arith.constant 1 : i32
    scf.for %scan3A_79 = %scan3A_74 to %scan3A_76 step %scan3A_77  : i32 {
      %mul3A_80 = arith.constant 10000 : i32
      %mul3A_81 = arith.muli %scan3A_79, %mul3A_80 : i32
      %add3A_82 = arith.addi %mul3A_81, %mul3A_72 : i32
      "tpu.region"() ({
        %run_scoped3A_89 = tpu.sem_alloc : memref<!tpu.dma_semaphore, #tpu.memory_space<semaphore_mem>>
        %dma_start3A_90 = arith.constant 0 : i32
        %dma_start3A_91 = tpu.memref_slice %arg18[%add3A_82, %dma_start3A_90] : memref<30000x16xf32, #tpu.memory_space<vmem_shared>> -> memref<625x16xf32, #tpu.memory_space<vmem_shared>>
        %dma_start3A_92 = arith.constant 0 : i32
        %dma_start3A_93 = tpu.memref_slice %arg18[%add3A_82, %dma_start3A_92] : memref<30000x16xf32, #tpu.memory_space<vmem_shared>> -> memref<625x16xf32, #tpu.memory_space<vmem_shared>>
        tpu.enqueue_dma source(%dma_start3A_93 : memref<625x16xf32, #tpu.memory_space<vmem_shared>>) target(%arg16 : memref<625x16xf32, #tpu.memory_space<vmem>>) target_semaphore(%run_scoped3A_89 : memref<!tpu.dma_semaphore, #tpu.memory_space<semaphore_mem>>)
        %dma_wait3A_94 = arith.constant 0 : i32
        %dma_wait3A_95 = tpu.memref_slice %arg18[%add3A_82, %dma_wait3A_94] : memref<30000x16xf32, #tpu.memory_space<vmem_shared>> -> memref<625x16xf32, #tpu.memory_space<vmem_shared>>
        %dma_wait3A_96 = arith.constant 0 : i32
        %dma_wait3A_97 = tpu.memref_slice %arg18[%add3A_82, %dma_wait3A_96] : memref<30000x16xf32, #tpu.memory_space<vmem_shared>> -> memref<625x16xf32, #tpu.memory_space<vmem_shared>>
        tpu.wait_dma2 semaphore(%run_scoped3A_89 : memref<!tpu.dma_semaphore, #tpu.memory_space<semaphore_mem>>) src(%dma_wait3A_97 : memref<625x16xf32, #tpu.memory_space<vmem_shared>>) dst(%arg16 : memref<625x16xf32, #tpu.memory_space<vmem>>)
        tpu.yield
      }) : () -> ()
      %scan3A_83 = arith.constant 0 : i32
      %scan3A_84 = arith.constant 0 : i32
      %scan3A_85 = arith.constant 625 : i32
      %scan3A_86 = arith.addi %scan3A_84, %scan3A_85 : i32
      %scan3A_87 = arith.constant 1 : i32
      scf.for %scan3A_89 = %scan3A_84 to %scan3A_86 step %scan3A_87  : i32 {
        %get3A = arith.index_cast %scan3A_89 : i32 to index
        %get3A_90 = arith.constant 0 : index
        %get3A_91 = tpu.vector_load %arg17[%get3A, %get3A_90] {strides = array<i32>} : memref<625x16xf32, #tpu.memory_space<vmem>>, vector<1x16xf32>,
        %get3A_92 = vector.shape_cast %get3A_91 : vector<1x16xf32> to vector<16xf32>
        %get3A_93 = arith.index_cast %scan3A_89 : i32 to index
        %get3A_94 = arith.constant 0 : index
        %get3A_95 = tpu.vector_load %arg16[%get3A_93, %get3A_94] {strides = array<i32>} : memref<625x16xf32, #tpu.memory_space<vmem>>, vector<1x16xf32>,
        %get3A_96 = vector.shape_cast %get3A_95 : vector<1x16xf32> to vector<16xf32>
        %add3A_97 = arith.addf %get3A_92, %get3A_96 : vector<16xf32>
        %swap3A = arith.index_cast %scan3A_89 : i32 to index
        %swap3A_98 = arith.constant 0 : index
        %swap3A_99 = tpu.vector_load %arg17[%swap3A, %swap3A_98] {strides = array<i32>} : memref<625x16xf32, #tpu.memory_space<vmem>>, vector<1x16xf32>,
        %swap3A_100 = vector.shape_cast %swap3A_99 : vector<1x16xf32> to vector<16xf32>
        %swap3A_101 = vector.shape_cast %add3A_97 : vector<16xf32> to vector<1x16xf32>
        tpu.vector_store %arg17[%swap3A, %swap3A_98], %swap3A_101 {strides = array<i32>} : memref<625x16xf32, #tpu.memory_space<vmem>>, vector<1x16xf32>,
      }
      %scan3A_88 = arith.constant 625 : i32
    }
    %scan3A_78 = arith.constant 2 : i32
    "tpu.region"() ({
      %run_scoped3A_79 = tpu.sem_alloc : memref<!tpu.dma_semaphore, #tpu.memory_space<semaphore_mem>>
      %dma_start3A_80 = arith.constant 0 : i32
      %dma_start3A_81 = arith.constant 0 : i32
      %dma_start3A_82 = tpu.memref_slice %arg7[%arg0, %dma_start3A_80, %dma_start3A_81] : memref<2x10000x16xf32, #tpu.memory_space<hbm>> -> memref<1x10000x16xf32, #tpu.memory_space<hbm>>
      %dma_start3A_83 = tpu.memref_squeeze %dma_start3A_82 : memref<1x10000x16xf32, #tpu.memory_space<hbm>> -> memref<10000x16xf32, #tpu.memory_space<hbm>>
      %dma_start3A_84 = arith.constant 0 : i32
      %dma_start3A_85 = tpu.memref_slice %dma_start3A_83[%mul3A_72, %dma_start3A_84] : memref<10000x16xf32, #tpu.memory_space<hbm>> -> memref<625x16xf32, #tpu.memory_space<hbm>>
      %dma_start3A_86 = arith.constant 0 : i32
      %dma_start3A_87 = arith.constant 0 : i32
      %dma_start3A_88 = tpu.memref_slice %arg7[%arg0, %dma_start3A_86, %dma_start3A_87] : memref<2x10000x16xf32, #tpu.memory_space<hbm>> -> memref<1x10000x16xf32, #tpu.memory_space<hbm>>
      %dma_start3A_89 = tpu.memref_squeeze %dma_start3A_88 : memref<1x10000x16xf32, #tpu.memory_space<hbm>> -> memref<10000x16xf32, #tpu.memory_space<hbm>>
      %dma_start3A_90 = arith.constant 0 : i32
      %dma_start3A_91 = tpu.memref_slice %dma_start3A_89[%mul3A_72, %dma_start3A_90] : memref<10000x16xf32, #tpu.memory_space<hbm>> -> memref<625x16xf32, #tpu.memory_space<hbm>>
      tpu.enqueue_dma source(%arg17 : memref<625x16xf32, #tpu.memory_space<vmem>>) target(%dma_start3A_91 : memref<625x16xf32, #tpu.memory_space<hbm>>) target_semaphore(%run_scoped3A_79 : memref<!tpu.dma_semaphore, #tpu.memory_space<semaphore_mem>>)
      %dma_wait3A_92 = arith.constant 0 : i32
      %dma_wait3A_93 = arith.constant 0 : i32
      %dma_wait3A_94 = tpu.memref_slice %arg7[%arg0, %dma_wait3A_92, %dma_wait3A_93] : memref<2x10000x16xf32, #tpu.memory_space<hbm>> -> memref<1x10000x16xf32, #tpu.memory_space<hbm>>
      %dma_wait3A_95 = tpu.memref_squeeze %dma_wait3A_94 : memref<1x10000x16xf32, #tpu.memory_space<hbm>> -> memref<10000x16xf32, #tpu.memory_space<hbm>>
      %dma_wait3A_96 = arith.constant 0 : i32
      %dma_wait3A_97 = tpu.memref_slice %dma_wait3A_95[%mul3A_72, %dma_wait3A_96] : memref<10000x16xf32, #tpu.memory_space<hbm>> -> memref<625x16xf32, #tpu.memory_space<hbm>>
      %dma_wait3A_98 = arith.constant 0 : i32
      %dma_wait3A_99 = arith.constant 0 : i32
      %dma_wait3A_100 = tpu.memref_slice %arg7[%arg0, %dma_wait3A_98, %dma_wait3A_99] : memref<2x10000x16xf32, #tpu.memory_space<hbm>> -> memref<1x10000x16xf32, #tpu.memory_space<hbm>>
      %dma_wait3A_101 = tpu.memref_squeeze %dma_wait3A_100 : memref<1x10000x16xf32, #tpu.memory_space<hbm>> -> memref<10000x16xf32, #tpu.memory_space<hbm>>
      %dma_wait3A_102 = arith.constant 0 : i32
      %dma_wait3A_103 = tpu.memref_slice %dma_wait3A_101[%mul3A_72, %dma_wait3A_102] : memref<10000x16xf32, #tpu.memory_space<hbm>> -> memref<625x16xf32, #tpu.memory_space<hbm>>
      tpu.wait_dma2 semaphore(%run_scoped3A_79 : memref<!tpu.dma_semaphore, #tpu.memory_space<semaphore_mem>>) src(%arg17 : memref<625x16xf32, #tpu.memory_space<vmem>>) dst(%dma_wait3A_103 : memref<625x16xf32, #tpu.memory_space<hbm>>)
      tpu.yield
    }) : () -> ()
    return
  }
}

#map = affine_map<(d0, d1) -> (0, 0)>
#map1 = affine_map<(d0, d1) -> (0, 0, 0)>
module attributes {stable_mosaic.version = 14 : i64} {
  func.func @_conv_sc_body(%arg0: i32, %arg1: i32, %arg2: memref<10000x272xf32, #tpu.memory_space<hbm>>, %arg3: memref<320000x16xf32, #tpu.memory_space<hbm>>, %arg4: memref<4000x80xi32, #tpu.memory_space<hbm>>, %arg5: memref<4000x80xi32, #tpu.memory_space<hbm>>, %arg6: memref<4000x80xi32, #tpu.memory_space<hbm>>, %arg7: memref<2x10000x16xf32, #tpu.memory_space<hbm>>, %arg8: memref<125x80xi32, #tpu.memory_space<vmem>>, %arg9: memref<125x80xi32, #tpu.memory_space<vmem>>, %arg10: memref<125x80xi32, #tpu.memory_space<vmem>>, %arg11: memref<80x272xf32, #tpu.memory_space<vmem>>, %arg12: memref<80x272xf32, #tpu.memory_space<vmem>>, %arg13: memref<80x16xf32, #tpu.memory_space<vmem>>, %arg14: memref<80x16xf32, #tpu.memory_space<vmem>>, %arg15: memref<80x16xf32, #tpu.memory_space<vmem>>, %arg16: memref<625x16xf32, #tpu.memory_space<vmem>>, %arg17: memref<625x16xf32, #tpu.memory_space<vmem>>, %arg18: memref<30000x16xf32, #tpu.memory_space<vmem_shared>>, %arg19: memref<!tpu.dma_semaphore, #tpu.memory_space<semaphore_mem>>, %arg20: memref<!tpu.dma_semaphore, #tpu.memory_space<semaphore_mem>>) attributes {dimension_semantics = [#tpu.dimension_semantics<core_parallel>, #tpu.dimension_semantics<subcore_parallel>], iteration_bounds = array<i64: 2, 16>, scalar_prefetch = 0 : i64, scratch_operands = 13 : i64, tpu.core_type = #tpu.core_type<sc_vector_subcore>, window_params = [{transform_indices = #map}, {transform_indices = #map}, {transform_indices = #map}, {transform_indices = #map}, {transform_indices = #map}, {transform_indices = #map1}]} {
    %mul3A = arith.constant 16 : i32
    %mul3A_0 = arith.muli %arg0, %mul3A : i32
    %add3A = arith.addi %mul3A_0, %arg1 : i32
    %scan3A = arith.constant 0 : i32
    %scan3A_1 = arith.constant 0 : i32
    %scan3A_2 = arith.constant 625 : i32
    %scan3A_3 = arith.addi %scan3A_1, %scan3A_2 : i32
    %scan3A_4 = arith.constant 1 : i32
    scf.for %scan3A_79 = %scan3A_1 to %scan3A_3 step %scan3A_4  : i32 {
      %broadcast_in_dim3A = arith.constant 0.000000e+00 : f32
      %broadcast_in_dim3A_80 = vector.broadcast %broadcast_in_dim3A : f32 to vector<16xf32>
      %swap3A = arith.index_cast %scan3A_79 : i32 to index
      %swap3A_81 = arith.constant 0 : index
      %swap3A_82 = tpu.vector_load %arg16[%swap3A, %swap3A_81] {strides = array<i32>} : memref<625x16xf32, #tpu.memory_space<vmem>>, vector<1x16xf32>,
      %swap3A_83 = vector.shape_cast %swap3A_82 : vector<1x16xf32> to vector<16xf32>
      %swap3A_84 = vector.shape_cast %broadcast_in_dim3A_80 : vector<16xf32> to vector<1x16xf32>
      tpu.vector_store %arg16[%swap3A, %swap3A_81], %swap3A_84 {strides = array<i32>} : memref<625x16xf32, #tpu.memory_space<vmem>>, vector<1x16xf32>,
    }
    %scan3A_5 = arith.constant 625 : i32
    %scan3A_6 = arith.constant 0 : i32
    %scan3A_7 = arith.constant 0 : i32
    %scan3A_8 = arith.constant 3 : i32
    %scan3A_9 = arith.addi %scan3A_7, %scan3A_8 : i32
    %scan3A_10 = arith.constant 1 : i32
    scf.for %scan3A_79 = %scan3A_7 to %scan3A_9 step %scan3A_10  : i32 {
      %mul3A_80 = arith.constant 3 : i32
      %mul3A_81 = arith.muli %arg1, %mul3A_80 : i32
      %add3A_82 = arith.addi %mul3A_81, %scan3A_79 : i32
      %mul3A_83 = arith.constant 625 : i32
      %mul3A_84 = arith.muli %add3A_82, %mul3A_83 : i32
      "tpu.region"() ({
        %run_scoped3A_85 = tpu.sem_alloc : memref<!tpu.dma_semaphore, #tpu.memory_space<semaphore_mem>>
        %dma_start3A_86 = arith.constant 0 : i32
        %dma_start3A_87 = tpu.memref_slice %arg18[%mul3A_84, %dma_start3A_86] : memref<30000x16xf32, #tpu.memory_space<vmem_shared>> -> memref<625x16xf32, #tpu.memory_space<vmem_shared>>
        %dma_start3A_88 = arith.constant 0 : i32
        %dma_start3A_89 = tpu.memref_slice %arg18[%mul3A_84, %dma_start3A_88] : memref<30000x16xf32, #tpu.memory_space<vmem_shared>> -> memref<625x16xf32, #tpu.memory_space<vmem_shared>>
        tpu.enqueue_dma source(%arg16 : memref<625x16xf32, #tpu.memory_space<vmem>>) target(%dma_start3A_89 : memref<625x16xf32, #tpu.memory_space<vmem_shared>>) target_semaphore(%run_scoped3A_85 : memref<!tpu.dma_semaphore, #tpu.memory_space<semaphore_mem>>)
        %dma_wait3A_90 = arith.constant 0 : i32
        %dma_wait3A_91 = tpu.memref_slice %arg18[%mul3A_84, %dma_wait3A_90] : memref<30000x16xf32, #tpu.memory_space<vmem_shared>> -> memref<625x16xf32, #tpu.memory_space<vmem_shared>>
        %dma_wait3A_92 = arith.constant 0 : i32
        %dma_wait3A_93 = tpu.memref_slice %arg18[%mul3A_84, %dma_wait3A_92] : memref<30000x16xf32, #tpu.memory_space<vmem_shared>> -> memref<625x16xf32, #tpu.memory_space<vmem_shared>>
        tpu.wait_dma2 semaphore(%run_scoped3A_85 : memref<!tpu.dma_semaphore, #tpu.memory_space<semaphore_mem>>) src(%arg16 : memref<625x16xf32, #tpu.memory_space<vmem>>) dst(%dma_wait3A_93 : memref<625x16xf32, #tpu.memory_space<vmem_shared>>)
        tpu.yield
      }) : () -> ()
    }
    %scan3A_11 = arith.constant 3 : i32
    %mul3A_12 = arith.constant 125 : i32
    %mul3A_13 = arith.muli %add3A, %mul3A_12 : i32
    "tpu.region"() ({
      %run_scoped3A_79 = tpu.sem_alloc : memref<!tpu.dma_semaphore, #tpu.memory_space<semaphore_mem>>
      %dma_start3A_80 = arith.constant 0 : i32
      %dma_start3A_81 = tpu.memref_slice %arg4[%mul3A_13, %dma_start3A_80] : memref<4000x80xi32, #tpu.memory_space<hbm>> -> memref<125x80xi32, #tpu.memory_space<hbm>>
      %dma_start3A_82 = arith.constant 0 : i32
      %dma_start3A_83 = tpu.memref_slice %arg4[%mul3A_13, %dma_start3A_82] : memref<4000x80xi32, #tpu.memory_space<hbm>> -> memref<125x80xi32, #tpu.memory_space<hbm>>
      tpu.enqueue_dma source(%dma_start3A_83 : memref<125x80xi32, #tpu.memory_space<hbm>>) target(%arg8 : memref<125x80xi32, #tpu.memory_space<vmem>>) target_semaphore(%run_scoped3A_79 : memref<!tpu.dma_semaphore, #tpu.memory_space<semaphore_mem>>)
      %dma_wait3A_84 = arith.constant 0 : i32
      %dma_wait3A_85 = tpu.memref_slice %arg4[%mul3A_13, %dma_wait3A_84] : memref<4000x80xi32, #tpu.memory_space<hbm>> -> memref<125x80xi32, #tpu.memory_space<hbm>>
      %dma_wait3A_86 = arith.constant 0 : i32
      %dma_wait3A_87 = tpu.memref_slice %arg4[%mul3A_13, %dma_wait3A_86] : memref<4000x80xi32, #tpu.memory_space<hbm>> -> memref<125x80xi32, #tpu.memory_space<hbm>>
      tpu.wait_dma2 semaphore(%run_scoped3A_79 : memref<!tpu.dma_semaphore, #tpu.memory_space<semaphore_mem>>) src(%dma_wait3A_87 : memref<125x80xi32, #tpu.memory_space<hbm>>) dst(%arg8 : memref<125x80xi32, #tpu.memory_space<vmem>>)
      tpu.yield
    }) : () -> ()
    %mul3A_14 = arith.constant 125 : i32
    %mul3A_15 = arith.muli %add3A, %mul3A_14 : i32
    "tpu.region"() ({
      %run_scoped3A_79 = tpu.sem_alloc : memref<!tpu.dma_semaphore, #tpu.memory_space<semaphore_mem>>
      %dma_start3A_80 = arith.constant 0 : i32
      %dma_start3A_81 = tpu.memref_slice %arg5[%mul3A_15, %dma_start3A_80] : memref<4000x80xi32, #tpu.memory_space<hbm>> -> memref<125x80xi32, #tpu.memory_space<hbm>>
      %dma_start3A_82 = arith.constant 0 : i32
      %dma_start3A_83 = tpu.memref_slice %arg5[%mul3A_15, %dma_start3A_82] : memref<4000x80xi32, #tpu.memory_space<hbm>> -> memref<125x80xi32, #tpu.memory_space<hbm>>
      tpu.enqueue_dma source(%dma_start3A_83 : memref<125x80xi32, #tpu.memory_space<hbm>>) target(%arg9 : memref<125x80xi32, #tpu.memory_space<vmem>>) target_semaphore(%run_scoped3A_79 : memref<!tpu.dma_semaphore, #tpu.memory_space<semaphore_mem>>)
      %dma_wait3A_84 = arith.constant 0 : i32
      %dma_wait3A_85 = tpu.memref_slice %arg5[%mul3A_15, %dma_wait3A_84] : memref<4000x80xi32, #tpu.memory_space<hbm>> -> memref<125x80xi32, #tpu.memory_space<hbm>>
      %dma_wait3A_86 = arith.constant 0 : i32
      %dma_wait3A_87 = tpu.memref_slice %arg5[%mul3A_15, %dma_wait3A_86] : memref<4000x80xi32, #tpu.memory_space<hbm>> -> memref<125x80xi32, #tpu.memory_space<hbm>>
      tpu.wait_dma2 semaphore(%run_scoped3A_79 : memref<!tpu.dma_semaphore, #tpu.memory_space<semaphore_mem>>) src(%dma_wait3A_87 : memref<125x80xi32, #tpu.memory_space<hbm>>) dst(%arg9 : memref<125x80xi32, #tpu.memory_space<vmem>>)
      tpu.yield
    }) : () -> ()
    %mul3A_16 = arith.constant 125 : i32
    %mul3A_17 = arith.muli %add3A, %mul3A_16 : i32
    "tpu.region"() ({
      %run_scoped3A_79 = tpu.sem_alloc : memref<!tpu.dma_semaphore, #tpu.memory_space<semaphore_mem>>
      %dma_start3A_80 = arith.constant 0 : i32
      %dma_start3A_81 = tpu.memref_slice %arg6[%mul3A_17, %dma_start3A_80] : memref<4000x80xi32, #tpu.memory_space<hbm>> -> memref<125x80xi32, #tpu.memory_space<hbm>>
      %dma_start3A_82 = arith.constant 0 : i32
      %dma_start3A_83 = tpu.memref_slice %arg6[%mul3A_17, %dma_start3A_82] : memref<4000x80xi32, #tpu.memory_space<hbm>> -> memref<125x80xi32, #tpu.memory_space<hbm>>
      tpu.enqueue_dma source(%dma_start3A_83 : memref<125x80xi32, #tpu.memory_space<hbm>>) target(%arg10 : memref<125x80xi32, #tpu.memory_space<vmem>>) target_semaphore(%run_scoped3A_79 : memref<!tpu.dma_semaphore, #tpu.memory_space<semaphore_mem>>)
      %dma_wait3A_84 = arith.constant 0 : i32
      %dma_wait3A_85 = tpu.memref_slice %arg6[%mul3A_17, %dma_wait3A_84] : memref<4000x80xi32, #tpu.memory_space<hbm>> -> memref<125x80xi32, #tpu.memory_space<hbm>>
      %dma_wait3A_86 = arith.constant 0 : i32
      %dma_wait3A_87 = tpu.memref_slice %arg6[%mul3A_17, %dma_wait3A_86] : memref<4000x80xi32, #tpu.memory_space<hbm>> -> memref<125x80xi32, #tpu.memory_space<hbm>>
      tpu.wait_dma2 semaphore(%run_scoped3A_79 : memref<!tpu.dma_semaphore, #tpu.memory_space<semaphore_mem>>) src(%dma_wait3A_87 : memref<125x80xi32, #tpu.memory_space<hbm>>) dst(%arg10 : memref<125x80xi32, #tpu.memory_space<vmem>>)
      tpu.yield
    }) : () -> ()
    %barrier3A = arith.constant 0 : index
    tpu.barrier barrier_id(%barrier3A)
    %dma_start3A = arith.constant 0 : i32
    %dma_start3A_18 = arith.constant 0 : i32
    %dma_start3A_19 = tpu.memref_slice %arg8[%dma_start3A, %dma_start3A_18] : memref<125x80xi32, #tpu.memory_space<vmem>> -> memref<1x80xi32, #tpu.memory_space<vmem>>
    %dma_start3A_20 = tpu.memref_squeeze %dma_start3A_19 : memref<1x80xi32, #tpu.memory_space<vmem>> -> memref<80xi32, #tpu.memory_space<vmem>>
    %dma_start3A_21 = arith.constant 0 : i32
    %dma_start3A_22 = arith.constant 0 : i32
    %dma_start3A_23 = tpu.memref_slice %arg2[%dma_start3A_21, %dma_start3A_22] : memref<10000x272xf32, #tpu.memory_space<hbm>> -> memref<10000x272xf32, #tpu.memory_space<hbm>>
    tpu.enqueue_indirect_dma source(%dma_start3A_23 : memref<10000x272xf32, #tpu.memory_space<hbm>>) target(%arg11 : memref<80x272xf32, #tpu.memory_space<vmem>>) offsets(%dma_start3A_20 : memref<80xi32, #tpu.memory_space<vmem>>) semaphore(%arg19 : memref<!tpu.dma_semaphore, #tpu.memory_space<semaphore_mem>>)
    %dma_start3A_24 = arith.constant 0 : i32
    %dma_start3A_25 = arith.constant 0 : i32
    %dma_start3A_26 = tpu.memref_slice %arg10[%dma_start3A_24, %dma_start3A_25] : memref<125x80xi32, #tpu.memory_space<vmem>> -> memref<1x80xi32, #tpu.memory_space<vmem>>
    %dma_start3A_27 = tpu.memref_squeeze %dma_start3A_26 : memref<1x80xi32, #tpu.memory_space<vmem>> -> memref<80xi32, #tpu.memory_space<vmem>>
    %dma_start3A_28 = arith.constant 0 : i32
    %dma_start3A_29 = arith.constant 0 : i32
    %dma_start3A_30 = tpu.memref_slice %arg3[%dma_start3A_28, %dma_start3A_29] : memref<320000x16xf32, #tpu.memory_space<hbm>> -> memref<320000x16xf32, #tpu.memory_space<hbm>>
    tpu.enqueue_indirect_dma source(%dma_start3A_30 : memref<320000x16xf32, #tpu.memory_space<hbm>>) target(%arg13 : memref<80x16xf32, #tpu.memory_space<vmem>>) offsets(%dma_start3A_27 : memref<80xi32, #tpu.memory_space<vmem>>) semaphore(%arg19 : memref<!tpu.dma_semaphore, #tpu.memory_space<semaphore_mem>>)
    %dma_start3A_31 = arith.constant 1 : i32
    %dma_start3A_32 = arith.constant 0 : i32
    %dma_start3A_33 = tpu.memref_slice %arg8[%dma_start3A_31, %dma_start3A_32] : memref<125x80xi32, #tpu.memory_space<vmem>> -> memref<1x80xi32, #tpu.memory_space<vmem>>
    %dma_start3A_34 = tpu.memref_squeeze %dma_start3A_33 : memref<1x80xi32, #tpu.memory_space<vmem>> -> memref<80xi32, #tpu.memory_space<vmem>>
    %dma_start3A_35 = arith.constant 0 : i32
    %dma_start3A_36 = arith.constant 0 : i32
    %dma_start3A_37 = tpu.memref_slice %arg2[%dma_start3A_35, %dma_start3A_36] : memref<10000x272xf32, #tpu.memory_space<hbm>> -> memref<10000x272xf32, #tpu.memory_space<hbm>>
    tpu.enqueue_indirect_dma source(%dma_start3A_37 : memref<10000x272xf32, #tpu.memory_space<hbm>>) target(%arg12 : memref<80x272xf32, #tpu.memory_space<vmem>>) offsets(%dma_start3A_34 : memref<80xi32, #tpu.memory_space<vmem>>) semaphore(%arg20 : memref<!tpu.dma_semaphore, #tpu.memory_space<semaphore_mem>>)
    %dma_start3A_38 = arith.constant 1 : i32
    %dma_start3A_39 = arith.constant 0 : i32
    %dma_start3A_40 = tpu.memref_slice %arg10[%dma_start3A_38, %dma_start3A_39] : memref<125x80xi32, #tpu.memory_space<vmem>> -> memref<1x80xi32, #tpu.memory_space<vmem>>
    %dma_start3A_41 = tpu.memref_squeeze %dma_start3A_40 : memref<1x80xi32, #tpu.memory_space<vmem>> -> memref<80xi32, #tpu.memory_space<vmem>>
    %dma_start3A_42 = arith.constant 0 : i32
    %dma_start3A_43 = arith.constant 0 : i32
    %dma_start3A_44 = tpu.memref_slice %arg3[%dma_start3A_42, %dma_start3A_43] : memref<320000x16xf32, #tpu.memory_space<hbm>> -> memref<320000x16xf32, #tpu.memory_space<hbm>>
    tpu.enqueue_indirect_dma source(%dma_start3A_44 : memref<320000x16xf32, #tpu.memory_space<hbm>>) target(%arg14 : memref<80x16xf32, #tpu.memory_space<vmem>>) offsets(%dma_start3A_41 : memref<80xi32, #tpu.memory_space<vmem>>) semaphore(%arg20 : memref<!tpu.dma_semaphore, #tpu.memory_space<semaphore_mem>>)
    %scan3A_45 = arith.constant 0 : i32
    %scan3A_46 = arith.constant 0 : i32
    %scan3A_47 = arith.constant 62 : i32
    %scan3A_48 = arith.addi %scan3A_46, %scan3A_47 : i32
    %scan3A_49 = arith.constant 1 : i32
    scf.for %scan3A_79 = %scan3A_46 to %scan3A_48 step %scan3A_49  : i32 {
      %mul3A_80 = arith.constant 2 : i32
      %mul3A_81 = arith.muli %mul3A_80, %scan3A_79 : i32
      %dma_wait3A_82 = arith.constant 0 : i32
      %dma_wait3A_83 = tpu.memref_slice %arg8[%mul3A_81, %dma_wait3A_82] : memref<125x80xi32, #tpu.memory_space<vmem>> -> memref<1x80xi32, #tpu.memory_space<vmem>>
      %dma_wait3A_84 = tpu.memref_squeeze %dma_wait3A_83 : memref<1x80xi32, #tpu.memory_space<vmem>> -> memref<80xi32, #tpu.memory_space<vmem>>
      %dma_wait3A_85 = arith.constant 0 : i32
      %dma_wait3A_86 = arith.constant 0 : i32
      %dma_wait3A_87 = tpu.memref_slice %arg2[%dma_wait3A_85, %dma_wait3A_86] : memref<10000x272xf32, #tpu.memory_space<hbm>> -> memref<10000x272xf32, #tpu.memory_space<hbm>>
      tpu.wait_indirect_dma semaphore(%arg19 : memref<!tpu.dma_semaphore, #tpu.memory_space<semaphore_mem>>) src(%dma_wait3A_87 : memref<10000x272xf32, #tpu.memory_space<hbm>>) dst(%arg11 : memref<80x272xf32, #tpu.memory_space<vmem>>)
      %dma_wait3A_88 = arith.constant 0 : i32
      %dma_wait3A_89 = tpu.memref_slice %arg10[%mul3A_81, %dma_wait3A_88] : memref<125x80xi32, #tpu.memory_space<vmem>> -> memref<1x80xi32, #tpu.memory_space<vmem>>
      %dma_wait3A_90 = tpu.memref_squeeze %dma_wait3A_89 : memref<1x80xi32, #tpu.memory_space<vmem>> -> memref<80xi32, #tpu.memory_space<vmem>>
      %dma_wait3A_91 = arith.constant 0 : i32
      %dma_wait3A_92 = arith.constant 0 : i32
      %dma_wait3A_93 = tpu.memref_slice %arg3[%dma_wait3A_91, %dma_wait3A_92] : memref<320000x16xf32, #tpu.memory_space<hbm>> -> memref<320000x16xf32, #tpu.memory_space<hbm>>
      tpu.wait_indirect_dma semaphore(%arg19 : memref<!tpu.dma_semaphore, #tpu.memory_space<semaphore_mem>>) src(%dma_wait3A_93 : memref<320000x16xf32, #tpu.memory_space<hbm>>) dst(%arg13 : memref<80x16xf32, #tpu.memory_space<vmem>>)
      %scan3A_94 = arith.constant 0 : i32
      %scan3A_95 = arith.constant 0 : i32
      %scan3A_96 = arith.constant 80 : i32
      %scan3A_97 = arith.addi %scan3A_95, %scan3A_96 : i32
      %scan3A_98 = arith.constant 1 : i32
      scf.for %scan3A_136 = %scan3A_95 to %scan3A_97 step %scan3A_98  : i32 {
        %get3A = arith.index_cast %scan3A_136 : i32 to index
        %get3A_137 = arith.constant 0 : index
        %get3A_138 = tpu.vector_load %arg13[%get3A, %get3A_137] {strides = array<i32>} : memref<80x16xf32, #tpu.memory_space<vmem>>, vector<1x16xf32>,
        %get3A_139 = vector.shape_cast %get3A_138 : vector<1x16xf32> to vector<16xf32>
        %get3A_140 = arith.index_cast %scan3A_136 : i32 to index
        %get3A_141 = arith.constant 256 : index
        %get3A_142 = tpu.vector_load %arg11[%get3A_140, %get3A_141] {strides = array<i32>} : memref<80x272xf32, #tpu.memory_space<vmem>>, vector<1x16xf32>,
        %get3A_143 = vector.shape_cast %get3A_142 : vector<1x16xf32> to vector<16xf32>
        %broadcast_in_dim3A = arith.constant 1 : i32
        %broadcast_in_dim3A_144 = vector.broadcast %broadcast_in_dim3A : i32 to vector<16x1xi32>
        %gather3A = vector.shape_cast %broadcast_in_dim3A_144 : vector<16x1xi32> to vector<16xi32>
        %gather3A_145 = tpu.dynamic_gather %get3A_139[%gather3A] in [0] : vector<16xf32>, vector<16xi32> -> vector<16xf32>
        %get3A_146 = arith.index_cast %scan3A_136 : i32 to index
        %get3A_147 = arith.constant 16 : index
        %get3A_148 = tpu.vector_load %arg11[%get3A_146, %get3A_147] {strides = array<i32>} : memref<80x272xf32, #tpu.memory_space<vmem>>, vector<1x16xf32>,
        %get3A_149 = vector.shape_cast %get3A_148 : vector<1x16xf32> to vector<16xf32>
        %mul3A_150 = arith.mulf %gather3A_145, %get3A_149 : vector<16xf32>
        %broadcast_in_dim3A_151 = arith.constant 2 : i32
        %broadcast_in_dim3A_152 = vector.broadcast %broadcast_in_dim3A_151 : i32 to vector<16x1xi32>
        %gather3A_153 = vector.shape_cast %broadcast_in_dim3A_152 : vector<16x1xi32> to vector<16xi32>
        %gather3A_154 = tpu.dynamic_gather %get3A_139[%gather3A_153] in [0] : vector<16xf32>, vector<16xi32> -> vector<16xf32>
        %get3A_155 = arith.index_cast %scan3A_136 : i32 to index
        %get3A_156 = arith.constant 32 : index
        %get3A_157 = tpu.vector_load %arg11[%get3A_155, %get3A_156] {strides = array<i32>} : memref<80x272xf32, #tpu.memory_space<vmem>>, vector<1x16xf32>,
        %get3A_158 = vector.shape_cast %get3A_157 : vector<1x16xf32> to vector<16xf32>
        %mul3A_159 = arith.mulf %gather3A_154, %get3A_158 : vector<16xf32>
        %broadcast_in_dim3A_160 = arith.constant 3 : i32
        %broadcast_in_dim3A_161 = vector.broadcast %broadcast_in_dim3A_160 : i32 to vector<16x1xi32>
        %gather3A_162 = vector.shape_cast %broadcast_in_dim3A_161 : vector<16x1xi32> to vector<16xi32>
        %gather3A_163 = tpu.dynamic_gather %get3A_139[%gather3A_162] in [0] : vector<16xf32>, vector<16xi32> -> vector<16xf32>
        %get3A_164 = arith.index_cast %scan3A_136 : i32 to index
        %get3A_165 = arith.constant 48 : index
        %get3A_166 = tpu.vector_load %arg11[%get3A_164, %get3A_165] {strides = array<i32>} : memref<80x272xf32, #tpu.memory_space<vmem>>, vector<1x16xf32>,
        %get3A_167 = vector.shape_cast %get3A_166 : vector<1x16xf32> to vector<16xf32>
        %mul3A_168 = arith.mulf %gather3A_163, %get3A_167 : vector<16xf32>
        %broadcast_in_dim3A_169 = arith.constant 0 : i32
        %broadcast_in_dim3A_170 = vector.broadcast %broadcast_in_dim3A_169 : i32 to vector<16x1xi32>
        %gather3A_171 = vector.shape_cast %broadcast_in_dim3A_170 : vector<16x1xi32> to vector<16xi32>
        %gather3A_172 = tpu.dynamic_gather %get3A_139[%gather3A_171] in [0] : vector<16xf32>, vector<16xi32> -> vector<16xf32>
        %get3A_173 = arith.index_cast %scan3A_136 : i32 to index
        %get3A_174 = arith.constant 0 : index
        %get3A_175 = tpu.vector_load %arg11[%get3A_173, %get3A_174] {strides = array<i32>} : memref<80x272xf32, #tpu.memory_space<vmem>>, vector<1x16xf32>,
        %get3A_176 = vector.shape_cast %get3A_175 : vector<1x16xf32> to vector<16xf32>
        %mul3A_177 = arith.mulf %gather3A_172, %get3A_176 : vector<16xf32>
        %add3A_178 = arith.addf %get3A_143, %mul3A_177 : vector<16xf32>
        %broadcast_in_dim3A_179 = arith.constant 4 : i32
        %broadcast_in_dim3A_180 = vector.broadcast %broadcast_in_dim3A_179 : i32 to vector<16x1xi32>
        %gather3A_181 = vector.shape_cast %broadcast_in_dim3A_180 : vector<16x1xi32> to vector<16xi32>
        %gather3A_182 = tpu.dynamic_gather %get3A_139[%gather3A_181] in [0] : vector<16xf32>, vector<16xi32> -> vector<16xf32>
        %get3A_183 = arith.index_cast %scan3A_136 : i32 to index
        %get3A_184 = arith.constant 64 : index
        %get3A_185 = tpu.vector_load %arg11[%get3A_183, %get3A_184] {strides = array<i32>} : memref<80x272xf32, #tpu.memory_space<vmem>>, vector<1x16xf32>,
        %get3A_186 = vector.shape_cast %get3A_185 : vector<1x16xf32> to vector<16xf32>
        %mul3A_187 = arith.mulf %gather3A_182, %get3A_186 : vector<16xf32>
        %add3A_188 = arith.addf %add3A_178, %mul3A_187 : vector<16xf32>
        %broadcast_in_dim3A_189 = arith.constant 5 : i32
        %broadcast_in_dim3A_190 = vector.broadcast %broadcast_in_dim3A_189 : i32 to vector<16x1xi32>
        %gather3A_191 = vector.shape_cast %broadcast_in_dim3A_190 : vector<16x1xi32> to vector<16xi32>
        %gather3A_192 = tpu.dynamic_gather %get3A_139[%gather3A_191] in [0] : vector<16xf32>, vector<16xi32> -> vector<16xf32>
        %get3A_193 = arith.index_cast %scan3A_136 : i32 to index
        %get3A_194 = arith.constant 80 : index
        %get3A_195 = tpu.vector_load %arg11[%get3A_193, %get3A_194] {strides = array<i32>} : memref<80x272xf32, #tpu.memory_space<vmem>>, vector<1x16xf32>,
        %get3A_196 = vector.shape_cast %get3A_195 : vector<1x16xf32> to vector<16xf32>
        %mul3A_197 = arith.mulf %gather3A_192, %get3A_196 : vector<16xf32>
        %add3A_198 = arith.addf %mul3A_150, %mul3A_197 : vector<16xf32>
        %broadcast_in_dim3A_199 = arith.constant 6 : i32
        %broadcast_in_dim3A_200 = vector.broadcast %broadcast_in_dim3A_199 : i32 to vector<16x1xi32>
        %gather3A_201 = vector.shape_cast %broadcast_in_dim3A_200 : vector<16x1xi32> to vector<16xi32>
        %gather3A_202 = tpu.dynamic_gather %get3A_139[%gather3A_201] in [0] : vector<16xf32>, vector<16xi32> -> vector<16xf32>
        %get3A_203 = arith.index_cast %scan3A_136 : i32 to index
        %get3A_204 = arith.constant 96 : index
        %get3A_205 = tpu.vector_load %arg11[%get3A_203, %get3A_204] {strides = array<i32>} : memref<80x272xf32, #tpu.memory_space<vmem>>, vector<1x16xf32>,
        %get3A_206 = vector.shape_cast %get3A_205 : vector<1x16xf32> to vector<16xf32>
        %mul3A_207 = arith.mulf %gather3A_202, %get3A_206 : vector<16xf32>
        %add3A_208 = arith.addf %mul3A_159, %mul3A_207 : vector<16xf32>
        %broadcast_in_dim3A_209 = arith.constant 7 : i32
        %broadcast_in_dim3A_210 = vector.broadcast %broadcast_in_dim3A_209 : i32 to vector<16x1xi32>
        %gather3A_211 = vector.shape_cast %broadcast_in_dim3A_210 : vector<16x1xi32> to vector<16xi32>
        %gather3A_212 = tpu.dynamic_gather %get3A_139[%gather3A_211] in [0] : vector<16xf32>, vector<16xi32> -> vector<16xf32>
        %get3A_213 = arith.index_cast %scan3A_136 : i32 to index
        %get3A_214 = arith.constant 112 : index
        %get3A_215 = tpu.vector_load %arg11[%get3A_213, %get3A_214] {strides = array<i32>} : memref<80x272xf32, #tpu.memory_space<vmem>>, vector<1x16xf32>,
        %get3A_216 = vector.shape_cast %get3A_215 : vector<1x16xf32> to vector<16xf32>
        %mul3A_217 = arith.mulf %gather3A_212, %get3A_216 : vector<16xf32>
        %add3A_218 = arith.addf %mul3A_168, %mul3A_217 : vector<16xf32>
        %broadcast_in_dim3A_219 = arith.constant 8 : i32
        %broadcast_in_dim3A_220 = vector.broadcast %broadcast_in_dim3A_219 : i32 to vector<16x1xi32>
        %gather3A_221 = vector.shape_cast %broadcast_in_dim3A_220 : vector<16x1xi32> to vector<16xi32>
        %gather3A_222 = tpu.dynamic_gather %get3A_139[%gather3A_221] in [0] : vector<16xf32>, vector<16xi32> -> vector<16xf32>
        %get3A_223 = arith.index_cast %scan3A_136 : i32 to index
        %get3A_224 = arith.constant 128 : index
        %get3A_225 = tpu.vector_load %arg11[%get3A_223, %get3A_224] {strides = array<i32>} : memref<80x272xf32, #tpu.memory_space<vmem>>, vector<1x16xf32>,
        %get3A_226 = vector.shape_cast %get3A_225 : vector<1x16xf32> to vector<16xf32>
        %mul3A_227 = arith.mulf %gather3A_222, %get3A_226 : vector<16xf32>
        %add3A_228 = arith.addf %add3A_188, %mul3A_227 : vector<16xf32>
        %broadcast_in_dim3A_229 = arith.constant 9 : i32
        %broadcast_in_dim3A_230 = vector.broadcast %broadcast_in_dim3A_229 : i32 to vector<16x1xi32>
        %gather3A_231 = vector.shape_cast %broadcast_in_dim3A_230 : vector<16x1xi32> to vector<16xi32>
        %gather3A_232 = tpu.dynamic_gather %get3A_139[%gather3A_231] in [0] : vector<16xf32>, vector<16xi32> -> vector<16xf32>
        %get3A_233 = arith.index_cast %scan3A_136 : i32 to index
        %get3A_234 = arith.constant 144 : index
        %get3A_235 = tpu.vector_load %arg11[%get3A_233, %get3A_234] {strides = array<i32>} : memref<80x272xf32, #tpu.memory_space<vmem>>, vector<1x16xf32>,
        %get3A_236 = vector.shape_cast %get3A_235 : vector<1x16xf32> to vector<16xf32>
        %mul3A_237 = arith.mulf %gather3A_232, %get3A_236 : vector<16xf32>
        %add3A_238 = arith.addf %add3A_198, %mul3A_237 : vector<16xf32>
        %broadcast_in_dim3A_239 = arith.constant 10 : i32
        %broadcast_in_dim3A_240 = vector.broadcast %broadcast_in_dim3A_239 : i32 to vector<16x1xi32>
        %gather3A_241 = vector.shape_cast %broadcast_in_dim3A_240 : vector<16x1xi32> to vector<16xi32>
        %gather3A_242 = tpu.dynamic_gather %get3A_139[%gather3A_241] in [0] : vector<16xf32>, vector<16xi32> -> vector<16xf32>
        %get3A_243 = arith.index_cast %scan3A_136 : i32 to index
        %get3A_244 = arith.constant 160 : index
        %get3A_245 = tpu.vector_load %arg11[%get3A_243, %get3A_244] {strides = array<i32>} : memref<80x272xf32, #tpu.memory_space<vmem>>, vector<1x16xf32>,
        %get3A_246 = vector.shape_cast %get3A_245 : vector<1x16xf32> to vector<16xf32>
        %mul3A_247 = arith.mulf %gather3A_242, %get3A_246 : vector<16xf32>
        %add3A_248 = arith.addf %add3A_208, %mul3A_247 : vector<16xf32>
        %broadcast_in_dim3A_249 = arith.constant 11 : i32
        %broadcast_in_dim3A_250 = vector.broadcast %broadcast_in_dim3A_249 : i32 to vector<16x1xi32>
        %gather3A_251 = vector.shape_cast %broadcast_in_dim3A_250 : vector<16x1xi32> to vector<16xi32>
        %gather3A_252 = tpu.dynamic_gather %get3A_139[%gather3A_251] in [0] : vector<16xf32>, vector<16xi32> -> vector<16xf32>
        %get3A_253 = arith.index_cast %scan3A_136 : i32 to index
        %get3A_254 = arith.constant 176 : index
        %get3A_255 = tpu.vector_load %arg11[%get3A_253, %get3A_254] {strides = array<i32>} : memref<80x272xf32, #tpu.memory_space<vmem>>, vector<1x16xf32>,
        %get3A_256 = vector.shape_cast %get3A_255 : vector<1x16xf32> to vector<16xf32>
        %mul3A_257 = arith.mulf %gather3A_252, %get3A_256 : vector<16xf32>
        %add3A_258 = arith.addf %add3A_218, %mul3A_257 : vector<16xf32>
        %broadcast_in_dim3A_259 = arith.constant 12 : i32
        %broadcast_in_dim3A_260 = vector.broadcast %broadcast_in_dim3A_259 : i32 to vector<16x1xi32>
        %gather3A_261 = vector.shape_cast %broadcast_in_dim3A_260 : vector<16x1xi32> to vector<16xi32>
        %gather3A_262 = tpu.dynamic_gather %get3A_139[%gather3A_261] in [0] : vector<16xf32>, vector<16xi32> -> vector<16xf32>
        %get3A_263 = arith.index_cast %scan3A_136 : i32 to index
        %get3A_264 = arith.constant 192 : index
        %get3A_265 = tpu.vector_load %arg11[%get3A_263, %get3A_264] {strides = array<i32>} : memref<80x272xf32, #tpu.memory_space<vmem>>, vector<1x16xf32>,
        %get3A_266 = vector.shape_cast %get3A_265 : vector<1x16xf32> to vector<16xf32>
        %mul3A_267 = arith.mulf %gather3A_262, %get3A_266 : vector<16xf32>
        %add3A_268 = arith.addf %add3A_228, %mul3A_267 : vector<16xf32>
        %broadcast_in_dim3A_269 = arith.constant 13 : i32
        %broadcast_in_dim3A_270 = vector.broadcast %broadcast_in_dim3A_269 : i32 to vector<16x1xi32>
        %gather3A_271 = vector.shape_cast %broadcast_in_dim3A_270 : vector<16x1xi32> to vector<16xi32>
        %gather3A_272 = tpu.dynamic_gather %get3A_139[%gather3A_271] in [0] : vector<16xf32>, vector<16xi32> -> vector<16xf32>
        %get3A_273 = arith.index_cast %scan3A_136 : i32 to index
        %get3A_274 = arith.constant 208 : index
        %get3A_275 = tpu.vector_load %arg11[%get3A_273, %get3A_274] {strides = array<i32>} : memref<80x272xf32, #tpu.memory_space<vmem>>, vector<1x16xf32>,
        %get3A_276 = vector.shape_cast %get3A_275 : vector<1x16xf32> to vector<16xf32>
        %mul3A_277 = arith.mulf %gather3A_272, %get3A_276 : vector<16xf32>
        %add3A_278 = arith.addf %add3A_238, %mul3A_277 : vector<16xf32>
        %broadcast_in_dim3A_279 = arith.constant 14 : i32
        %broadcast_in_dim3A_280 = vector.broadcast %broadcast_in_dim3A_279 : i32 to vector<16x1xi32>
        %gather3A_281 = vector.shape_cast %broadcast_in_dim3A_280 : vector<16x1xi32> to vector<16xi32>
        %gather3A_282 = tpu.dynamic_gather %get3A_139[%gather3A_281] in [0] : vector<16xf32>, vector<16xi32> -> vector<16xf32>
        %get3A_283 = arith.index_cast %scan3A_136 : i32 to index
        %get3A_284 = arith.constant 224 : index
        %get3A_285 = tpu.vector_load %arg11[%get3A_283, %get3A_284] {strides = array<i32>} : memref<80x272xf32, #tpu.memory_space<vmem>>, vector<1x16xf32>,
        %get3A_286 = vector.shape_cast %get3A_285 : vector<1x16xf32> to vector<16xf32>
        %mul3A_287 = arith.mulf %gather3A_282, %get3A_286 : vector<16xf32>
        %add3A_288 = arith.addf %add3A_248, %mul3A_287 : vector<16xf32>
        %broadcast_in_dim3A_289 = arith.constant 15 : i32
        %broadcast_in_dim3A_290 = vector.broadcast %broadcast_in_dim3A_289 : i32 to vector<16x1xi32>
        %gather3A_291 = vector.shape_cast %broadcast_in_dim3A_290 : vector<16x1xi32> to vector<16xi32>
        %gather3A_292 = tpu.dynamic_gather %get3A_139[%gather3A_291] in [0] : vector<16xf32>, vector<16xi32> -> vector<16xf32>
        %get3A_293 = arith.index_cast %scan3A_136 : i32 to index
        %get3A_294 = arith.constant 240 : index
        %get3A_295 = tpu.vector_load %arg11[%get3A_293, %get3A_294] {strides = array<i32>} : memref<80x272xf32, #tpu.memory_space<vmem>>, vector<1x16xf32>,
        %get3A_296 = vector.shape_cast %get3A_295 : vector<1x16xf32> to vector<16xf32>
        %mul3A_297 = arith.mulf %gather3A_292, %get3A_296 : vector<16xf32>
        %add3A_298 = arith.addf %add3A_258, %mul3A_297 : vector<16xf32>
        %add3A_299 = arith.addf %add3A_268, %add3A_278 : vector<16xf32>
        %add3A_300 = arith.addf %add3A_288, %add3A_298 : vector<16xf32>
        %add3A_301 = arith.addf %add3A_299, %add3A_300 : vector<16xf32>
        %swap3A = arith.index_cast %scan3A_136 : i32 to index
        %swap3A_302 = arith.constant 0 : index
        %swap3A_303 = tpu.vector_load %arg15[%swap3A, %swap3A_302] {strides = array<i32>} : memref<80x16xf32, #tpu.memory_space<vmem>>, vector<1x16xf32>,
        %swap3A_304 = vector.shape_cast %swap3A_303 : vector<1x16xf32> to vector<16xf32>
        %swap3A_305 = vector.shape_cast %add3A_301 : vector<16xf32> to vector<1x16xf32>
        tpu.vector_store %arg15[%swap3A, %swap3A_302], %swap3A_305 {strides = array<i32>} : memref<80x16xf32, #tpu.memory_space<vmem>>, vector<1x16xf32>,
      }
      %scan3A_99 = arith.constant 80 : i32
      "tpu.region"() ({
        %run_scoped3A_136 = tpu.sem_alloc : memref<!tpu.dma_semaphore, #tpu.memory_space<semaphore_mem>>
        %dma_start3A_137 = arith.constant 0 : i32
        %dma_start3A_138 = tpu.memref_slice %arg9[%mul3A_81, %dma_start3A_137] : memref<125x80xi32, #tpu.memory_space<vmem>> -> memref<1x80xi32, #tpu.memory_space<vmem>>
        %dma_start3A_139 = tpu.memref_squeeze %dma_start3A_138 : memref<1x80xi32, #tpu.memory_space<vmem>> -> memref<80xi32, #tpu.memory_space<vmem>>
        %dma_start3A_140 = arith.constant 0 : i32
        %dma_start3A_141 = arith.constant 0 : i32
        %dma_start3A_142 = tpu.memref_slice %arg18[%dma_start3A_140, %dma_start3A_141] : memref<30000x16xf32, #tpu.memory_space<vmem_shared>> -> memref<30000x16xf32, #tpu.memory_space<vmem_shared>>
        tpu.enqueue_indirect_dma source(%arg15 : memref<80x16xf32, #tpu.memory_space<vmem>>) target(%dma_start3A_142 : memref<30000x16xf32, #tpu.memory_space<vmem_shared>>) offsets(%dma_start3A_139 : memref<80xi32, #tpu.memory_space<vmem>>) semaphore(%run_scoped3A_136 : memref<!tpu.dma_semaphore, #tpu.memory_space<semaphore_mem>>) {add = true}
        %dma_wait3A_143 = arith.constant 0 : i32
        %dma_wait3A_144 = tpu.memref_slice %arg9[%mul3A_81, %dma_wait3A_143] : memref<125x80xi32, #tpu.memory_space<vmem>> -> memref<1x80xi32, #tpu.memory_space<vmem>>
        %dma_wait3A_145 = tpu.memref_squeeze %dma_wait3A_144 : memref<1x80xi32, #tpu.memory_space<vmem>> -> memref<80xi32, #tpu.memory_space<vmem>>
        %dma_wait3A_146 = arith.constant 0 : i32
        %dma_wait3A_147 = arith.constant 0 : i32
        %dma_wait3A_148 = tpu.memref_slice %arg18[%dma_wait3A_146, %dma_wait3A_147] : memref<30000x16xf32, #tpu.memory_space<vmem_shared>> -> memref<30000x16xf32, #tpu.memory_space<vmem_shared>>
        tpu.wait_indirect_dma semaphore(%run_scoped3A_136 : memref<!tpu.dma_semaphore, #tpu.memory_space<semaphore_mem>>) src(%arg15 : memref<80x16xf32, #tpu.memory_space<vmem>>) dst(%dma_wait3A_148 : memref<30000x16xf32, #tpu.memory_space<vmem_shared>>)
        tpu.yield
      }) : () -> ()
      %add3A_100 = arith.constant 2 : i32
      %add3A_101 = arith.addi %mul3A_81, %add3A_100 : i32
      %dma_start3A_102 = arith.constant 0 : i32
      %dma_start3A_103 = tpu.memref_slice %arg8[%add3A_101, %dma_start3A_102] : memref<125x80xi32, #tpu.memory_space<vmem>> -> memref<1x80xi32, #tpu.memory_space<vmem>>
      %dma_start3A_104 = tpu.memref_squeeze %dma_start3A_103 : memref<1x80xi32, #tpu.memory_space<vmem>> -> memref<80xi32, #tpu.memory_space<vmem>>
      %dma_start3A_105 = arith.constant 0 : i32
      %dma_start3A_106 = arith.constant 0 : i32
      %dma_start3A_107 = tpu.memref_slice %arg2[%dma_start3A_105, %dma_start3A_106] : memref<10000x272xf32, #tpu.memory_space<hbm>> -> memref<10000x272xf32, #tpu.memory_space<hbm>>
      tpu.enqueue_indirect_dma source(%dma_start3A_107 : memref<10000x272xf32, #tpu.memory_space<hbm>>) target(%arg11 : memref<80x272xf32, #tpu.memory_space<vmem>>) offsets(%dma_start3A_104 : memref<80xi32, #tpu.memory_space<vmem>>) semaphore(%arg19 : memref<!tpu.dma_semaphore, #tpu.memory_space<semaphore_mem>>)
      %dma_start3A_108 = arith.constant 0 : i32
      %dma_start3A_109 = tpu.memref_slice %arg10[%add3A_101, %dma_start3A_108] : memref<125x80xi32, #tpu.memory_space<vmem>> -> memref<1x80xi32, #tpu.memory_space<vmem>>
      %dma_start3A_110 = tpu.memref_squeeze %dma_start3A_109 : memref<1x80xi32, #tpu.memory_space<vmem>> -> memref<80xi32, #tpu.memory_space<vmem>>
      %dma_start3A_111 = arith.constant 0 : i32
      %dma_start3A_112 = arith.constant 0 : i32
      %dma_start3A_113 = tpu.memref_slice %arg3[%dma_start3A_111, %dma_start3A_112] : memref<320000x16xf32, #tpu.memory_space<hbm>> -> memref<320000x16xf32, #tpu.memory_space<hbm>>
      tpu.enqueue_indirect_dma source(%dma_start3A_113 : memref<320000x16xf32, #tpu.memory_space<hbm>>) target(%arg13 : memref<80x16xf32, #tpu.memory_space<vmem>>) offsets(%dma_start3A_110 : memref<80xi32, #tpu.memory_space<vmem>>) semaphore(%arg19 : memref<!tpu.dma_semaphore, #tpu.memory_space<semaphore_mem>>)
      %add3A_114 = arith.constant 1 : i32
      %add3A_115 = arith.addi %mul3A_81, %add3A_114 : i32
      %dma_wait3A_116 = arith.constant 0 : i32
      %dma_wait3A_117 = tpu.memref_slice %arg8[%add3A_115, %dma_wait3A_116] : memref<125x80xi32, #tpu.memory_space<vmem>> -> memref<1x80xi32, #tpu.memory_space<vmem>>
      %dma_wait3A_118 = tpu.memref_squeeze %dma_wait3A_117 : memref<1x80xi32, #tpu.memory_space<vmem>> -> memref<80xi32, #tpu.memory_space<vmem>>
      %dma_wait3A_119 = arith.constant 0 : i32
      %dma_wait3A_120 = arith.constant 0 : i32
      %dma_wait3A_121 = tpu.memref_slice %arg2[%dma_wait3A_119, %dma_wait3A_120] : memref<10000x272xf32, #tpu.memory_space<hbm>> -> memref<10000x272xf32, #tpu.memory_space<hbm>>
      tpu.wait_indirect_dma semaphore(%arg20 : memref<!tpu.dma_semaphore, #tpu.memory_space<semaphore_mem>>) src(%dma_wait3A_121 : memref<10000x272xf32, #tpu.memory_space<hbm>>) dst(%arg12 : memref<80x272xf32, #tpu.memory_space<vmem>>)
      %dma_wait3A_122 = arith.constant 0 : i32
      %dma_wait3A_123 = tpu.memref_slice %arg10[%add3A_115, %dma_wait3A_122] : memref<125x80xi32, #tpu.memory_space<vmem>> -> memref<1x80xi32, #tpu.memory_space<vmem>>
      %dma_wait3A_124 = tpu.memref_squeeze %dma_wait3A_123 : memref<1x80xi32, #tpu.memory_space<vmem>> -> memref<80xi32, #tpu.memory_space<vmem>>
      %dma_wait3A_125 = arith.constant 0 : i32
      %dma_wait3A_126 = arith.constant 0 : i32
      %dma_wait3A_127 = tpu.memref_slice %arg3[%dma_wait3A_125, %dma_wait3A_126] : memref<320000x16xf32, #tpu.memory_space<hbm>> -> memref<320000x16xf32, #tpu.memory_space<hbm>>
      tpu.wait_indirect_dma semaphore(%arg20 : memref<!tpu.dma_semaphore, #tpu.memory_space<semaphore_mem>>) src(%dma_wait3A_127 : memref<320000x16xf32, #tpu.memory_space<hbm>>) dst(%arg14 : memref<80x16xf32, #tpu.memory_space<vmem>>)
      %scan3A_128 = arith.constant 0 : i32
      %scan3A_129 = arith.constant 0 : i32
      %scan3A_130 = arith.constant 80 : i32
      %scan3A_131 = arith.addi %scan3A_129, %scan3A_130 : i32
      %scan3A_132 = arith.constant 1 : i32
      scf.for %scan3A_136 = %scan3A_129 to %scan3A_131 step %scan3A_132  : i32 {
        %get3A = arith.index_cast %scan3A_136 : i32 to index
        %get3A_137 = arith.constant 0 : index
        %get3A_138 = tpu.vector_load %arg14[%get3A, %get3A_137] {strides = array<i32>} : memref<80x16xf32, #tpu.memory_space<vmem>>, vector<1x16xf32>,
        %get3A_139 = vector.shape_cast %get3A_138 : vector<1x16xf32> to vector<16xf32>
        %get3A_140 = arith.index_cast %scan3A_136 : i32 to index
        %get3A_141 = arith.constant 256 : index
        %get3A_142 = tpu.vector_load %arg12[%get3A_140, %get3A_141] {strides = array<i32>} : memref<80x272xf32, #tpu.memory_space<vmem>>, vector<1x16xf32>,
        %get3A_143 = vector.shape_cast %get3A_142 : vector<1x16xf32> to vector<16xf32>
        %broadcast_in_dim3A = arith.constant 1 : i32
        %broadcast_in_dim3A_144 = vector.broadcast %broadcast_in_dim3A : i32 to vector<16x1xi32>
        %gather3A = vector.shape_cast %broadcast_in_dim3A_144 : vector<16x1xi32> to vector<16xi32>
        %gather3A_145 = tpu.dynamic_gather %get3A_139[%gather3A] in [0] : vector<16xf32>, vector<16xi32> -> vector<16xf32>
        %get3A_146 = arith.index_cast %scan3A_136 : i32 to index
        %get3A_147 = arith.constant 16 : index
        %get3A_148 = tpu.vector_load %arg12[%get3A_146, %get3A_147] {strides = array<i32>} : memref<80x272xf32, #tpu.memory_space<vmem>>, vector<1x16xf32>,
        %get3A_149 = vector.shape_cast %get3A_148 : vector<1x16xf32> to vector<16xf32>
        %mul3A_150 = arith.mulf %gather3A_145, %get3A_149 : vector<16xf32>
        %broadcast_in_dim3A_151 = arith.constant 2 : i32
        %broadcast_in_dim3A_152 = vector.broadcast %broadcast_in_dim3A_151 : i32 to vector<16x1xi32>
        %gather3A_153 = vector.shape_cast %broadcast_in_dim3A_152 : vector<16x1xi32> to vector<16xi32>
        %gather3A_154 = tpu.dynamic_gather %get3A_139[%gather3A_153] in [0] : vector<16xf32>, vector<16xi32> -> vector<16xf32>
        %get3A_155 = arith.index_cast %scan3A_136 : i32 to index
        %get3A_156 = arith.constant 32 : index
        %get3A_157 = tpu.vector_load %arg12[%get3A_155, %get3A_156] {strides = array<i32>} : memref<80x272xf32, #tpu.memory_space<vmem>>, vector<1x16xf32>,
        %get3A_158 = vector.shape_cast %get3A_157 : vector<1x16xf32> to vector<16xf32>
        %mul3A_159 = arith.mulf %gather3A_154, %get3A_158 : vector<16xf32>
        %broadcast_in_dim3A_160 = arith.constant 3 : i32
        %broadcast_in_dim3A_161 = vector.broadcast %broadcast_in_dim3A_160 : i32 to vector<16x1xi32>
        %gather3A_162 = vector.shape_cast %broadcast_in_dim3A_161 : vector<16x1xi32> to vector<16xi32>
        %gather3A_163 = tpu.dynamic_gather %get3A_139[%gather3A_162] in [0] : vector<16xf32>, vector<16xi32> -> vector<16xf32>
        %get3A_164 = arith.index_cast %scan3A_136 : i32 to index
        %get3A_165 = arith.constant 48 : index
        %get3A_166 = tpu.vector_load %arg12[%get3A_164, %get3A_165] {strides = array<i32>} : memref<80x272xf32, #tpu.memory_space<vmem>>, vector<1x16xf32>,
        %get3A_167 = vector.shape_cast %get3A_166 : vector<1x16xf32> to vector<16xf32>
        %mul3A_168 = arith.mulf %gather3A_163, %get3A_167 : vector<16xf32>
        %broadcast_in_dim3A_169 = arith.constant 0 : i32
        %broadcast_in_dim3A_170 = vector.broadcast %broadcast_in_dim3A_169 : i32 to vector<16x1xi32>
        %gather3A_171 = vector.shape_cast %broadcast_in_dim3A_170 : vector<16x1xi32> to vector<16xi32>
        %gather3A_172 = tpu.dynamic_gather %get3A_139[%gather3A_171] in [0] : vector<16xf32>, vector<16xi32> -> vector<16xf32>
        %get3A_173 = arith.index_cast %scan3A_136 : i32 to index
        %get3A_174 = arith.constant 0 : index
        %get3A_175 = tpu.vector_load %arg12[%get3A_173, %get3A_174] {strides = array<i32>} : memref<80x272xf32, #tpu.memory_space<vmem>>, vector<1x16xf32>,
        %get3A_176 = vector.shape_cast %get3A_175 : vector<1x16xf32> to vector<16xf32>
        %mul3A_177 = arith.mulf %gather3A_172, %get3A_176 : vector<16xf32>
        %add3A_178 = arith.addf %get3A_143, %mul3A_177 : vector<16xf32>
        %broadcast_in_dim3A_179 = arith.constant 4 : i32
        %broadcast_in_dim3A_180 = vector.broadcast %broadcast_in_dim3A_179 : i32 to vector<16x1xi32>
        %gather3A_181 = vector.shape_cast %broadcast_in_dim3A_180 : vector<16x1xi32> to vector<16xi32>
        %gather3A_182 = tpu.dynamic_gather %get3A_139[%gather3A_181] in [0] : vector<16xf32>, vector<16xi32> -> vector<16xf32>
        %get3A_183 = arith.index_cast %scan3A_136 : i32 to index
        %get3A_184 = arith.constant 64 : index
        %get3A_185 = tpu.vector_load %arg12[%get3A_183, %get3A_184] {strides = array<i32>} : memref<80x272xf32, #tpu.memory_space<vmem>>, vector<1x16xf32>,
        %get3A_186 = vector.shape_cast %get3A_185 : vector<1x16xf32> to vector<16xf32>
        %mul3A_187 = arith.mulf %gather3A_182, %get3A_186 : vector<16xf32>
        %add3A_188 = arith.addf %add3A_178, %mul3A_187 : vector<16xf32>
        %broadcast_in_dim3A_189 = arith.constant 5 : i32
        %broadcast_in_dim3A_190 = vector.broadcast %broadcast_in_dim3A_189 : i32 to vector<16x1xi32>
        %gather3A_191 = vector.shape_cast %broadcast_in_dim3A_190 : vector<16x1xi32> to vector<16xi32>
        %gather3A_192 = tpu.dynamic_gather %get3A_139[%gather3A_191] in [0] : vector<16xf32>, vector<16xi32> -> vector<16xf32>
        %get3A_193 = arith.index_cast %scan3A_136 : i32 to index
        %get3A_194 = arith.constant 80 : index
        %get3A_195 = tpu.vector_load %arg12[%get3A_193, %get3A_194] {strides = array<i32>} : memref<80x272xf32, #tpu.memory_space<vmem>>, vector<1x16xf32>,
        %get3A_196 = vector.shape_cast %get3A_195 : vector<1x16xf32> to vector<16xf32>
        %mul3A_197 = arith.mulf %gather3A_192, %get3A_196 : vector<16xf32>
        %add3A_198 = arith.addf %mul3A_150, %mul3A_197 : vector<16xf32>
        %broadcast_in_dim3A_199 = arith.constant 6 : i32
        %broadcast_in_dim3A_200 = vector.broadcast %broadcast_in_dim3A_199 : i32 to vector<16x1xi32>
        %gather3A_201 = vector.shape_cast %broadcast_in_dim3A_200 : vector<16x1xi32> to vector<16xi32>
        %gather3A_202 = tpu.dynamic_gather %get3A_139[%gather3A_201] in [0] : vector<16xf32>, vector<16xi32> -> vector<16xf32>
        %get3A_203 = arith.index_cast %scan3A_136 : i32 to index
        %get3A_204 = arith.constant 96 : index
        %get3A_205 = tpu.vector_load %arg12[%get3A_203, %get3A_204] {strides = array<i32>} : memref<80x272xf32, #tpu.memory_space<vmem>>, vector<1x16xf32>,
        %get3A_206 = vector.shape_cast %get3A_205 : vector<1x16xf32> to vector<16xf32>
        %mul3A_207 = arith.mulf %gather3A_202, %get3A_206 : vector<16xf32>
        %add3A_208 = arith.addf %mul3A_159, %mul3A_207 : vector<16xf32>
        %broadcast_in_dim3A_209 = arith.constant 7 : i32
        %broadcast_in_dim3A_210 = vector.broadcast %broadcast_in_dim3A_209 : i32 to vector<16x1xi32>
        %gather3A_211 = vector.shape_cast %broadcast_in_dim3A_210 : vector<16x1xi32> to vector<16xi32>
        %gather3A_212 = tpu.dynamic_gather %get3A_139[%gather3A_211] in [0] : vector<16xf32>, vector<16xi32> -> vector<16xf32>
        %get3A_213 = arith.index_cast %scan3A_136 : i32 to index
        %get3A_214 = arith.constant 112 : index
        %get3A_215 = tpu.vector_load %arg12[%get3A_213, %get3A_214] {strides = array<i32>} : memref<80x272xf32, #tpu.memory_space<vmem>>, vector<1x16xf32>,
        %get3A_216 = vector.shape_cast %get3A_215 : vector<1x16xf32> to vector<16xf32>
        %mul3A_217 = arith.mulf %gather3A_212, %get3A_216 : vector<16xf32>
        %add3A_218 = arith.addf %mul3A_168, %mul3A_217 : vector<16xf32>
        %broadcast_in_dim3A_219 = arith.constant 8 : i32
        %broadcast_in_dim3A_220 = vector.broadcast %broadcast_in_dim3A_219 : i32 to vector<16x1xi32>
        %gather3A_221 = vector.shape_cast %broadcast_in_dim3A_220 : vector<16x1xi32> to vector<16xi32>
        %gather3A_222 = tpu.dynamic_gather %get3A_139[%gather3A_221] in [0] : vector<16xf32>, vector<16xi32> -> vector<16xf32>
        %get3A_223 = arith.index_cast %scan3A_136 : i32 to index
        %get3A_224 = arith.constant 128 : index
        %get3A_225 = tpu.vector_load %arg12[%get3A_223, %get3A_224] {strides = array<i32>} : memref<80x272xf32, #tpu.memory_space<vmem>>, vector<1x16xf32>,
        %get3A_226 = vector.shape_cast %get3A_225 : vector<1x16xf32> to vector<16xf32>
        %mul3A_227 = arith.mulf %gather3A_222, %get3A_226 : vector<16xf32>
        %add3A_228 = arith.addf %add3A_188, %mul3A_227 : vector<16xf32>
        %broadcast_in_dim3A_229 = arith.constant 9 : i32
        %broadcast_in_dim3A_230 = vector.broadcast %broadcast_in_dim3A_229 : i32 to vector<16x1xi32>
        %gather3A_231 = vector.shape_cast %broadcast_in_dim3A_230 : vector<16x1xi32> to vector<16xi32>
        %gather3A_232 = tpu.dynamic_gather %get3A_139[%gather3A_231] in [0] : vector<16xf32>, vector<16xi32> -> vector<16xf32>
        %get3A_233 = arith.index_cast %scan3A_136 : i32 to index
        %get3A_234 = arith.constant 144 : index
        %get3A_235 = tpu.vector_load %arg12[%get3A_233, %get3A_234] {strides = array<i32>} : memref<80x272xf32, #tpu.memory_space<vmem>>, vector<1x16xf32>,
        %get3A_236 = vector.shape_cast %get3A_235 : vector<1x16xf32> to vector<16xf32>
        %mul3A_237 = arith.mulf %gather3A_232, %get3A_236 : vector<16xf32>
        %add3A_238 = arith.addf %add3A_198, %mul3A_237 : vector<16xf32>
        %broadcast_in_dim3A_239 = arith.constant 10 : i32
        %broadcast_in_dim3A_240 = vector.broadcast %broadcast_in_dim3A_239 : i32 to vector<16x1xi32>
        %gather3A_241 = vector.shape_cast %broadcast_in_dim3A_240 : vector<16x1xi32> to vector<16xi32>
        %gather3A_242 = tpu.dynamic_gather %get3A_139[%gather3A_241] in [0] : vector<16xf32>, vector<16xi32> -> vector<16xf32>
        %get3A_243 = arith.index_cast %scan3A_136 : i32 to index
        %get3A_244 = arith.constant 160 : index
        %get3A_245 = tpu.vector_load %arg12[%get3A_243, %get3A_244] {strides = array<i32>} : memref<80x272xf32, #tpu.memory_space<vmem>>, vector<1x16xf32>,
        %get3A_246 = vector.shape_cast %get3A_245 : vector<1x16xf32> to vector<16xf32>
        %mul3A_247 = arith.mulf %gather3A_242, %get3A_246 : vector<16xf32>
        %add3A_248 = arith.addf %add3A_208, %mul3A_247 : vector<16xf32>
        %broadcast_in_dim3A_249 = arith.constant 11 : i32
        %broadcast_in_dim3A_250 = vector.broadcast %broadcast_in_dim3A_249 : i32 to vector<16x1xi32>
        %gather3A_251 = vector.shape_cast %broadcast_in_dim3A_250 : vector<16x1xi32> to vector<16xi32>
        %gather3A_252 = tpu.dynamic_gather %get3A_139[%gather3A_251] in [0] : vector<16xf32>, vector<16xi32> -> vector<16xf32>
        %get3A_253 = arith.index_cast %scan3A_136 : i32 to index
        %get3A_254 = arith.constant 176 : index
        %get3A_255 = tpu.vector_load %arg12[%get3A_253, %get3A_254] {strides = array<i32>} : memref<80x272xf32, #tpu.memory_space<vmem>>, vector<1x16xf32>,
        %get3A_256 = vector.shape_cast %get3A_255 : vector<1x16xf32> to vector<16xf32>
        %mul3A_257 = arith.mulf %gather3A_252, %get3A_256 : vector<16xf32>
        %add3A_258 = arith.addf %add3A_218, %mul3A_257 : vector<16xf32>
        %broadcast_in_dim3A_259 = arith.constant 12 : i32
        %broadcast_in_dim3A_260 = vector.broadcast %broadcast_in_dim3A_259 : i32 to vector<16x1xi32>
        %gather3A_261 = vector.shape_cast %broadcast_in_dim3A_260 : vector<16x1xi32> to vector<16xi32>
        %gather3A_262 = tpu.dynamic_gather %get3A_139[%gather3A_261] in [0] : vector<16xf32>, vector<16xi32> -> vector<16xf32>
        %get3A_263 = arith.index_cast %scan3A_136 : i32 to index
        %get3A_264 = arith.constant 192 : index
        %get3A_265 = tpu.vector_load %arg12[%get3A_263, %get3A_264] {strides = array<i32>} : memref<80x272xf32, #tpu.memory_space<vmem>>, vector<1x16xf32>,
        %get3A_266 = vector.shape_cast %get3A_265 : vector<1x16xf32> to vector<16xf32>
        %mul3A_267 = arith.mulf %gather3A_262, %get3A_266 : vector<16xf32>
        %add3A_268 = arith.addf %add3A_228, %mul3A_267 : vector<16xf32>
        %broadcast_in_dim3A_269 = arith.constant 13 : i32
        %broadcast_in_dim3A_270 = vector.broadcast %broadcast_in_dim3A_269 : i32 to vector<16x1xi32>
        %gather3A_271 = vector.shape_cast %broadcast_in_dim3A_270 : vector<16x1xi32> to vector<16xi32>
        %gather3A_272 = tpu.dynamic_gather %get3A_139[%gather3A_271] in [0] : vector<16xf32>, vector<16xi32> -> vector<16xf32>
        %get3A_273 = arith.index_cast %scan3A_136 : i32 to index
        %get3A_274 = arith.constant 208 : index
        %get3A_275 = tpu.vector_load %arg12[%get3A_273, %get3A_274] {strides = array<i32>} : memref<80x272xf32, #tpu.memory_space<vmem>>, vector<1x16xf32>,
        %get3A_276 = vector.shape_cast %get3A_275 : vector<1x16xf32> to vector<16xf32>
        %mul3A_277 = arith.mulf %gather3A_272, %get3A_276 : vector<16xf32>
        %add3A_278 = arith.addf %add3A_238, %mul3A_277 : vector<16xf32>
        %broadcast_in_dim3A_279 = arith.constant 14 : i32
        %broadcast_in_dim3A_280 = vector.broadcast %broadcast_in_dim3A_279 : i32 to vector<16x1xi32>
        %gather3A_281 = vector.shape_cast %broadcast_in_dim3A_280 : vector<16x1xi32> to vector<16xi32>
        %gather3A_282 = tpu.dynamic_gather %get3A_139[%gather3A_281] in [0] : vector<16xf32>, vector<16xi32> -> vector<16xf32>
        %get3A_283 = arith.index_cast %scan3A_136 : i32 to index
        %get3A_284 = arith.constant 224 : index
        %get3A_285 = tpu.vector_load %arg12[%get3A_283, %get3A_284] {strides = array<i32>} : memref<80x272xf32, #tpu.memory_space<vmem>>, vector<1x16xf32>,
        %get3A_286 = vector.shape_cast %get3A_285 : vector<1x16xf32> to vector<16xf32>
        %mul3A_287 = arith.mulf %gather3A_282, %get3A_286 : vector<16xf32>
        %add3A_288 = arith.addf %add3A_248, %mul3A_287 : vector<16xf32>
        %broadcast_in_dim3A_289 = arith.constant 15 : i32
        %broadcast_in_dim3A_290 = vector.broadcast %broadcast_in_dim3A_289 : i32 to vector<16x1xi32>
        %gather3A_291 = vector.shape_cast %broadcast_in_dim3A_290 : vector<16x1xi32> to vector<16xi32>
        %gather3A_292 = tpu.dynamic_gather %get3A_139[%gather3A_291] in [0] : vector<16xf32>, vector<16xi32> -> vector<16xf32>
        %get3A_293 = arith.index_cast %scan3A_136 : i32 to index
        %get3A_294 = arith.constant 240 : index
        %get3A_295 = tpu.vector_load %arg12[%get3A_293, %get3A_294] {strides = array<i32>} : memref<80x272xf32, #tpu.memory_space<vmem>>, vector<1x16xf32>,
        %get3A_296 = vector.shape_cast %get3A_295 : vector<1x16xf32> to vector<16xf32>
        %mul3A_297 = arith.mulf %gather3A_292, %get3A_296 : vector<16xf32>
        %add3A_298 = arith.addf %add3A_258, %mul3A_297 : vector<16xf32>
        %add3A_299 = arith.addf %add3A_268, %add3A_278 : vector<16xf32>
        %add3A_300 = arith.addf %add3A_288, %add3A_298 : vector<16xf32>
        %add3A_301 = arith.addf %add3A_299, %add3A_300 : vector<16xf32>
        %swap3A = arith.index_cast %scan3A_136 : i32 to index
        %swap3A_302 = arith.constant 0 : index
        %swap3A_303 = tpu.vector_load %arg15[%swap3A, %swap3A_302] {strides = array<i32>} : memref<80x16xf32, #tpu.memory_space<vmem>>, vector<1x16xf32>,
        %swap3A_304 = vector.shape_cast %swap3A_303 : vector<1x16xf32> to vector<16xf32>
        %swap3A_305 = vector.shape_cast %add3A_301 : vector<16xf32> to vector<1x16xf32>
        tpu.vector_store %arg15[%swap3A, %swap3A_302], %swap3A_305 {strides = array<i32>} : memref<80x16xf32, #tpu.memory_space<vmem>>, vector<1x16xf32>,
      }
      %scan3A_133 = arith.constant 80 : i32
      "tpu.region"() ({
        %run_scoped3A_136 = tpu.sem_alloc : memref<!tpu.dma_semaphore, #tpu.memory_space<semaphore_mem>>
        %dma_start3A_137 = arith.constant 0 : i32
        %dma_start3A_138 = tpu.memref_slice %arg9[%add3A_115, %dma_start3A_137] : memref<125x80xi32, #tpu.memory_space<vmem>> -> memref<1x80xi32, #tpu.memory_space<vmem>>
        %dma_start3A_139 = tpu.memref_squeeze %dma_start3A_138 : memref<1x80xi32, #tpu.memory_space<vmem>> -> memref<80xi32, #tpu.memory_space<vmem>>
        %dma_start3A_140 = arith.constant 0 : i32
        %dma_start3A_141 = arith.constant 0 : i32
        %dma_start3A_142 = tpu.memref_slice %arg18[%dma_start3A_140, %dma_start3A_141] : memref<30000x16xf32, #tpu.memory_space<vmem_shared>> -> memref<30000x16xf32, #tpu.memory_space<vmem_shared>>
        tpu.enqueue_indirect_dma source(%arg15 : memref<80x16xf32, #tpu.memory_space<vmem>>) target(%dma_start3A_142 : memref<30000x16xf32, #tpu.memory_space<vmem_shared>>) offsets(%dma_start3A_139 : memref<80xi32, #tpu.memory_space<vmem>>) semaphore(%run_scoped3A_136 : memref<!tpu.dma_semaphore, #tpu.memory_space<semaphore_mem>>) {add = true}
        %dma_wait3A_143 = arith.constant 0 : i32
        %dma_wait3A_144 = tpu.memref_slice %arg9[%add3A_115, %dma_wait3A_143] : memref<125x80xi32, #tpu.memory_space<vmem>> -> memref<1x80xi32, #tpu.memory_space<vmem>>
        %dma_wait3A_145 = tpu.memref_squeeze %dma_wait3A_144 : memref<1x80xi32, #tpu.memory_space<vmem>> -> memref<80xi32, #tpu.memory_space<vmem>>
        %dma_wait3A_146 = arith.constant 0 : i32
        %dma_wait3A_147 = arith.constant 0 : i32
        %dma_wait3A_148 = tpu.memref_slice %arg18[%dma_wait3A_146, %dma_wait3A_147] : memref<30000x16xf32, #tpu.memory_space<vmem_shared>> -> memref<30000x16xf32, #tpu.memory_space<vmem_shared>>
        tpu.wait_indirect_dma semaphore(%run_scoped3A_136 : memref<!tpu.dma_semaphore, #tpu.memory_space<semaphore_mem>>) src(%arg15 : memref<80x16xf32, #tpu.memory_space<vmem>>) dst(%dma_wait3A_148 : memref<30000x16xf32, #tpu.memory_space<vmem_shared>>)
        tpu.yield
      }) : () -> ()
      %lt3A = arith.constant 61 : i32
      %lt3A_134 = arith.cmpi slt, %scan3A_79, %lt3A : i32
      %convert_element_type3A = arith.extui %lt3A_134 : i1 to i32
      %cond3A = arith.constant 0 : i32
      %cond3A_135 = arith.cmpi ne, %convert_element_type3A, %cond3A : i32
      scf.if %cond3A_135 {
        %add3A_136 = arith.constant 2 : i32
        %add3A_137 = arith.addi %add3A_115, %add3A_136 : i32
        %dma_start3A_138 = arith.constant 0 : i32
        %dma_start3A_139 = tpu.memref_slice %arg8[%add3A_137, %dma_start3A_138] : memref<125x80xi32, #tpu.memory_space<vmem>> -> memref<1x80xi32, #tpu.memory_space<vmem>>
        %dma_start3A_140 = tpu.memref_squeeze %dma_start3A_139 : memref<1x80xi32, #tpu.memory_space<vmem>> -> memref<80xi32, #tpu.memory_space<vmem>>
        %dma_start3A_141 = arith.constant 0 : i32
        %dma_start3A_142 = arith.constant 0 : i32
        %dma_start3A_143 = tpu.memref_slice %arg2[%dma_start3A_141, %dma_start3A_142] : memref<10000x272xf32, #tpu.memory_space<hbm>> -> memref<10000x272xf32, #tpu.memory_space<hbm>>
        tpu.enqueue_indirect_dma source(%dma_start3A_143 : memref<10000x272xf32, #tpu.memory_space<hbm>>) target(%arg12 : memref<80x272xf32, #tpu.memory_space<vmem>>) offsets(%dma_start3A_140 : memref<80xi32, #tpu.memory_space<vmem>>) semaphore(%arg20 : memref<!tpu.dma_semaphore, #tpu.memory_space<semaphore_mem>>)
        %dma_start3A_144 = arith.constant 0 : i32
        %dma_start3A_145 = tpu.memref_slice %arg10[%add3A_137, %dma_start3A_144] : memref<125x80xi32, #tpu.memory_space<vmem>> -> memref<1x80xi32, #tpu.memory_space<vmem>>
        %dma_start3A_146 = tpu.memref_squeeze %dma_start3A_145 : memref<1x80xi32, #tpu.memory_space<vmem>> -> memref<80xi32, #tpu.memory_space<vmem>>
        %dma_start3A_147 = arith.constant 0 : i32
        %dma_start3A_148 = arith.constant 0 : i32
        %dma_start3A_149 = tpu.memref_slice %arg3[%dma_start3A_147, %dma_start3A_148] : memref<320000x16xf32, #tpu.memory_space<hbm>> -> memref<320000x16xf32, #tpu.memory_space<hbm>>
        tpu.enqueue_indirect_dma source(%dma_start3A_149 : memref<320000x16xf32, #tpu.memory_space<hbm>>) target(%arg14 : memref<80x16xf32, #tpu.memory_space<vmem>>) offsets(%dma_start3A_146 : memref<80xi32, #tpu.memory_space<vmem>>) semaphore(%arg20 : memref<!tpu.dma_semaphore, #tpu.memory_space<semaphore_mem>>)
      } else {
      }
    }
    %scan3A_50 = arith.constant 62 : i32
    %dma_wait3A = arith.constant 124 : i32
    %dma_wait3A_51 = arith.constant 0 : i32
    %dma_wait3A_52 = tpu.memref_slice %arg8[%dma_wait3A, %dma_wait3A_51] : memref<125x80xi32, #tpu.memory_space<vmem>> -> memref<1x80xi32, #tpu.memory_space<vmem>>
    %dma_wait3A_53 = tpu.memref_squeeze %dma_wait3A_52 : memref<1x80xi32, #tpu.memory_space<vmem>> -> memref<80xi32, #tpu.memory_space<vmem>>
    %dma_wait3A_54 = arith.constant 0 : i32
    %dma_wait3A_55 = arith.constant 0 : i32
    %dma_wait3A_56 = tpu.memref_slice %arg2[%dma_wait3A_54, %dma_wait3A_55] : memref<10000x272xf32, #tpu.memory_space<hbm>> -> memref<10000x272xf32, #tpu.memory_space<hbm>>
    tpu.wait_indirect_dma semaphore(%arg19 : memref<!tpu.dma_semaphore, #tpu.memory_space<semaphore_mem>>) src(%dma_wait3A_56 : memref<10000x272xf32, #tpu.memory_space<hbm>>) dst(%arg11 : memref<80x272xf32, #tpu.memory_space<vmem>>)
    %dma_wait3A_57 = arith.constant 124 : i32
    %dma_wait3A_58 = arith.constant 0 : i32
    %dma_wait3A_59 = tpu.memref_slice %arg10[%dma_wait3A_57, %dma_wait3A_58] : memref<125x80xi32, #tpu.memory_space<vmem>> -> memref<1x80xi32, #tpu.memory_space<vmem>>
    %dma_wait3A_60 = tpu.memref_squeeze %dma_wait3A_59 : memref<1x80xi32, #tpu.memory_space<vmem>> -> memref<80xi32, #tpu.memory_space<vmem>>
    %dma_wait3A_61 = arith.constant 0 : i32
    %dma_wait3A_62 = arith.constant 0 : i32
    %dma_wait3A_63 = tpu.memref_slice %arg3[%dma_wait3A_61, %dma_wait3A_62] : memref<320000x16xf32, #tpu.memory_space<hbm>> -> memref<320000x16xf32, #tpu.memory_space<hbm>>
    tpu.wait_indirect_dma semaphore(%arg19 : memref<!tpu.dma_semaphore, #tpu.memory_space<semaphore_mem>>) src(%dma_wait3A_63 : memref<320000x16xf32, #tpu.memory_space<hbm>>) dst(%arg13 : memref<80x16xf32, #tpu.memory_space<vmem>>)
    %scan3A_64 = arith.constant 0 : i32
    %scan3A_65 = arith.constant 0 : i32
    %scan3A_66 = arith.constant 80 : i32
    %scan3A_67 = arith.addi %scan3A_65, %scan3A_66 : i32
    %scan3A_68 = arith.constant 1 : i32
    scf.for %scan3A_79 = %scan3A_65 to %scan3A_67 step %scan3A_68  : i32 {
      %get3A = arith.index_cast %scan3A_79 : i32 to index
      %get3A_80 = arith.constant 0 : index
      %get3A_81 = tpu.vector_load %arg13[%get3A, %get3A_80] {strides = array<i32>} : memref<80x16xf32, #tpu.memory_space<vmem>>, vector<1x16xf32>,
      %get3A_82 = vector.shape_cast %get3A_81 : vector<1x16xf32> to vector<16xf32>
      %get3A_83 = arith.index_cast %scan3A_79 : i32 to index
      %get3A_84 = arith.constant 256 : index
      %get3A_85 = tpu.vector_load %arg11[%get3A_83, %get3A_84] {strides = array<i32>} : memref<80x272xf32, #tpu.memory_space<vmem>>, vector<1x16xf32>,
      %get3A_86 = vector.shape_cast %get3A_85 : vector<1x16xf32> to vector<16xf32>
      %broadcast_in_dim3A = arith.constant 1 : i32
      %broadcast_in_dim3A_87 = vector.broadcast %broadcast_in_dim3A : i32 to vector<16x1xi32>
      %gather3A = vector.shape_cast %broadcast_in_dim3A_87 : vector<16x1xi32> to vector<16xi32>
      %gather3A_88 = tpu.dynamic_gather %get3A_82[%gather3A] in [0] : vector<16xf32>, vector<16xi32> -> vector<16xf32>
      %get3A_89 = arith.index_cast %scan3A_79 : i32 to index
      %get3A_90 = arith.constant 16 : index
      %get3A_91 = tpu.vector_load %arg11[%get3A_89, %get3A_90] {strides = array<i32>} : memref<80x272xf32, #tpu.memory_space<vmem>>, vector<1x16xf32>,
      %get3A_92 = vector.shape_cast %get3A_91 : vector<1x16xf32> to vector<16xf32>
      %mul3A_93 = arith.mulf %gather3A_88, %get3A_92 : vector<16xf32>
      %broadcast_in_dim3A_94 = arith.constant 2 : i32
      %broadcast_in_dim3A_95 = vector.broadcast %broadcast_in_dim3A_94 : i32 to vector<16x1xi32>
      %gather3A_96 = vector.shape_cast %broadcast_in_dim3A_95 : vector<16x1xi32> to vector<16xi32>
      %gather3A_97 = tpu.dynamic_gather %get3A_82[%gather3A_96] in [0] : vector<16xf32>, vector<16xi32> -> vector<16xf32>
      %get3A_98 = arith.index_cast %scan3A_79 : i32 to index
      %get3A_99 = arith.constant 32 : index
      %get3A_100 = tpu.vector_load %arg11[%get3A_98, %get3A_99] {strides = array<i32>} : memref<80x272xf32, #tpu.memory_space<vmem>>, vector<1x16xf32>,
      %get3A_101 = vector.shape_cast %get3A_100 : vector<1x16xf32> to vector<16xf32>
      %mul3A_102 = arith.mulf %gather3A_97, %get3A_101 : vector<16xf32>
      %broadcast_in_dim3A_103 = arith.constant 3 : i32
      %broadcast_in_dim3A_104 = vector.broadcast %broadcast_in_dim3A_103 : i32 to vector<16x1xi32>
      %gather3A_105 = vector.shape_cast %broadcast_in_dim3A_104 : vector<16x1xi32> to vector<16xi32>
      %gather3A_106 = tpu.dynamic_gather %get3A_82[%gather3A_105] in [0] : vector<16xf32>, vector<16xi32> -> vector<16xf32>
      %get3A_107 = arith.index_cast %scan3A_79 : i32 to index
      %get3A_108 = arith.constant 48 : index
      %get3A_109 = tpu.vector_load %arg11[%get3A_107, %get3A_108] {strides = array<i32>} : memref<80x272xf32, #tpu.memory_space<vmem>>, vector<1x16xf32>,
      %get3A_110 = vector.shape_cast %get3A_109 : vector<1x16xf32> to vector<16xf32>
      %mul3A_111 = arith.mulf %gather3A_106, %get3A_110 : vector<16xf32>
      %broadcast_in_dim3A_112 = arith.constant 0 : i32
      %broadcast_in_dim3A_113 = vector.broadcast %broadcast_in_dim3A_112 : i32 to vector<16x1xi32>
      %gather3A_114 = vector.shape_cast %broadcast_in_dim3A_113 : vector<16x1xi32> to vector<16xi32>
      %gather3A_115 = tpu.dynamic_gather %get3A_82[%gather3A_114] in [0] : vector<16xf32>, vector<16xi32> -> vector<16xf32>
      %get3A_116 = arith.index_cast %scan3A_79 : i32 to index
      %get3A_117 = arith.constant 0 : index
      %get3A_118 = tpu.vector_load %arg11[%get3A_116, %get3A_117] {strides = array<i32>} : memref<80x272xf32, #tpu.memory_space<vmem>>, vector<1x16xf32>,
      %get3A_119 = vector.shape_cast %get3A_118 : vector<1x16xf32> to vector<16xf32>
      %mul3A_120 = arith.mulf %gather3A_115, %get3A_119 : vector<16xf32>
      %add3A_121 = arith.addf %get3A_86, %mul3A_120 : vector<16xf32>
      %broadcast_in_dim3A_122 = arith.constant 4 : i32
      %broadcast_in_dim3A_123 = vector.broadcast %broadcast_in_dim3A_122 : i32 to vector<16x1xi32>
      %gather3A_124 = vector.shape_cast %broadcast_in_dim3A_123 : vector<16x1xi32> to vector<16xi32>
      %gather3A_125 = tpu.dynamic_gather %get3A_82[%gather3A_124] in [0] : vector<16xf32>, vector<16xi32> -> vector<16xf32>
      %get3A_126 = arith.index_cast %scan3A_79 : i32 to index
      %get3A_127 = arith.constant 64 : index
      %get3A_128 = tpu.vector_load %arg11[%get3A_126, %get3A_127] {strides = array<i32>} : memref<80x272xf32, #tpu.memory_space<vmem>>, vector<1x16xf32>,
      %get3A_129 = vector.shape_cast %get3A_128 : vector<1x16xf32> to vector<16xf32>
      %mul3A_130 = arith.mulf %gather3A_125, %get3A_129 : vector<16xf32>
      %add3A_131 = arith.addf %add3A_121, %mul3A_130 : vector<16xf32>
      %broadcast_in_dim3A_132 = arith.constant 5 : i32
      %broadcast_in_dim3A_133 = vector.broadcast %broadcast_in_dim3A_132 : i32 to vector<16x1xi32>
      %gather3A_134 = vector.shape_cast %broadcast_in_dim3A_133 : vector<16x1xi32> to vector<16xi32>
      %gather3A_135 = tpu.dynamic_gather %get3A_82[%gather3A_134] in [0] : vector<16xf32>, vector<16xi32> -> vector<16xf32>
      %get3A_136 = arith.index_cast %scan3A_79 : i32 to index
      %get3A_137 = arith.constant 80 : index
      %get3A_138 = tpu.vector_load %arg11[%get3A_136, %get3A_137] {strides = array<i32>} : memref<80x272xf32, #tpu.memory_space<vmem>>, vector<1x16xf32>,
      %get3A_139 = vector.shape_cast %get3A_138 : vector<1x16xf32> to vector<16xf32>
      %mul3A_140 = arith.mulf %gather3A_135, %get3A_139 : vector<16xf32>
      %add3A_141 = arith.addf %mul3A_93, %mul3A_140 : vector<16xf32>
      %broadcast_in_dim3A_142 = arith.constant 6 : i32
      %broadcast_in_dim3A_143 = vector.broadcast %broadcast_in_dim3A_142 : i32 to vector<16x1xi32>
      %gather3A_144 = vector.shape_cast %broadcast_in_dim3A_143 : vector<16x1xi32> to vector<16xi32>
      %gather3A_145 = tpu.dynamic_gather %get3A_82[%gather3A_144] in [0] : vector<16xf32>, vector<16xi32> -> vector<16xf32>
      %get3A_146 = arith.index_cast %scan3A_79 : i32 to index
      %get3A_147 = arith.constant 96 : index
      %get3A_148 = tpu.vector_load %arg11[%get3A_146, %get3A_147] {strides = array<i32>} : memref<80x272xf32, #tpu.memory_space<vmem>>, vector<1x16xf32>,
      %get3A_149 = vector.shape_cast %get3A_148 : vector<1x16xf32> to vector<16xf32>
      %mul3A_150 = arith.mulf %gather3A_145, %get3A_149 : vector<16xf32>
      %add3A_151 = arith.addf %mul3A_102, %mul3A_150 : vector<16xf32>
      %broadcast_in_dim3A_152 = arith.constant 7 : i32
      %broadcast_in_dim3A_153 = vector.broadcast %broadcast_in_dim3A_152 : i32 to vector<16x1xi32>
      %gather3A_154 = vector.shape_cast %broadcast_in_dim3A_153 : vector<16x1xi32> to vector<16xi32>
      %gather3A_155 = tpu.dynamic_gather %get3A_82[%gather3A_154] in [0] : vector<16xf32>, vector<16xi32> -> vector<16xf32>
      %get3A_156 = arith.index_cast %scan3A_79 : i32 to index
      %get3A_157 = arith.constant 112 : index
      %get3A_158 = tpu.vector_load %arg11[%get3A_156, %get3A_157] {strides = array<i32>} : memref<80x272xf32, #tpu.memory_space<vmem>>, vector<1x16xf32>,
      %get3A_159 = vector.shape_cast %get3A_158 : vector<1x16xf32> to vector<16xf32>
      %mul3A_160 = arith.mulf %gather3A_155, %get3A_159 : vector<16xf32>
      %add3A_161 = arith.addf %mul3A_111, %mul3A_160 : vector<16xf32>
      %broadcast_in_dim3A_162 = arith.constant 8 : i32
      %broadcast_in_dim3A_163 = vector.broadcast %broadcast_in_dim3A_162 : i32 to vector<16x1xi32>
      %gather3A_164 = vector.shape_cast %broadcast_in_dim3A_163 : vector<16x1xi32> to vector<16xi32>
      %gather3A_165 = tpu.dynamic_gather %get3A_82[%gather3A_164] in [0] : vector<16xf32>, vector<16xi32> -> vector<16xf32>
      %get3A_166 = arith.index_cast %scan3A_79 : i32 to index
      %get3A_167 = arith.constant 128 : index
      %get3A_168 = tpu.vector_load %arg11[%get3A_166, %get3A_167] {strides = array<i32>} : memref<80x272xf32, #tpu.memory_space<vmem>>, vector<1x16xf32>,
      %get3A_169 = vector.shape_cast %get3A_168 : vector<1x16xf32> to vector<16xf32>
      %mul3A_170 = arith.mulf %gather3A_165, %get3A_169 : vector<16xf32>
      %add3A_171 = arith.addf %add3A_131, %mul3A_170 : vector<16xf32>
      %broadcast_in_dim3A_172 = arith.constant 9 : i32
      %broadcast_in_dim3A_173 = vector.broadcast %broadcast_in_dim3A_172 : i32 to vector<16x1xi32>
      %gather3A_174 = vector.shape_cast %broadcast_in_dim3A_173 : vector<16x1xi32> to vector<16xi32>
      %gather3A_175 = tpu.dynamic_gather %get3A_82[%gather3A_174] in [0] : vector<16xf32>, vector<16xi32> -> vector<16xf32>
      %get3A_176 = arith.index_cast %scan3A_79 : i32 to index
      %get3A_177 = arith.constant 144 : index
      %get3A_178 = tpu.vector_load %arg11[%get3A_176, %get3A_177] {strides = array<i32>} : memref<80x272xf32, #tpu.memory_space<vmem>>, vector<1x16xf32>,
      %get3A_179 = vector.shape_cast %get3A_178 : vector<1x16xf32> to vector<16xf32>
      %mul3A_180 = arith.mulf %gather3A_175, %get3A_179 : vector<16xf32>
      %add3A_181 = arith.addf %add3A_141, %mul3A_180 : vector<16xf32>
      %broadcast_in_dim3A_182 = arith.constant 10 : i32
      %broadcast_in_dim3A_183 = vector.broadcast %broadcast_in_dim3A_182 : i32 to vector<16x1xi32>
      %gather3A_184 = vector.shape_cast %broadcast_in_dim3A_183 : vector<16x1xi32> to vector<16xi32>
      %gather3A_185 = tpu.dynamic_gather %get3A_82[%gather3A_184] in [0] : vector<16xf32>, vector<16xi32> -> vector<16xf32>
      %get3A_186 = arith.index_cast %scan3A_79 : i32 to index
      %get3A_187 = arith.constant 160 : index
      %get3A_188 = tpu.vector_load %arg11[%get3A_186, %get3A_187] {strides = array<i32>} : memref<80x272xf32, #tpu.memory_space<vmem>>, vector<1x16xf32>,
      %get3A_189 = vector.shape_cast %get3A_188 : vector<1x16xf32> to vector<16xf32>
      %mul3A_190 = arith.mulf %gather3A_185, %get3A_189 : vector<16xf32>
      %add3A_191 = arith.addf %add3A_151, %mul3A_190 : vector<16xf32>
      %broadcast_in_dim3A_192 = arith.constant 11 : i32
      %broadcast_in_dim3A_193 = vector.broadcast %broadcast_in_dim3A_192 : i32 to vector<16x1xi32>
      %gather3A_194 = vector.shape_cast %broadcast_in_dim3A_193 : vector<16x1xi32> to vector<16xi32>
      %gather3A_195 = tpu.dynamic_gather %get3A_82[%gather3A_194] in [0] : vector<16xf32>, vector<16xi32> -> vector<16xf32>
      %get3A_196 = arith.index_cast %scan3A_79 : i32 to index
      %get3A_197 = arith.constant 176 : index
      %get3A_198 = tpu.vector_load %arg11[%get3A_196, %get3A_197] {strides = array<i32>} : memref<80x272xf32, #tpu.memory_space<vmem>>, vector<1x16xf32>,
      %get3A_199 = vector.shape_cast %get3A_198 : vector<1x16xf32> to vector<16xf32>
      %mul3A_200 = arith.mulf %gather3A_195, %get3A_199 : vector<16xf32>
      %add3A_201 = arith.addf %add3A_161, %mul3A_200 : vector<16xf32>
      %broadcast_in_dim3A_202 = arith.constant 12 : i32
      %broadcast_in_dim3A_203 = vector.broadcast %broadcast_in_dim3A_202 : i32 to vector<16x1xi32>
      %gather3A_204 = vector.shape_cast %broadcast_in_dim3A_203 : vector<16x1xi32> to vector<16xi32>
      %gather3A_205 = tpu.dynamic_gather %get3A_82[%gather3A_204] in [0] : vector<16xf32>, vector<16xi32> -> vector<16xf32>
      %get3A_206 = arith.index_cast %scan3A_79 : i32 to index
      %get3A_207 = arith.constant 192 : index
      %get3A_208 = tpu.vector_load %arg11[%get3A_206, %get3A_207] {strides = array<i32>} : memref<80x272xf32, #tpu.memory_space<vmem>>, vector<1x16xf32>,
      %get3A_209 = vector.shape_cast %get3A_208 : vector<1x16xf32> to vector<16xf32>
      %mul3A_210 = arith.mulf %gather3A_205, %get3A_209 : vector<16xf32>
      %add3A_211 = arith.addf %add3A_171, %mul3A_210 : vector<16xf32>
      %broadcast_in_dim3A_212 = arith.constant 13 : i32
      %broadcast_in_dim3A_213 = vector.broadcast %broadcast_in_dim3A_212 : i32 to vector<16x1xi32>
      %gather3A_214 = vector.shape_cast %broadcast_in_dim3A_213 : vector<16x1xi32> to vector<16xi32>
      %gather3A_215 = tpu.dynamic_gather %get3A_82[%gather3A_214] in [0] : vector<16xf32>, vector<16xi32> -> vector<16xf32>
      %get3A_216 = arith.index_cast %scan3A_79 : i32 to index
      %get3A_217 = arith.constant 208 : index
      %get3A_218 = tpu.vector_load %arg11[%get3A_216, %get3A_217] {strides = array<i32>} : memref<80x272xf32, #tpu.memory_space<vmem>>, vector<1x16xf32>,
      %get3A_219 = vector.shape_cast %get3A_218 : vector<1x16xf32> to vector<16xf32>
      %mul3A_220 = arith.mulf %gather3A_215, %get3A_219 : vector<16xf32>
      %add3A_221 = arith.addf %add3A_181, %mul3A_220 : vector<16xf32>
      %broadcast_in_dim3A_222 = arith.constant 14 : i32
      %broadcast_in_dim3A_223 = vector.broadcast %broadcast_in_dim3A_222 : i32 to vector<16x1xi32>
      %gather3A_224 = vector.shape_cast %broadcast_in_dim3A_223 : vector<16x1xi32> to vector<16xi32>
      %gather3A_225 = tpu.dynamic_gather %get3A_82[%gather3A_224] in [0] : vector<16xf32>, vector<16xi32> -> vector<16xf32>
      %get3A_226 = arith.index_cast %scan3A_79 : i32 to index
      %get3A_227 = arith.constant 224 : index
      %get3A_228 = tpu.vector_load %arg11[%get3A_226, %get3A_227] {strides = array<i32>} : memref<80x272xf32, #tpu.memory_space<vmem>>, vector<1x16xf32>,
      %get3A_229 = vector.shape_cast %get3A_228 : vector<1x16xf32> to vector<16xf32>
      %mul3A_230 = arith.mulf %gather3A_225, %get3A_229 : vector<16xf32>
      %add3A_231 = arith.addf %add3A_191, %mul3A_230 : vector<16xf32>
      %broadcast_in_dim3A_232 = arith.constant 15 : i32
      %broadcast_in_dim3A_233 = vector.broadcast %broadcast_in_dim3A_232 : i32 to vector<16x1xi32>
      %gather3A_234 = vector.shape_cast %broadcast_in_dim3A_233 : vector<16x1xi32> to vector<16xi32>
      %gather3A_235 = tpu.dynamic_gather %get3A_82[%gather3A_234] in [0] : vector<16xf32>, vector<16xi32> -> vector<16xf32>
      %get3A_236 = arith.index_cast %scan3A_79 : i32 to index
      %get3A_237 = arith.constant 240 : index
      %get3A_238 = tpu.vector_load %arg11[%get3A_236, %get3A_237] {strides = array<i32>} : memref<80x272xf32, #tpu.memory_space<vmem>>, vector<1x16xf32>,
      %get3A_239 = vector.shape_cast %get3A_238 : vector<1x16xf32> to vector<16xf32>
      %mul3A_240 = arith.mulf %gather3A_235, %get3A_239 : vector<16xf32>
      %add3A_241 = arith.addf %add3A_201, %mul3A_240 : vector<16xf32>
      %add3A_242 = arith.addf %add3A_211, %add3A_221 : vector<16xf32>
      %add3A_243 = arith.addf %add3A_231, %add3A_241 : vector<16xf32>
      %add3A_244 = arith.addf %add3A_242, %add3A_243 : vector<16xf32>
      %swap3A = arith.index_cast %scan3A_79 : i32 to index
      %swap3A_245 = arith.constant 0 : index
      %swap3A_246 = tpu.vector_load %arg15[%swap3A, %swap3A_245] {strides = array<i32>} : memref<80x16xf32, #tpu.memory_space<vmem>>, vector<1x16xf32>,
      %swap3A_247 = vector.shape_cast %swap3A_246 : vector<1x16xf32> to vector<16xf32>
      %swap3A_248 = vector.shape_cast %add3A_244 : vector<16xf32> to vector<1x16xf32>
      tpu.vector_store %arg15[%swap3A, %swap3A_245], %swap3A_248 {strides = array<i32>} : memref<80x16xf32, #tpu.memory_space<vmem>>, vector<1x16xf32>,
    }
    %scan3A_69 = arith.constant 80 : i32
    %run_scoped3A = arith.constant 124 : i32
    "tpu.region"() ({
      %run_scoped3A_79 = tpu.sem_alloc : memref<!tpu.dma_semaphore, #tpu.memory_space<semaphore_mem>>
      %dma_start3A_80 = arith.constant 0 : i32
      %dma_start3A_81 = tpu.memref_slice %arg9[%run_scoped3A, %dma_start3A_80] : memref<125x80xi32, #tpu.memory_space<vmem>> -> memref<1x80xi32, #tpu.memory_space<vmem>>
      %dma_start3A_82 = tpu.memref_squeeze %dma_start3A_81 : memref<1x80xi32, #tpu.memory_space<vmem>> -> memref<80xi32, #tpu.memory_space<vmem>>
      %dma_start3A_83 = arith.constant 0 : i32
      %dma_start3A_84 = arith.constant 0 : i32
      %dma_start3A_85 = tpu.memref_slice %arg18[%dma_start3A_83, %dma_start3A_84] : memref<30000x16xf32, #tpu.memory_space<vmem_shared>> -> memref<30000x16xf32, #tpu.memory_space<vmem_shared>>
      tpu.enqueue_indirect_dma source(%arg15 : memref<80x16xf32, #tpu.memory_space<vmem>>) target(%dma_start3A_85 : memref<30000x16xf32, #tpu.memory_space<vmem_shared>>) offsets(%dma_start3A_82 : memref<80xi32, #tpu.memory_space<vmem>>) semaphore(%run_scoped3A_79 : memref<!tpu.dma_semaphore, #tpu.memory_space<semaphore_mem>>) {add = true}
      %dma_wait3A_86 = arith.constant 0 : i32
      %dma_wait3A_87 = tpu.memref_slice %arg9[%run_scoped3A, %dma_wait3A_86] : memref<125x80xi32, #tpu.memory_space<vmem>> -> memref<1x80xi32, #tpu.memory_space<vmem>>
      %dma_wait3A_88 = tpu.memref_squeeze %dma_wait3A_87 : memref<1x80xi32, #tpu.memory_space<vmem>> -> memref<80xi32, #tpu.memory_space<vmem>>
      %dma_wait3A_89 = arith.constant 0 : i32
      %dma_wait3A_90 = arith.constant 0 : i32
      %dma_wait3A_91 = tpu.memref_slice %arg18[%dma_wait3A_89, %dma_wait3A_90] : memref<30000x16xf32, #tpu.memory_space<vmem_shared>> -> memref<30000x16xf32, #tpu.memory_space<vmem_shared>>
      tpu.wait_indirect_dma semaphore(%run_scoped3A_79 : memref<!tpu.dma_semaphore, #tpu.memory_space<semaphore_mem>>) src(%arg15 : memref<80x16xf32, #tpu.memory_space<vmem>>) dst(%dma_wait3A_91 : memref<30000x16xf32, #tpu.memory_space<vmem_shared>>)
      tpu.yield
    }) : () -> ()
    %barrier3A_70 = arith.constant 0 : index
    tpu.barrier barrier_id(%barrier3A_70)
    %mul3A_71 = arith.constant 625 : i32
    %mul3A_72 = arith.muli %arg1, %mul3A_71 : i32
    "tpu.region"() ({
      %run_scoped3A_79 = tpu.sem_alloc : memref<!tpu.dma_semaphore, #tpu.memory_space<semaphore_mem>>
      %dma_start3A_80 = arith.constant 0 : i32
      %dma_start3A_81 = tpu.memref_slice %arg18[%mul3A_72, %dma_start3A_80] : memref<30000x16xf32, #tpu.memory_space<vmem_shared>> -> memref<625x16xf32, #tpu.memory_space<vmem_shared>>
      %dma_start3A_82 = arith.constant 0 : i32
      %dma_start3A_83 = tpu.memref_slice %arg18[%mul3A_72, %dma_start3A_82] : memref<30000x16xf32, #tpu.memory_space<vmem_shared>> -> memref<625x16xf32, #tpu.memory_space<vmem_shared>>
      tpu.enqueue_dma source(%dma_start3A_83 : memref<625x16xf32, #tpu.memory_space<vmem_shared>>) target(%arg17 : memref<625x16xf32, #tpu.memory_space<vmem>>) target_semaphore(%run_scoped3A_79 : memref<!tpu.dma_semaphore, #tpu.memory_space<semaphore_mem>>)
      %dma_wait3A_84 = arith.constant 0 : i32
      %dma_wait3A_85 = tpu.memref_slice %arg18[%mul3A_72, %dma_wait3A_84] : memref<30000x16xf32, #tpu.memory_space<vmem_shared>> -> memref<625x16xf32, #tpu.memory_space<vmem_shared>>
      %dma_wait3A_86 = arith.constant 0 : i32
      %dma_wait3A_87 = tpu.memref_slice %arg18[%mul3A_72, %dma_wait3A_86] : memref<30000x16xf32, #tpu.memory_space<vmem_shared>> -> memref<625x16xf32, #tpu.memory_space<vmem_shared>>
      tpu.wait_dma2 semaphore(%run_scoped3A_79 : memref<!tpu.dma_semaphore, #tpu.memory_space<semaphore_mem>>) src(%dma_wait3A_87 : memref<625x16xf32, #tpu.memory_space<vmem_shared>>) dst(%arg17 : memref<625x16xf32, #tpu.memory_space<vmem>>)
      tpu.yield
    }) : () -> ()
    %scan3A_73 = arith.constant 0 : i32
    %scan3A_74 = arith.constant 1 : i32
    %scan3A_75 = arith.constant 2 : i32
    %scan3A_76 = arith.addi %scan3A_74, %scan3A_75 : i32
    %scan3A_77 = arith.constant 1 : i32
    scf.for %scan3A_79 = %scan3A_74 to %scan3A_76 step %scan3A_77  : i32 {
      %mul3A_80 = arith.constant 10000 : i32
      %mul3A_81 = arith.muli %scan3A_79, %mul3A_80 : i32
      %add3A_82 = arith.addi %mul3A_81, %mul3A_72 : i32
      "tpu.region"() ({
        %run_scoped3A_89 = tpu.sem_alloc : memref<!tpu.dma_semaphore, #tpu.memory_space<semaphore_mem>>
        %dma_start3A_90 = arith.constant 0 : i32
        %dma_start3A_91 = tpu.memref_slice %arg18[%add3A_82, %dma_start3A_90] : memref<30000x16xf32, #tpu.memory_space<vmem_shared>> -> memref<625x16xf32, #tpu.memory_space<vmem_shared>>
        %dma_start3A_92 = arith.constant 0 : i32
        %dma_start3A_93 = tpu.memref_slice %arg18[%add3A_82, %dma_start3A_92] : memref<30000x16xf32, #tpu.memory_space<vmem_shared>> -> memref<625x16xf32, #tpu.memory_space<vmem_shared>>
        tpu.enqueue_dma source(%dma_start3A_93 : memref<625x16xf32, #tpu.memory_space<vmem_shared>>) target(%arg16 : memref<625x16xf32, #tpu.memory_space<vmem>>) target_semaphore(%run_scoped3A_89 : memref<!tpu.dma_semaphore, #tpu.memory_space<semaphore_mem>>)
        %dma_wait3A_94 = arith.constant 0 : i32
        %dma_wait3A_95 = tpu.memref_slice %arg18[%add3A_82, %dma_wait3A_94] : memref<30000x16xf32, #tpu.memory_space<vmem_shared>> -> memref<625x16xf32, #tpu.memory_space<vmem_shared>>
        %dma_wait3A_96 = arith.constant 0 : i32
        %dma_wait3A_97 = tpu.memref_slice %arg18[%add3A_82, %dma_wait3A_96] : memref<30000x16xf32, #tpu.memory_space<vmem_shared>> -> memref<625x16xf32, #tpu.memory_space<vmem_shared>>
        tpu.wait_dma2 semaphore(%run_scoped3A_89 : memref<!tpu.dma_semaphore, #tpu.memory_space<semaphore_mem>>) src(%dma_wait3A_97 : memref<625x16xf32, #tpu.memory_space<vmem_shared>>) dst(%arg16 : memref<625x16xf32, #tpu.memory_space<vmem>>)
        tpu.yield
      }) : () -> ()
      %scan3A_83 = arith.constant 0 : i32
      %scan3A_84 = arith.constant 0 : i32
      %scan3A_85 = arith.constant 625 : i32
      %scan3A_86 = arith.addi %scan3A_84, %scan3A_85 : i32
      %scan3A_87 = arith.constant 1 : i32
      scf.for %scan3A_89 = %scan3A_84 to %scan3A_86 step %scan3A_87  : i32 {
        %get3A = arith.index_cast %scan3A_89 : i32 to index
        %get3A_90 = arith.constant 0 : index
        %get3A_91 = tpu.vector_load %arg17[%get3A, %get3A_90] {strides = array<i32>} : memref<625x16xf32, #tpu.memory_space<vmem>>, vector<1x16xf32>,
        %get3A_92 = vector.shape_cast %get3A_91 : vector<1x16xf32> to vector<16xf32>
        %get3A_93 = arith.index_cast %scan3A_89 : i32 to index
        %get3A_94 = arith.constant 0 : index
        %get3A_95 = tpu.vector_load %arg16[%get3A_93, %get3A_94] {strides = array<i32>} : memref<625x16xf32, #tpu.memory_space<vmem>>, vector<1x16xf32>,
        %get3A_96 = vector.shape_cast %get3A_95 : vector<1x16xf32> to vector<16xf32>
        %add3A_97 = arith.addf %get3A_92, %get3A_96 : vector<16xf32>
        %swap3A = arith.index_cast %scan3A_89 : i32 to index
        %swap3A_98 = arith.constant 0 : index
        %swap3A_99 = tpu.vector_load %arg17[%swap3A, %swap3A_98] {strides = array<i32>} : memref<625x16xf32, #tpu.memory_space<vmem>>, vector<1x16xf32>,
        %swap3A_100 = vector.shape_cast %swap3A_99 : vector<1x16xf32> to vector<16xf32>
        %swap3A_101 = vector.shape_cast %add3A_97 : vector<16xf32> to vector<1x16xf32>
        tpu.vector_store %arg17[%swap3A, %swap3A_98], %swap3A_101 {strides = array<i32>} : memref<625x16xf32, #tpu.memory_space<vmem>>, vector<1x16xf32>,
      }
      %scan3A_88 = arith.constant 625 : i32
    }
    %scan3A_78 = arith.constant 2 : i32
    "tpu.region"() ({
      %run_scoped3A_79 = tpu.sem_alloc : memref<!tpu.dma_semaphore, #tpu.memory_space<semaphore_mem>>
      %dma_start3A_80 = arith.constant 0 : i32
      %dma_start3A_81 = arith.constant 0 : i32
      %dma_start3A_82 = tpu.memref_slice %arg7[%arg0, %dma_start3A_80, %dma_start3A_81] : memref<2x10000x16xf32, #tpu.memory_space<hbm>> -> memref<1x10000x16xf32, #tpu.memory_space<hbm>>
      %dma_start3A_83 = tpu.memref_squeeze %dma_start3A_82 : memref<1x10000x16xf32, #tpu.memory_space<hbm>> -> memref<10000x16xf32, #tpu.memory_space<hbm>>
      %dma_start3A_84 = arith.constant 0 : i32
      %dma_start3A_85 = tpu.memref_slice %dma_start3A_83[%mul3A_72, %dma_start3A_84] : memref<10000x16xf32, #tpu.memory_space<hbm>> -> memref<625x16xf32, #tpu.memory_space<hbm>>
      %dma_start3A_86 = arith.constant 0 : i32
      %dma_start3A_87 = arith.constant 0 : i32
      %dma_start3A_88 = tpu.memref_slice %arg7[%arg0, %dma_start3A_86, %dma_start3A_87] : memref<2x10000x16xf32, #tpu.memory_space<hbm>> -> memref<1x10000x16xf32, #tpu.memory_space<hbm>>
      %dma_start3A_89 = tpu.memref_squeeze %dma_start3A_88 : memref<1x10000x16xf32, #tpu.memory_space<hbm>> -> memref<10000x16xf32, #tpu.memory_space<hbm>>
      %dma_start3A_90 = arith.constant 0 : i32
      %dma_start3A_91 = tpu.memref_slice %dma_start3A_89[%mul3A_72, %dma_start3A_90] : memref<10000x16xf32, #tpu.memory_space<hbm>> -> memref<625x16xf32, #tpu.memory_space<hbm>>
      tpu.enqueue_dma source(%arg17 : memref<625x16xf32, #tpu.memory_space<vmem>>) target(%dma_start3A_91 : memref<625x16xf32, #tpu.memory_space<hbm>>) target_semaphore(%run_scoped3A_79 : memref<!tpu.dma_semaphore, #tpu.memory_space<semaphore_mem>>)
      %dma_wait3A_92 = arith.constant 0 : i32
      %dma_wait3A_93 = arith.constant 0 : i32
      %dma_wait3A_94 = tpu.memref_slice %arg7[%arg0, %dma_wait3A_92, %dma_wait3A_93] : memref<2x10000x16xf32, #tpu.memory_space<hbm>> -> memref<1x10000x16xf32, #tpu.memory_space<hbm>>
      %dma_wait3A_95 = tpu.memref_squeeze %dma_wait3A_94 : memref<1x10000x16xf32, #tpu.memory_space<hbm>> -> memref<10000x16xf32, #tpu.memory_space<hbm>>
      %dma_wait3A_96 = arith.constant 0 : i32
      %dma_wait3A_97 = tpu.memref_slice %dma_wait3A_95[%mul3A_72, %dma_wait3A_96] : memref<10000x16xf32, #tpu.memory_space<hbm>> -> memref<625x16xf32, #tpu.memory_space<hbm>>
      %dma_wait3A_98 = arith.constant 0 : i32
      %dma_wait3A_99 = arith.constant 0 : i32
      %dma_wait3A_100 = tpu.memref_slice %arg7[%arg0, %dma_wait3A_98, %dma_wait3A_99] : memref<2x10000x16xf32, #tpu.memory_space<hbm>> -> memref<1x10000x16xf32, #tpu.memory_space<hbm>>
      %dma_wait3A_101 = tpu.memref_squeeze %dma_wait3A_100 : memref<1x10000x16xf32, #tpu.memory_space<hbm>> -> memref<10000x16xf32, #tpu.memory_space<hbm>>
      %dma_wait3A_102 = arith.constant 0 : i32
      %dma_wait3A_103 = tpu.memref_slice %dma_wait3A_101[%mul3A_72, %dma_wait3A_102] : memref<10000x16xf32, #tpu.memory_space<hbm>> -> memref<625x16xf32, #tpu.memory_space<hbm>>
      tpu.wait_dma2 semaphore(%run_scoped3A_79 : memref<!tpu.dma_semaphore, #tpu.memory_space<semaphore_mem>>) src(%arg17 : memref<625x16xf32, #tpu.memory_space<vmem>>) dst(%dma_wait3A_103 : memref<625x16xf32, #tpu.memory_space<hbm>>)
      tpu.yield
    }) : () -> ()
    return
  }
}

module attributes {stable_mosaic.version = 14 : i64} {
  func.func @_mm_body(%arg0: i32, %arg1: memref<2000x128xf32, #tpu.memory_space<vmem>>, %arg2: memref<128x288xf32, #tpu.memory_space<vmem>>, %arg3: memref<2000x288xf32, #tpu.memory_space<vmem>>) attributes {dimension_semantics = [#tpu.dimension_semantics<arbitrary>], iteration_bounds = array<i64: 5>, scalar_prefetch = 0 : i64, scratch_operands = 0 : i64, tpu.core_type = #tpu.core_type<tc>, window_params = [{transform_indices = @transform_0, window_bounds = array<i64: 2000, 128>}, {pipeline_mode = #tpu.pipeline_mode<synchronous>, transform_indices = @transform_1, window_bounds = array<i64: 128, 288>}, {transform_indices = @transform_2, window_bounds = array<i64: 2000, 288>}]} {
    %get3A = arith.constant 0 : index
    %get3A_0 = arith.constant 0 : index
    %get3A_1 = vector.load %arg1[%get3A, %get3A_0] : memref<2000x128xf32, #tpu.memory_space<vmem>>, vector<2000x128xf32>
    %get3A_2 = arith.constant 0 : index
    %get3A_3 = arith.constant 0 : index
    %get3A_4 = vector.load %arg2[%get3A_2, %get3A_3] : memref<128x288xf32, #tpu.memory_space<vmem>>, vector<128x288xf32>
    %dot_general3A = arith.constant dense<0.000000e+00> : vector<2000x288xf32>
    %dot_general3A_5 = tpu.matmul %get3A_1, %get3A_4, %dot_general3A {dimension_numbers = #tpu.dot_dimension_numbers<[1], [0], [0], [1], [0, 0, 1, 1], [], []>, precision = #tpu.contract_precision<fp32>, transpose_lhs_hint = false} : vector<2000x128xf32>, vector<128x288xf32>, vector<2000x288xf32> -> vector<2000x288xf32>
    %swap3A = arith.constant 0 : index
    %swap3A_6 = arith.constant 0 : index
    %swap3A_7 = vector.load %arg3[%swap3A, %swap3A_6] : memref<2000x288xf32, #tpu.memory_space<vmem>>, vector<2000x288xf32>
    tpu.vector_store %arg3[%swap3A, %swap3A_6], %dot_general3A_5 {strides = array<i32>} : memref<2000x288xf32, #tpu.memory_space<vmem>>, vector<2000x288xf32>,
    return
  }
  func.func @transform_0(%arg0: i32) -> (i32, i32) {
    %c0_i32 = arith.constant 0 : i32
    %c0_i32_0 = arith.constant 0 : i32
    return %arg0, %c0_i32 : i32, i32
  }
  func.func @transform_1(%arg0: i32) -> (i32, i32) {
    %c0_i32 = arith.constant 0 : i32
    %c0_i32_0 = arith.constant 0 : i32
    %c0_i32_1 = arith.constant 0 : i32
    return %c0_i32, %c0_i32_0 : i32, i32
  }
  func.func @transform_2(%arg0: i32) -> (i32, i32) {
    %c0_i32 = arith.constant 0 : i32
    %c0_i32_0 = arith.constant 0 : i32
    return %arg0, %c0_i32 : i32, i32
  }
}

module attributes {stable_mosaic.version = 14 : i64} {
  func.func @_edge_feat_body(%arg0: i32, %arg1: memref<4000x16xf32, #tpu.memory_space<vmem>>, %arg2: memref<16x64xf32, #tpu.memory_space<vmem>>, %arg3: memref<1x64xf32, #tpu.memory_space<vmem>>, %arg4: memref<4000x16xf32, #tpu.memory_space<vmem>>, %arg5: memref<4000x16xf32, #tpu.memory_space<vmem>>, %arg6: memref<4000x32xf32, #tpu.memory_space<vmem>>) attributes {dimension_semantics = [#tpu.dimension_semantics<arbitrary>], iteration_bounds = array<i64: 80>, scalar_prefetch = 0 : i64, scratch_operands = 0 : i64, tpu.core_type = #tpu.core_type<tc>, window_params = [{transform_indices = @transform_0, window_bounds = array<i64: 4000, 16>}, {pipeline_mode = #tpu.pipeline_mode<synchronous>, transform_indices = @transform_1, window_bounds = array<i64: 16, 64>}, {pipeline_mode = #tpu.pipeline_mode<synchronous>, transform_indices = @transform_2, window_bounds = array<i64: 1, 64>}, {transform_indices = @transform_3, window_bounds = array<i64: 4000, 16>}, {transform_indices = @transform_4, window_bounds = array<i64: 4000, 16>}, {transform_indices = @transform_5, window_bounds = array<i64: 4000, 32>}]} {
    %get3A = arith.constant 0 : index
    %get3A_0 = arith.constant 0 : index
    %get3A_1 = vector.load %arg1[%get3A, %get3A_0] : memref<4000x16xf32, #tpu.memory_space<vmem>>, vector<4000x16xf32>
    %get3A_2 = arith.constant 0 : index
    %get3A_3 = arith.constant 0 : index
    %get3A_4 = vector.load %arg2[%get3A_2, %get3A_3] : memref<16x64xf32, #tpu.memory_space<vmem>>, vector<16x64xf32>
    %dot_general3A = arith.constant dense<0.000000e+00> : vector<4000x64xf32>
    %dot_general3A_5 = tpu.matmul %get3A_1, %get3A_4, %dot_general3A {dimension_numbers = #tpu.dot_dimension_numbers<[1], [0], [0], [1], [0, 0, 1, 1], [], []>, precision = #tpu.contract_precision<fp32>, transpose_lhs_hint = false} : vector<4000x16xf32>, vector<16x64xf32>, vector<4000x64xf32> -> vector<4000x64xf32>
    %get3A_6 = arith.constant 0 : index
    %get3A_7 = arith.constant 0 : index
    %get3A_8 = vector.load %arg3[%get3A_6, %get3A_7] : memref<1x64xf32, #tpu.memory_space<vmem>>, vector<1x64xf32>
    %add3A = vector.broadcast %get3A_8 : vector<1x64xf32> to vector<4000x64xf32>
    %add3A_9 = arith.addf %dot_general3A_5, %add3A : vector<4000x64xf32>
    %slice3A = vector.extract_strided_slice %add3A_9 {offsets = [0, 0], sizes = [4000, 16], strides = [1, 1]} : vector<4000x64xf32> to vector<4000x16xf32>
    %max3A = arith.constant 0.000000e+00 : f32
    %max3A_10 = vector.broadcast %max3A : f32 to vector<4000x16xf32>
    %max3A_11 = arith.maximumf %slice3A, %max3A_10 : vector<4000x16xf32>
    %swap3A = arith.constant 0 : index
    %swap3A_12 = arith.constant 0 : index
    %swap3A_13 = vector.load %arg4[%swap3A, %swap3A_12] : memref<4000x16xf32, #tpu.memory_space<vmem>>, vector<4000x16xf32>
    tpu.vector_store %arg4[%swap3A, %swap3A_12], %max3A_11 {strides = array<i32>} : memref<4000x16xf32, #tpu.memory_space<vmem>>, vector<4000x16xf32>,
    %slice3A_14 = vector.extract_strided_slice %add3A_9 {offsets = [0, 16], sizes = [4000, 16], strides = [1, 1]} : vector<4000x64xf32> to vector<4000x16xf32>
    %max3A_15 = arith.constant 0.000000e+00 : f32
    %max3A_16 = vector.broadcast %max3A_15 : f32 to vector<4000x16xf32>
    %max3A_17 = arith.maximumf %slice3A_14, %max3A_16 : vector<4000x16xf32>
    %swap3A_18 = arith.constant 0 : index
    %swap3A_19 = arith.constant 0 : index
    %swap3A_20 = vector.load %arg5[%swap3A_18, %swap3A_19] : memref<4000x16xf32, #tpu.memory_space<vmem>>, vector<4000x16xf32>
    tpu.vector_store %arg5[%swap3A_18, %swap3A_19], %max3A_17 {strides = array<i32>} : memref<4000x16xf32, #tpu.memory_space<vmem>>, vector<4000x16xf32>,
    %slice3A_21 = vector.extract_strided_slice %add3A_9 {offsets = [0, 32], sizes = [4000, 32], strides = [1, 1]} : vector<4000x64xf32> to vector<4000x32xf32>
    %swap3A_22 = arith.constant 0 : index
    %swap3A_23 = arith.constant 0 : index
    %swap3A_24 = vector.load %arg6[%swap3A_22, %swap3A_23] : memref<4000x32xf32, #tpu.memory_space<vmem>>, vector<4000x32xf32>
    tpu.vector_store %arg6[%swap3A_22, %swap3A_23], %slice3A_21 {strides = array<i32>} : memref<4000x32xf32, #tpu.memory_space<vmem>>, vector<4000x32xf32>,
    return
  }
  func.func @transform_0(%arg0: i32) -> (i32, i32) {
    %c0_i32 = arith.constant 0 : i32
    %c0_i32_0 = arith.constant 0 : i32
    return %arg0, %c0_i32 : i32, i32
  }
  func.func @transform_1(%arg0: i32) -> (i32, i32) {
    %c0_i32 = arith.constant 0 : i32
    %c0_i32_0 = arith.constant 0 : i32
    %c0_i32_1 = arith.constant 0 : i32
    return %c0_i32, %c0_i32_0 : i32, i32
  }
  func.func @transform_2(%arg0: i32) -> (i32, i32) {
    %c0_i32 = arith.constant 0 : i32
    %c0_i32_0 = arith.constant 0 : i32
    %c0_i32_1 = arith.constant 0 : i32
    return %c0_i32, %c0_i32_0 : i32, i32
  }
  func.func @transform_3(%arg0: i32) -> (i32, i32) {
    %c0_i32 = arith.constant 0 : i32
    %c0_i32_0 = arith.constant 0 : i32
    return %arg0, %c0_i32 : i32, i32
  }
  func.func @transform_4(%arg0: i32) -> (i32, i32) {
    %c0_i32 = arith.constant 0 : i32
    %c0_i32_0 = arith.constant 0 : i32
    return %arg0, %c0_i32 : i32, i32
  }
  func.func @transform_5(%arg0: i32) -> (i32, i32) {
    %c0_i32 = arith.constant 0 : i32
    %c0_i32_0 = arith.constant 0 : i32
    return %arg0, %c0_i32 : i32, i32
  }
}

module attributes {stable_mosaic.version = 14 : i64} {
  func.func @_node_update_body(%arg0: i32, %arg1: memref<2000x16xf32, #tpu.memory_space<vmem>>, %arg2: memref<2000x16xf32, #tpu.memory_space<vmem>>, %arg3: memref<2000x16xf32, #tpu.memory_space<vmem>>, %arg4: memref<1x16xf32, #tpu.memory_space<vmem>>, %arg5: memref<16x288xf32, #tpu.memory_space<vmem>>, %arg6: memref<2000x288xf32, #tpu.memory_space<vmem>>) attributes {dimension_semantics = [#tpu.dimension_semantics<arbitrary>], iteration_bounds = array<i64: 5>, scalar_prefetch = 0 : i64, scratch_operands = 0 : i64, tpu.core_type = #tpu.core_type<tc>, window_params = [{transform_indices = @transform_0, window_bounds = array<i64: 2000, 16>}, {transform_indices = @transform_1, window_bounds = array<i64: 2000, 16>}, {transform_indices = @transform_2, window_bounds = array<i64: 2000, 16>}, {pipeline_mode = #tpu.pipeline_mode<synchronous>, transform_indices = @transform_3, window_bounds = array<i64: 1, 16>}, {pipeline_mode = #tpu.pipeline_mode<synchronous>, transform_indices = @transform_4, window_bounds = array<i64: 16, 288>}, {transform_indices = @transform_5, window_bounds = array<i64: 2000, 288>}]} {
    %get3A = arith.constant 0 : index
    %get3A_0 = arith.constant 0 : index
    %get3A_1 = vector.load %arg1[%get3A, %get3A_0] : memref<2000x16xf32, #tpu.memory_space<vmem>>, vector<2000x16xf32>
    %get3A_2 = arith.constant 0 : index
    %get3A_3 = arith.constant 0 : index
    %get3A_4 = vector.load %arg2[%get3A_2, %get3A_3] : memref<2000x16xf32, #tpu.memory_space<vmem>>, vector<2000x16xf32>
    %add3A = arith.addf %get3A_1, %get3A_4 : vector<2000x16xf32>
    %get3A_5 = arith.constant 0 : index
    %get3A_6 = arith.constant 0 : index
    %get3A_7 = vector.load %arg3[%get3A_5, %get3A_6] : memref<2000x16xf32, #tpu.memory_space<vmem>>, vector<2000x16xf32>
    %add3A_8 = arith.addf %add3A, %get3A_7 : vector<2000x16xf32>
    %get3A_9 = arith.constant 0 : index
    %get3A_10 = arith.constant 0 : index
    %get3A_11 = vector.load %arg4[%get3A_9, %get3A_10] : memref<1x16xf32, #tpu.memory_space<vmem>>, vector<1x16xf32>
    %add3A_12 = vector.broadcast %get3A_11 : vector<1x16xf32> to vector<2000x16xf32>
    %add3A_13 = arith.addf %add3A_8, %add3A_12 : vector<2000x16xf32>
    %max3A = arith.constant 0.000000e+00 : f32
    %max3A_14 = vector.broadcast %max3A : f32 to vector<2000x16xf32>
    %max3A_15 = arith.maximumf %add3A_13, %max3A_14 : vector<2000x16xf32>
    %get3A_16 = arith.constant 0 : index
    %get3A_17 = arith.constant 0 : index
    %get3A_18 = vector.load %arg5[%get3A_16, %get3A_17] : memref<16x288xf32, #tpu.memory_space<vmem>>, vector<16x288xf32>
    %dot_general3A = arith.constant dense<0.000000e+00> : vector<2000x288xf32>
    %dot_general3A_19 = tpu.matmul %max3A_15, %get3A_18, %dot_general3A {dimension_numbers = #tpu.dot_dimension_numbers<[1], [0], [0], [1], [0, 0, 1, 1], [], []>, precision = #tpu.contract_precision<fp32>, transpose_lhs_hint = false} : vector<2000x16xf32>, vector<16x288xf32>, vector<2000x288xf32> -> vector<2000x288xf32>
    %swap3A = arith.constant 0 : index
    %swap3A_20 = arith.constant 0 : index
    %swap3A_21 = vector.load %arg6[%swap3A, %swap3A_20] : memref<2000x288xf32, #tpu.memory_space<vmem>>, vector<2000x288xf32>
    tpu.vector_store %arg6[%swap3A, %swap3A_20], %dot_general3A_19 {strides = array<i32>} : memref<2000x288xf32, #tpu.memory_space<vmem>>, vector<2000x288xf32>,
    return
  }
  func.func @transform_0(%arg0: i32) -> (i32, i32) {
    %c0_i32 = arith.constant 0 : i32
    %c0_i32_0 = arith.constant 0 : i32
    return %arg0, %c0_i32 : i32, i32
  }
  func.func @transform_1(%arg0: i32) -> (i32, i32) {
    %c0_i32 = arith.constant 0 : i32
    %c0_i32_0 = arith.constant 0 : i32
    return %arg0, %c0_i32 : i32, i32
  }
  func.func @transform_2(%arg0: i32) -> (i32, i32) {
    %c0_i32 = arith.constant 0 : i32
    %c0_i32_0 = arith.constant 0 : i32
    return %arg0, %c0_i32 : i32, i32
  }
  func.func @transform_3(%arg0: i32) -> (i32, i32) {
    %c0_i32 = arith.constant 0 : i32
    %c0_i32_0 = arith.constant 0 : i32
    %c0_i32_1 = arith.constant 0 : i32
    return %c0_i32, %c0_i32_0 : i32, i32
  }
  func.func @transform_4(%arg0: i32) -> (i32, i32) {
    %c0_i32 = arith.constant 0 : i32
    %c0_i32_0 = arith.constant 0 : i32
    %c0_i32_1 = arith.constant 0 : i32
    return %c0_i32, %c0_i32_0 : i32, i32
  }
  func.func @transform_5(%arg0: i32) -> (i32, i32) {
    %c0_i32 = arith.constant 0 : i32
    %c0_i32_0 = arith.constant 0 : i32
    return %arg0, %c0_i32 : i32, i32
  }
}

module attributes {stable_mosaic.version = 14 : i64} {
  func.func @_node_update_body(%arg0: i32, %arg1: memref<2000x16xf32, #tpu.memory_space<vmem>>, %arg2: memref<2000x16xf32, #tpu.memory_space<vmem>>, %arg3: memref<2000x16xf32, #tpu.memory_space<vmem>>, %arg4: memref<1x16xf32, #tpu.memory_space<vmem>>, %arg5: memref<16x32xf32, #tpu.memory_space<vmem>>, %arg6: memref<2000x32xf32, #tpu.memory_space<vmem>>) attributes {dimension_semantics = [#tpu.dimension_semantics<arbitrary>], iteration_bounds = array<i64: 5>, scalar_prefetch = 0 : i64, scratch_operands = 0 : i64, tpu.core_type = #tpu.core_type<tc>, window_params = [{transform_indices = @transform_0, window_bounds = array<i64: 2000, 16>}, {transform_indices = @transform_1, window_bounds = array<i64: 2000, 16>}, {transform_indices = @transform_2, window_bounds = array<i64: 2000, 16>}, {pipeline_mode = #tpu.pipeline_mode<synchronous>, transform_indices = @transform_3, window_bounds = array<i64: 1, 16>}, {pipeline_mode = #tpu.pipeline_mode<synchronous>, transform_indices = @transform_4, window_bounds = array<i64: 16, 32>}, {transform_indices = @transform_5, window_bounds = array<i64: 2000, 32>}]} {
    %get3A = arith.constant 0 : index
    %get3A_0 = arith.constant 0 : index
    %get3A_1 = vector.load %arg1[%get3A, %get3A_0] : memref<2000x16xf32, #tpu.memory_space<vmem>>, vector<2000x16xf32>
    %get3A_2 = arith.constant 0 : index
    %get3A_3 = arith.constant 0 : index
    %get3A_4 = vector.load %arg2[%get3A_2, %get3A_3] : memref<2000x16xf32, #tpu.memory_space<vmem>>, vector<2000x16xf32>
    %add3A = arith.addf %get3A_1, %get3A_4 : vector<2000x16xf32>
    %get3A_5 = arith.constant 0 : index
    %get3A_6 = arith.constant 0 : index
    %get3A_7 = vector.load %arg3[%get3A_5, %get3A_6] : memref<2000x16xf32, #tpu.memory_space<vmem>>, vector<2000x16xf32>
    %add3A_8 = arith.addf %add3A, %get3A_7 : vector<2000x16xf32>
    %get3A_9 = arith.constant 0 : index
    %get3A_10 = arith.constant 0 : index
    %get3A_11 = vector.load %arg4[%get3A_9, %get3A_10] : memref<1x16xf32, #tpu.memory_space<vmem>>, vector<1x16xf32>
    %add3A_12 = vector.broadcast %get3A_11 : vector<1x16xf32> to vector<2000x16xf32>
    %add3A_13 = arith.addf %add3A_8, %add3A_12 : vector<2000x16xf32>
    %max3A = arith.constant 0.000000e+00 : f32
    %max3A_14 = vector.broadcast %max3A : f32 to vector<2000x16xf32>
    %max3A_15 = arith.maximumf %add3A_13, %max3A_14 : vector<2000x16xf32>
    %get3A_16 = arith.constant 0 : index
    %get3A_17 = arith.constant 0 : index
    %get3A_18 = vector.load %arg5[%get3A_16, %get3A_17] : memref<16x32xf32, #tpu.memory_space<vmem>>, vector<16x32xf32>
    %dot_general3A = arith.constant dense<0.000000e+00> : vector<2000x32xf32>
    %dot_general3A_19 = tpu.matmul %max3A_15, %get3A_18, %dot_general3A {dimension_numbers = #tpu.dot_dimension_numbers<[1], [0], [0], [1], [0, 0, 1, 1], [], []>, precision = #tpu.contract_precision<fp32>, transpose_lhs_hint = false} : vector<2000x16xf32>, vector<16x32xf32>, vector<2000x32xf32> -> vector<2000x32xf32>
    %swap3A = arith.constant 0 : index
    %swap3A_20 = arith.constant 0 : index
    %swap3A_21 = vector.load %arg6[%swap3A, %swap3A_20] : memref<2000x32xf32, #tpu.memory_space<vmem>>, vector<2000x32xf32>
    tpu.vector_store %arg6[%swap3A, %swap3A_20], %dot_general3A_19 {strides = array<i32>} : memref<2000x32xf32, #tpu.memory_space<vmem>>, vector<2000x32xf32>,
    return
  }
  func.func @transform_0(%arg0: i32) -> (i32, i32) {
    %c0_i32 = arith.constant 0 : i32
    %c0_i32_0 = arith.constant 0 : i32
    return %arg0, %c0_i32 : i32, i32
  }
  func.func @transform_1(%arg0: i32) -> (i32, i32) {
    %c0_i32 = arith.constant 0 : i32
    %c0_i32_0 = arith.constant 0 : i32
    return %arg0, %c0_i32 : i32, i32
  }
  func.func @transform_2(%arg0: i32) -> (i32, i32) {
    %c0_i32 = arith.constant 0 : i32
    %c0_i32_0 = arith.constant 0 : i32
    return %arg0, %c0_i32 : i32, i32
  }
  func.func @transform_3(%arg0: i32) -> (i32, i32) {
    %c0_i32 = arith.constant 0 : i32
    %c0_i32_0 = arith.constant 0 : i32
    %c0_i32_1 = arith.constant 0 : i32
    return %c0_i32, %c0_i32_0 : i32, i32
  }
  func.func @transform_4(%arg0: i32) -> (i32, i32) {
    %c0_i32 = arith.constant 0 : i32
    %c0_i32_0 = arith.constant 0 : i32
    %c0_i32_1 = arith.constant 0 : i32
    return %c0_i32, %c0_i32_0 : i32, i32
  }
  func.func @transform_5(%arg0: i32) -> (i32, i32) {
    %c0_i32 = arith.constant 0 : i32
    %c0_i32_0 = arith.constant 0 : i32
    return %arg0, %c0_i32 : i32, i32
  }
}

module attributes {stable_mosaic.version = 14 : i64} {
  func.func @_pred_body(%arg0: i32, %arg1: memref<4000x256xf32, #tpu.memory_space<vmem>>, %arg2: memref<4000x256xf32, #tpu.memory_space<vmem>>, %arg3: memref<256x128xf32, #tpu.memory_space<vmem>>, %arg4: memref<1x128xf32, #tpu.memory_space<vmem>>, %arg5: memref<128x128xf32, #tpu.memory_space<vmem>>, %arg6: memref<1x128xf32, #tpu.memory_space<vmem>>, %arg7: memref<128x8xf32, #tpu.memory_space<vmem>>, %arg8: memref<1x1xf32, #tpu.memory_space<vmem>>, %arg9: memref<4000x8xf32, #tpu.memory_space<vmem>>) attributes {dimension_semantics = [#tpu.dimension_semantics<arbitrary>], iteration_bounds = array<i64: 10>, scalar_prefetch = 0 : i64, scratch_operands = 0 : i64, tpu.core_type = #tpu.core_type<tc>, window_params = [{transform_indices = @transform_0, window_bounds = array<i64: 4000, 256>}, {transform_indices = @transform_1, window_bounds = array<i64: 4000, 256>}, {pipeline_mode = #tpu.pipeline_mode<synchronous>, transform_indices = @transform_2, window_bounds = array<i64: 256, 128>}, {pipeline_mode = #tpu.pipeline_mode<synchronous>, transform_indices = @transform_3, window_bounds = array<i64: 1, 128>}, {pipeline_mode = #tpu.pipeline_mode<synchronous>, transform_indices = @transform_4, window_bounds = array<i64: 128, 128>}, {pipeline_mode = #tpu.pipeline_mode<synchronous>, transform_indices = @transform_5, window_bounds = array<i64: 1, 128>}, {pipeline_mode = #tpu.pipeline_mode<synchronous>, transform_indices = @transform_6, window_bounds = array<i64: 128, 8>}, {pipeline_mode = #tpu.pipeline_mode<synchronous>, transform_indices = @transform_7, window_bounds = array<i64: 1, 1>}, {transform_indices = @transform_8, window_bounds = array<i64: 4000, 8>}]} {
    %get3A = arith.constant 0 : index
    %get3A_0 = arith.constant 0 : index
    %get3A_1 = vector.load %arg1[%get3A, %get3A_0] : memref<4000x256xf32, #tpu.memory_space<vmem>>, vector<4000x256xf32>
    %get3A_2 = arith.constant 0 : index
    %get3A_3 = arith.constant 0 : index
    %get3A_4 = vector.load %arg2[%get3A_2, %get3A_3] : memref<4000x256xf32, #tpu.memory_space<vmem>>, vector<4000x256xf32>
    %add3A = arith.addf %get3A_1, %get3A_4 : vector<4000x256xf32>
    %max3A = arith.constant 0.000000e+00 : f32
    %max3A_5 = vector.broadcast %max3A : f32 to vector<4000x256xf32>
    %max3A_6 = arith.maximumf %add3A, %max3A_5 : vector<4000x256xf32>
    %get3A_7 = arith.constant 0 : index
    %get3A_8 = arith.constant 0 : index
    %get3A_9 = vector.load %arg3[%get3A_7, %get3A_8] : memref<256x128xf32, #tpu.memory_space<vmem>>, vector<256x128xf32>
    %dot_general3A = arith.constant dense<0.000000e+00> : vector<4000x128xf32>
    %dot_general3A_10 = tpu.matmul %max3A_6, %get3A_9, %dot_general3A {dimension_numbers = #tpu.dot_dimension_numbers<[1], [0], [0], [1], [0, 0, 1, 1], [], []>, precision = #tpu.contract_precision<fp32>, transpose_lhs_hint = false} : vector<4000x256xf32>, vector<256x128xf32>, vector<4000x128xf32> -> vector<4000x128xf32>
    %get3A_11 = arith.constant 0 : index
    %get3A_12 = arith.constant 0 : index
    %get3A_13 = vector.load %arg4[%get3A_11, %get3A_12] : memref<1x128xf32, #tpu.memory_space<vmem>>, vector<1x128xf32>
    %add3A_14 = vector.broadcast %get3A_13 : vector<1x128xf32> to vector<4000x128xf32>
    %add3A_15 = arith.addf %dot_general3A_10, %add3A_14 : vector<4000x128xf32>
    %max3A_16 = arith.constant 0.000000e+00 : f32
    %max3A_17 = vector.broadcast %max3A_16 : f32 to vector<4000x128xf32>
    %max3A_18 = arith.maximumf %add3A_15, %max3A_17 : vector<4000x128xf32>
    %get3A_19 = arith.constant 0 : index
    %get3A_20 = arith.constant 0 : index
    %get3A_21 = vector.load %arg5[%get3A_19, %get3A_20] : memref<128x128xf32, #tpu.memory_space<vmem>>, vector<128x128xf32>
    %dot_general3A_22 = arith.constant dense<0.000000e+00> : vector<4000x128xf32>
    %dot_general3A_23 = tpu.matmul %max3A_18, %get3A_21, %dot_general3A_22 {dimension_numbers = #tpu.dot_dimension_numbers<[1], [0], [0], [1], [0, 0, 1, 1], [], []>, precision = #tpu.contract_precision<fp32>, transpose_lhs_hint = false} : vector<4000x128xf32>, vector<128x128xf32>, vector<4000x128xf32> -> vector<4000x128xf32>
    %get3A_24 = arith.constant 0 : index
    %get3A_25 = arith.constant 0 : index
    %get3A_26 = vector.load %arg6[%get3A_24, %get3A_25] : memref<1x128xf32, #tpu.memory_space<vmem>>, vector<1x128xf32>
    %add3A_27 = vector.broadcast %get3A_26 : vector<1x128xf32> to vector<4000x128xf32>
    %add3A_28 = arith.addf %dot_general3A_23, %add3A_27 : vector<4000x128xf32>
    %max3A_29 = arith.constant 0.000000e+00 : f32
    %max3A_30 = vector.broadcast %max3A_29 : f32 to vector<4000x128xf32>
    %max3A_31 = arith.maximumf %add3A_28, %max3A_30 : vector<4000x128xf32>
    %get3A_32 = arith.constant 0 : index
    %get3A_33 = arith.constant 0 : index
    %get3A_34 = vector.load %arg7[%get3A_32, %get3A_33] : memref<128x8xf32, #tpu.memory_space<vmem>>, vector<128x8xf32>
    %dot_general3A_35 = arith.constant dense<0.000000e+00> : vector<4000x8xf32>
    %dot_general3A_36 = tpu.matmul %max3A_31, %get3A_34, %dot_general3A_35 {dimension_numbers = #tpu.dot_dimension_numbers<[1], [0], [0], [1], [0, 0, 1, 1], [], []>, precision = #tpu.contract_precision<fp32>, transpose_lhs_hint = false} : vector<4000x128xf32>, vector<128x8xf32>, vector<4000x8xf32> -> vector<4000x8xf32>
    %get3A_37 = arith.constant 0 : index
    %get3A_38 = arith.constant 0 : index
    %get3A_39 = vector.load %arg8[%get3A_37, %get3A_38] : memref<1x1xf32, #tpu.memory_space<vmem>>, vector<1x1xf32>
    %get3A_40 = vector.extract %get3A_39[0, 0] : f32 from vector<1x1xf32>
    %add3A_41 = vector.broadcast %get3A_40 : f32 to vector<4000x8xf32>
    %add3A_42 = arith.addf %dot_general3A_36, %add3A_41 : vector<4000x8xf32>
    %swap3A = arith.constant 0 : index
    %swap3A_43 = arith.constant 0 : index
    %swap3A_44 = vector.load %arg9[%swap3A, %swap3A_43] : memref<4000x8xf32, #tpu.memory_space<vmem>>, vector<4000x8xf32>
    tpu.vector_store %arg9[%swap3A, %swap3A_43], %add3A_42 {strides = array<i32>} : memref<4000x8xf32, #tpu.memory_space<vmem>>, vector<4000x8xf32>,
    return
  }
  func.func @transform_0(%arg0: i32) -> (i32, i32) {
    %c0_i32 = arith.constant 0 : i32
    %c0_i32_0 = arith.constant 0 : i32
    return %arg0, %c0_i32 : i32, i32
  }
  func.func @transform_1(%arg0: i32) -> (i32, i32) {
    %c0_i32 = arith.constant 0 : i32
    %c0_i32_0 = arith.constant 0 : i32
    return %arg0, %c0_i32 : i32, i32
  }
  func.func @transform_2(%arg0: i32) -> (i32, i32) {
    %c0_i32 = arith.constant 0 : i32
    %c0_i32_0 = arith.constant 0 : i32
    %c0_i32_1 = arith.constant 0 : i32
    return %c0_i32, %c0_i32_0 : i32, i32
  }
  func.func @transform_3(%arg0: i32) -> (i32, i32) {
    %c0_i32 = arith.constant 0 : i32
    %c0_i32_0 = arith.constant 0 : i32
    %c0_i32_1 = arith.constant 0 : i32
    return %c0_i32, %c0_i32_0 : i32, i32
  }
  func.func @transform_4(%arg0: i32) -> (i32, i32) {
    %c0_i32 = arith.constant 0 : i32
    %c0_i32_0 = arith.constant 0 : i32
    %c0_i32_1 = arith.constant 0 : i32
    return %c0_i32, %c0_i32_0 : i32, i32
  }
  func.func @transform_5(%arg0: i32) -> (i32, i32) {
    %c0_i32 = arith.constant 0 : i32
    %c0_i32_0 = arith.constant 0 : i32
    %c0_i32_1 = arith.constant 0 : i32
    return %c0_i32, %c0_i32_0 : i32, i32
  }
  func.func @transform_6(%arg0: i32) -> (i32, i32) {
    %c0_i32 = arith.constant 0 : i32
    %c0_i32_0 = arith.constant 0 : i32
    %c0_i32_1 = arith.constant 0 : i32
    return %c0_i32, %c0_i32_0 : i32, i32
  }
  func.func @transform_7(%arg0: i32) -> (i32, i32) {
    %c0_i32 = arith.constant 0 : i32
    %c0_i32_0 = arith.constant 0 : i32
    %c0_i32_1 = arith.constant 0 : i32
    return %c0_i32, %c0_i32_0 : i32, i32
  }
  func.func @transform_8(%arg0: i32) -> (i32, i32) {
    %c0_i32 = arith.constant 0 : i32
    %c0_i32_0 = arith.constant 0 : i32
    return %arg0, %c0_i32 : i32, i32
  }
}

</mosaic_0001>

<sc_bundles>
// kernel: kernel.10.cloned.1.call-start
scs
__scs_entry_jumppad:
0x0: {  	(pc) =	sbr.rel $0x88, $3  }
0x1: {  	(tag) =	ssettag $0x0;
	lr =	simm.s32 $0x1  }
0x2: {  	[smem:$0x3F8A] =	sst lr;
	_ =	strace $0xD0000000  }
0x3: {  	_ = 	snop  }
0x4: {  	_ = 	snop  }
0x5: {  	_ = 	snop  }
0x6: {  	_ = 	snop  }
0x7: {  	_ = 	snop  }
__scs_overlays_trampoline_lowered:
0x8: {  	[smem:$0x3F99] =	sst s0  }
0x9: {  	[smem:$0x3F9A] =	sst s1  }
0xa: {  	[smem:$0x3F9B] =	sst s2  }
0xb: {  	[smem:$0x3F9C] =	sst s3  }
0xc: {  	[smem:$0x3F9D] =	sst s4  }
0xd: {  	[smem:$0x3F9E] =	sst s5  }
0xe: {  	[smem:$0x3F9F] =	sst s6  }
0xf: {  	[smem:$0x3FA0] =	sst s7  }
0x10: {  	[smem:$0x3FA1] =	sst s8  }
0x11: {  	[smem:$0x3FA2] =	sst s9;
	s0 =	simm.s32 @!p0 $0x0  }
0x12: {  	s1 =	sld [smem:$0x3F88];
	s0 =	simm.s32 @p0 $0x1  }
0x13: {  	[smem:$0x3FA3] =	sst s0;
	s0 =	simm.s32 @!p1 $0x0  }
0x14: {  	s2 =	sld [smem:$0x3F87];
	s0 =	simm.s32 @p1 $0x1  }
0x15: {  	[smem:$0x3FA4] =	sst s0;
	s0 =	simm.s32 @!p2 $0x0  }
0x16: {  	s3 =	sld [smem:$0x3FDB];
	s0 =	simm.s32 @p2 $0x1  }
0x17: {  	s4 =	simm.s32 $0x1BF5;
	[smem:$0x3FA6] =	sst s0  }
0x18: {  	s0 =	sld [smem:$0x3F89];
	_ =	swait.ge [sflag:s4], $0x0  }
0x19: {  	s7 =	sld [smem:$0x3F8A]  }
0x1a: {  	s8 =	sadd.s32 $0xFFFFE003, lr  }
0x1b: {  	s9 =	sadd.s32 $0xFFFFFEF7, lr;
	s5 =	simm.s32 $0xFFFFFFFF;
	p2 =	slt.u32 s8, $0xFFFFF086  }
0x1c: {  	p1 =	slt.u32 s9, $0xF7A;
	s5 =	simm.s32 @!p2 $0x0  }
0x1d: {  	s5 =	simm.s32 @p1 $0x1;
	p0 =	seq.s32 s7, s2  }
0x1e: {  	s7 =	smul.u32 @!p0 $0xF7A, s2;
	p2 =	seq.s32 @!p0 s5, $0x0  }
0x1f: {  	s9 =	smul.u32 $0xF7A, s1;
	s8 =	simm.s32 @!p0 $0x1BF5;
	p2 =	por !p2, p0  }
0x20: {  	[sflag:s8] =	ssyncset.s32 @!p0 $0xFFFFF086;
	s6 =	sadd.s32 @!p0 s3, s7;
	s7 =	simm.s32 @!p0 $0x108  }
0x21: {  	s3 =	sadd.s32 s3, s9;
	s6 =	sadd.s32 @!p0 $0x88, s6;
	s7 =	simm.s32 @p2 $0x1082  }
0x22: {  	[simem:s7], [sflag:s8] =	dma.local @!p0 [hbm:s6], $0xF7A  }
0x23: {  	s9 =	sor.u32 $0xD0000000, s2;
	s6 =	simm.s32 $0x108;
	_ =	swait.ge @!p0 [sflag:s8], $0x0  }
0x24: {  	s3 =	sadd.s32 $0x88, s3;
	s6 =	simm.s32 @!p1 $0x1082;
	[sflag:s4] =	ssyncset.s32 $0xFFFFF086  }
0x25: {  	[simem:s6], [sflag:s4] =	dma.local [hbm:s3], $0xF7A  }
0x26: {  	[smem:$0x3F8A] =	sst s1;
	(tag) =	ssettag s2;
	_ =	strace s9  }
0x27: {  	s1 =	sld [smem:$0x3F9A]  }
0x28: {  	s2 =	sld [smem:$0x3F9B]  }
0x29: {  	s4 =	sld [smem:$0x3F9D]  }
0x2a: {  	p0 =	seq.s32 s5, $0x0;
	s5 =	sld [smem:$0x3F9E]  }
0x2b: {  	s6 =	sld [smem:$0x3F9F]  }
0x2c: {  	s7 =	sld [smem:$0x3FA0]  }
0x2d: {  	s3 =	simm.s32 $0x108;
	s8 =	sld [smem:$0x3FA1]  }
0x2e: {  	s3 =	simm.s32 @!p0 $0x1082;
	s9 =	sld [smem:$0x3FA2]  }
0x2f: {  	lr =	sadd.s32 s0, s3;
	s0 =	sld [smem:$0x3F99]  }
0x30: {  	s3 =	sld [smem:$0x3F9C]  }
0x31: {  	[smem:$0x3FA5] =	sst s10  }
0x32: {  	s10 =	sld [smem:$0x3FA3];
	_ =	sdelay $0x3  }
0x33: {  	p0 =	seq.s32 s10, $0x1;
	s10 =	sld [smem:$0x3FA5];
	_ =	sdelay $0x3  }
0x34: {  	[smem:$0x3FA5] =	sst s10  }
0x35: {  	s10 =	sld [smem:$0x3FA4];
	_ =	sdelay $0x3  }
0x36: {  	p1 =	seq.s32 s10, $0x1;
	s10 =	sld [smem:$0x3FA5];
	_ =	sdelay $0x3  }
0x37: {  	[smem:$0x3FA5] =	sst s10  }
0x38: {  	s10 =	sld [smem:$0x3FA6]  }
0x39: {  	_ = 	snop;
	(pc) =	sbr.ind lr, $3  }
0x3a: {  	_ = 	snop  }
0x3b: {  	_ = 	snop  }
0x3c: {  	p2 =	seq.s32 s10, $0x1;
	s10 =	sld [smem:$0x3FA5]  }
0x3d: {  	_ =	shalt  }
0x3e: {  	_ =	shalt  }
0x3f: {  	_ =	shalt  }
0x40: {  	_ =	shalt  }
0x41: {  	_ =	shalt  }
0x42: {  	_ =	shalt  }
0x43: {  	_ =	shalt  }
0x44: {  	_ =	shalt  }
0x45: {  	_ =	shalt  }
0x46: {  	_ =	shalt  }
0x47: {  	_ =	shalt  }
0x48: {  	_ =	shalt  }
0x49: {  	_ =	shalt  }
0x4a: {  	_ =	shalt  }
0x4b: {  	_ =	shalt  }
0x4c: {  	_ =	shalt  }
0x4d: {  	_ =	shalt  }
0x4e: {  	_ =	shalt  }
0x4f: {  	_ =	shalt  }
0x50: {  	_ =	shalt  }
0x51: {  	_ =	shalt  }
0x52: {  	_ =	shalt  }
0x53: {  	_ =	shalt  }
0x54: {  	_ =	shalt  }
0x55: {  	_ =	shalt  }
0x56: {  	_ =	shalt  }
0x57: {  	_ =	shalt  }
0x58: {  	_ =	shalt  }
0x59: {  	_ =	shalt  }
0x5a: {  	_ =	shalt  }
0x5b: {  	_ =	shalt  }
0x5c: {  	_ =	shalt  }
0x5d: {  	_ =	shalt  }
0x5e: {  	_ =	shalt  }
0x5f: {  	_ =	shalt  }
0x60: {  	_ =	shalt  }
0x61: {  	_ =	shalt  }
0x62: {  	_ =	shalt  }
0x63: {  	_ =	shalt  }
0x64: {  	_ =	shalt  }
0x65: {  	_ =	shalt  }
0x66: {  	_ =	shalt  }
0x67: {  	_ =	shalt  }
0x68: {  	_ =	shalt  }
0x69: {  	_ =	shalt  }
0x6a: {  	_ =	shalt  }
0x6b: {  	_ =	shalt  }
0x6c: {  	_ =	shalt  }
0x6d: {  	_ =	shalt  }
0x6e: {  	_ =	shalt  }
0x6f: {  	_ =	shalt  }
0x70: {  	_ =	shalt  }
0x71: {  	_ =	shalt  }
0x72: {  	_ =	shalt  }
0x73: {  	_ =	shalt  }
0x74: {  	_ =	shalt  }
0x75: {  	_ =	shalt  }
0x76: {  	_ =	shalt  }
0x77: {  	_ =	shalt  }
0x78: {  	_ =	shalt  }
0x79: {  	_ =	shalt  }
0x7a: {  	_ =	shalt  }
0x7b: {  	_ =	shalt  }
0x7c: {  	_ =	shalt  }
0x7d: {  	_ =	shalt  }
0x7e: {  	_ =	shalt  }
0x7f: {  	_ =	shalt  }
0x80: {  	_ =	shalt  }
0x81: {  	_ =	shalt  }
0x82: {  	_ =	shalt  }
0x83: {  	_ =	shalt  }
0x84: {  	_ =	shalt  }
0x85: {  	_ =	shalt  }
0x86: {  	_ =	shalt  }
0x87: {  	_ =	shalt  }
.Lfunc_end0:
.L_simem_size_0:
called_computation_lowered:
.L_overlay_start_0:
0x88: {  	s2 =	sld [smem:$0x3FD9]  }
0x89: {  	s3 =	sld [smem:$0x3FFE];
	_ =	sdelay $0x1  }
0x8a: {  	s1 =	srdreg.scid  }
0x8b: {  	s0 =	sand.u32 $0x1, s1  }
0x8c: {  	s17 =	sshll.u32 s0, $0xA;
	s2 =	sadd.s32 s3, s2  }
0x8d: {  	s2 =	sadd.s32 s2, s17  }
0x8e: {  	[smem:$0x3FB1] =	sst s2  }
0x8f: {  	_ = 	snop  }
0x90: {  	s2 =	sld [smem:$0x3FD0];
	(tm) =	ssettm $0x1  }
0x91: {  	s18 =	sld [smem:$0x3FFB];
	_ =	sdelay $0x3  }
0x92: {  	_ =	strace s18  }
0x93: {  	s3 =	sld [smem:$0x3FFC];
	_ =	sdelay $0x3  }
0x94: {  	_ =	strace s3  }
0x95: {  	s3 =	sld [smem:$0x3FFD];
	_ =	sdelay $0x3  }
0x96: {  	_ =	strace s3  }
0x97: {  	_ =	strace $0x8FFFFFFF  }
0x98: {  	s19 =	sld [smem:$0x3FDB];
	_ =	sdelay $0x1  }
0x99: {  	s4 =	simm.s32 $_scs_section_size  }
0x9a: {  	s5 =	simm.s32 $_size__tile_overlayer_lowered;
	s6 =	simm.s32 $_tile_overlayer_lowered  }
0x9b: {  	s22 =	simm.s32 $0x1BFF;
	s21 =	sshll.u32 s6, $0x1;
	s3 =	sadd.s32 s4, s19  }
0x9c: {  	s7 =	simm.s32 $0x0;
	s20 =	sshll.u32 s5, $0x1;
	s5 =	sadd.s32 s21, s3  }
0x9d: {  	[timem:s7], [sflag:s22] =	dma.local [hbm:s5], s20  }
0x9e: {  	_ =	swait.ge [sflag:s22], s20  }
0x9f: {  	s4 =	ssub.s32 $0x0, s20;
	[sflag:s22] =	ssyncset.done $0x0  }
0xa0: {  	[sflag:s22] =	ssyncadd.s32 s4;
	_ =	sdelay $0x1  }
0xa1: {  	s23 =	simm.s32 $0x1B8B  }
0xa2: {  	_ =	swait.ge [sflag:s23], $0x1  }
0xa3: {  	[sflag:s23] =	ssyncset.done $0x0  }
0xa4: {  	s25 =	simm.s32 $0x1B8E;
	s24 =	sld [smem:$0x3FFE];
	[sflag:s23] =	ssyncadd.s32 $0xFFFFFFFF  }
0xa5: {  	s26 =	simm.s32 $execute0_lowered;
	[smem:$0x3FD2] =	sst s25  }
0xa6: {  	s5 =	sshll.u32 s26, $0x1;
	_ =	strace $0x80000046;
	[dreg:$0x1] =	wrdreg $0xFFFFFFFF  }
0xa7: {  	s28 =	simm.s32 $_size_execute0_lowered;
	s3 =	sadd.s32 s3, s5;
	[dreg:$0x0] =	wrdreg $0x0  }
0xa8: {  	s5 =	sshll.u32 s28, $0x1;
	[dreg:$0x2] =	wrdreg s3  }
0xa9: {  	[dreg:$0x3] =	wrdreg s5  }
0xaa: {  	[dreg:$0x4] =	wrdreg $0xC0  }
0xab: {  	_ =	task [dreg:s7], $0x5FFFF  }
0xac: {  	[dreg:$0x1] =	wrdreg $0xFFFFFFFF  }
0xad: {  	[dreg:$0x0] =	wrdreg $0x60  }
0xae: {  	[dreg:$0x2] =	wrdreg s24  }
0xaf: {  	[dreg:$0x3] =	wrdreg s2  }
0xb0: {  	[dreg:$0x4] =	wrdreg $0x17C500  }
0xb1: {  	[dreg:$0x5] =	wrdreg $0x9  }
0xb2: {  	_ =	task.clear_ibuf [dreg:s7], $0x6FFFF;
	_ =	strace $0x90000046  }
0xb3: {  	s29 =	simm.s32 $0x9;
	_ =	strace $0x80000048  }
0xb4: {  	_ =	swait.ge [sflag:s29], $0x1  }
0xb5: {  	[sflag:s29] =	ssyncadd.s32 $0xFFFFFFFF  }
0xb6: {  	_ =	strace $0x90000048  }
0xb7: {  	_ =	sfence  }
0xb8: {  	s30 =	sld [smem:$0x0];
	_ =	sdelay $0x2  }
0xb9: {  	s31 =	sshll.u32 s1, $0xD;
	s1 =	sshrl.u32 s1, $0x2  }
0xba: {  	s3 =	sand.u32 $0x4000, s31;
	s1 =	sadd.s32 s1, s30  }
0xbb: {  	s0 =	sor.u32 s3, s0;
	s1 =	sshll.u32 s1, $0x11  }
0xbc: {  	s0 =	sor.u32 s1, s0  }
0xbd: {  	s0 =	sadd.s32 $0x8F2B, s0  }
0xbe: {  	[sflag:s0] =	ssyncadd.remote.s32 $0x1  }
0xbf: {  	_ =	sfence.sel $0xFFFF  }
0xc0: {  	[dreg:$0x0] =	wrdreg $0xFFFFFFFF;
	(pc) =	sbr.abs _section_cstart, $3  }
0xc1: {  	[dreg:$0x1] =	wrdreg $0xFFFFFFFF  }
0xc2: {  	_ =	task.clear_ibuf [dreg:s7], $0x2FFFF;
	_ =	strace $0x9FFFFFFF  }
0xc3: {  	(tm) =	ssettm $0x7FFFFFFF  }
tec
execute0_lowered:
.L_overlay_start_1:
0x0: {  	(tag) =	ssettag $0x1  }
0x1: {  	s0 =	rddreg [dreg:$0x0]  }
0x2: {  	s2 =	rddreg [dreg:$0x1]  }
0x3: {  	s1 =	rddreg [dreg:$0x2];
	s3 =	srdreg.scid  }
0x4: {  	s4 =	simm.s32 $0x0;
	s11 =	stileid.u32;
	s16 =	simm.s32 $0x12E30  }
0x5: {  	s17 =	simm.s32 $0x3;
	s19 =	simm.s32 $0x4E20;
	s20 =	simm.s32 $0x50  }
0x6: {  	s21 =	simm.s32 $0x7530;
	s28 =	simm.s32 $0x1;
	s29 =	simm.s32 $0x12930  }
0x7: {  	s30 =	simm.s32 $0x2;
	s3 =	sand.u32 $0x1, s3;
	s10 =	smul.u32 $0x2710, s11  }
0x8: {  	[smem:$0x7FF] =	sst s4;
	s4 =	sadd.s32 $0x4F5A00, s0;
	s23 =	smul.u32 $0x1D4C0, s11  }
0x9: {  	s25 =	smul.u32 $0x9C40, s11;
	s22 =	sshll.u32 s3, $0x4;
	_ =	strace $0x80000047  }
0xa: {  	s7 =	smul.u32 $0x4E20, s3;
	s3 =	ssub.s32 $0x2, s3;
	s5 =	sor.u32 s11, s22  }
0xb: {  	s9 =	sshrl.u32 s3, $0x1;
	s31 =	sshrl.u32 s10, $0x3;
	s6 =	smul.u32 $0x4E2, s5  }
0xc: {  	s22 =	simm.s32 $0x11F30;
	s5 =	sadd.s32 $0x13800, s0;
	s3 =	ssub.s32 s3, s9  }
0xd: {  	s9 =	sadd.s32 s10, s1;
	s10 =	smax.u32 s3, $0x1;
	s8 =	sadd.s32 s6, s0  }
0xe: {  	s0 =	sadd.s32 s7, s0;
	s2 =	sadd.s32 s2, s6;
	s7 =	sshrl.u32 s23, $0x2  }
0xf: {  	v0 =	vimm.f32 $0.0e+00;
	v1 =	vimm.s32 $0x1;
	s23 =	simm.s32 $0xCA30;
	[dreg:$0x4] =	wrdreg s2;
	s24 =	sadd.s32 $0xAFC00, s8  }
0x10: {  	v2 =	vimm.s32 $0x2;
	v3 =	vimm.s32 $0x3;
	v4 =	vimm.s32 $0x0;
	s26 =	sadd.s32 $0x3C00, s8;
	s0 =	sadd.s32 $0xB9A00, s0;
	[dreg:$0x5] =	wrdreg s24  }
0x11: {  	v5 =	vimm.s32 $0x4;
	v6 =	vimm.s32 $0x5;
	v7 =	vimm.s32 $0x6;
	s2 =	sshrl.u32 s25, $0x2;
	s11 =	sadd.s32 s7, s1;
	[dreg:$0x6] =	wrdreg s26  }
0x12: {  	v8 =	vimm.s32 $0x7;
	v9 =	vimm.s32 $0x8;
	v10 =	vimm.s32 $0x9;
	s2 =	sadd.s32 s2, s1;
	s12 =	sadd.s32 $0x2710, s11;
	s13 =	sadd.s32 $0x4E20, s11  }
0x13: {  	v11 =	vimm.s32 $0xA;
	v12 =	vimm.s32 $0xB;
	v13 =	vimm.s32 $0xC;
	s24 =	sadd.s32 s31, s0;
	s26 =	simm.s32 $0x12430;
	s0 =	simm.s32 $0x15540  }
0x14: {  	v14 =	vimm.s32 $0xD;
	v15 =	vimm.s32 $0xE;
	v16 =	vimm.s32 $0xF;
	s14 =	sadd.s32 $0x27100, s2;
	s15 =	sadd.s32 $0x4E200, s2;
	s2 =	simm.s32 $0x0  }
.LBB2_1:
0x15: {  	s3 =	simm.s32 $0x40;
	s6 =	simm.s32 $0x0  }
.LBB2_2:
0x16: {  	p0 =	sne.s32 s3, $0x9C00;
	[tilespmem:s6+$0x12E30] =	vst v0;
	s6 =	smov.u32 s3;
	s3 =	sadd.s32 $0x40, s3  }
.Ltmp0:
0x17: {  	(pc) =	sbr.rel @p0 .LBB2_2-.Ltmp0, $2  }
0x18: {  	_ =	sdelay $0x2  }
0x19: {  	s6 =	sshra.s32 s6, $0x2  }
0x1a: {  	[tilespmem:s6+$0x12E30] =	vst v0  }
0x1b: {  	[spmem:s11] =	stream.linear.scatter [tilespmem:s16], [sflag:$0x3], $0x2710, $0x38;
	[tilespmem:$0x1F180] =	vst v63  }
0x1c: {  	_ =	swait.ge [sflag:s17], $0x2710  }
0x1d: {  	[sflag:s17] =	ssyncset.done $0x0  }
0x1e: {  	[sflag:s17] =	ssyncadd.s32 $0xFFFFD8F0  }
0x1f: {  	[spmem:s12] =	stream.linear.scatter [tilespmem:s16], [sflag:$0x3], $0x2710, $0x38;
	[tilespmem:$0x1F180] =	vst v63  }
0x20: {  	_ =	swait.ge [sflag:s17], $0x2710  }
0x21: {  	[sflag:s17] =	ssyncset.done $0x0  }
0x22: {  	[sflag:s17] =	ssyncadd.s32 $0xFFFFD8F0  }
0x23: {  	[spmem:s13] =	stream.linear.scatter [tilespmem:s16], [sflag:$0x3], $0x2710, $0x38;
	[tilespmem:$0x1F180] =	vst v63  }
0x24: {  	_ =	swait.ge [sflag:s17], $0x2710  }
0x25: {  	[sflag:s17] =	ssyncset.done $0x0  }
0x26: {  	s3 =	simm.s32 $0x0;
	s8 =	rddreg [dreg:$0x4];
	[sflag:s17] =	ssyncadd.s32 $0xFFFFD8F0  }
0x27: {  	[tilespmem:s3], [sflag:$0x3] =	stream.linear.gather [hbm4b:s8+s3], $0x2710, $0x38;
	[tilespmem:$0x1F180] =	vst v63  }
0x28: {  	_ =	swait.ge [sflag:s17], $0x2710  }
0x29: {  	[sflag:s17] =	ssyncset.done $0x0  }
0x2a: {  	s7 =	simm.s32 $0x2710;
	s18 =	rddreg [dreg:$0x5];
	[sflag:s17] =	ssyncadd.s32 $0xFFFFD8F0  }
0x2b: {  	[tilespmem:s7], [sflag:$0x3] =	stream.linear.gather [hbm4b:s18+s3], $0x2710, $0x38;
	[tilespmem:$0x1F180] =	vst v63  }
0x2c: {  	_ =	swait.ge [sflag:s17], $0x2710  }
0x2d: {  	[sflag:s17] =	ssyncset.done $0x0  }
0x2e: {  	s25 =	rddreg [dreg:$0x6];
	[sflag:s17] =	ssyncadd.s32 $0xFFFFD8F0  }
0x2f: {  	[tilespmem:s19], [sflag:$0x3] =	stream.linear.gather [hbm4b:s25+s3], $0x2710, $0x38;
	[tilespmem:$0x1F180] =	vst v63  }
0x30: {  	_ =	swait.ge [sflag:s17], $0x2710  }
0x31: {  	[sflag:s17] =	ssyncset.done $0x0  }
0x32: {  	[sflag:s17] =	ssyncadd.s32 $0xFFFFD8F0  }
0x33: {  	[bflag:$0x0] =	sbarrier.arrive $0xFFFF  }
0x34: {  	[tilespmem:s21], [sflag:$0x1] =	stream.indirect.gather [hbm4b:s4+s20], $0x110, s3, s20, $0xb8;
	[tilespmem:$0x1F180] =	vst v63  }
0x35: {  	_ = 	snop  }
0x36: {  	[tilespmem:s22], [sflag:$0x1] =	stream.indirect.gather [hbm4b:s5+s20], $0x10, s19, s20, $0xb8;
	[tilespmem:$0x1F180] =	vst v63  }
0x37: {  	_ = 	snop  }
0x38: {  	[tilespmem:s23], [sflag:$0x2] =	stream.indirect.gather [hbm4b:s4+s20], $0x110, s20, s20, $0xb8;
	[tilespmem:$0x1F180] =	vst v63  }
0x39: {  	s31 =	simm.s32 $0x4E70  }
0x3a: {  	[tilespmem:s26], [sflag:$0x2] =	stream.indirect.gather [hbm4b:s5+s20], $0x10, s31, s20, $0xb8;
	[tilespmem:$0x1F180] =	vst v63  }
.LBB2_4:
0x3b: {  	_ =	swait.ge [sflag:s28], $0x5500  }
0x3c: {  	[sflag:s28] =	ssyncset.done $0x0  }
0x3d: {  	[sflag:s28] =	ssyncadd.s32 $0xFFFFAB00  }
0x3e: {  	_ =	swait.ge [sflag:s28], $0x500  }
0x3f: {  	[sflag:s28] =	ssyncset.done $0x0  }
0x40: {  	s18 =	simm.s32 $0x0;
	[sflag:s28] =	ssyncadd.s32 $0xFFFFFB00  }
0x41: {  	s25 =	simm.s32 $0x75B0;
	v22 =	vld [tilespmem:s18+$0x11F30]  }
0x42: {  	v23 =	vld [tilespmem:s25+$0x40]  }
0x43: {  	v24 =	vld [tilespmem:s25+$0x50]  }
0x44: {  	v25 =	vld [tilespmem:s25+$0x0]  }
0x45: {  	v26 =	vld [tilespmem:s25+$0x10]  }
0x46: {  	v19 =	vld [tilespmem:s25+$0x80];
	v29 =	vperm.xlane v22, v13;
	v30 =	vperm.xlane v22, v14  }
0x47: {  	v27 =	vld [tilespmem:s25+$0xFFFFFFC0];
	v18 =	vperm.xlane v22, v15;
	v17 =	vperm.xlane v22, v16  }
0x48: {  	v31 =	vld [tilespmem:s25+$0xFFFFFF90];
	v32 =	vperm.xlane v22, v9;
	v33 =	vperm.xlane v22, v10  }
0x49: {  	s6 =	simm.s32 $0x40;
	v28 =	vld [tilespmem:s25+$0xFFFFFFD0];
	v21 =	vperm.xlane v22, v11;
	v20 =	vperm.xlane v22, v12  }
.LBB2_5:
0x4a: {  	p0 =	sne.s32 s6, $0x13C0;
	v34 =	vperm.xlane v22, v1;
	v35 =	vperm.xlane v22, v2;
	v36 =	vld [tilespmem:s25+$0xFFFFFFA0]  }
0x4b: {  	v37 =	vperm.xlane v22, v3;
	v38 =	vperm.xlane v22, v5;
	v39 =	vld [tilespmem:s25+$0xFFFFFFE0]  }
0x4c: {  	v41 =	vperm.xlane v22, v6;
	v42 =	vperm.xlane v22, v7;
	v40 =	vld [tilespmem:s25+$0xFFFFFF80]  }
0x4d: {  	v44 =	vperm.xlane v22, v4;
	v22 =	vperm.xlane v22, v8;
	v43 =	vld [tilespmem:s25+$0xFFFFFFB0]  }
0x4e: {  	v23 =	vmul.f32 v23, v29;
	v24 =	vmul.f32 v24, v30;
	v45 =	vld [tilespmem:s25+$0xFFFFFFF0]  }
0x4f: {  	v25 =	vmul.f32 v25, v32;
	v26 =	vmul.f32 v26, v33;
	v29 =	vld [tilespmem:s25+$0x20]  }
0x50: {  	v27 =	vmul.f32 v27, v38;
	v30 =	vmul.f32 v31, v34;
	v31 =	vld [tilespmem:s25+$0x30]  }
0x51: {  	v28 =	vmul.f32 v28, v41;
	v32 =	vmul.f32 v40, v44;
	v33 =	vld [tilespmem:s25+$0x60]  }
0x52: {  	v34 =	vmul.f32 v36, v35;
	v35 =	vmul.f32 v39, v42;
	v36 =	vld [tilespmem:s25+$0x70]  }
0x53: {  	v37 =	vmul.f32 v43, v37;
	v19 =	vadd.f32 v32, v19;
	v22 =	vmul.f32 v45, v22  }
0x54: {  	v28 =	vadd.f32 v28, v30;
	v30 =	vadd.f32 v35, v34;
	v21 =	vmul.f32 v29, v21  }
0x55: {  	v19 =	vadd.f32 v27, v19;
	v22 =	vadd.f32 v22, v37;
	v20 =	vmul.f32 v31, v20  }
0x56: {  	v26 =	vadd.f32 v26, v28;
	v21 =	vadd.f32 v21, v30;
	v18 =	vmul.f32 v33, v18  }
0x57: {  	v19 =	vadd.f32 v25, v19;
	v20 =	vadd.f32 v20, v22;
	v17 =	vmul.f32 v36, v17  }
0x58: {  	v22 =	vadd.f32 v24, v26;
	v18 =	vadd.f32 v18, v21  }
0x59: {  	v19 =	vadd.f32 v23, v19;
	v17 =	vadd.f32 v17, v20;
	_ =	sdelay $0x1  }
0x5a: {  	v19 =	vadd.f32 v22, v19;
	v17 =	vadd.f32 v17, v18;
	_ =	sdelay $0x1  }
0x5b: {  	v17 =	vadd.f32 v17, v19  }
0x5c: {  	s7 =	sshra.s32 s6, $0x2  }
0x5d: {  	s25 =	sadd.s32 $0x110, s25;
	v22 =	vld [tilespmem:s7+$0x11F30];
	[tilespmem:s18+$0x12930] =	vst v17;
	s18 =	smov.u32 s7  }
0x5e: {  	v23 =	vld [tilespmem:s25+$0x40]  }
0x5f: {  	v24 =	vld [tilespmem:s25+$0x50]  }
0x60: {  	v25 =	vld [tilespmem:s25+$0x0]  }
.Ltmp1:
0x61: {  	v26 =	vld [tilespmem:s25+$0x10];
	(pc) =	sbr.rel @p0 .LBB2_5-.Ltmp1, $4  }
0x62: {  	v19 =	vld [tilespmem:s25+$0x80];
	v29 =	vperm.xlane v22, v13;
	v30 =	vperm.xlane v22, v14  }
0x63: {  	v18 =	vperm.xlane v22, v15;
	v17 =	vperm.xlane v22, v16;
	v27 =	vld [tilespmem:s25+$0xFFFFFFC0]  }
0x64: {  	v32 =	vperm.xlane v22, v9;
	v33 =	vperm.xlane v22, v10;
	v31 =	vld [tilespmem:s25+$0xFFFFFF90]  }
0x65: {  	s6 =	sadd.s32 $0x40, s6;
	v21 =	vperm.xlane v22, v11;
	v20 =	vperm.xlane v22, v12;
	v28 =	vld [tilespmem:s25+$0xFFFFFFD0]  }
0x66: {  	v34 =	vperm.xlane v22, v1;
	v35 =	vperm.xlane v22, v2;
	v36 =	vld [tilespmem:s25+$0xFFFFFFA0]  }
0x67: {  	v37 =	vperm.xlane v22, v3;
	v38 =	vperm.xlane v22, v5;
	v39 =	vld [tilespmem:s25+$0xFFFFFFE0]  }
0x68: {  	v40 =	vld [tilespmem:s25+$0xFFFFFF80];
	v41 =	vperm.xlane v22, v6;
	v42 =	vperm.xlane v22, v7  }
0x69: {  	v43 =	vld [tilespmem:s25+$0xFFFFFFB0];
	v44 =	vperm.xlane v22, v4;
	v22 =	vperm.xlane v22, v8  }
0x6a: {  	v45 =	vld [tilespmem:s25+$0xFFFFFFF0];
	v23 =	vmul.f32 v23, v29;
	v24 =	vmul.f32 v24, v30  }
0x6b: {  	v25 =	vmul.f32 v25, v32;
	v26 =	vmul.f32 v26, v33;
	v29 =	vld [tilespmem:s25+$0x20]  }
0x6c: {  	v27 =	vmul.f32 v27, v38;
	v30 =	vmul.f32 v31, v34;
	v31 =	vld [tilespmem:s25+$0x30]  }
0x6d: {  	v60 =	vld [tilespmem:s25+$0x60];
	v28 =	vmul.f32 v28, v41;
	v59 =	vmul.f32 v40, v44  }
0x6e: {  	v63 =	vld [tilespmem:s25+$0x70];
	v61 =	vmul.f32 v36, v35;
	v62 =	vmul.f32 v39, v42  }
0x6f: {  	v37 =	vmul.f32 v43, v37;
	v22 =	vmul.f32 v45, v22;
	v19 =	vadd.f32 v59, v19  }
0x70: {  	v21 =	vmul.f32 v29, v21;
	v28 =	vadd.f32 v28, v30;
	v30 =	vadd.f32 v62, v61  }
0x71: {  	v22 =	vadd.f32 v22, v37;
	v20 =	vmul.f32 v31, v20;
	v19 =	vadd.f32 v27, v19  }
0x72: {  	v18 =	vmul.f32 v60, v18;
	v26 =	vadd.f32 v26, v28;
	v21 =	vadd.f32 v21, v30  }
0x73: {  	v17 =	vmul.f32 v63, v17;
	v20 =	vadd.f32 v20, v22;
	v19 =	vadd.f32 v25, v19  }
0x74: {  	v22 =	vadd.f32 v24, v26;
	v18 =	vadd.f32 v18, v21  }
0x75: {  	v17 =	vadd.f32 v17, v20;
	v19 =	vadd.f32 v23, v19;
	_ =	sdelay $0x1  }
0x76: {  	v17 =	vadd.f32 v17, v18;
	v19 =	vadd.f32 v22, v19  }
0x77: {  	s6 =	smul.u32 $0x280, s3  }
0x78: {  	v17 =	vadd.f32 v17, v19  }
0x79: {  	s25 =	sshra.s32 s6, $0x2  }
0x7a: {  	s6 =	sadd.s32 $0x2710, s25;
	[tilespmem:s18+$0x12930] =	vst v17  }
0x7b: {  	[spmem:s1] =	stream.indirect.scatter.add.f32 [tilespmem:s29], [sflag:$0x3], $0x10, s6, s20, $0xb8;
	[tilespmem:$0x1F180] =	vst v63  }
0x7c: {  	s18 =	smul.u32 $0xA0, s3;
	_ =	swait.ge [sflag:s17], $0x500  }
0x7d: {  	[sflag:s17] =	ssyncset.done $0x0  }
0x7e: {  	s7 =	sadd.s32 $0xA0, s18;
	[sflag:s17] =	ssyncadd.s32 $0xFFFFFB00  }
0x7f: {  	[tilespmem:s21], [sflag:$0x1] =	stream.indirect.gather [hbm4b:s4+s20], $0x110, s7, s20, $0xb8;
	[tilespmem:$0x1F180] =	vst v63  }
0x80: {  	s8 =	sadd.s32 $0x4EC0, s18  }
0x81: {  	[tilespmem:s22], [sflag:$0x1] =	stream.indirect.gather [hbm4b:s5+s20], $0x10, s8, s20, $0xb8;
	[tilespmem:$0x1F180] =	vst v63  }
0x82: {  	_ =	swait.ge [sflag:s30], $0x5500  }
0x83: {  	[sflag:s30] =	ssyncset.done $0x0  }
0x84: {  	[sflag:s30] =	ssyncadd.s32 $0xFFFFAB00  }
0x85: {  	_ =	swait.ge [sflag:s30], $0x500  }
0x86: {  	[sflag:s30] =	ssyncset.done $0x0  }
0x87: {  	s31 =	simm.s32 $0x0;
	[sflag:s30] =	ssyncadd.s32 $0xFFFFFB00  }
0x88: {  	s6 =	simm.s32 $0xCAB0;
	v22 =	vld [tilespmem:s31+$0x12430]  }
0x89: {  	v23 =	vld [tilespmem:s6+$0x40]  }
0x8a: {  	v24 =	vld [tilespmem:s6+$0x50]  }
0x8b: {  	v25 =	vld [tilespmem:s6+$0x0]  }
0x8c: {  	v26 =	vld [tilespmem:s6+$0x10]  }
0x8d: {  	v19 =	vld [tilespmem:s6+$0x80];
	v29 =	vperm.xlane v22, v13;
	v30 =	vperm.xlane v22, v14  }
0x8e: {  	v27 =	vld [tilespmem:s6+$0xFFFFFFC0];
	v18 =	vperm.xlane v22, v15;
	v17 =	vperm.xlane v22, v16  }
0x8f: {  	v31 =	vld [tilespmem:s6+$0xFFFFFF90];
	v32 =	vperm.xlane v22, v9;
	v33 =	vperm.xlane v22, v10  }
0x90: {  	s7 =	simm.s32 $0x40;
	v28 =	vld [tilespmem:s6+$0xFFFFFFD0];
	v21 =	vperm.xlane v22, v11;
	v20 =	vperm.xlane v22, v12  }
.LBB2_7:
0x91: {  	p0 =	sne.s32 s7, $0x13C0;
	v34 =	vperm.xlane v22, v1;
	v35 =	vperm.xlane v22, v2;
	v36 =	vld [tilespmem:s6+$0xFFFFFFA0]  }
0x92: {  	v37 =	vperm.xlane v22, v3;
	v38 =	vperm.xlane v22, v5;
	v39 =	vld [tilespmem:s6+$0xFFFFFFE0]  }
0x93: {  	v41 =	vperm.xlane v22, v6;
	v42 =	vperm.xlane v22, v7;
	v40 =	vld [tilespmem:s6+$0xFFFFFF80]  }
0x94: {  	v44 =	vperm.xlane v22, v4;
	v22 =	vperm.xlane v22, v8;
	v43 =	vld [tilespmem:s6+$0xFFFFFFB0]  }
0x95: {  	v23 =	vmul.f32 v23, v29;
	v24 =	vmul.f32 v24, v30;
	v45 =	vld [tilespmem:s6+$0xFFFFFFF0]  }
0x96: {  	v25 =	vmul.f32 v25, v32;
	v26 =	vmul.f32 v26, v33;
	v29 =	vld [tilespmem:s6+$0x20]  }
0x97: {  	v27 =	vmul.f32 v27, v38;
	v30 =	vmul.f32 v31, v34;
	v31 =	vld [tilespmem:s6+$0x30]  }
0x98: {  	v28 =	vmul.f32 v28, v41;
	v32 =	vmul.f32 v40, v44;
	v33 =	vld [tilespmem:s6+$0x60]  }
0x99: {  	v34 =	vmul.f32 v36, v35;
	v35 =	vmul.f32 v39, v42;
	v36 =	vld [tilespmem:s6+$0x70]  }
0x9a: {  	v37 =	vmul.f32 v43, v37;
	v19 =	vadd.f32 v32, v19;
	v22 =	vmul.f32 v45, v22  }
0x9b: {  	v28 =	vadd.f32 v28, v30;
	v30 =	vadd.f32 v35, v34;
	v21 =	vmul.f32 v29, v21  }
0x9c: {  	v19 =	vadd.f32 v27, v19;
	v22 =	vadd.f32 v22, v37;
	v20 =	vmul.f32 v31, v20  }
0x9d: {  	v26 =	vadd.f32 v26, v28;
	v21 =	vadd.f32 v21, v30;
	v18 =	vmul.f32 v33, v18  }
0x9e: {  	v19 =	vadd.f32 v25, v19;
	v20 =	vadd.f32 v20, v22;
	v17 =	vmul.f32 v36, v17  }
0x9f: {  	v22 =	vadd.f32 v24, v26;
	v18 =	vadd.f32 v18, v21  }
0xa0: {  	v19 =	vadd.f32 v23, v19;
	v17 =	vadd.f32 v17, v20;
	_ =	sdelay $0x1  }
0xa1: {  	v19 =	vadd.f32 v22, v19;
	v17 =	vadd.f32 v17, v18;
	_ =	sdelay $0x1  }
0xa2: {  	v17 =	vadd.f32 v17, v19  }
0xa3: {  	s8 =	sshra.s32 s7, $0x2  }
0xa4: {  	s6 =	sadd.s32 $0x110, s6;
	v22 =	vld [tilespmem:s8+$0x12430];
	[tilespmem:s31+$0x12930] =	vst v17;
	s31 =	smov.u32 s8  }
0xa5: {  	v23 =	vld [tilespmem:s6+$0x40]  }
0xa6: {  	v24 =	vld [tilespmem:s6+$0x50]  }
0xa7: {  	v25 =	vld [tilespmem:s6+$0x0]  }
.Ltmp2:
0xa8: {  	v26 =	vld [tilespmem:s6+$0x10];
	(pc) =	sbr.rel @p0 .LBB2_7-.Ltmp2, $4  }
0xa9: {  	v19 =	vld [tilespmem:s6+$0x80];
	v29 =	vperm.xlane v22, v13;
	v30 =	vperm.xlane v22, v14  }
0xaa: {  	v18 =	vperm.xlane v22, v15;
	v17 =	vperm.xlane v22, v16;
	v27 =	vld [tilespmem:s6+$0xFFFFFFC0]  }
0xab: {  	v32 =	vperm.xlane v22, v9;
	v33 =	vperm.xlane v22, v10;
	v31 =	vld [tilespmem:s6+$0xFFFFFF90]  }
0xac: {  	s7 =	sadd.s32 $0x40, s7;
	v21 =	vperm.xlane v22, v11;
	v20 =	vperm.xlane v22, v12;
	v28 =	vld [tilespmem:s6+$0xFFFFFFD0]  }
0xad: {  	v34 =	vperm.xlane v22, v1;
	v35 =	vperm.xlane v22, v2;
	v36 =	vld [tilespmem:s6+$0xFFFFFFA0]  }
0xae: {  	v37 =	vperm.xlane v22, v3;
	v38 =	vperm.xlane v22, v5;
	v39 =	vld [tilespmem:s6+$0xFFFFFFE0]  }
0xaf: {  	v40 =	vld [tilespmem:s6+$0xFFFFFF80];
	v41 =	vperm.xlane v22, v6;
	v42 =	vperm.xlane v22, v7  }
0xb0: {  	v43 =	vld [tilespmem:s6+$0xFFFFFFB0];
	v44 =	vperm.xlane v22, v4;
	v53 =	vperm.xlane v22, v8  }
0xb1: {  	v45 =	vld [tilespmem:s6+$0xFFFFFFF0];
	v23 =	vmul.f32 v23, v29;
	v24 =	vmul.f32 v24, v30  }
0xb2: {  	v25 =	vmul.f32 v25, v32;
	v26 =	vmul.f32 v26, v33;
	v54 =	vld [tilespmem:s6+$0x20]  }
0xb3: {  	v56 =	vld [tilespmem:s6+$0x30];
	v27 =	vmul.f32 v27, v38;
	v55 =	vmul.f32 v31, v34  }
0xb4: {  	v58 =	vld [tilespmem:s6+$0x60];
	v28 =	vmul.f32 v28, v41;
	v57 =	vmul.f32 v40, v44  }
0xb5: {  	v61 =	vld [tilespmem:s6+$0x70];
	v59 =	vmul.f32 v36, v35;
	v60 =	vmul.f32 v39, v42  }
0xb6: {  	v37 =	vmul.f32 v43, v37;
	v22 =	vmul.f32 v45, v53;
	v19 =	vadd.f32 v57, v19  }
0xb7: {  	v21 =	vmul.f32 v54, v21;
	v28 =	vadd.f32 v28, v55;
	v62 =	vadd.f32 v60, v59  }
0xb8: {  	v20 =	vmul.f32 v56, v20;
	v22 =	vadd.f32 v22, v37;
	v19 =	vadd.f32 v27, v19  }
0xb9: {  	v18 =	vmul.f32 v58, v18;
	v26 =	vadd.f32 v26, v28;
	v21 =	vadd.f32 v21, v62  }
0xba: {  	v17 =	vmul.f32 v61, v17;
	v20 =	vadd.f32 v20, v22;
	v19 =	vadd.f32 v25, v19  }
0xbb: {  	v63 =	vadd.f32 v24, v26;
	v18 =	vadd.f32 v18, v21  }
0xbc: {  	v17 =	vadd.f32 v17, v20;
	v19 =	vadd.f32 v23, v19;
	_ =	sdelay $0x1  }
0xbd: {  	v17 =	vadd.f32 v17, v18;
	v19 =	vadd.f32 v63, v19;
	_ =	sdelay $0x1  }
0xbe: {  	v17 =	vadd.f32 v17, v19  }
0xbf: {  	p0 =	seq.s32 s3, $0x3D  }
.Ltmp3:
0xc0: {  	[tilespmem:s31+$0x12930] =	vst v17;
	s31 =	sadd.s32 $0x2760, s25;
	(pc) =	sbr.rel @p0 .LBB2_10-.Ltmp3, $4  }
0xc1: {  	[spmem:s1] =	stream.indirect.scatter.add.f32 [tilespmem:s29], [sflag:$0x3], $0x10, s31, s20, $0xb8;
	[tilespmem:$0x1F180] =	vst v63  }
0xc2: {  	_ =	swait.ge [sflag:s17], $0x500  }
0xc3: {  	[sflag:s17] =	ssyncset.done $0x0  }
0xc4: {  	[sflag:s17] =	ssyncadd.s32 $0xFFFFFB00  }
.Ltmp4:
0xc5: {  	(pc) =	sbr.rel .LBB2_4-.Ltmp4, $4  }
0xc6: {  	s6 =	sadd.s32 $0xF0, s18  }
0xc7: {  	[tilespmem:s23], [sflag:$0x2] =	stream.indirect.gather [hbm4b:s4+s20], $0x110, s6, s20, $0xb8;
	[tilespmem:$0x1F180] =	vst v63  }
0xc8: {  	s31 =	sadd.s32 $0x4F10, s18;
	s3 =	sadd.s32 $0x1, s3  }
0xc9: {  	[tilespmem:s26], [sflag:$0x2] =	stream.indirect.gather [hbm4b:s5+s20], $0x10, s31, s20, $0xb8;
	[tilespmem:$0x1F180] =	vst v63  }
.LBB2_10:
0xca: {  	_ =	swait.ge [sflag:s28], $0x5500  }
0xcb: {  	[sflag:s28] =	ssyncset.done $0x0  }
0xcc: {  	[sflag:s28] =	ssyncadd.s32 $0xFFFFAB00  }
0xcd: {  	_ =	swait.ge [sflag:s28], $0x500  }
0xce: {  	[sflag:s28] =	ssyncset.done $0x0  }
0xcf: {  	s3 =	simm.s32 $0x0;
	[sflag:s28] =	ssyncadd.s32 $0xFFFFFB00  }
0xd0: {  	s6 =	simm.s32 $0x75B0;
	v22 =	vld [tilespmem:s3+$0x11F30]  }
0xd1: {  	v23 =	vld [tilespmem:s6+$0x40]  }
0xd2: {  	v24 =	vld [tilespmem:s6+$0x50]  }
0xd3: {  	v25 =	vld [tilespmem:s6+$0x0]  }
0xd4: {  	v26 =	vld [tilespmem:s6+$0x10]  }
0xd5: {  	v19 =	vld [tilespmem:s6+$0x80];
	v29 =	vperm.xlane v22, v13;
	v30 =	vperm.xlane v22, v14  }
0xd6: {  	v27 =	vld [tilespmem:s6+$0xFFFFFFC0];
	v18 =	vperm.xlane v22, v15;
	v17 =	vperm.xlane v22, v16  }
0xd7: {  	v31 =	vld [tilespmem:s6+$0xFFFFFF90];
	v32 =	vperm.xlane v22, v9;
	v33 =	vperm.xlane v22, v10  }
0xd8: {  	s7 =	simm.s32 $0x40;
	v28 =	vld [tilespmem:s6+$0xFFFFFFD0];
	v21 =	vperm.xlane v22, v11;
	v20 =	vperm.xlane v22, v12  }
.LBB2_11:
0xd9: {  	p0 =	sne.s32 s7, $0x13C0;
	v34 =	vperm.xlane v22, v1;
	v35 =	vperm.xlane v22, v2;
	v36 =	vld [tilespmem:s6+$0xFFFFFFA0]  }
0xda: {  	v37 =	vperm.xlane v22, v3;
	v38 =	vperm.xlane v22, v5;
	v39 =	vld [tilespmem:s6+$0xFFFFFFE0]  }
0xdb: {  	v41 =	vperm.xlane v22, v6;
	v42 =	vperm.xlane v22, v7;
	v40 =	vld [tilespmem:s6+$0xFFFFFF80]  }
0xdc: {  	v44 =	vperm.xlane v22, v4;
	v22 =	vperm.xlane v22, v8;
	v43 =	vld [tilespmem:s6+$0xFFFFFFB0]  }
0xdd: {  	v23 =	vmul.f32 v23, v29;
	v24 =	vmul.f32 v24, v30;
	v45 =	vld [tilespmem:s6+$0xFFFFFFF0]  }
0xde: {  	v25 =	vmul.f32 v25, v32;
	v26 =	vmul.f32 v26, v33;
	v29 =	vld [tilespmem:s6+$0x20]  }
0xdf: {  	v27 =	vmul.f32 v27, v38;
	v30 =	vmul.f32 v31, v34;
	v31 =	vld [tilespmem:s6+$0x30]  }
0xe0: {  	v28 =	vmul.f32 v28, v41;
	v32 =	vmul.f32 v40, v44;
	v33 =	vld [tilespmem:s6+$0x60]  }
0xe1: {  	v34 =	vmul.f32 v36, v35;
	v35 =	vmul.f32 v39, v42;
	v36 =	vld [tilespmem:s6+$0x70]  }
0xe2: {  	v37 =	vmul.f32 v43, v37;
	v19 =	vadd.f32 v32, v19;
	v22 =	vmul.f32 v45, v22  }
0xe3: {  	v28 =	vadd.f32 v28, v30;
	v30 =	vadd.f32 v35, v34;
	v21 =	vmul.f32 v29, v21  }
0xe4: {  	v19 =	vadd.f32 v27, v19;
	v22 =	vadd.f32 v22, v37;
	v20 =	vmul.f32 v31, v20  }
0xe5: {  	v26 =	vadd.f32 v26, v28;
	v21 =	vadd.f32 v21, v30;
	v18 =	vmul.f32 v33, v18  }
0xe6: {  	v19 =	vadd.f32 v25, v19;
	v20 =	vadd.f32 v20, v22;
	v17 =	vmul.f32 v36, v17  }
0xe7: {  	v22 =	vadd.f32 v24, v26;
	v18 =	vadd.f32 v18, v21  }
0xe8: {  	v19 =	vadd.f32 v23, v19;
	v17 =	vadd.f32 v17, v20;
	_ =	sdelay $0x1  }
0xe9: {  	v19 =	vadd.f32 v22, v19;
	v17 =	vadd.f32 v17, v18;
	_ =	sdelay $0x1  }
0xea: {  	v17 =	vadd.f32 v17, v19  }
0xeb: {  	s8 =	sshra.s32 s7, $0x2  }
0xec: {  	s6 =	sadd.s32 $0x110, s6;
	v22 =	vld [tilespmem:s8+$0x11F30];
	[tilespmem:s3+$0x12930] =	vst v17;
	s3 =	smov.u32 s8  }
0xed: {  	v23 =	vld [tilespmem:s6+$0x40]  }
0xee: {  	v24 =	vld [tilespmem:s6+$0x50]  }
0xef: {  	v25 =	vld [tilespmem:s6+$0x0]  }
.Ltmp5:
0xf0: {  	v26 =	vld [tilespmem:s6+$0x10];
	(pc) =	sbr.rel @p0 .LBB2_11-.Ltmp5, $4  }
0xf1: {  	v19 =	vld [tilespmem:s6+$0x80];
	v29 =	vperm.xlane v22, v13;
	v30 =	vperm.xlane v22, v14  }
0xf2: {  	v18 =	vperm.xlane v22, v15;
	v17 =	vperm.xlane v22, v16;
	v27 =	vld [tilespmem:s6+$0xFFFFFFC0]  }
0xf3: {  	v32 =	vperm.xlane v22, v9;
	v33 =	vperm.xlane v22, v10;
	v31 =	vld [tilespmem:s6+$0xFFFFFF90]  }
0xf4: {  	s7 =	sadd.s32 $0x40, s7;
	v21 =	vperm.xlane v22, v11;
	v20 =	vperm.xlane v22, v12;
	v28 =	vld [tilespmem:s6+$0xFFFFFFD0]  }
0xf5: {  	v34 =	vperm.xlane v22, v1;
	v35 =	vperm.xlane v22, v2;
	v36 =	vld [tilespmem:s6+$0xFFFFFFA0]  }
0xf6: {  	v37 =	vperm.xlane v22, v3;
	v38 =	vperm.xlane v22, v5;
	v39 =	vld [tilespmem:s6+$0xFFFFFFE0]  }
0xf7: {  	v40 =	vld [tilespmem:s6+$0xFFFFFF80];
	v41 =	vperm.xlane v22, v6;
	v42 =	vperm.xlane v22, v7  }
0xf8: {  	v43 =	vld [tilespmem:s6+$0xFFFFFFB0];
	v44 =	vperm.xlane v22, v4;
	v53 =	vperm.xlane v22, v8  }
0xf9: {  	v45 =	vld [tilespmem:s6+$0xFFFFFFF0];
	v23 =	vmul.f32 v23, v29;
	v24 =	vmul.f32 v24, v30  }
0xfa: {  	v25 =	vmul.f32 v25, v32;
	v26 =	vmul.f32 v26, v33;
	v54 =	vld [tilespmem:s6+$0x20]  }
0xfb: {  	v56 =	vld [tilespmem:s6+$0x30];
	v27 =	vmul.f32 v27, v38;
	v55 =	vmul.f32 v31, v34  }
0xfc: {  	v58 =	vld [tilespmem:s6+$0x60];
	v28 =	vmul.f32 v28, v41;
	v57 =	vmul.f32 v40, v44  }
0xfd: {  	v61 =	vld [tilespmem:s6+$0x70];
	v59 =	vmul.f32 v36, v35;
	v60 =	vmul.f32 v39, v42  }
0xfe: {  	v37 =	vmul.f32 v43, v37;
	v22 =	vmul.f32 v45, v53;
	v19 =	vadd.f32 v57, v19  }
0xff: {  	v21 =	vmul.f32 v54, v21;
	v28 =	vadd.f32 v28, v55;
	v62 =	vadd.f32 v60, v59  }
0x100: {  	v20 =	vmul.f32 v56, v20;
	v22 =	vadd.f32 v22, v37;
	v19 =	vadd.f32 v27, v19  }
0x101: {  	v18 =	vmul.f32 v58, v18;
	v26 =	vadd.f32 v26, v28;
	v21 =	vadd.f32 v21, v62  }
0x102: {  	v17 =	vmul.f32 v61, v17;
	v20 =	vadd.f32 v20, v22;
	v19 =	vadd.f32 v25, v19  }
0x103: {  	v63 =	vadd.f32 v24, v26;
	v18 =	vadd.f32 v18, v21  }
0x104: {  	v17 =	vadd.f32 v17, v20;
	v19 =	vadd.f32 v23, v19;
	_ =	sdelay $0x1  }
0x105: {  	v17 =	vadd.f32 v17, v18;
	v19 =	vadd.f32 v63, v19;
	_ =	sdelay $0x1  }
0x106: {  	v17 =	vadd.f32 v17, v19;
	_ =	sdelay $0x1  }
0x107: {  	s31 =	simm.s32 $0x4DD0;
	[tilespmem:s3+$0x12930] =	vst v17  }
0x108: {  	[spmem:s1] =	stream.indirect.scatter.add.f32 [tilespmem:s29], [sflag:$0x3], $0x10, s31, s20, $0xb8;
	[tilespmem:$0x1F180] =	vst v63  }
0x109: {  	_ =	swait.ge [sflag:s17], $0x500  }
0x10a: {  	[sflag:s17] =	ssyncset.done $0x0  }
0x10b: {  	[sflag:s17] =	ssyncadd.s32 $0xFFFFFB00  }
0x10c: {  	[bflag:$0x0] =	sbarrier.arrive $0xFFFF  }
0x10d: {  	[tilespmem:s0], [sflag:$0x3] =	stream.linear.gather [spmem:s9], $0x2710, $0x38;
	[tilespmem:$0x1F180] =	vst v63  }
0x10e: {  	_ =	swait.ge [sflag:s17], $0x2710  }
0x10f: {  	[sflag:s17] =	ssyncset.done $0x0  }
0x110: {  	[sflag:s17] =	ssyncadd.s32 $0xFFFFD8F0  }
0x111: {  	[tilespmem:s16], [sflag:$0x3] =	stream.linear.gather [spmem:s14], $0x2710, $0x38;
	[tilespmem:$0x1F180] =	vst v63  }
0x112: {  	_ =	swait.ge [sflag:s17], $0x2710  }
0x113: {  	[sflag:s17] =	ssyncset.done $0x0  }
0x114: {  	s3 =	simm.s32 $0x0;
	[sflag:s17] =	ssyncadd.s32 $0xFFFFD8F0  }
0x115: {  	s6 =	simm.s32 $0x40;
	v17 =	vld [tilespmem:s3+$0x12E30]  }
.LBB2_13:
0x116: {  	p0 =	sne.s32 s6, $0x9C00;
	v18 =	vld [tilespmem:s3+$0x15540];
	_ =	sdelay $0x2  }
.Ltmp6:
0x117: {  	(pc) =	sbr.rel @p0 .LBB2_13-.Ltmp6, $4  }
0x118: {  	_ = 	snop  }
0x119: {  	v18 =	vadd.f32 v17, v18  }
0x11a: {  	s7 =	sshra.s32 s6, $0x2  }
0x11b: {  	s6 =	sadd.s32 $0x40, s6;
	v17 =	vld [tilespmem:s7+$0x12E30];
	[tilespmem:s3+$0x15540] =	vst v18;
	s3 =	smov.u32 s7  }
0x11c: {  	v18 =	vld [tilespmem:s3+$0x15540];
	_ =	sdelay $0x4  }
0x11d: {  	v17 =	vadd.f32 v17, v18;
	_ =	sdelay $0x1  }
0x11e: {  	[tilespmem:s3+$0x15540] =	vst v17  }
0x11f: {  	[tilespmem:s16], [sflag:$0x3] =	stream.linear.gather [spmem:s15], $0x2710, $0x38;
	[tilespmem:$0x1F180] =	vst v63  }
0x120: {  	_ =	swait.ge [sflag:s17], $0x2710  }
0x121: {  	[sflag:s17] =	ssyncset.done $0x0  }
0x122: {  	s3 =	simm.s32 $0x0;
	[sflag:s17] =	ssyncadd.s32 $0xFFFFD8F0  }
0x123: {  	s6 =	simm.s32 $0x40;
	v17 =	vld [tilespmem:s3+$0x12E30]  }
.LBB2_15:
0x124: {  	p0 =	sne.s32 s6, $0x9C00;
	v18 =	vld [tilespmem:s3+$0x15540];
	_ =	sdelay $0x2  }
.Ltmp7:
0x125: {  	(pc) =	sbr.rel @p0 .LBB2_15-.Ltmp7, $4  }
0x126: {  	_ = 	snop  }
0x127: {  	v18 =	vadd.f32 v17, v18  }
0x128: {  	s7 =	sshra.s32 s6, $0x2  }
0x129: {  	s6 =	sadd.s32 $0x40, s6;
	v17 =	vld [tilespmem:s7+$0x12E30];
	[tilespmem:s3+$0x15540] =	vst v18;
	s3 =	smov.u32 s7  }
0x12a: {  	v18 =	vld [tilespmem:s3+$0x15540];
	_ =	sdelay $0x4  }
0x12b: {  	s2 =	sadd.s32 $0x1, s2;
	v17 =	vadd.f32 v17, v18  }
0x12c: {  	p0 =	sne.s32 s2, s10  }
.Ltmp8:
0x12d: {  	s31 =	simm.s32 $0x0;
	[tilespmem:s3+$0x15540] =	vst v17;
	(pc) =	sbr.rel @p0 .LBB2_1-.Ltmp8, $4  }
0x12e: {  	[hbm4b:s24+s31] =	stream.linear.scatter [tilespmem:s0], [sflag:$0x3], $0x2710, $0x38;
	[tilespmem:$0x1F180] =	vst v63  }
0x12f: {  	_ =	swait.ge [sflag:s17], $0x2710  }
0x130: {  	[sflag:s17] =	ssyncset.done $0x0  }
0x131: {  	[sflag:s17] =	ssyncadd.s32 $0xFFFFD8F0  }
0x132: {  	_ =	sfence.sel $0x180000  }
0x133: {  	[bflag:$0x0] =	sbarrier.arrive $0xFFFF  }
0x134: {  	_ =	strace $0x90000047  }
0x135: {  	s0 =	stileid.u32;
	[bflag:$0x2] =	sbarrier.arrive $0xFFFF  }
0x136: {  	p0 =	sne.s32 s0, $0x0;
	s0 =	rddreg [dreg:$0x3]  }
0x137: {  	s0 =	sadd.s32 @!p0 $0x100000, s0  }
0x138: {  	[sflag:s0] =	ssyncadd.tile.s32 @!p0 $0x1;
	_ =	shalt  }
.Lfunc_end2:
_tile_overlayer_lowered:
.L_overlay_start_2:
0x139: {  	(tag) =	ssettag $0x2  }
0x13a: {  	s0 =	rddreg [dreg:$0x0];
	s2 =	stileid.u32  }
0x13b: {  	s1 =	rddreg [dreg:$0x1];
	p0 =	sne.s32 s2, $0x0  }
0x13c: {  	s3 =	rddreg [dreg:$0x2];
	[bflag:$0x3] =	sbarrier.arrive $0xFFFF;
	s2 =	simm.s32 @!p0 $0x1C03  }
0x13d: {  	[timem:s3], [sflag:s2] =	dma.local @!p0 [hbm:s0], s1  }
0x13e: {  	s0 =	simm.s32 @!p0 $0x3  }
0x13f: {  	_ =	swait.ge @!p0 [sflag:s0], s1  }
0x140: {  	s1 =	ssub.s32 @!p0 $0x0, s1;
	[sflag:s0] =	ssyncset.done @!p0 $0x0  }
0x141: {  	[sflag:s0] =	ssyncadd.s32 @!p0 s1  }
0x142: {  	[bflag:$0x3] =	sbarrier.arrive $0xFFFF  }
0x143: {  	_ =	shalt  }

// kernel: kernel.13.cloned.1.call-start
scs
__scs_entry_jumppad:
0x0: {  	(pc) =	sbr.rel $0x88, $3  }
0x1: {  	(tag) =	ssettag $0x0;
	lr =	simm.s32 $0x1  }
0x2: {  	[smem:$0x3F8A] =	sst lr;
	_ =	strace $0xD0000000  }
0x3: {  	_ = 	snop  }
0x4: {  	_ = 	snop  }
0x5: {  	_ = 	snop  }
0x6: {  	_ = 	snop  }
0x7: {  	_ = 	snop  }
__scs_overlays_trampoline_lowered:
0x8: {  	[smem:$0x3F99] =	sst s0  }
0x9: {  	[smem:$0x3F9A] =	sst s1  }
0xa: {  	[smem:$0x3F9B] =	sst s2  }
0xb: {  	[smem:$0x3F9C] =	sst s3  }
0xc: {  	[smem:$0x3F9D] =	sst s4  }
0xd: {  	[smem:$0x3F9E] =	sst s5  }
0xe: {  	[smem:$0x3F9F] =	sst s6  }
0xf: {  	[smem:$0x3FA0] =	sst s7  }
0x10: {  	[smem:$0x3FA1] =	sst s8  }
0x11: {  	[smem:$0x3FA2] =	sst s9;
	s0 =	simm.s32 @!p0 $0x0  }
0x12: {  	s1 =	sld [smem:$0x3F88];
	s0 =	simm.s32 @p0 $0x1  }
0x13: {  	[smem:$0x3FA3] =	sst s0;
	s0 =	simm.s32 @!p1 $0x0  }
0x14: {  	s2 =	sld [smem:$0x3F87];
	s0 =	simm.s32 @p1 $0x1  }
0x15: {  	[smem:$0x3FA4] =	sst s0;
	s0 =	simm.s32 @!p2 $0x0  }
0x16: {  	s3 =	sld [smem:$0x3FDB];
	s0 =	simm.s32 @p2 $0x1  }
0x17: {  	s4 =	simm.s32 $0x1BF5;
	[smem:$0x3FA6] =	sst s0  }
0x18: {  	s0 =	sld [smem:$0x3F89];
	_ =	swait.ge [sflag:s4], $0x0  }
0x19: {  	s7 =	sld [smem:$0x3F8A]  }
0x1a: {  	s8 =	sadd.s32 $0xFFFFE003, lr  }
0x1b: {  	s9 =	sadd.s32 $0xFFFFFEF7, lr;
	s5 =	simm.s32 $0xFFFFFFFF;
	p2 =	slt.u32 s8, $0xFFFFF086  }
0x1c: {  	p1 =	slt.u32 s9, $0xF7A;
	s5 =	simm.s32 @!p2 $0x0  }
0x1d: {  	s5 =	simm.s32 @p1 $0x1;
	p0 =	seq.s32 s7, s2  }
0x1e: {  	s7 =	smul.u32 @!p0 $0xF7A, s2;
	p2 =	seq.s32 @!p0 s5, $0x0  }
0x1f: {  	s9 =	smul.u32 $0xF7A, s1;
	s8 =	simm.s32 @!p0 $0x1BF5;
	p2 =	por !p2, p0  }
0x20: {  	[sflag:s8] =	ssyncset.s32 @!p0 $0xFFFFF086;
	s6 =	sadd.s32 @!p0 s3, s7;
	s7 =	simm.s32 @!p0 $0x108  }
0x21: {  	s3 =	sadd.s32 s3, s9;
	s6 =	sadd.s32 @!p0 $0x88, s6;
	s7 =	simm.s32 @p2 $0x1082  }
0x22: {  	[simem:s7], [sflag:s8] =	dma.local @!p0 [hbm:s6], $0xF7A  }
0x23: {  	s9 =	sor.u32 $0xD0000000, s2;
	s6 =	simm.s32 $0x108;
	_ =	swait.ge @!p0 [sflag:s8], $0x0  }
0x24: {  	s3 =	sadd.s32 $0x88, s3;
	s6 =	simm.s32 @!p1 $0x1082;
	[sflag:s4] =	ssyncset.s32 $0xFFFFF086  }
0x25: {  	[simem:s6], [sflag:s4] =	dma.local [hbm:s3], $0xF7A  }
0x26: {  	[smem:$0x3F8A] =	sst s1;
	(tag) =	ssettag s2;
	_ =	strace s9  }
0x27: {  	s1 =	sld [smem:$0x3F9A]  }
0x28: {  	s2 =	sld [smem:$0x3F9B]  }
0x29: {  	s4 =	sld [smem:$0x3F9D]  }
0x2a: {  	p0 =	seq.s32 s5, $0x0;
	s5 =	sld [smem:$0x3F9E]  }
0x2b: {  	s6 =	sld [smem:$0x3F9F]  }
0x2c: {  	s7 =	sld [smem:$0x3FA0]  }
0x2d: {  	s3 =	simm.s32 $0x108;
	s8 =	sld [smem:$0x3FA1]  }
0x2e: {  	s3 =	simm.s32 @!p0 $0x1082;
	s9 =	sld [smem:$0x3FA2]  }
0x2f: {  	lr =	sadd.s32 s0, s3;
	s0 =	sld [smem:$0x3F99]  }
0x30: {  	s3 =	sld [smem:$0x3F9C]  }
0x31: {  	[smem:$0x3FA5] =	sst s10  }
0x32: {  	s10 =	sld [smem:$0x3FA3];
	_ =	sdelay $0x3  }
0x33: {  	p0 =	seq.s32 s10, $0x1;
	s10 =	sld [smem:$0x3FA5];
	_ =	sdelay $0x3  }
0x34: {  	[smem:$0x3FA5] =	sst s10  }
0x35: {  	s10 =	sld [smem:$0x3FA4];
	_ =	sdelay $0x3  }
0x36: {  	p1 =	seq.s32 s10, $0x1;
	s10 =	sld [smem:$0x3FA5];
	_ =	sdelay $0x3  }
0x37: {  	[smem:$0x3FA5] =	sst s10  }
0x38: {  	s10 =	sld [smem:$0x3FA6]  }
0x39: {  	_ = 	snop;
	(pc) =	sbr.ind lr, $3  }
0x3a: {  	_ = 	snop  }
0x3b: {  	_ = 	snop  }
0x3c: {  	p2 =	seq.s32 s10, $0x1;
	s10 =	sld [smem:$0x3FA5]  }
0x3d: {  	_ =	shalt  }
0x3e: {  	_ =	shalt  }
0x3f: {  	_ =	shalt  }
0x40: {  	_ =	shalt  }
0x41: {  	_ =	shalt  }
0x42: {  	_ =	shalt  }
0x43: {  	_ =	shalt  }
0x44: {  	_ =	shalt  }
0x45: {  	_ =	shalt  }
0x46: {  	_ =	shalt  }
0x47: {  	_ =	shalt  }
0x48: {  	_ =	shalt  }
0x49: {  	_ =	shalt  }
0x4a: {  	_ =	shalt  }
0x4b: {  	_ =	shalt  }
0x4c: {  	_ =	shalt  }
0x4d: {  	_ =	shalt  }
0x4e: {  	_ =	shalt  }
0x4f: {  	_ =	shalt  }
0x50: {  	_ =	shalt  }
0x51: {  	_ =	shalt  }
0x52: {  	_ =	shalt  }
0x53: {  	_ =	shalt  }
0x54: {  	_ =	shalt  }
0x55: {  	_ =	shalt  }
0x56: {  	_ =	shalt  }
0x57: {  	_ =	shalt  }
0x58: {  	_ =	shalt  }
0x59: {  	_ =	shalt  }
0x5a: {  	_ =	shalt  }
0x5b: {  	_ =	shalt  }
0x5c: {  	_ =	shalt  }
0x5d: {  	_ =	shalt  }
0x5e: {  	_ =	shalt  }
0x5f: {  	_ =	shalt  }
0x60: {  	_ =	shalt  }
0x61: {  	_ =	shalt  }
0x62: {  	_ =	shalt  }
0x63: {  	_ =	shalt  }
0x64: {  	_ =	shalt  }
0x65: {  	_ =	shalt  }
0x66: {  	_ =	shalt  }
0x67: {  	_ =	shalt  }
0x68: {  	_ =	shalt  }
0x69: {  	_ =	shalt  }
0x6a: {  	_ =	shalt  }
0x6b: {  	_ =	shalt  }
0x6c: {  	_ =	shalt  }
0x6d: {  	_ =	shalt  }
0x6e: {  	_ =	shalt  }
0x6f: {  	_ =	shalt  }
0x70: {  	_ =	shalt  }
0x71: {  	_ =	shalt  }
0x72: {  	_ =	shalt  }
0x73: {  	_ =	shalt  }
0x74: {  	_ =	shalt  }
0x75: {  	_ =	shalt  }
0x76: {  	_ =	shalt  }
0x77: {  	_ =	shalt  }
0x78: {  	_ =	shalt  }
0x79: {  	_ =	shalt  }
0x7a: {  	_ =	shalt  }
0x7b: {  	_ =	shalt  }
0x7c: {  	_ =	shalt  }
0x7d: {  	_ =	shalt  }
0x7e: {  	_ =	shalt  }
0x7f: {  	_ =	shalt  }
0x80: {  	_ =	shalt  }
0x81: {  	_ =	shalt  }
0x82: {  	_ =	shalt  }
0x83: {  	_ =	shalt  }
0x84: {  	_ =	shalt  }
0x85: {  	_ =	shalt  }
0x86: {  	_ =	shalt  }
0x87: {  	_ =	shalt  }
.Lfunc_end0:
.L_simem_size_0:
called_computation.1_lowered:
.L_overlay_start_0:
0x88: {  	s2 =	sld [smem:$0x3FD9]  }
0x89: {  	s3 =	sld [smem:$0x3FFE];
	_ =	sdelay $0x1  }
0x8a: {  	s1 =	srdreg.scid  }
0x8b: {  	s0 =	sand.u32 $0x1, s1  }
0x8c: {  	s17 =	sshll.u32 s0, $0xA;
	s2 =	sadd.s32 s3, s2  }
0x8d: {  	s2 =	sadd.s32 s2, s17  }
0x8e: {  	[smem:$0x3FB1] =	sst s2  }
0x8f: {  	_ = 	snop  }
0x90: {  	s2 =	sld [smem:$0x3FD0];
	(tm) =	ssettm $0x1  }
0x91: {  	s18 =	sld [smem:$0x3FFB];
	_ =	sdelay $0x3  }
0x92: {  	_ =	strace s18  }
0x93: {  	s3 =	sld [smem:$0x3FFC];
	_ =	sdelay $0x3  }
0x94: {  	_ =	strace s3  }
0x95: {  	s3 =	sld [smem:$0x3FFD];
	_ =	sdelay $0x3  }
0x96: {  	_ =	strace s3  }
0x97: {  	_ =	strace $0x8FFFFFFF  }
0x98: {  	s19 =	sld [smem:$0x3FDB];
	_ =	sdelay $0x1  }
0x99: {  	s4 =	simm.s32 $_scs_section_size  }
0x9a: {  	s5 =	simm.s32 $_size__tile_overlayer_lowered;
	s6 =	simm.s32 $_tile_overlayer_lowered  }
0x9b: {  	s22 =	simm.s32 $0x1BFF;
	s21 =	sshll.u32 s6, $0x1;
	s3 =	sadd.s32 s4, s19  }
0x9c: {  	s7 =	simm.s32 $0x0;
	s20 =	sshll.u32 s5, $0x1;
	s5 =	sadd.s32 s21, s3  }
0x9d: {  	[timem:s7], [sflag:s22] =	dma.local [hbm:s5], s20  }
0x9e: {  	_ =	swait.ge [sflag:s22], s20  }
0x9f: {  	s4 =	ssub.s32 $0x0, s20;
	[sflag:s22] =	ssyncset.done $0x0  }
0xa0: {  	[sflag:s22] =	ssyncadd.s32 s4;
	_ =	sdelay $0x1  }
0xa1: {  	s23 =	simm.s32 $0x1B8B  }
0xa2: {  	_ =	swait.ge [sflag:s23], $0x1  }
0xa3: {  	[sflag:s23] =	ssyncset.done $0x0  }
0xa4: {  	s25 =	simm.s32 $0x1B8E;
	s24 =	sld [smem:$0x3FFE];
	[sflag:s23] =	ssyncadd.s32 $0xFFFFFFFF  }
0xa5: {  	s26 =	simm.s32 $execute0_lowered;
	[smem:$0x3FD2] =	sst s25  }
0xa6: {  	s5 =	sshll.u32 s26, $0x1;
	_ =	strace $0x80000049;
	[dreg:$0x1] =	wrdreg $0xFFFFFFFF  }
0xa7: {  	s28 =	simm.s32 $_size_execute0_lowered;
	s3 =	sadd.s32 s3, s5;
	[dreg:$0x0] =	wrdreg $0x0  }
0xa8: {  	s5 =	sshll.u32 s28, $0x1;
	[dreg:$0x2] =	wrdreg s3  }
0xa9: {  	[dreg:$0x3] =	wrdreg s5  }
0xaa: {  	[dreg:$0x4] =	wrdreg $0xC0  }
0xab: {  	_ =	task [dreg:s7], $0x5FFFF  }
0xac: {  	[dreg:$0x1] =	wrdreg $0xFFFFFFFF  }
0xad: {  	[dreg:$0x0] =	wrdreg $0x60  }
0xae: {  	[dreg:$0x2] =	wrdreg s24  }
0xaf: {  	[dreg:$0x3] =	wrdreg s2  }
0xb0: {  	[dreg:$0x4] =	wrdreg $0x17C500  }
0xb1: {  	[dreg:$0x5] =	wrdreg $0x9  }
0xb2: {  	_ =	task.clear_ibuf [dreg:s7], $0x6FFFF;
	_ =	strace $0x90000049  }
0xb3: {  	s29 =	simm.s32 $0x9;
	_ =	strace $0x8000004B  }
0xb4: {  	_ =	swait.ge [sflag:s29], $0x1  }
0xb5: {  	[sflag:s29] =	ssyncadd.s32 $0xFFFFFFFF  }
0xb6: {  	_ =	strace $0x9000004B  }
0xb7: {  	_ =	sfence  }
0xb8: {  	s30 =	sld [smem:$0x0];
	_ =	sdelay $0x2  }
0xb9: {  	s31 =	sshll.u32 s1, $0xD;
	s1 =	sshrl.u32 s1, $0x2  }
0xba: {  	s3 =	sand.u32 $0x4000, s31;
	s1 =	sadd.s32 s1, s30  }
0xbb: {  	s0 =	sor.u32 s3, s0;
	s1 =	sshll.u32 s1, $0x11  }
0xbc: {  	s0 =	sor.u32 s1, s0  }
0xbd: {  	s0 =	sadd.s32 $0x8F2B, s0  }
0xbe: {  	[sflag:s0] =	ssyncadd.remote.s32 $0x1  }
0xbf: {  	_ =	sfence.sel $0xFFFF  }
0xc0: {  	[dreg:$0x0] =	wrdreg $0xFFFFFFFF;
	(pc) =	sbr.abs _section_cstart, $3  }
0xc1: {  	[dreg:$0x1] =	wrdreg $0xFFFFFFFF  }
0xc2: {  	_ =	task.clear_ibuf [dreg:s7], $0x2FFFF;
	_ =	strace $0x9FFFFFFF  }
0xc3: {  	(tm) =	ssettm $0x7FFFFFFF  }
tec
execute0_lowered:
.L_overlay_start_1:
0x0: {  	(tag) =	ssettag $0x1  }
0x1: {  	s0 =	rddreg [dreg:$0x0]  }
0x2: {  	s2 =	rddreg [dreg:$0x1]  }
0x3: {  	s1 =	rddreg [dreg:$0x2];
	s3 =	srdreg.scid  }
0x4: {  	s4 =	simm.s32 $0x0;
	s11 =	stileid.u32;
	s16 =	simm.s32 $0x12E30  }
0x5: {  	s17 =	simm.s32 $0x3;
	s19 =	simm.s32 $0x4E20;
	s20 =	simm.s32 $0x50  }
0x6: {  	s21 =	simm.s32 $0x7530;
	s28 =	simm.s32 $0x1;
	s29 =	simm.s32 $0x12930  }
0x7: {  	s30 =	simm.s32 $0x2;
	s3 =	sand.u32 $0x1, s3;
	s10 =	smul.u32 $0x2710, s11  }
0x8: {  	[smem:$0x7FF] =	sst s4;
	s4 =	sadd.s32 $0x15FC00, s0;
	s23 =	smul.u32 $0x1D4C0, s11  }
0x9: {  	s25 =	smul.u32 $0x9C40, s11;
	s22 =	sshll.u32 s3, $0x4;
	_ =	strace $0x8000004A  }
0xa: {  	s7 =	smul.u32 $0x4E20, s3;
	s3 =	ssub.s32 $0x2, s3;
	s5 =	sor.u32 s11, s22  }
0xb: {  	s9 =	sshrl.u32 s3, $0x1;
	s31 =	sshrl.u32 s10, $0x3;
	s6 =	smul.u32 $0x4E2, s5  }
0xc: {  	s22 =	simm.s32 $0x11F30;
	s5 =	sadd.s32 $0xC3800, s0;
	s3 =	ssub.s32 s3, s9  }
0xd: {  	s9 =	sadd.s32 s10, s1;
	s10 =	smax.u32 s3, $0x1;
	s8 =	sadd.s32 s6, s0  }
0xe: {  	s0 =	sadd.s32 s7, s0;
	s2 =	sadd.s32 s2, s6;
	s7 =	sshrl.u32 s23, $0x2  }
0xf: {  	v0 =	vimm.f32 $0.0e+00;
	v1 =	vimm.s32 $0x1;
	s23 =	simm.s32 $0xCA30;
	[dreg:$0x4] =	wrdreg s2;
	s24 =	sadd.s32 $0xAFC00, s8  }
0x10: {  	v2 =	vimm.s32 $0x2;
	v3 =	vimm.s32 $0x3;
	v4 =	vimm.s32 $0x0;
	s26 =	sadd.s32 $0x3C00, s8;
	s0 =	sadd.s32 $0xB9A00, s0;
	[dreg:$0x5] =	wrdreg s24  }
0x11: {  	v5 =	vimm.s32 $0x4;
	v6 =	vimm.s32 $0x5;
	v7 =	vimm.s32 $0x6;
	s2 =	sshrl.u32 s25, $0x2;
	s11 =	sadd.s32 s7, s1;
	[dreg:$0x6] =	wrdreg s26  }
0x12: {  	v8 =	vimm.s32 $0x7;
	v9 =	vimm.s32 $0x8;
	v10 =	vimm.s32 $0x9;
	s2 =	sadd.s32 s2, s1;
	s12 =	sadd.s32 $0x2710, s11;
	s13 =	sadd.s32 $0x4E20, s11  }
0x13: {  	v11 =	vimm.s32 $0xA;
	v12 =	vimm.s32 $0xB;
	v13 =	vimm.s32 $0xC;
	s24 =	sadd.s32 s31, s0;
	s26 =	simm.s32 $0x12430;
	s0 =	simm.s32 $0x15540  }
0x14: {  	v14 =	vimm.s32 $0xD;
	v15 =	vimm.s32 $0xE;
	v16 =	vimm.s32 $0xF;
	s14 =	sadd.s32 $0x27100, s2;
	s15 =	sadd.s32 $0x4E200, s2;
	s2 =	simm.s32 $0x0  }
.LBB2_1:
0x15: {  	s3 =	simm.s32 $0x40;
	s6 =	simm.s32 $0x0  }
.LBB2_2:
0x16: {  	p0 =	sne.s32 s3, $0x9C00;
	[tilespmem:s6+$0x12E30] =	vst v0;
	s6 =	smov.u32 s3;
	s3 =	sadd.s32 $0x40, s3  }
.Ltmp0:
0x17: {  	(pc) =	sbr.rel @p0 .LBB2_2-.Ltmp0, $2  }
0x18: {  	_ =	sdelay $0x2  }
0x19: {  	s6 =	sshra.s32 s6, $0x2  }
0x1a: {  	[tilespmem:s6+$0x12E30] =	vst v0  }
0x1b: {  	[spmem:s11] =	stream.linear.scatter [tilespmem:s16], [sflag:$0x3], $0x2710, $0x38;
	[tilespmem:$0x1F180] =	vst v63  }
0x1c: {  	_ =	swait.ge [sflag:s17], $0x2710  }
0x1d: {  	[sflag:s17] =	ssyncset.done $0x0  }
0x1e: {  	[sflag:s17] =	ssyncadd.s32 $0xFFFFD8F0  }
0x1f: {  	[spmem:s12] =	stream.linear.scatter [tilespmem:s16], [sflag:$0x3], $0x2710, $0x38;
	[tilespmem:$0x1F180] =	vst v63  }
0x20: {  	_ =	swait.ge [sflag:s17], $0x2710  }
0x21: {  	[sflag:s17] =	ssyncset.done $0x0  }
0x22: {  	[sflag:s17] =	ssyncadd.s32 $0xFFFFD8F0  }
0x23: {  	[spmem:s13] =	stream.linear.scatter [tilespmem:s16], [sflag:$0x3], $0x2710, $0x38;
	[tilespmem:$0x1F180] =	vst v63  }
0x24: {  	_ =	swait.ge [sflag:s17], $0x2710  }
0x25: {  	[sflag:s17] =	ssyncset.done $0x0  }
0x26: {  	s3 =	simm.s32 $0x0;
	s8 =	rddreg [dreg:$0x4];
	[sflag:s17] =	ssyncadd.s32 $0xFFFFD8F0  }
0x27: {  	[tilespmem:s3], [sflag:$0x3] =	stream.linear.gather [hbm4b:s8+s3], $0x2710, $0x38;
	[tilespmem:$0x1F180] =	vst v63  }
0x28: {  	_ =	swait.ge [sflag:s17], $0x2710  }
0x29: {  	[sflag:s17] =	ssyncset.done $0x0  }
0x2a: {  	s7 =	simm.s32 $0x2710;
	s18 =	rddreg [dreg:$0x5];
	[sflag:s17] =	ssyncadd.s32 $0xFFFFD8F0  }
0x2b: {  	[tilespmem:s7], [sflag:$0x3] =	stream.linear.gather [hbm4b:s18+s3], $0x2710, $0x38;
	[tilespmem:$0x1F180] =	vst v63  }
0x2c: {  	_ =	swait.ge [sflag:s17], $0x2710  }
0x2d: {  	[sflag:s17] =	ssyncset.done $0x0  }
0x2e: {  	s25 =	rddreg [dreg:$0x6];
	[sflag:s17] =	ssyncadd.s32 $0xFFFFD8F0  }
0x2f: {  	[tilespmem:s19], [sflag:$0x3] =	stream.linear.gather [hbm4b:s25+s3], $0x2710, $0x38;
	[tilespmem:$0x1F180] =	vst v63  }
0x30: {  	_ =	swait.ge [sflag:s17], $0x2710  }
0x31: {  	[sflag:s17] =	ssyncset.done $0x0  }
0x32: {  	[sflag:s17] =	ssyncadd.s32 $0xFFFFD8F0  }
0x33: {  	[bflag:$0x0] =	sbarrier.arrive $0xFFFF  }
0x34: {  	[tilespmem:s21], [sflag:$0x1] =	stream.indirect.gather [hbm4b:s4+s20], $0x110, s3, s20, $0xb8;
	[tilespmem:$0x1F180] =	vst v63  }
0x35: {  	_ = 	snop  }
0x36: {  	[tilespmem:s22], [sflag:$0x1] =	stream.indirect.gather [hbm4b:s5+s20], $0x10, s19, s20, $0xb8;
	[tilespmem:$0x1F180] =	vst v63  }
0x37: {  	_ = 	snop  }
0x38: {  	[tilespmem:s23], [sflag:$0x2] =	stream.indirect.gather [hbm4b:s4+s20], $0x110, s20, s20, $0xb8;
	[tilespmem:$0x1F180] =	vst v63  }
0x39: {  	s31 =	simm.s32 $0x4E70  }
0x3a: {  	[tilespmem:s26], [sflag:$0x2] =	stream.indirect.gather [hbm4b:s5+s20], $0x10, s31, s20, $0xb8;
	[tilespmem:$0x1F180] =	vst v63  }
.LBB2_4:
0x3b: {  	_ =	swait.ge [sflag:s28], $0x5500  }
0x3c: {  	[sflag:s28] =	ssyncset.done $0x0  }
0x3d: {  	[sflag:s28] =	ssyncadd.s32 $0xFFFFAB00  }
0x3e: {  	_ =	swait.ge [sflag:s28], $0x500  }
0x3f: {  	[sflag:s28] =	ssyncset.done $0x0  }
0x40: {  	s18 =	simm.s32 $0x0;
	[sflag:s28] =	ssyncadd.s32 $0xFFFFFB00  }
0x41: {  	s25 =	simm.s32 $0x75B0;
	v22 =	vld [tilespmem:s18+$0x11F30]  }
0x42: {  	v23 =	vld [tilespmem:s25+$0x40]  }
0x43: {  	v24 =	vld [tilespmem:s25+$0x50]  }
0x44: {  	v25 =	vld [tilespmem:s25+$0x0]  }
0x45: {  	v26 =	vld [tilespmem:s25+$0x10]  }
0x46: {  	v19 =	vld [tilespmem:s25+$0x80];
	v29 =	vperm.xlane v22, v13;
	v30 =	vperm.xlane v22, v14  }
0x47: {  	v27 =	vld [tilespmem:s25+$0xFFFFFFC0];
	v18 =	vperm.xlane v22, v15;
	v17 =	vperm.xlane v22, v16  }
0x48: {  	v31 =	vld [tilespmem:s25+$0xFFFFFF90];
	v32 =	vperm.xlane v22, v9;
	v33 =	vperm.xlane v22, v10  }
0x49: {  	s6 =	simm.s32 $0x40;
	v28 =	vld [tilespmem:s25+$0xFFFFFFD0];
	v21 =	vperm.xlane v22, v11;
	v20 =	vperm.xlane v22, v12  }
.LBB2_5:
0x4a: {  	p0 =	sne.s32 s6, $0x13C0;
	v34 =	vperm.xlane v22, v1;
	v35 =	vperm.xlane v22, v2;
	v36 =	vld [tilespmem:s25+$0xFFFFFFA0]  }
0x4b: {  	v37 =	vperm.xlane v22, v3;
	v38 =	vperm.xlane v22, v5;
	v39 =	vld [tilespmem:s25+$0xFFFFFFE0]  }
0x4c: {  	v41 =	vperm.xlane v22, v6;
	v42 =	vperm.xlane v22, v7;
	v40 =	vld [tilespmem:s25+$0xFFFFFF80]  }
0x4d: {  	v44 =	vperm.xlane v22, v4;
	v22 =	vperm.xlane v22, v8;
	v43 =	vld [tilespmem:s25+$0xFFFFFFB0]  }
0x4e: {  	v23 =	vmul.f32 v23, v29;
	v24 =	vmul.f32 v24, v30;
	v45 =	vld [tilespmem:s25+$0xFFFFFFF0]  }
0x4f: {  	v25 =	vmul.f32 v25, v32;
	v26 =	vmul.f32 v26, v33;
	v29 =	vld [tilespmem:s25+$0x20]  }
0x50: {  	v27 =	vmul.f32 v27, v38;
	v30 =	vmul.f32 v31, v34;
	v31 =	vld [tilespmem:s25+$0x30]  }
0x51: {  	v28 =	vmul.f32 v28, v41;
	v32 =	vmul.f32 v40, v44;
	v33 =	vld [tilespmem:s25+$0x60]  }
0x52: {  	v34 =	vmul.f32 v36, v35;
	v35 =	vmul.f32 v39, v42;
	v36 =	vld [tilespmem:s25+$0x70]  }
0x53: {  	v37 =	vmul.f32 v43, v37;
	v19 =	vadd.f32 v32, v19;
	v22 =	vmul.f32 v45, v22  }
0x54: {  	v28 =	vadd.f32 v28, v30;
	v30 =	vadd.f32 v35, v34;
	v21 =	vmul.f32 v29, v21  }
0x55: {  	v19 =	vadd.f32 v27, v19;
	v22 =	vadd.f32 v22, v37;
	v20 =	vmul.f32 v31, v20  }
0x56: {  	v26 =	vadd.f32 v26, v28;
	v21 =	vadd.f32 v21, v30;
	v18 =	vmul.f32 v33, v18  }
0x57: {  	v19 =	vadd.f32 v25, v19;
	v20 =	vadd.f32 v20, v22;
	v17 =	vmul.f32 v36, v17  }
0x58: {  	v22 =	vadd.f32 v24, v26;
	v18 =	vadd.f32 v18, v21  }
0x59: {  	v19 =	vadd.f32 v23, v19;
	v17 =	vadd.f32 v17, v20;
	_ =	sdelay $0x1  }
0x5a: {  	v19 =	vadd.f32 v22, v19;
	v17 =	vadd.f32 v17, v18;
	_ =	sdelay $0x1  }
0x5b: {  	v17 =	vadd.f32 v17, v19  }
0x5c: {  	s7 =	sshra.s32 s6, $0x2  }
0x5d: {  	s25 =	sadd.s32 $0x110, s25;
	v22 =	vld [tilespmem:s7+$0x11F30];
	[tilespmem:s18+$0x12930] =	vst v17;
	s18 =	smov.u32 s7  }
0x5e: {  	v23 =	vld [tilespmem:s25+$0x40]  }
0x5f: {  	v24 =	vld [tilespmem:s25+$0x50]  }
0x60: {  	v25 =	vld [tilespmem:s25+$0x0]  }
.Ltmp1:
0x61: {  	v26 =	vld [tilespmem:s25+$0x10];
	(pc) =	sbr.rel @p0 .LBB2_5-.Ltmp1, $4  }
0x62: {  	v19 =	vld [tilespmem:s25+$0x80];
	v29 =	vperm.xlane v22, v13;
	v30 =	vperm.xlane v22, v14  }
0x63: {  	v18 =	vperm.xlane v22, v15;
	v17 =	vperm.xlane v22, v16;
	v27 =	vld [tilespmem:s25+$0xFFFFFFC0]  }
0x64: {  	v32 =	vperm.xlane v22, v9;
	v33 =	vperm.xlane v22, v10;
	v31 =	vld [tilespmem:s25+$0xFFFFFF90]  }
0x65: {  	s6 =	sadd.s32 $0x40, s6;
	v21 =	vperm.xlane v22, v11;
	v20 =	vperm.xlane v22, v12;
	v28 =	vld [tilespmem:s25+$0xFFFFFFD0]  }
0x66: {  	v34 =	vperm.xlane v22, v1;
	v35 =	vperm.xlane v22, v2;
	v36 =	vld [tilespmem:s25+$0xFFFFFFA0]  }
0x67: {  	v37 =	vperm.xlane v22, v3;
	v38 =	vperm.xlane v22, v5;
	v39 =	vld [tilespmem:s25+$0xFFFFFFE0]  }
0x68: {  	v40 =	vld [tilespmem:s25+$0xFFFFFF80];
	v41 =	vperm.xlane v22, v6;
	v42 =	vperm.xlane v22, v7  }
0x69: {  	v43 =	vld [tilespmem:s25+$0xFFFFFFB0];
	v44 =	vperm.xlane v22, v4;
	v22 =	vperm.xlane v22, v8  }
0x6a: {  	v45 =	vld [tilespmem:s25+$0xFFFFFFF0];
	v23 =	vmul.f32 v23, v29;
	v24 =	vmul.f32 v24, v30  }
0x6b: {  	v25 =	vmul.f32 v25, v32;
	v26 =	vmul.f32 v26, v33;
	v29 =	vld [tilespmem:s25+$0x20]  }
0x6c: {  	v27 =	vmul.f32 v27, v38;
	v30 =	vmul.f32 v31, v34;
	v31 =	vld [tilespmem:s25+$0x30]  }
0x6d: {  	v60 =	vld [tilespmem:s25+$0x60];
	v28 =	vmul.f32 v28, v41;
	v59 =	vmul.f32 v40, v44  }
0x6e: {  	v63 =	vld [tilespmem:s25+$0x70];
	v61 =	vmul.f32 v36, v35;
	v62 =	vmul.f32 v39, v42  }
0x6f: {  	v37 =	vmul.f32 v43, v37;
	v22 =	vmul.f32 v45, v22;
	v19 =	vadd.f32 v59, v19  }
0x70: {  	v21 =	vmul.f32 v29, v21;
	v28 =	vadd.f32 v28, v30;
	v30 =	vadd.f32 v62, v61  }
0x71: {  	v22 =	vadd.f32 v22, v37;
	v20 =	vmul.f32 v31, v20;
	v19 =	vadd.f32 v27, v19  }
0x72: {  	v18 =	vmul.f32 v60, v18;
	v26 =	vadd.f32 v26, v28;
	v21 =	vadd.f32 v21, v30  }
0x73: {  	v17 =	vmul.f32 v63, v17;
	v20 =	vadd.f32 v20, v22;
	v19 =	vadd.f32 v25, v19  }
0x74: {  	v22 =	vadd.f32 v24, v26;
	v18 =	vadd.f32 v18, v21  }
0x75: {  	v17 =	vadd.f32 v17, v20;
	v19 =	vadd.f32 v23, v19;
	_ =	sdelay $0x1  }
0x76: {  	v17 =	vadd.f32 v17, v18;
	v19 =	vadd.f32 v22, v19  }
0x77: {  	s6 =	smul.u32 $0x280, s3  }
0x78: {  	v17 =	vadd.f32 v17, v19  }
0x79: {  	s25 =	sshra.s32 s6, $0x2  }
0x7a: {  	s6 =	sadd.s32 $0x2710, s25;
	[tilespmem:s18+$0x12930] =	vst v17  }
0x7b: {  	[spmem:s1] =	stream.indirect.scatter.add.f32 [tilespmem:s29], [sflag:$0x3], $0x10, s6, s20, $0xb8;
	[tilespmem:$0x1F180] =	vst v63  }
0x7c: {  	s18 =	smul.u32 $0xA0, s3;
	_ =	swait.ge [sflag:s17], $0x500  }
0x7d: {  	[sflag:s17] =	ssyncset.done $0x0  }
0x7e: {  	s7 =	sadd.s32 $0xA0, s18;
	[sflag:s17] =	ssyncadd.s32 $0xFFFFFB00  }
0x7f: {  	[tilespmem:s21], [sflag:$0x1] =	stream.indirect.gather [hbm4b:s4+s20], $0x110, s7, s20, $0xb8;
	[tilespmem:$0x1F180] =	vst v63  }
0x80: {  	s8 =	sadd.s32 $0x4EC0, s18  }
0x81: {  	[tilespmem:s22], [sflag:$0x1] =	stream.indirect.gather [hbm4b:s5+s20], $0x10, s8, s20, $0xb8;
	[tilespmem:$0x1F180] =	vst v63  }
0x82: {  	_ =	swait.ge [sflag:s30], $0x5500  }
0x83: {  	[sflag:s30] =	ssyncset.done $0x0  }
0x84: {  	[sflag:s30] =	ssyncadd.s32 $0xFFFFAB00  }
0x85: {  	_ =	swait.ge [sflag:s30], $0x500  }
0x86: {  	[sflag:s30] =	ssyncset.done $0x0  }
0x87: {  	s31 =	simm.s32 $0x0;
	[sflag:s30] =	ssyncadd.s32 $0xFFFFFB00  }
0x88: {  	s6 =	simm.s32 $0xCAB0;
	v22 =	vld [tilespmem:s31+$0x12430]  }
0x89: {  	v23 =	vld [tilespmem:s6+$0x40]  }
0x8a: {  	v24 =	vld [tilespmem:s6+$0x50]  }
0x8b: {  	v25 =	vld [tilespmem:s6+$0x0]  }
0x8c: {  	v26 =	vld [tilespmem:s6+$0x10]  }
0x8d: {  	v19 =	vld [tilespmem:s6+$0x80];
	v29 =	vperm.xlane v22, v13;
	v30 =	vperm.xlane v22, v14  }
0x8e: {  	v27 =	vld [tilespmem:s6+$0xFFFFFFC0];
	v18 =	vperm.xlane v22, v15;
	v17 =	vperm.xlane v22, v16  }
0x8f: {  	v31 =	vld [tilespmem:s6+$0xFFFFFF90];
	v32 =	vperm.xlane v22, v9;
	v33 =	vperm.xlane v22, v10  }
0x90: {  	s7 =	simm.s32 $0x40;
	v28 =	vld [tilespmem:s6+$0xFFFFFFD0];
	v21 =	vperm.xlane v22, v11;
	v20 =	vperm.xlane v22, v12  }
.LBB2_7:
0x91: {  	p0 =	sne.s32 s7, $0x13C0;
	v34 =	vperm.xlane v22, v1;
	v35 =	vperm.xlane v22, v2;
	v36 =	vld [tilespmem:s6+$0xFFFFFFA0]  }
0x92: {  	v37 =	vperm.xlane v22, v3;
	v38 =	vperm.xlane v22, v5;
	v39 =	vld [tilespmem:s6+$0xFFFFFFE0]  }
0x93: {  	v41 =	vperm.xlane v22, v6;
	v42 =	vperm.xlane v22, v7;
	v40 =	vld [tilespmem:s6+$0xFFFFFF80]  }
0x94: {  	v44 =	vperm.xlane v22, v4;
	v22 =	vperm.xlane v22, v8;
	v43 =	vld [tilespmem:s6+$0xFFFFFFB0]  }
0x95: {  	v23 =	vmul.f32 v23, v29;
	v24 =	vmul.f32 v24, v30;
	v45 =	vld [tilespmem:s6+$0xFFFFFFF0]  }
0x96: {  	v25 =	vmul.f32 v25, v32;
	v26 =	vmul.f32 v26, v33;
	v29 =	vld [tilespmem:s6+$0x20]  }
0x97: {  	v27 =	vmul.f32 v27, v38;
	v30 =	vmul.f32 v31, v34;
	v31 =	vld [tilespmem:s6+$0x30]  }
0x98: {  	v28 =	vmul.f32 v28, v41;
	v32 =	vmul.f32 v40, v44;
	v33 =	vld [tilespmem:s6+$0x60]  }
0x99: {  	v34 =	vmul.f32 v36, v35;
	v35 =	vmul.f32 v39, v42;
	v36 =	vld [tilespmem:s6+$0x70]  }
0x9a: {  	v37 =	vmul.f32 v43, v37;
	v19 =	vadd.f32 v32, v19;
	v22 =	vmul.f32 v45, v22  }
0x9b: {  	v28 =	vadd.f32 v28, v30;
	v30 =	vadd.f32 v35, v34;
	v21 =	vmul.f32 v29, v21  }
0x9c: {  	v19 =	vadd.f32 v27, v19;
	v22 =	vadd.f32 v22, v37;
	v20 =	vmul.f32 v31, v20  }
0x9d: {  	v26 =	vadd.f32 v26, v28;
	v21 =	vadd.f32 v21, v30;
	v18 =	vmul.f32 v33, v18  }
0x9e: {  	v19 =	vadd.f32 v25, v19;
	v20 =	vadd.f32 v20, v22;
	v17 =	vmul.f32 v36, v17  }
0x9f: {  	v22 =	vadd.f32 v24, v26;
	v18 =	vadd.f32 v18, v21  }
0xa0: {  	v19 =	vadd.f32 v23, v19;
	v17 =	vadd.f32 v17, v20;
	_ =	sdelay $0x1  }
0xa1: {  	v19 =	vadd.f32 v22, v19;
	v17 =	vadd.f32 v17, v18;
	_ =	sdelay $0x1  }
0xa2: {  	v17 =	vadd.f32 v17, v19  }
0xa3: {  	s8 =	sshra.s32 s7, $0x2  }
0xa4: {  	s6 =	sadd.s32 $0x110, s6;
	v22 =	vld [tilespmem:s8+$0x12430];
	[tilespmem:s31+$0x12930] =	vst v17;
	s31 =	smov.u32 s8  }
0xa5: {  	v23 =	vld [tilespmem:s6+$0x40]  }
0xa6: {  	v24 =	vld [tilespmem:s6+$0x50]  }
0xa7: {  	v25 =	vld [tilespmem:s6+$0x0]  }
.Ltmp2:
0xa8: {  	v26 =	vld [tilespmem:s6+$0x10];
	(pc) =	sbr.rel @p0 .LBB2_7-.Ltmp2, $4  }
0xa9: {  	v19 =	vld [tilespmem:s6+$0x80];
	v29 =	vperm.xlane v22, v13;
	v30 =	vperm.xlane v22, v14  }
0xaa: {  	v18 =	vperm.xlane v22, v15;
	v17 =	vperm.xlane v22, v16;
	v27 =	vld [tilespmem:s6+$0xFFFFFFC0]  }
0xab: {  	v32 =	vperm.xlane v22, v9;
	v33 =	vperm.xlane v22, v10;
	v31 =	vld [tilespmem:s6+$0xFFFFFF90]  }
0xac: {  	s7 =	sadd.s32 $0x40, s7;
	v21 =	vperm.xlane v22, v11;
	v20 =	vperm.xlane v22, v12;
	v28 =	vld [tilespmem:s6+$0xFFFFFFD0]  }
0xad: {  	v34 =	vperm.xlane v22, v1;
	v35 =	vperm.xlane v22, v2;
	v36 =	vld [tilespmem:s6+$0xFFFFFFA0]  }
0xae: {  	v37 =	vperm.xlane v22, v3;
	v38 =	vperm.xlane v22, v5;
	v39 =	vld [tilespmem:s6+$0xFFFFFFE0]  }
0xaf: {  	v40 =	vld [tilespmem:s6+$0xFFFFFF80];
	v41 =	vperm.xlane v22, v6;
	v42 =	vperm.xlane v22, v7  }
0xb0: {  	v43 =	vld [tilespmem:s6+$0xFFFFFFB0];
	v44 =	vperm.xlane v22, v4;
	v53 =	vperm.xlane v22, v8  }
0xb1: {  	v45 =	vld [tilespmem:s6+$0xFFFFFFF0];
	v23 =	vmul.f32 v23, v29;
	v24 =	vmul.f32 v24, v30  }
0xb2: {  	v25 =	vmul.f32 v25, v32;
	v26 =	vmul.f32 v26, v33;
	v54 =	vld [tilespmem:s6+$0x20]  }
0xb3: {  	v56 =	vld [tilespmem:s6+$0x30];
	v27 =	vmul.f32 v27, v38;
	v55 =	vmul.f32 v31, v34  }
0xb4: {  	v58 =	vld [tilespmem:s6+$0x60];
	v28 =	vmul.f32 v28, v41;
	v57 =	vmul.f32 v40, v44  }
0xb5: {  	v61 =	vld [tilespmem:s6+$0x70];
	v59 =	vmul.f32 v36, v35;
	v60 =	vmul.f32 v39, v42  }
0xb6: {  	v37 =	vmul.f32 v43, v37;
	v22 =	vmul.f32 v45, v53;
	v19 =	vadd.f32 v57, v19  }
0xb7: {  	v21 =	vmul.f32 v54, v21;
	v28 =	vadd.f32 v28, v55;
	v62 =	vadd.f32 v60, v59  }
0xb8: {  	v20 =	vmul.f32 v56, v20;
	v22 =	vadd.f32 v22, v37;
	v19 =	vadd.f32 v27, v19  }
0xb9: {  	v18 =	vmul.f32 v58, v18;
	v26 =	vadd.f32 v26, v28;
	v21 =	vadd.f32 v21, v62  }
0xba: {  	v17 =	vmul.f32 v61, v17;
	v20 =	vadd.f32 v20, v22;
	v19 =	vadd.f32 v25, v19  }
0xbb: {  	v63 =	vadd.f32 v24, v26;
	v18 =	vadd.f32 v18, v21  }
0xbc: {  	v17 =	vadd.f32 v17, v20;
	v19 =	vadd.f32 v23, v19;
	_ =	sdelay $0x1  }
0xbd: {  	v17 =	vadd.f32 v17, v18;
	v19 =	vadd.f32 v63, v19;
	_ =	sdelay $0x1  }
0xbe: {  	v17 =	vadd.f32 v17, v19  }
0xbf: {  	p0 =	seq.s32 s3, $0x3D  }
.Ltmp3:
0xc0: {  	[tilespmem:s31+$0x12930] =	vst v17;
	s31 =	sadd.s32 $0x2760, s25;
	(pc) =	sbr.rel @p0 .LBB2_10-.Ltmp3, $4  }
0xc1: {  	[spmem:s1] =	stream.indirect.scatter.add.f32 [tilespmem:s29], [sflag:$0x3], $0x10, s31, s20, $0xb8;
	[tilespmem:$0x1F180] =	vst v63  }
0xc2: {  	_ =	swait.ge [sflag:s17], $0x500  }
0xc3: {  	[sflag:s17] =	ssyncset.done $0x0  }
0xc4: {  	[sflag:s17] =	ssyncadd.s32 $0xFFFFFB00  }
.Ltmp4:
0xc5: {  	(pc) =	sbr.rel .LBB2_4-.Ltmp4, $4  }
0xc6: {  	s6 =	sadd.s32 $0xF0, s18  }
0xc7: {  	[tilespmem:s23], [sflag:$0x2] =	stream.indirect.gather [hbm4b:s4+s20], $0x110, s6, s20, $0xb8;
	[tilespmem:$0x1F180] =	vst v63  }
0xc8: {  	s31 =	sadd.s32 $0x4F10, s18;
	s3 =	sadd.s32 $0x1, s3  }
0xc9: {  	[tilespmem:s26], [sflag:$0x2] =	stream.indirect.gather [hbm4b:s5+s20], $0x10, s31, s20, $0xb8;
	[tilespmem:$0x1F180] =	vst v63  }
.LBB2_10:
0xca: {  	_ =	swait.ge [sflag:s28], $0x5500  }
0xcb: {  	[sflag:s28] =	ssyncset.done $0x0  }
0xcc: {  	[sflag:s28] =	ssyncadd.s32 $0xFFFFAB00  }
0xcd: {  	_ =	swait.ge [sflag:s28], $0x500  }
0xce: {  	[sflag:s28] =	ssyncset.done $0x0  }
0xcf: {  	s3 =	simm.s32 $0x0;
	[sflag:s28] =	ssyncadd.s32 $0xFFFFFB00  }
0xd0: {  	s6 =	simm.s32 $0x75B0;
	v22 =	vld [tilespmem:s3+$0x11F30]  }
0xd1: {  	v23 =	vld [tilespmem:s6+$0x40]  }
0xd2: {  	v24 =	vld [tilespmem:s6+$0x50]  }
0xd3: {  	v25 =	vld [tilespmem:s6+$0x0]  }
0xd4: {  	v26 =	vld [tilespmem:s6+$0x10]  }
0xd5: {  	v19 =	vld [tilespmem:s6+$0x80];
	v29 =	vperm.xlane v22, v13;
	v30 =	vperm.xlane v22, v14  }
0xd6: {  	v27 =	vld [tilespmem:s6+$0xFFFFFFC0];
	v18 =	vperm.xlane v22, v15;
	v17 =	vperm.xlane v22, v16  }
0xd7: {  	v31 =	vld [tilespmem:s6+$0xFFFFFF90];
	v32 =	vperm.xlane v22, v9;
	v33 =	vperm.xlane v22, v10  }
0xd8: {  	s7 =	simm.s32 $0x40;
	v28 =	vld [tilespmem:s6+$0xFFFFFFD0];
	v21 =	vperm.xlane v22, v11;
	v20 =	vperm.xlane v22, v12  }
.LBB2_11:
0xd9: {  	p0 =	sne.s32 s7, $0x13C0;
	v34 =	vperm.xlane v22, v1;
	v35 =	vperm.xlane v22, v2;
	v36 =	vld [tilespmem:s6+$0xFFFFFFA0]  }
0xda: {  	v37 =	vperm.xlane v22, v3;
	v38 =	vperm.xlane v22, v5;
	v39 =	vld [tilespmem:s6+$0xFFFFFFE0]  }
0xdb: {  	v41 =	vperm.xlane v22, v6;
	v42 =	vperm.xlane v22, v7;
	v40 =	vld [tilespmem:s6+$0xFFFFFF80]  }
0xdc: {  	v44 =	vperm.xlane v22, v4;
	v22 =	vperm.xlane v22, v8;
	v43 =	vld [tilespmem:s6+$0xFFFFFFB0]  }
0xdd: {  	v23 =	vmul.f32 v23, v29;
	v24 =	vmul.f32 v24, v30;
	v45 =	vld [tilespmem:s6+$0xFFFFFFF0]  }
0xde: {  	v25 =	vmul.f32 v25, v32;
	v26 =	vmul.f32 v26, v33;
	v29 =	vld [tilespmem:s6+$0x20]  }
0xdf: {  	v27 =	vmul.f32 v27, v38;
	v30 =	vmul.f32 v31, v34;
	v31 =	vld [tilespmem:s6+$0x30]  }
0xe0: {  	v28 =	vmul.f32 v28, v41;
	v32 =	vmul.f32 v40, v44;
	v33 =	vld [tilespmem:s6+$0x60]  }
0xe1: {  	v34 =	vmul.f32 v36, v35;
	v35 =	vmul.f32 v39, v42;
	v36 =	vld [tilespmem:s6+$0x70]  }
0xe2: {  	v37 =	vmul.f32 v43, v37;
	v19 =	vadd.f32 v32, v19;
	v22 =	vmul.f32 v45, v22  }
0xe3: {  	v28 =	vadd.f32 v28, v30;
	v30 =	vadd.f32 v35, v34;
	v21 =	vmul.f32 v29, v21  }
0xe4: {  	v19 =	vadd.f32 v27, v19;
	v22 =	vadd.f32 v22, v37;
	v20 =	vmul.f32 v31, v20  }
0xe5: {  	v26 =	vadd.f32 v26, v28;
	v21 =	vadd.f32 v21, v30;
	v18 =	vmul.f32 v33, v18  }
0xe6: {  	v19 =	vadd.f32 v25, v19;
	v20 =	vadd.f32 v20, v22;
	v17 =	vmul.f32 v36, v17  }
0xe7: {  	v22 =	vadd.f32 v24, v26;
	v18 =	vadd.f32 v18, v21  }
0xe8: {  	v19 =	vadd.f32 v23, v19;
	v17 =	vadd.f32 v17, v20;
	_ =	sdelay $0x1  }
0xe9: {  	v19 =	vadd.f32 v22, v19;
	v17 =	vadd.f32 v17, v18;
	_ =	sdelay $0x1  }
0xea: {  	v17 =	vadd.f32 v17, v19  }
0xeb: {  	s8 =	sshra.s32 s7, $0x2  }
0xec: {  	s6 =	sadd.s32 $0x110, s6;
	v22 =	vld [tilespmem:s8+$0x11F30];
	[tilespmem:s3+$0x12930] =	vst v17;
	s3 =	smov.u32 s8  }
0xed: {  	v23 =	vld [tilespmem:s6+$0x40]  }
0xee: {  	v24 =	vld [tilespmem:s6+$0x50]  }
0xef: {  	v25 =	vld [tilespmem:s6+$0x0]  }
.Ltmp5:
0xf0: {  	v26 =	vld [tilespmem:s6+$0x10];
	(pc) =	sbr.rel @p0 .LBB2_11-.Ltmp5, $4  }
0xf1: {  	v19 =	vld [tilespmem:s6+$0x80];
	v29 =	vperm.xlane v22, v13;
	v30 =	vperm.xlane v22, v14  }
0xf2: {  	v18 =	vperm.xlane v22, v15;
	v17 =	vperm.xlane v22, v16;
	v27 =	vld [tilespmem:s6+$0xFFFFFFC0]  }
0xf3: {  	v32 =	vperm.xlane v22, v9;
	v33 =	vperm.xlane v22, v10;
	v31 =	vld [tilespmem:s6+$0xFFFFFF90]  }
0xf4: {  	s7 =	sadd.s32 $0x40, s7;
	v21 =	vperm.xlane v22, v11;
	v20 =	vperm.xlane v22, v12;
	v28 =	vld [tilespmem:s6+$0xFFFFFFD0]  }
0xf5: {  	v34 =	vperm.xlane v22, v1;
	v35 =	vperm.xlane v22, v2;
	v36 =	vld [tilespmem:s6+$0xFFFFFFA0]  }
0xf6: {  	v37 =	vperm.xlane v22, v3;
	v38 =	vperm.xlane v22, v5;
	v39 =	vld [tilespmem:s6+$0xFFFFFFE0]  }
0xf7: {  	v40 =	vld [tilespmem:s6+$0xFFFFFF80];
	v41 =	vperm.xlane v22, v6;
	v42 =	vperm.xlane v22, v7  }
0xf8: {  	v43 =	vld [tilespmem:s6+$0xFFFFFFB0];
	v44 =	vperm.xlane v22, v4;
	v53 =	vperm.xlane v22, v8  }
0xf9: {  	v45 =	vld [tilespmem:s6+$0xFFFFFFF0];
	v23 =	vmul.f32 v23, v29;
	v24 =	vmul.f32 v24, v30  }
0xfa: {  	v25 =	vmul.f32 v25, v32;
	v26 =	vmul.f32 v26, v33;
	v54 =	vld [tilespmem:s6+$0x20]  }
0xfb: {  	v56 =	vld [tilespmem:s6+$0x30];
	v27 =	vmul.f32 v27, v38;
	v55 =	vmul.f32 v31, v34  }
0xfc: {  	v58 =	vld [tilespmem:s6+$0x60];
	v28 =	vmul.f32 v28, v41;
	v57 =	vmul.f32 v40, v44  }
0xfd: {  	v61 =	vld [tilespmem:s6+$0x70];
	v59 =	vmul.f32 v36, v35;
	v60 =	vmul.f32 v39, v42  }
0xfe: {  	v37 =	vmul.f32 v43, v37;
	v22 =	vmul.f32 v45, v53;
	v19 =	vadd.f32 v57, v19  }
0xff: {  	v21 =	vmul.f32 v54, v21;
	v28 =	vadd.f32 v28, v55;
	v62 =	vadd.f32 v60, v59  }
0x100: {  	v20 =	vmul.f32 v56, v20;
	v22 =	vadd.f32 v22, v37;
	v19 =	vadd.f32 v27, v19  }
0x101: {  	v18 =	vmul.f32 v58, v18;
	v26 =	vadd.f32 v26, v28;
	v21 =	vadd.f32 v21, v62  }
0x102: {  	v17 =	vmul.f32 v61, v17;
	v20 =	vadd.f32 v20, v22;
	v19 =	vadd.f32 v25, v19  }
0x103: {  	v63 =	vadd.f32 v24, v26;
	v18 =	vadd.f32 v18, v21  }
0x104: {  	v17 =	vadd.f32 v17, v20;
	v19 =	vadd.f32 v23, v19;
	_ =	sdelay $0x1  }
0x105: {  	v17 =	vadd.f32 v17, v18;
	v19 =	vadd.f32 v63, v19;
	_ =	sdelay $0x1  }
0x106: {  	v17 =	vadd.f32 v17, v19;
	_ =	sdelay $0x1  }
0x107: {  	s31 =	simm.s32 $0x4DD0;
	[tilespmem:s3+$0x12930] =	vst v17  }
0x108: {  	[spmem:s1] =	stream.indirect.scatter.add.f32 [tilespmem:s29], [sflag:$0x3], $0x10, s31, s20, $0xb8;
	[tilespmem:$0x1F180] =	vst v63  }
0x109: {  	_ =	swait.ge [sflag:s17], $0x500  }
0x10a: {  	[sflag:s17] =	ssyncset.done $0x0  }
0x10b: {  	[sflag:s17] =	ssyncadd.s32 $0xFFFFFB00  }
0x10c: {  	[bflag:$0x0] =	sbarrier.arrive $0xFFFF  }
0x10d: {  	[tilespmem:s0], [sflag:$0x3] =	stream.linear.gather [spmem:s9], $0x2710, $0x38;
	[tilespmem:$0x1F180] =	vst v63  }
0x10e: {  	_ =	swait.ge [sflag:s17], $0x2710  }
0x10f: {  	[sflag:s17] =	ssyncset.done $0x0  }
0x110: {  	[sflag:s17] =	ssyncadd.s32 $0xFFFFD8F0  }
0x111: {  	[tilespmem:s16], [sflag:$0x3] =	stream.linear.gather [spmem:s14], $0x2710, $0x38;
	[tilespmem:$0x1F180] =	vst v63  }
0x112: {  	_ =	swait.ge [sflag:s17], $0x2710  }
0x113: {  	[sflag:s17] =	ssyncset.done $0x0  }
0x114: {  	s3 =	simm.s32 $0x0;
	[sflag:s17] =	ssyncadd.s32 $0xFFFFD8F0  }
0x115: {  	s6 =	simm.s32 $0x40;
	v17 =	vld [tilespmem:s3+$0x12E30]  }
.LBB2_13:
0x116: {  	p0 =	sne.s32 s6, $0x9C00;
	v18 =	vld [tilespmem:s3+$0x15540];
	_ =	sdelay $0x2  }
.Ltmp6:
0x117: {  	(pc) =	sbr.rel @p0 .LBB2_13-.Ltmp6, $4  }
0x118: {  	_ = 	snop  }
0x119: {  	v18 =	vadd.f32 v17, v18  }
0x11a: {  	s7 =	sshra.s32 s6, $0x2  }
0x11b: {  	s6 =	sadd.s32 $0x40, s6;
	v17 =	vld [tilespmem:s7+$0x12E30];
	[tilespmem:s3+$0x15540] =	vst v18;
	s3 =	smov.u32 s7  }
0x11c: {  	v18 =	vld [tilespmem:s3+$0x15540];
	_ =	sdelay $0x4  }
0x11d: {  	v17 =	vadd.f32 v17, v18;
	_ =	sdelay $0x1  }
0x11e: {  	[tilespmem:s3+$0x15540] =	vst v17  }
0x11f: {  	[tilespmem:s16], [sflag:$0x3] =	stream.linear.gather [spmem:s15], $0x2710, $0x38;
	[tilespmem:$0x1F180] =	vst v63  }
0x120: {  	_ =	swait.ge [sflag:s17], $0x2710  }
0x121: {  	[sflag:s17] =	ssyncset.done $0x0  }
0x122: {  	s3 =	simm.s32 $0x0;
	[sflag:s17] =	ssyncadd.s32 $0xFFFFD8F0  }
0x123: {  	s6 =	simm.s32 $0x40;
	v17 =	vld [tilespmem:s3+$0x12E30]  }
.LBB2_15:
0x124: {  	p0 =	sne.s32 s6, $0x9C00;
	v18 =	vld [tilespmem:s3+$0x15540];
	_ =	sdelay $0x2  }
.Ltmp7:
0x125: {  	(pc) =	sbr.rel @p0 .LBB2_15-.Ltmp7, $4  }
0x126: {  	_ = 	snop  }
0x127: {  	v18 =	vadd.f32 v17, v18  }
0x128: {  	s7 =	sshra.s32 s6, $0x2  }
0x129: {  	s6 =	sadd.s32 $0x40, s6;
	v17 =	vld [tilespmem:s7+$0x12E30];
	[tilespmem:s3+$0x15540] =	vst v18;
	s3 =	smov.u32 s7  }
0x12a: {  	v18 =	vld [tilespmem:s3+$0x15540];
	_ =	sdelay $0x4  }
0x12b: {  	s2 =	sadd.s32 $0x1, s2;
	v17 =	vadd.f32 v17, v18  }
0x12c: {  	p0 =	sne.s32 s2, s10  }
.Ltmp8:
0x12d: {  	s31 =	simm.s32 $0x0;
	[tilespmem:s3+$0x15540] =	vst v17;
	(pc) =	sbr.rel @p0 .LBB2_1-.Ltmp8, $4  }
0x12e: {  	[hbm4b:s24+s31] =	stream.linear.scatter [tilespmem:s0], [sflag:$0x3], $0x2710, $0x38;
	[tilespmem:$0x1F180] =	vst v63  }
0x12f: {  	_ =	swait.ge [sflag:s17], $0x2710  }
0x130: {  	[sflag:s17] =	ssyncset.done $0x0  }
0x131: {  	[sflag:s17] =	ssyncadd.s32 $0xFFFFD8F0  }
0x132: {  	_ =	sfence.sel $0x180000  }
0x133: {  	[bflag:$0x0] =	sbarrier.arrive $0xFFFF  }
0x134: {  	_ =	strace $0x9000004A  }
0x135: {  	s0 =	stileid.u32;
	[bflag:$0x2] =	sbarrier.arrive $0xFFFF  }
0x136: {  	p0 =	sne.s32 s0, $0x0;
	s0 =	rddreg [dreg:$0x3]  }
0x137: {  	s0 =	sadd.s32 @!p0 $0x100000, s0  }
0x138: {  	[sflag:s0] =	ssyncadd.tile.s32 @!p0 $0x1;
	_ =	shalt  }
.Lfunc_end2:
_tile_overlayer_lowered:
.L_overlay_start_2:
0x139: {  	(tag) =	ssettag $0x2  }
0x13a: {  	s0 =	rddreg [dreg:$0x0];
	s2 =	stileid.u32  }
0x13b: {  	s1 =	rddreg [dreg:$0x1];
	p0 =	sne.s32 s2, $0x0  }
0x13c: {  	s3 =	rddreg [dreg:$0x2];
	[bflag:$0x3] =	sbarrier.arrive $0xFFFF;
	s2 =	simm.s32 @!p0 $0x1C03  }
0x13d: {  	[timem:s3], [sflag:s2] =	dma.local @!p0 [hbm:s0], s1  }
0x13e: {  	s0 =	simm.s32 @!p0 $0x3  }
0x13f: {  	_ =	swait.ge @!p0 [sflag:s0], s1  }
0x140: {  	s1 =	ssub.s32 @!p0 $0x0, s1;
	[sflag:s0] =	ssyncset.done @!p0 $0x0  }
0x141: {  	[sflag:s0] =	ssyncadd.s32 @!p0 s1  }
0x142: {  	[bflag:$0x3] =	sbarrier.arrive $0xFFFF  }
0x143: {  	_ =	shalt  }

// kernel: kernel.16.cloned.1.call-start
scs
__scs_entry_jumppad:
0x0: {  	(pc) =	sbr.rel $0x88, $3  }
0x1: {  	(tag) =	ssettag $0x0;
	lr =	simm.s32 $0x1  }
0x2: {  	[smem:$0x3F8A] =	sst lr;
	_ =	strace $0xD0000000  }
0x3: {  	_ = 	snop  }
0x4: {  	_ = 	snop  }
0x5: {  	_ = 	snop  }
0x6: {  	_ = 	snop  }
0x7: {  	_ = 	snop  }
__scs_overlays_trampoline_lowered:
0x8: {  	[smem:$0x3F99] =	sst s0  }
0x9: {  	[smem:$0x3F9A] =	sst s1  }
0xa: {  	[smem:$0x3F9B] =	sst s2  }
0xb: {  	[smem:$0x3F9C] =	sst s3  }
0xc: {  	[smem:$0x3F9D] =	sst s4  }
0xd: {  	[smem:$0x3F9E] =	sst s5  }
0xe: {  	[smem:$0x3F9F] =	sst s6  }
0xf: {  	[smem:$0x3FA0] =	sst s7  }
0x10: {  	[smem:$0x3FA1] =	sst s8  }
0x11: {  	[smem:$0x3FA2] =	sst s9;
	s0 =	simm.s32 @!p0 $0x0  }
0x12: {  	s1 =	sld [smem:$0x3F88];
	s0 =	simm.s32 @p0 $0x1  }
0x13: {  	[smem:$0x3FA3] =	sst s0;
	s0 =	simm.s32 @!p1 $0x0  }
0x14: {  	s2 =	sld [smem:$0x3F87];
	s0 =	simm.s32 @p1 $0x1  }
0x15: {  	[smem:$0x3FA4] =	sst s0;
	s0 =	simm.s32 @!p2 $0x0  }
0x16: {  	s3 =	sld [smem:$0x3FDB];
	s0 =	simm.s32 @p2 $0x1  }
0x17: {  	s4 =	simm.s32 $0x1BF5;
	[smem:$0x3FA6] =	sst s0  }
0x18: {  	s0 =	sld [smem:$0x3F89];
	_ =	swait.ge [sflag:s4], $0x0  }
0x19: {  	s7 =	sld [smem:$0x3F8A]  }
0x1a: {  	s8 =	sadd.s32 $0xFFFFE003, lr  }
0x1b: {  	s9 =	sadd.s32 $0xFFFFFEF7, lr;
	s5 =	simm.s32 $0xFFFFFFFF;
	p2 =	slt.u32 s8, $0xFFFFF086  }
0x1c: {  	p1 =	slt.u32 s9, $0xF7A;
	s5 =	simm.s32 @!p2 $0x0  }
0x1d: {  	s5 =	simm.s32 @p1 $0x1;
	p0 =	seq.s32 s7, s2  }
0x1e: {  	s7 =	smul.u32 @!p0 $0xF7A, s2;
	p2 =	seq.s32 @!p0 s5, $0x0  }
0x1f: {  	s9 =	smul.u32 $0xF7A, s1;
	s8 =	simm.s32 @!p0 $0x1BF5;
	p2 =	por !p2, p0  }
0x20: {  	[sflag:s8] =	ssyncset.s32 @!p0 $0xFFFFF086;
	s6 =	sadd.s32 @!p0 s3, s7;
	s7 =	simm.s32 @!p0 $0x108  }
0x21: {  	s3 =	sadd.s32 s3, s9;
	s6 =	sadd.s32 @!p0 $0x88, s6;
	s7 =	simm.s32 @p2 $0x1082  }
0x22: {  	[simem:s7], [sflag:s8] =	dma.local @!p0 [hbm:s6], $0xF7A  }
0x23: {  	s9 =	sor.u32 $0xD0000000, s2;
	s6 =	simm.s32 $0x108;
	_ =	swait.ge @!p0 [sflag:s8], $0x0  }
0x24: {  	s3 =	sadd.s32 $0x88, s3;
	s6 =	simm.s32 @!p1 $0x1082;
	[sflag:s4] =	ssyncset.s32 $0xFFFFF086  }
0x25: {  	[simem:s6], [sflag:s4] =	dma.local [hbm:s3], $0xF7A  }
0x26: {  	[smem:$0x3F8A] =	sst s1;
	(tag) =	ssettag s2;
	_ =	strace s9  }
0x27: {  	s1 =	sld [smem:$0x3F9A]  }
0x28: {  	s2 =	sld [smem:$0x3F9B]  }
0x29: {  	s4 =	sld [smem:$0x3F9D]  }
0x2a: {  	p0 =	seq.s32 s5, $0x0;
	s5 =	sld [smem:$0x3F9E]  }
0x2b: {  	s6 =	sld [smem:$0x3F9F]  }
0x2c: {  	s7 =	sld [smem:$0x3FA0]  }
0x2d: {  	s3 =	simm.s32 $0x108;
	s8 =	sld [smem:$0x3FA1]  }
0x2e: {  	s3 =	simm.s32 @!p0 $0x1082;
	s9 =	sld [smem:$0x3FA2]  }
0x2f: {  	lr =	sadd.s32 s0, s3;
	s0 =	sld [smem:$0x3F99]  }
0x30: {  	s3 =	sld [smem:$0x3F9C]  }
0x31: {  	[smem:$0x3FA5] =	sst s10  }
0x32: {  	s10 =	sld [smem:$0x3FA3];
	_ =	sdelay $0x3  }
0x33: {  	p0 =	seq.s32 s10, $0x1;
	s10 =	sld [smem:$0x3FA5];
	_ =	sdelay $0x3  }
0x34: {  	[smem:$0x3FA5] =	sst s10  }
0x35: {  	s10 =	sld [smem:$0x3FA4];
	_ =	sdelay $0x3  }
0x36: {  	p1 =	seq.s32 s10, $0x1;
	s10 =	sld [smem:$0x3FA5];
	_ =	sdelay $0x3  }
0x37: {  	[smem:$0x3FA5] =	sst s10  }
0x38: {  	s10 =	sld [smem:$0x3FA6]  }
0x39: {  	_ = 	snop;
	(pc) =	sbr.ind lr, $3  }
0x3a: {  	_ = 	snop  }
0x3b: {  	_ = 	snop  }
0x3c: {  	p2 =	seq.s32 s10, $0x1;
	s10 =	sld [smem:$0x3FA5]  }
0x3d: {  	_ =	shalt  }
0x3e: {  	_ =	shalt  }
0x3f: {  	_ =	shalt  }
0x40: {  	_ =	shalt  }
0x41: {  	_ =	shalt  }
0x42: {  	_ =	shalt  }
0x43: {  	_ =	shalt  }
0x44: {  	_ =	shalt  }
0x45: {  	_ =	shalt  }
0x46: {  	_ =	shalt  }
0x47: {  	_ =	shalt  }
0x48: {  	_ =	shalt  }
0x49: {  	_ =	shalt  }
0x4a: {  	_ =	shalt  }
0x4b: {  	_ =	shalt  }
0x4c: {  	_ =	shalt  }
0x4d: {  	_ =	shalt  }
0x4e: {  	_ =	shalt  }
0x4f: {  	_ =	shalt  }
0x50: {  	_ =	shalt  }
0x51: {  	_ =	shalt  }
0x52: {  	_ =	shalt  }
0x53: {  	_ =	shalt  }
0x54: {  	_ =	shalt  }
0x55: {  	_ =	shalt  }
0x56: {  	_ =	shalt  }
0x57: {  	_ =	shalt  }
0x58: {  	_ =	shalt  }
0x59: {  	_ =	shalt  }
0x5a: {  	_ =	shalt  }
0x5b: {  	_ =	shalt  }
0x5c: {  	_ =	shalt  }
0x5d: {  	_ =	shalt  }
0x5e: {  	_ =	shalt  }
0x5f: {  	_ =	shalt  }
0x60: {  	_ =	shalt  }
0x61: {  	_ =	shalt  }
0x62: {  	_ =	shalt  }
0x63: {  	_ =	shalt  }
0x64: {  	_ =	shalt  }
0x65: {  	_ =	shalt  }
0x66: {  	_ =	shalt  }
0x67: {  	_ =	shalt  }
0x68: {  	_ =	shalt  }
0x69: {  	_ =	shalt  }
0x6a: {  	_ =	shalt  }
0x6b: {  	_ =	shalt  }
0x6c: {  	_ =	shalt  }
0x6d: {  	_ =	shalt  }
0x6e: {  	_ =	shalt  }
0x6f: {  	_ =	shalt  }
0x70: {  	_ =	shalt  }
0x71: {  	_ =	shalt  }
0x72: {  	_ =	shalt  }
0x73: {  	_ =	shalt  }
0x74: {  	_ =	shalt  }
0x75: {  	_ =	shalt  }
0x76: {  	_ =	shalt  }
0x77: {  	_ =	shalt  }
0x78: {  	_ =	shalt  }
0x79: {  	_ =	shalt  }
0x7a: {  	_ =	shalt  }
0x7b: {  	_ =	shalt  }
0x7c: {  	_ =	shalt  }
0x7d: {  	_ =	shalt  }
0x7e: {  	_ =	shalt  }
0x7f: {  	_ =	shalt  }
0x80: {  	_ =	shalt  }
0x81: {  	_ =	shalt  }
0x82: {  	_ =	shalt  }
0x83: {  	_ =	shalt  }
0x84: {  	_ =	shalt  }
0x85: {  	_ =	shalt  }
0x86: {  	_ =	shalt  }
0x87: {  	_ =	shalt  }
.Lfunc_end0:
.L_simem_size_0:
called_computation.2_lowered:
.L_overlay_start_0:
0x88: {  	s2 =	sld [smem:$0x3FD9]  }
0x89: {  	s3 =	sld [smem:$0x3FFE];
	_ =	sdelay $0x1  }
0x8a: {  	s1 =	srdreg.scid  }
0x8b: {  	s0 =	sand.u32 $0x1, s1  }
0x8c: {  	s17 =	sshll.u32 s0, $0xA;
	s2 =	sadd.s32 s3, s2  }
0x8d: {  	s2 =	sadd.s32 s2, s17  }
0x8e: {  	[smem:$0x3FB1] =	sst s2  }
0x8f: {  	_ = 	snop  }
0x90: {  	s2 =	sld [smem:$0x3FD0];
	(tm) =	ssettm $0x1  }
0x91: {  	s18 =	sld [smem:$0x3FFB];
	_ =	sdelay $0x3  }
0x92: {  	_ =	strace s18  }
0x93: {  	s3 =	sld [smem:$0x3FFC];
	_ =	sdelay $0x3  }
0x94: {  	_ =	strace s3  }
0x95: {  	s3 =	sld [smem:$0x3FFD];
	_ =	sdelay $0x3  }
0x96: {  	_ =	strace s3  }
0x97: {  	_ =	strace $0x8FFFFFFF  }
0x98: {  	s19 =	sld [smem:$0x3FDB];
	_ =	sdelay $0x1  }
0x99: {  	s4 =	simm.s32 $_scs_section_size  }
0x9a: {  	s5 =	simm.s32 $_size__tile_overlayer_lowered;
	s6 =	simm.s32 $_tile_overlayer_lowered  }
0x9b: {  	s22 =	simm.s32 $0x1BFF;
	s21 =	sshll.u32 s6, $0x1;
	s3 =	sadd.s32 s4, s19  }
0x9c: {  	s7 =	simm.s32 $0x0;
	s20 =	sshll.u32 s5, $0x1;
	s5 =	sadd.s32 s21, s3  }
0x9d: {  	[timem:s7], [sflag:s22] =	dma.local [hbm:s5], s20  }
0x9e: {  	_ =	swait.ge [sflag:s22], s20  }
0x9f: {  	s4 =	ssub.s32 $0x0, s20;
	[sflag:s22] =	ssyncset.done $0x0  }
0xa0: {  	[sflag:s22] =	ssyncadd.s32 s4;
	_ =	sdelay $0x1  }
0xa1: {  	s23 =	simm.s32 $0x1B8B  }
0xa2: {  	_ =	swait.ge [sflag:s23], $0x1  }
0xa3: {  	[sflag:s23] =	ssyncset.done $0x0  }
0xa4: {  	s25 =	simm.s32 $0x1B8E;
	s24 =	sld [smem:$0x3FFE];
	[sflag:s23] =	ssyncadd.s32 $0xFFFFFFFF  }
0xa5: {  	s26 =	simm.s32 $execute0_lowered;
	[smem:$0x3FD2] =	sst s25  }
0xa6: {  	s5 =	sshll.u32 s26, $0x1;
	_ =	strace $0x8000004C;
	[dreg:$0x1] =	wrdreg $0xFFFFFFFF  }
0xa7: {  	s28 =	simm.s32 $_size_execute0_lowered;
	s3 =	sadd.s32 s3, s5;
	[dreg:$0x0] =	wrdreg $0x0  }
0xa8: {  	s5 =	sshll.u32 s28, $0x1;
	[dreg:$0x2] =	wrdreg s3  }
0xa9: {  	[dreg:$0x3] =	wrdreg s5  }
0xaa: {  	[dreg:$0x4] =	wrdreg $0xC0  }
0xab: {  	_ =	task [dreg:s7], $0x5FFFF  }
0xac: {  	[dreg:$0x1] =	wrdreg $0xFFFFFFFF  }
0xad: {  	[dreg:$0x0] =	wrdreg $0x60  }
0xae: {  	[dreg:$0x2] =	wrdreg s24  }
0xaf: {  	[dreg:$0x3] =	wrdreg s2  }
0xb0: {  	[dreg:$0x4] =	wrdreg $0x9  }
0xb1: {  	_ =	task.clear_ibuf [dreg:s7], $0x5FFFF;
	_ =	strace $0x9000004C  }
0xb2: {  	s29 =	simm.s32 $0x9;
	_ =	strace $0x8000004E  }
0xb3: {  	_ =	swait.ge [sflag:s29], $0x1  }
0xb4: {  	[sflag:s29] =	ssyncadd.s32 $0xFFFFFFFF  }
0xb5: {  	_ =	strace $0x9000004E  }
0xb6: {  	_ =	sfence  }
0xb7: {  	s30 =	sld [smem:$0x0];
	_ =	sdelay $0x2  }
0xb8: {  	s31 =	sshll.u32 s1, $0xD;
	s1 =	sshrl.u32 s1, $0x2  }
0xb9: {  	s3 =	sand.u32 $0x4000, s31;
	s1 =	sadd.s32 s1, s30  }
0xba: {  	s0 =	sor.u32 s3, s0;
	s1 =	sshll.u32 s1, $0x11  }
0xbb: {  	s0 =	sor.u32 s1, s0  }
0xbc: {  	s0 =	sadd.s32 $0x8F2B, s0  }
0xbd: {  	[sflag:s0] =	ssyncadd.remote.s32 $0x1  }
0xbe: {  	_ =	sfence.sel $0xFFFF  }
0xbf: {  	[dreg:$0x0] =	wrdreg $0xFFFFFFFF;
	(pc) =	sbr.abs _section_cstart, $3  }
0xc0: {  	[dreg:$0x1] =	wrdreg $0xFFFFFFFF  }
0xc1: {  	_ =	task.clear_ibuf [dreg:s7], $0x2FFFF;
	_ =	strace $0x9FFFFFFF  }
0xc2: {  	(tm) =	ssettm $0x7FFFFFFF  }
0xc3: {  	_ =	shalt  }
tec
execute0_lowered:
.L_overlay_start_1:
0x0: {  	(tag) =	ssettag $0x1  }
0x1: {  	s4 =	rddreg [dreg:$0x0]  }
0x2: {  	s5 =	rddreg [dreg:$0x1];
	s1 =	srdreg.scid  }
0x3: {  	s0 =	rddreg [dreg:$0x2];
	s2 =	simm.s32 $0x0;
	s14 =	simm.s32 $0x3110  }
0x4: {  	s15 =	simm.s32 $0x1;
	s16 =	simm.s32 $0x2;
	s7 =	sand.u32 $0x1, s1  }
0x5: {  	s17 =	simm.s32 $0x26C0;
	s1 =	stileid.u32;
	s12 =	smul.u32 $0x27100, s7  }
0x6: {  	s18 =	simm.s32 $0x0;
	[smem:$0x7FF] =	sst s2;
	s13 =	smul.u32 $0x2710, s1  }
0x7: {  	s11 =	sadd.s32 $0xDA00, s4;
	s3 =	sshll.u32 s7, $0x4;
	s30 =	smul.u32 $0x9C400, s7  }
0x8: {  	s9 =	ssub.s32 $0x2, s7;
	s31 =	smul.u32 $0x9C40, s1;
	s6 =	sor.u32 s1, s3  }
0x9: {  	_ =	strace $0x8000004D;
	s25 =	sshrl.u32 s9, $0x1;
	s8 =	smul.u32 $0x4E2, s6  }
0xa: {  	s3 =	sadd.s32 $0x3C00, s4;
	s10 =	smul.u32 $0x4E200, s6;
	s9 =	ssub.s32 s9, s25  }
0xb: {  	s28 =	smul.u32 $0x9C40, s6;
	s29 =	sadd.s32 s13, s12;
	s12 =	simm.s32 $0x50  }
0xc: {  	s13 =	simm.s32 $0x2710;
	s6 =	smax.u32 s9, $0x1;
	s9 =	sshll.u32 s29, $0x2  }
0xd: {  	s10 =	sshrl.u32 s10, $0x3;
	s4 =	sadd.s32 s5, s8;
	s8 =	sadd.s32 s11, s28  }
0xe: {  	s9 =	sadd.s32 s11, s9;
	s26 =	sadd.s32 s11, s10;
	s7 =	sadd.s32 $0x9880, s8  }
0xf: {  	s8 =	sadd.s32 $0x99C0, s8;
	s9 =	sadd.s32 $0x140, s9;
	s10 =	sadd.s32 s30, s11  }
0x10: {  	s11 =	simm.s32 $0x3;
	s5 =	sadd.s32 $0x9B00, s26;
	s10 =	sadd.s32 s31, s10  }
.LBB2_1:
0x11: {  	[tilespmem:s2], [sflag:$0x3] =	stream.linear.gather [hbm4b:s4+s2], $0x2710, $0x38;
	[tilespmem:$0x3B10] =	vst v63  }
0x12: {  	_ =	swait.ge [sflag:s11], $0x2710  }
0x13: {  	[sflag:s11] =	ssyncset.done $0x0  }
0x14: {  	[sflag:s11] =	ssyncadd.s32 $0xFFFFD8F0  }
0x15: {  	[tilespmem:s13], [sflag:$0x1] =	stream.indirect.gather [hbm4b:s3+s12], $0x20, s2, s12, $0xb8;
	[tilespmem:$0x3B10] =	vst v63  }
0x16: {  	_ = 	snop  }
0x17: {  	[tilespmem:s14], [sflag:$0x2] =	stream.indirect.gather [hbm4b:s3+s12], $0x20, s12, s12, $0xb8;
	[tilespmem:$0x3B10] =	vst v63  }
0x18: {  	_ =	swait.ge [sflag:s15], $0xA00  }
0x19: {  	[sflag:s15] =	ssyncset.done $0x0  }
0x1a: {  	s19 =	sadd.s32 $0x0, s10;
	[sflag:s15] =	ssyncadd.s32 $0xFFFFF600  }
0x1b: {  	[hbm4b:s19+s2] =	stream.linear.scatter [tilespmem:s13], [sflag:$0x3], $0xA00, $0x38;
	[tilespmem:$0x3B10] =	vst v63  }
0x1c: {  	_ =	swait.ge [sflag:s11], $0xA00  }
0x1d: {  	[sflag:s11] =	ssyncset.done $0x0  }
0x1e: {  	s30 =	simm.s32 $0xA0;
	[sflag:s11] =	ssyncadd.s32 $0xFFFFF600  }
0x1f: {  	[tilespmem:s13], [sflag:$0x1] =	stream.indirect.gather [hbm4b:s3+s12], $0x20, s30, s12, $0xb8;
	[tilespmem:$0x3B10] =	vst v63  }
0x20: {  	_ =	swait.ge [sflag:s16], $0xA00  }
0x21: {  	[sflag:s16] =	ssyncset.done $0x0  }
0x22: {  	s31 =	sadd.s32 $0x0, s9;
	[sflag:s16] =	ssyncadd.s32 $0xFFFFF600  }
0x23: {  	[hbm4b:s31+s2] =	stream.linear.scatter [tilespmem:s14], [sflag:$0x3], $0xA00, $0x38;
	[tilespmem:$0x3B10] =	vst v63  }
0x24: {  	_ =	swait.ge [sflag:s11], $0xA00  }
0x25: {  	[sflag:s11] =	ssyncset.done $0x0  }
0x26: {  	s20 =	simm.s32 $0xF0;
	s19 =	simm.s32 $0x280;
	[sflag:s11] =	ssyncadd.s32 $0xFFFFF600  }
.LBB2_2:
0x27: {  	[tilespmem:s14], [sflag:$0x2] =	stream.indirect.gather [hbm4b:s3+s12], $0x20, s20, s12, $0xb8;
	[tilespmem:$0x3B10] =	vst v63  }
0x28: {  	s20 =	smov.u32 s19  }
0x29: {  	p0 =	sne.s32 s19, $0x9600;
	s19 =	sadd.s32 $0x280, s19;
	_ =	swait.ge [sflag:s15], $0xA00  }
0x2a: {  	[sflag:s15] =	ssyncset.done $0x0  }
0x2b: {  	s21 =	sadd.s32 s20, s10;
	[sflag:s15] =	ssyncadd.s32 $0xFFFFF600  }
0x2c: {  	[hbm4b:s21+s2] =	stream.linear.scatter [tilespmem:s13], [sflag:$0x3], $0xA00, $0x38;
	[tilespmem:$0x3B10] =	vst v63  }
0x2d: {  	_ =	swait.ge [sflag:s11], $0xA00  }
0x2e: {  	s21 =	sshra.s32 s20, $0x2;
	[sflag:s11] =	ssyncset.done $0x0  }
0x2f: {  	s22 =	sadd.s32 $0xA0, s21;
	[sflag:s11] =	ssyncadd.s32 $0xFFFFF600  }
0x30: {  	[tilespmem:s13], [sflag:$0x1] =	stream.indirect.gather [hbm4b:s3+s12], $0x20, s22, s12, $0xb8;
	[tilespmem:$0x3B10] =	vst v63  }
0x31: {  	_ =	swait.ge [sflag:s16], $0xA00  }
0x32: {  	[sflag:s16] =	ssyncset.done $0x0  }
.Ltmp0:
0x33: {  	s20 =	sadd.s32 s20, s9;
	[sflag:s16] =	ssyncadd.s32 $0xFFFFF600;
	(pc) =	sbr.rel @p0 .LBB2_2-.Ltmp0, $4  }
0x34: {  	[hbm4b:s20+s2] =	stream.linear.scatter [tilespmem:s14], [sflag:$0x3], $0xA00, $0x38;
	[tilespmem:$0x3B10] =	vst v63  }
0x35: {  	_ =	swait.ge [sflag:s11], $0xA00  }
0x36: {  	[sflag:s11] =	ssyncset.done $0x0  }
0x37: {  	s20 =	sadd.s32 $0xF0, s21;
	[sflag:s11] =	ssyncadd.s32 $0xFFFFF600  }
0x38: {  	[tilespmem:s14], [sflag:$0x2] =	stream.indirect.gather [hbm4b:s3+s12], $0x20, s20, s12, $0xb8;
	[tilespmem:$0x3B10] =	vst v63  }
0x39: {  	_ =	swait.ge [sflag:s15], $0xA00  }
0x3a: {  	[sflag:s15] =	ssyncset.done $0x0  }
0x3b: {  	[sflag:s15] =	ssyncadd.s32 $0xFFFFF600  }
0x3c: {  	[hbm4b:s7+s2] =	stream.linear.scatter [tilespmem:s13], [sflag:$0x3], $0xA00, $0x38;
	[tilespmem:$0x3B10] =	vst v63  }
0x3d: {  	_ =	swait.ge [sflag:s11], $0xA00  }
0x3e: {  	[sflag:s11] =	ssyncset.done $0x0  }
0x3f: {  	[sflag:s11] =	ssyncadd.s32 $0xFFFFF600  }
0x40: {  	[tilespmem:s13], [sflag:$0x1] =	stream.indirect.gather [hbm4b:s3+s12], $0x20, s17, s12, $0xb8;
	[tilespmem:$0x3B10] =	vst v63  }
0x41: {  	_ =	swait.ge [sflag:s16], $0xA00  }
0x42: {  	[sflag:s16] =	ssyncset.done $0x0  }
0x43: {  	[sflag:s16] =	ssyncadd.s32 $0xFFFFF600  }
0x44: {  	[hbm4b:s8+s2] =	stream.linear.scatter [tilespmem:s14], [sflag:$0x3], $0xA00, $0x38;
	[tilespmem:$0x3B10] =	vst v63  }
0x45: {  	_ =	swait.ge [sflag:s11], $0xA00  }
0x46: {  	[sflag:s11] =	ssyncset.done $0x0  }
0x47: {  	[sflag:s11] =	ssyncadd.s32 $0xFFFFF600  }
0x48: {  	s18 =	sadd.s32 $0x1, s18;
	_ =	swait.ge [sflag:s15], $0xA00  }
0x49: {  	p0 =	sne.s32 s18, s6;
	[sflag:s15] =	ssyncset.done $0x0  }
.Ltmp1:
0x4a: {  	[sflag:s15] =	ssyncadd.s32 $0xFFFFF600;
	(pc) =	sbr.rel @p0 .LBB2_1-.Ltmp1, $4  }
0x4b: {  	[hbm4b:s5+s2] =	stream.linear.scatter [tilespmem:s13], [sflag:$0x3], $0xA00, $0x38;
	[tilespmem:$0x3B10] =	vst v63  }
0x4c: {  	_ =	swait.ge [sflag:s11], $0xA00  }
0x4d: {  	[sflag:s11] =	ssyncset.done $0x0  }
0x4e: {  	[sflag:s11] =	ssyncadd.s32 $0xFFFFF600  }
0x4f: {  	_ =	sfence.sel $0x180000  }
0x50: {  	[bflag:$0x0] =	sbarrier.arrive $0xFFFF  }
0x51: {  	p0 =	sne.s32 s1, $0x0;
	_ =	strace $0x9000004D  }
0x52: {  	s0 =	sadd.s32 @!p0 $0x100000, s0;
	[bflag:$0x2] =	sbarrier.arrive $0xFFFF  }
0x53: {  	[sflag:s0] =	ssyncadd.tile.s32 @!p0 $0x1;
	_ =	shalt  }
.Lfunc_end2:
_tile_overlayer_lowered:
.L_overlay_start_2:
0x54: {  	(tag) =	ssettag $0x2  }
0x55: {  	s0 =	rddreg [dreg:$0x0];
	s2 =	stileid.u32  }
0x56: {  	s1 =	rddreg [dreg:$0x1];
	p0 =	sne.s32 s2, $0x0  }
0x57: {  	s3 =	rddreg [dreg:$0x2];
	[bflag:$0x3] =	sbarrier.arrive $0xFFFF;
	s2 =	simm.s32 @!p0 $0x1C03  }
0x58: {  	[timem:s3], [sflag:s2] =	dma.local @!p0 [hbm:s0], s1  }
0x59: {  	s0 =	simm.s32 @!p0 $0x3  }
0x5a: {  	_ =	swait.ge @!p0 [sflag:s0], s1  }
0x5b: {  	s1 =	ssub.s32 @!p0 $0x0, s1;
	[sflag:s0] =	ssyncset.done @!p0 $0x0  }
0x5c: {  	[sflag:s0] =	ssyncadd.s32 @!p0 s1  }
0x5d: {  	[bflag:$0x3] =	sbarrier.arrive $0xFFFF  }
0x5e: {  	_ =	shalt  }

</sc_bundles>
